<compile_context>
chip_gen: v7x
topology: tpu7x:2x2x1
jax: 0.10.2.dev20260603
libtpu: 0.0.44.dev20260713+nightly
codegen_flags: <defaults>
</compile_context>

<pallas_src>
import functools

import jax
import jax.numpy as jnp
from jax import lax
from jax.experimental import pallas as pl
from jax.experimental.pallas import tpu as pltpu
from jax.experimental.pallas import tpu_sc as plsc

_N = 10000
_E = 320000
_D = 128
_H = 128
_L = 64
_G = 64

_NC = 2
_NS = 16
_NW = _NC * _NS
_EPW = _E // _NW
_CH = 80
_NCH = _EPW // _CH
_RPT = _N // _NS
_WB = 80
_WBT = _RPT % _WB

_mesh = plsc.VectorSubcoreMesh(core_axis_name="c", subcore_axis_name="s")
_sc_params = pltpu.CompilerParams(use_tc_tiling_on_sc=False)

def _zero_rows(buf, nrows, ncols):
    @pl.loop(0, nrows)
    def _(r):
        @pl.loop(0, ncols, step=16)
        def _(j):
            buf[r, pl.ds(j, 16)] = jnp.zeros((16,), jnp.float32)


def _wait(src, dst, sem):
    pltpu.make_async_copy(src, dst, sem).wait()


def _unpack_idx(pbuf, sidx, didx):
    @pl.loop(0, _CH, step=16)
    def _(k):
        w = pbuf[pl.ds(k, 16)]
        sidx[pl.ds(k, 16)] = lax.bitwise_and(w, 65535)
        didx[pl.ds(k, 16)] = lax.shift_right_logical(w, 16)


def _sc_agg_body(h_hbm, packed_hbm, out_hbm,
                 pb0, si0, di0, rw0, pb1, si1, di1, rw1,
                 pb2, si2, di2, rw2, pb3, si3, di3, rw3, acc_sh,
                 is0, is1, is2, is3, gs0, gs1, gs2, gs3,
                 ss0, ss1, ss2, ss3):
    c = lax.axis_index("c")
    s = lax.axis_index("s")
    w = s * _NC + c
    slots = ((pb0, si0, di0, rw0, is0, gs0, ss0),
             (pb1, si1, di1, rw1, is1, gs1, ss1),
             (pb2, si2, di2, rw2, is2, gs2, ss2),
             (pb3, si3, di3, rw3, is3, gs3, ss3))

    _zero_rows(rw0, _WB, _D)

    @pl.loop(0, _RPT - _WBT, step=_WB)
    def _(r0):
        pltpu.sync_copy(rw0, acc_sh.at[pl.ds(s * _RPT + r0, _WB)])

    pltpu.sync_copy(rw0.at[pl.ds(0, _WBT)],
                    acc_sh.at[pl.ds(s * _RPT + _RPT - _WBT, _WBT)])

    plsc.subcore_barrier()

    def _start_idx(j, b):
        pbuf, _, _, _, isem, _, _ = slots[b]
        pltpu.async_copy(packed_hbm.at[w, j], pbuf, isem)

    def _unpack_and_gather(b):
        pbuf, sidx, didx, rows, isem, gsem, _ = slots[b]
        _wait(packed_hbm.at[w, 0], pbuf, isem)
        _unpack_idx(pbuf, sidx, didx)
        pltpu.async_copy(h_hbm.at[sidx], rows, gsem)

    def _wait_gather_scatter(b):
        _, sidx, didx, rows, _, gsem, ssem = slots[b]
        _wait(h_hbm.at[sidx], rows, gsem)
        pltpu.async_copy(rows, acc_sh.at[didx], ssem, add=True)

    def _wait_scatter(b):
        _, _, didx, rows, _, _, ssem = slots[b]
        _wait(rows, acc_sh.at[didx], ssem)

    _start_idx(0, 0)
    _start_idx(1, 1)
    _unpack_and_gather(0)
    _start_idx(2, 2)
    _unpack_and_gather(1)
    _start_idx(3, 3)
    _unpack_and_gather(2)
    _wait_gather_scatter(0)

    @pl.loop(0, (_NCH - 5) // 4)
    def _(t):
        for b in range(4):
            j = 4 + 4 * t + b
            _wait_scatter(b)
            _start_idx(j, b)
            _unpack_and_gather((b + 3) % 4)
            _wait_gather_scatter((b + 1) % 4)

    j = _NCH - 1
    b = j % 4
    _wait_scatter(b)
    _start_idx(j, b)
    _unpack_and_gather((b + 3) % 4)
    _wait_gather_scatter((b + 1) % 4)

    _unpack_and_gather(b)
    _wait_gather_scatter((b + 2) % 4)
    _wait_gather_scatter((b + 3) % 4)
    _wait_gather_scatter(b)
    for bb in range(4):
        _wait_scatter(bb)

    plsc.subcore_barrier()

    @pl.loop(0, _RPT - _WBT, step=_WB)
    def _(r0):
        row = s * _RPT + r0
        pltpu.sync_copy(acc_sh.at[pl.ds(row, _WB)], rw0)
        pltpu.sync_copy(rw0, out_hbm.at[c, pl.ds(row, _WB)])

    row = s * _RPT + _RPT - _WBT
    pltpu.sync_copy(acc_sh.at[pl.ds(row, _WBT)], rw0.at[pl.ds(0, _WBT)])
    pltpu.sync_copy(rw0.at[pl.ds(0, _WBT)], out_hbm.at[c, pl.ds(row, _WBT)])


def _sc_deg_body(dst3_hbm, deg_hbm, dstv, onesv, dstage, dacc_sh):
    c = lax.axis_index("c")
    s = lax.axis_index("s")
    w = s * _NC + c
    pltpu.sync_copy(dst3_hbm.at[w], dstv)

    @pl.loop(0, _CH)
    def _(r):
        onesv[r, pl.ds(0, 16)] = jnp.ones((16,), jnp.float32)

    _zero_rows(dstage, _RPT, 16)
    pltpu.sync_copy(dstage, dacc_sh.at[pl.ds(s * _RPT, _RPT)])
    plsc.subcore_barrier()

    @pl.loop(0, _NCH)
    def _(i):
        pltpu.sync_copy(onesv, dacc_sh.at[dstv.at[i]], add=True)

    plsc.subcore_barrier()
    pltpu.sync_copy(dacc_sh.at[pl.ds(s * _RPT, _RPT)], dstage)
    pltpu.sync_copy(dstage, deg_hbm.at[c, pl.ds(s * _RPT, _RPT)])


_slot_scratch = [
    pltpu.VMEM((_CH,), jnp.int32),
    pltpu.VMEM((_CH,), jnp.int32),
    pltpu.VMEM((_CH,), jnp.int32),
    pltpu.VMEM((_CH, _D), jnp.float32),
]

_sc_agg = pl.kernel(
    _sc_agg_body,
    out_type=jax.ShapeDtypeStruct((_NC, _N, _D), jnp.float32),
    mesh=_mesh,
    scratch_types=_slot_scratch * 4
    + [pltpu.VMEM_SHARED((_N, _D), jnp.float32)]
    + [pltpu.SemaphoreType.DMA] * 12,
    compiler_params=_sc_params,
)

_sc_deg = pl.kernel(
    _sc_deg_body,
    out_type=jax.ShapeDtypeStruct((_NC, _N, 16), jnp.float32),
    mesh=_mesh,
    scratch_types=[
        pltpu.VMEM((_NCH, _CH), jnp.int32),
        pltpu.VMEM((_CH, 16), jnp.float32),
        pltpu.VMEM((_RPT, 16), jnp.float32),
        pltpu.VMEM_SHARED((_N, 16), jnp.float32),
    ],
    compiler_params=_sc_params,
)


def _dot(a, b):
    return jnp.dot(a, b, preferred_element_type=jnp.float32,
                   precision=lax.Precision.HIGHEST)


_BN = 2000


def _tc_mm_body(h, wr, o_ref):
    o_ref[...] = _dot(h[...], wr[...])


def _tc_mm(h, wr):
    return pl.pallas_call(
        _tc_mm_body,
        grid=(_N // _BN,),
        in_specs=[
            pl.BlockSpec((_BN, _D), lambda i: (i, 0)),
            pl.BlockSpec((_D, _H), lambda i: (0, 0)),
        ],
        out_specs=pl.BlockSpec((_BN, _H), lambda i: (i, 0)),
        out_shape=jax.ShapeDtypeStruct((_N, _H), jnp.float32),
    )(h, wr)


def _tc_layer_body(aggp, degp, hwr, wl, bl, o_ref):
    deg = degp[0, :, 0:1] + degp[1, :, 0:1]
    inv = 1.0 / jnp.maximum(deg, 1.0)
    a = (aggp[0] + aggp[1]) * inv
    t = _dot(a, wl[...]) + bl[...] + hwr[...]
    o_ref[...] = jnp.maximum(t, 0.0)


def _tc_layer(aggp, degp, hwr, wl, bl):
    return pl.pallas_call(
        _tc_layer_body,
        grid=(_N // _BN,),
        in_specs=[
            pl.BlockSpec((2, _BN, _D), lambda i: (0, i, 0)),
            pl.BlockSpec((2, _BN, 16), lambda i: (0, i, 0)),
            pl.BlockSpec((_BN, _H), lambda i: (i, 0)),
            pl.BlockSpec((_D, _H), lambda i: (0, 0)),
            pl.BlockSpec((1, _H), lambda i: (0, 0)),
        ],
        out_specs=pl.BlockSpec((_BN, _H), lambda i: (i, 0)),
        out_shape=jax.ShapeDtypeStruct((_N, _H), jnp.float32),
    )(aggp, degp, hwr, wl, bl)


def _lrelu(t):
    return jnp.where(t > 0, t, 0.2 * t)


def _tc_final_body(aggp, degp, hwr, batch, wl, bl, gbn, bbn,
                   wm1, bm1, gm1, bem1, wm2, bm2, gm2, bem2, wm3, bm3,
                   o_ref):
    deg = degp[0, :, 0:1] + degp[1, :, 0:1]
    inv = 1.0 / jnp.maximum(deg, 1.0)
    a = (aggp[0] + aggp[1]) * inv
    h3 = jnp.maximum(_dot(a, wl[...]) + bl[...] + hwr[...], 0.0)
    seg = lax.broadcasted_iota(jnp.int32, (_G, _N), 0)
    mask = (seg == batch[...]).astype(jnp.float32)
    pooled = _dot(mask, h3)
    ibn = 1.0 / jnp.sqrt(1.0 + 1e-5)
    t = pooled * ibn * gbn[...] + bbn[...]
    t = _lrelu(_dot(t, wm1[...]) + bm1[...])
    t = t * ibn * gm1[...] + bem1[...]
    t = _lrelu(_dot(t, wm2[...]) + bm2[...])
    t = t * ibn * gm2[...] + bem2[...]
    t = _lrelu(_dot(t, wm3[...]) + bm3[...])
    o_ref[...] = t


def _tc_final(aggp, degp, hwr, batch, wl, bl, gbn, bbn,
              wm1, bm1, gm1, bem1, wm2, bm2, gm2, bem2, wm3, bm3):
    return pl.pallas_call(
        _tc_final_body,
        out_shape=jax.ShapeDtypeStruct((_G, _L), jnp.float32),
    )(aggp, degp, hwr, batch, wl, bl, gbn, bbn,
      wm1, bm1, gm1, bem1, wm2, bm2, gm2, bem2, wm3, bm3)


def kernel(x, edge_index, batch, Wl0, bl0, Wr0, Wl1, bl1, Wr1, Wl2, bl2, Wr2,
           g_bn, b_bn, Wm1, bm1, gm1, betam1, Wm2, bm2, gm2, betam2, Wm3, bm3):
    src = edge_index[0]
    dst = edge_index[1]
    packed = (src | (dst << 16)).reshape(_NW, _NCH, _CH)
    dst3 = dst.reshape(_NW, _NCH, _CH)
    row = lambda v: v.reshape(1, -1)

    degp = _sc_deg(dst3)
    p0 = _sc_agg(x, packed)
    xwr0 = _tc_mm(x, Wr0)
    h1 = _tc_layer(p0, degp, xwr0, Wl0, row(bl0))
    p1 = _sc_agg(h1, packed)
    hwr1 = _tc_mm(h1, Wr1)
    h2 = _tc_layer(p1, degp, hwr1, Wl1, row(bl1))
    p2 = _sc_agg(h2, packed)
    hwr2 = _tc_mm(h2, Wr2)
    return _tc_final(p2, degp, hwr2, row(batch), Wl2, row(bl2),
                     row(g_bn), row(b_bn), Wm1, row(bm1), row(gm1),
                     row(betam1), Wm2, row(bm2), row(gm2), row(betam2),
                     Wm3, row(bm3))

# --- scband reference (transcript-rebuilt; emitter-appended) ---
"""Pipeline reference for scband-sage-30640296689761 (READ-ONLY COPY).

The authoritative reference and input builder live on the scoring server;
editing this copy changes nothing except your own understanding.
"""

import jax, jax.numpy as jnp
import numpy as np

N = 10000
E = 320000
D = 128
H = 128
L = 64
G = 64

def setup_inputs(seed: int = 0):
    key = jax.random.key(seed)
    ks = jax.random.split(key, 30)
    s = 0.05
    inp = {}
    inp["x"] = jax.random.normal(ks[0], (N, D), dtype=jnp.float32)
    inp["edge_index"] = jax.random.randint(ks[1], (2, E), 0, N, dtype=jnp.int32)
    inp["batch"] = jnp.sort(jax.random.randint(ks[2], (N,), 0, G, dtype=jnp.int32))
    inp["Wl0"] = jax.random.normal(ks[3], (D, H), dtype=jnp.float32) * s
    inp["bl0"] = jnp.zeros((H,), dtype=jnp.float32)
    inp["Wr0"] = jax.random.normal(ks[4], (D, H), dtype=jnp.float32) * s
    inp["Wl1"] = jax.random.normal(ks[5], (H, H), dtype=jnp.float32) * s
    inp["bl1"] = jnp.zeros((H,), dtype=jnp.float32)
    inp["Wr1"] = jax.random.normal(ks[6], (H, H), dtype=jnp.float32) * s
    inp["Wl2"] = jax.random.normal(ks[7], (H, H), dtype=jnp.float32) * s
    inp["bl2"] = jnp.zeros((H,), dtype=jnp.float32)
    inp["Wr2"] = jax.random.normal(ks[8], (H, H), dtype=jnp.float32) * s
    inp["g_bn"] = jnp.ones((H,), dtype=jnp.float32)
    inp["b_bn"] = jnp.zeros((H,), dtype=jnp.float32)
    inp["Wm1"] = jax.random.normal(ks[9], (H, H), dtype=jnp.float32) * s
    inp["bm1"] = jnp.zeros((H,), dtype=jnp.float32)
    inp["gm1"] = jnp.ones((H,), dtype=jnp.float32)
    inp["betam1"] = jnp.zeros((H,), dtype=jnp.float32)
    inp["Wm2"] = jax.random.normal(ks[10], (H, H), dtype=jnp.float32) * s
    inp["bm2"] = jnp.zeros((H,), dtype=jnp.float32)
    inp["gm2"] = jnp.ones((H,), dtype=jnp.float32)
    inp["betam2"] = jnp.zeros((H,), dtype=jnp.float32)
    inp["Wm3"] = jax.random.normal(ks[11], (H, L), dtype=jnp.float32) * s
    inp["bm3"] = jnp.zeros((L,), dtype=jnp.float32)
    return inp

def reference(x, edge_index, batch, Wl0, bl0, Wr0, Wl1, bl1, Wr1, Wl2, bl2, Wr2, g_bn, b_bn, Wm1, bm1, gm1, betam1, Wm2, bm2, gm2, betam2, Wm3, bm3):
    src = edge_index[0]
    dst = edge_index[1]
    eps = 1e-5

    def sage_conv(h, Wl, bl, Wr):
        msg = h[src]
        agg = jax.ops.segment_sum(msg, dst, num_segments=N)
        deg = jax.ops.segment_sum(jnp.ones((E,), h.dtype), dst, num_segments=N)
        agg = agg / jnp.clip(deg, 1.0)[:, None]
        return agg @ Wl + bl + h @ Wr

    def bn_eval(t, g, b):
        # eval-mode BatchNorm1d with running_mean=0, running_var=1
        return (t - 0.0) / jnp.sqrt(1.0 + eps) * g + b

    def lrelu(t):
        return jnp.where(t > 0, t, 0.2 * t)

    h = x
    for (Wl, bl, Wr) in ((Wl0, bl0, Wr0), (Wl1, bl1, Wr1), (Wl2, bl2, Wr2)):
        h = jax.nn.relu(sage_conv(h, Wl, bl, Wr))
        # dropout is identity in eval mode
    pooled = jax.ops.segment_sum(h, batch, num_segments=G)
    out = bn_eval(pooled, g_bn, b_bn)
    out = lrelu(out @ Wm1 + bm1)
    out = bn_eval(out, gm1, betam1)
    out = lrelu(out @ Wm2 + bm2)
    out = bn_eval(out, gm2, betam2)
    out = lrelu(out @ Wm3 + bm3)
    return out

if __name__ == "__main__":
    import jax
    _d = setup_inputs()
    print(jax.jit(kernel)(*tuple(_d.values())))

</pallas_src>

<mosaic_0001>
#map = affine_map<(d0, d1) -> (0, 0)>
#map1 = affine_map<(d0, d1) -> (0, 0, 0)>
module attributes {stable_mosaic.version = 14 : i64} {
  func.func @_sc_agg_body(%arg0: i32, %arg1: i32, %arg2: memref<10000x128xf32, #tpu.memory_space<hbm>>, %arg3: memref<32x125x80xi32, #tpu.memory_space<hbm>>, %arg4: memref<2x10000x128xf32, #tpu.memory_space<hbm>>, %arg5: memref<80xi32, #tpu.memory_space<vmem>>, %arg6: memref<80xi32, #tpu.memory_space<vmem>>, %arg7: memref<80xi32, #tpu.memory_space<vmem>>, %arg8: memref<80x128xf32, #tpu.memory_space<vmem>>, %arg9: memref<80xi32, #tpu.memory_space<vmem>>, %arg10: memref<80xi32, #tpu.memory_space<vmem>>, %arg11: memref<80xi32, #tpu.memory_space<vmem>>, %arg12: memref<80x128xf32, #tpu.memory_space<vmem>>, %arg13: memref<80xi32, #tpu.memory_space<vmem>>, %arg14: memref<80xi32, #tpu.memory_space<vmem>>, %arg15: memref<80xi32, #tpu.memory_space<vmem>>, %arg16: memref<80x128xf32, #tpu.memory_space<vmem>>, %arg17: memref<80xi32, #tpu.memory_space<vmem>>, %arg18: memref<80xi32, #tpu.memory_space<vmem>>, %arg19: memref<80xi32, #tpu.memory_space<vmem>>, %arg20: memref<80x128xf32, #tpu.memory_space<vmem>>, %arg21: memref<10000x128xf32, #tpu.memory_space<vmem_shared>>, %arg22: memref<!tpu.dma_semaphore, #tpu.memory_space<semaphore_mem>>, %arg23: memref<!tpu.dma_semaphore, #tpu.memory_space<semaphore_mem>>, %arg24: memref<!tpu.dma_semaphore, #tpu.memory_space<semaphore_mem>>, %arg25: memref<!tpu.dma_semaphore, #tpu.memory_space<semaphore_mem>>, %arg26: memref<!tpu.dma_semaphore, #tpu.memory_space<semaphore_mem>>, %arg27: memref<!tpu.dma_semaphore, #tpu.memory_space<semaphore_mem>>, %arg28: memref<!tpu.dma_semaphore, #tpu.memory_space<semaphore_mem>>, %arg29: memref<!tpu.dma_semaphore, #tpu.memory_space<semaphore_mem>>, %arg30: memref<!tpu.dma_semaphore, #tpu.memory_space<semaphore_mem>>, %arg31: memref<!tpu.dma_semaphore, #tpu.memory_space<semaphore_mem>>, %arg32: memref<!tpu.dma_semaphore, #tpu.memory_space<semaphore_mem>>, %arg33: memref<!tpu.dma_semaphore, #tpu.memory_space<semaphore_mem>>) attributes {dimension_semantics = [#tpu.dimension_semantics<core_parallel>, #tpu.dimension_semantics<subcore_parallel>], iteration_bounds = array<i64: 2, 16>, scalar_prefetch = 0 : i64, scratch_operands = 29 : i64, tpu.core_type = #tpu.core_type<sc_vector_subcore>, window_params = [{transform_indices = #map}, {transform_indices = #map1}, {transform_indices = #map1}]} {
    %mul3A = arith.constant 2 : i32
    %mul3A_0 = arith.muli %arg1, %mul3A : i32
    %add3A = arith.addi %mul3A_0, %arg0 : i32
    %scan3A = arith.constant 0 : i32
    %scan3A_1 = arith.constant 80 : i32
    %scan3A_2 = arith.addi %scan3A, %scan3A_1 : i32
    %scan3A_3 = arith.constant 1 : i32
    scf.for %scan3A_185 = %scan3A to %scan3A_2 step %scan3A_3  : i32 {
      %mul3A_186 = arith.constant 1 : i32
      %mul3A_187 = arith.muli %scan3A_185, %mul3A_186 : i32
      %add3A_188 = arith.constant 0 : i32
      %add3A_189 = arith.addi %add3A_188, %mul3A_187 : i32
      %scan3A_190 = arith.constant 0 : i32
      %scan3A_191 = arith.constant 8 : i32
      %scan3A_192 = arith.addi %scan3A_190, %scan3A_191 : i32
      %scan3A_193 = arith.constant 1 : i32
      scf.for %scan3A_195 = %scan3A_190 to %scan3A_192 step %scan3A_193  : i32 {
        %mul3A_196 = arith.constant 16 : i32
        %mul3A_197 = arith.muli %scan3A_195, %mul3A_196 : i32
        %add3A_198 = arith.constant 0 : i32
        %add3A_199 = arith.addi %add3A_198, %mul3A_197 : i32
        %broadcast_in_dim3A = arith.constant 0.000000e+00 : f32
        %broadcast_in_dim3A_200 = vector.broadcast %broadcast_in_dim3A : f32 to vector<16xf32>
        %swap3A = arith.index_cast %add3A_189 : i32 to index
        %swap3A_201 = arith.index_cast %add3A_199 : i32 to index
        %swap3A_202 = tpu.vector_load %arg8[%swap3A, %swap3A_201] {strides = array<i32>} : memref<80x128xf32, #tpu.memory_space<vmem>>, vector<1x16xf32>,
        %swap3A_203 = vector.shape_cast %swap3A_202 : vector<1x16xf32> to vector<16xf32>
        %swap3A_204 = vector.shape_cast %broadcast_in_dim3A_200 : vector<16xf32> to vector<1x16xf32>
        tpu.vector_store %arg8[%swap3A, %swap3A_201], %swap3A_204 {strides = array<i32>} : memref<80x128xf32, #tpu.memory_space<vmem>>, vector<1x16xf32>,
      }
      %scan3A_194 = arith.constant 8 : i32
    }
    %scan3A_4 = arith.constant 80 : i32
    %scan3A_5 = arith.constant 0 : i32
    %scan3A_6 = arith.constant 7 : i32
    %scan3A_7 = arith.addi %scan3A_5, %scan3A_6 : i32
    %scan3A_8 = arith.constant 1 : i32
    scf.for %scan3A_185 = %scan3A_5 to %scan3A_7 step %scan3A_8  : i32 {
      %mul3A_186 = arith.constant 80 : i32
      %mul3A_187 = arith.muli %scan3A_185, %mul3A_186 : i32
      %add3A_188 = arith.constant 0 : i32
      %add3A_189 = arith.addi %add3A_188, %mul3A_187 : i32
      %mul3A_190 = arith.constant 625 : i32
      %mul3A_191 = arith.muli %arg1, %mul3A_190 : i32
      %add3A_192 = arith.addi %mul3A_191, %add3A_189 : i32
      "tpu.region"() ({
        %run_scoped3A = tpu.sem_alloc : memref<!tpu.dma_semaphore, #tpu.memory_space<semaphore_mem>>
        %dma_start3A_193 = arith.constant 0 : i32
        %dma_start3A_194 = tpu.memref_slice %arg21[%add3A_192, %dma_start3A_193] : memref<10000x128xf32, #tpu.memory_space<vmem_shared>> -> memref<80x128xf32, #tpu.memory_space<vmem_shared>>
        %dma_start3A_195 = arith.constant 0 : i32
        %dma_start3A_196 = tpu.memref_slice %arg21[%add3A_192, %dma_start3A_195] : memref<10000x128xf32, #tpu.memory_space<vmem_shared>> -> memref<80x128xf32, #tpu.memory_space<vmem_shared>>
        tpu.enqueue_dma source(%arg8 : memref<80x128xf32, #tpu.memory_space<vmem>>) target(%dma_start3A_196 : memref<80x128xf32, #tpu.memory_space<vmem_shared>>) target_semaphore(%run_scoped3A : memref<!tpu.dma_semaphore, #tpu.memory_space<semaphore_mem>>)
        %dma_wait3A_197 = arith.constant 0 : i32
        %dma_wait3A_198 = tpu.memref_slice %arg21[%add3A_192, %dma_wait3A_197] : memref<10000x128xf32, #tpu.memory_space<vmem_shared>> -> memref<80x128xf32, #tpu.memory_space<vmem_shared>>
        %dma_wait3A_199 = arith.constant 0 : i32
        %dma_wait3A_200 = tpu.memref_slice %arg21[%add3A_192, %dma_wait3A_199] : memref<10000x128xf32, #tpu.memory_space<vmem_shared>> -> memref<80x128xf32, #tpu.memory_space<vmem_shared>>
        tpu.wait_dma2 semaphore(%run_scoped3A : memref<!tpu.dma_semaphore, #tpu.memory_space<semaphore_mem>>) src(%arg8 : memref<80x128xf32, #tpu.memory_space<vmem>>) dst(%dma_wait3A_200 : memref<80x128xf32, #tpu.memory_space<vmem_shared>>)
        tpu.yield
      }) : () -> ()
    }
    %scan3A_9 = arith.constant 7 : i32
    %mul3A_10 = arith.constant 625 : i32
    %mul3A_11 = arith.muli %arg1, %mul3A_10 : i32
    %add3A_12 = arith.constant 625 : i32
    %add3A_13 = arith.addi %mul3A_11, %add3A_12 : i32
    %sub3A = arith.constant 65 : i32
    %sub3A_14 = arith.subi %add3A_13, %sub3A : i32
    "tpu.region"() ({
      %run_scoped3A = tpu.sem_alloc : memref<!tpu.dma_semaphore, #tpu.memory_space<semaphore_mem>>
      %dma_start3A_185 = arith.constant 0 : i32
      %dma_start3A_186 = arith.constant 0 : i32
      %dma_start3A_187 = tpu.memref_slice %arg8[%dma_start3A_185, %dma_start3A_186] : memref<80x128xf32, #tpu.memory_space<vmem>> -> memref<65x128xf32, #tpu.memory_space<vmem>>
      %dma_start3A_188 = arith.constant 0 : i32
      %dma_start3A_189 = tpu.memref_slice %arg21[%sub3A_14, %dma_start3A_188] : memref<10000x128xf32, #tpu.memory_space<vmem_shared>> -> memref<65x128xf32, #tpu.memory_space<vmem_shared>>
      %dma_start3A_190 = arith.constant 0 : i32
      %dma_start3A_191 = tpu.memref_slice %arg21[%sub3A_14, %dma_start3A_190] : memref<10000x128xf32, #tpu.memory_space<vmem_shared>> -> memref<65x128xf32, #tpu.memory_space<vmem_shared>>
      %dma_start3A_192 = arith.constant 0 : i32
      %dma_start3A_193 = arith.constant 0 : i32
      %dma_start3A_194 = tpu.memref_slice %arg8[%dma_start3A_192, %dma_start3A_193] : memref<80x128xf32, #tpu.memory_space<vmem>> -> memref<65x128xf32, #tpu.memory_space<vmem>>
      tpu.enqueue_dma source(%dma_start3A_194 : memref<65x128xf32, #tpu.memory_space<vmem>>) target(%dma_start3A_191 : memref<65x128xf32, #tpu.memory_space<vmem_shared>>) target_semaphore(%run_scoped3A : memref<!tpu.dma_semaphore, #tpu.memory_space<semaphore_mem>>)
      %dma_wait3A_195 = arith.constant 0 : i32
      %dma_wait3A_196 = arith.constant 0 : i32
      %dma_wait3A_197 = tpu.memref_slice %arg8[%dma_wait3A_195, %dma_wait3A_196] : memref<80x128xf32, #tpu.memory_space<vmem>> -> memref<65x128xf32, #tpu.memory_space<vmem>>
      %dma_wait3A_198 = arith.constant 0 : i32
      %dma_wait3A_199 = tpu.memref_slice %arg21[%sub3A_14, %dma_wait3A_198] : memref<10000x128xf32, #tpu.memory_space<vmem_shared>> -> memref<65x128xf32, #tpu.memory_space<vmem_shared>>
      %dma_wait3A_200 = arith.constant 0 : i32
      %dma_wait3A_201 = tpu.memref_slice %arg21[%sub3A_14, %dma_wait3A_200] : memref<10000x128xf32, #tpu.memory_space<vmem_shared>> -> memref<65x128xf32, #tpu.memory_space<vmem_shared>>
      %dma_wait3A_202 = arith.constant 0 : i32
      %dma_wait3A_203 = arith.constant 0 : i32
      %dma_wait3A_204 = tpu.memref_slice %arg8[%dma_wait3A_202, %dma_wait3A_203] : memref<80x128xf32, #tpu.memory_space<vmem>> -> memref<65x128xf32, #tpu.memory_space<vmem>>
      tpu.wait_dma2 semaphore(%run_scoped3A : memref<!tpu.dma_semaphore, #tpu.memory_space<semaphore_mem>>) src(%dma_wait3A_204 : memref<65x128xf32, #tpu.memory_space<vmem>>) dst(%dma_wait3A_201 : memref<65x128xf32, #tpu.memory_space<vmem_shared>>)
      tpu.yield
    }) : () -> ()
    %barrier3A = arith.constant 0 : index
    tpu.barrier barrier_id(%barrier3A)
    %dma_start3A = arith.constant 0 : i32
    %dma_start3A_15 = arith.constant 0 : i32
    %dma_start3A_16 = tpu.memref_slice %arg3[%add3A, %dma_start3A, %dma_start3A_15] : memref<32x125x80xi32, #tpu.memory_space<hbm>> -> memref<1x1x80xi32, #tpu.memory_space<hbm>>
    %dma_start3A_17 = tpu.memref_squeeze %dma_start3A_16 : memref<1x1x80xi32, #tpu.memory_space<hbm>> -> memref<80xi32, #tpu.memory_space<hbm>>
    %dma_start3A_18 = arith.constant 0 : i32
    %dma_start3A_19 = tpu.memref_slice %arg3[%add3A, %dma_start3A, %dma_start3A_18] : memref<32x125x80xi32, #tpu.memory_space<hbm>> -> memref<1x1x80xi32, #tpu.memory_space<hbm>>
    %dma_start3A_20 = tpu.memref_squeeze %dma_start3A_19 : memref<1x1x80xi32, #tpu.memory_space<hbm>> -> memref<80xi32, #tpu.memory_space<hbm>>
    tpu.enqueue_dma source(%dma_start3A_20 : memref<80xi32, #tpu.memory_space<hbm>>) target(%arg5 : memref<80xi32, #tpu.memory_space<vmem>>) target_semaphore(%arg22 : memref<!tpu.dma_semaphore, #tpu.memory_space<semaphore_mem>>)
    %dma_start3A_21 = arith.constant 1 : i32
    %dma_start3A_22 = arith.constant 0 : i32
    %dma_start3A_23 = tpu.memref_slice %arg3[%add3A, %dma_start3A_21, %dma_start3A_22] : memref<32x125x80xi32, #tpu.memory_space<hbm>> -> memref<1x1x80xi32, #tpu.memory_space<hbm>>
    %dma_start3A_24 = tpu.memref_squeeze %dma_start3A_23 : memref<1x1x80xi32, #tpu.memory_space<hbm>> -> memref<80xi32, #tpu.memory_space<hbm>>
    %dma_start3A_25 = arith.constant 0 : i32
    %dma_start3A_26 = tpu.memref_slice %arg3[%add3A, %dma_start3A_21, %dma_start3A_25] : memref<32x125x80xi32, #tpu.memory_space<hbm>> -> memref<1x1x80xi32, #tpu.memory_space<hbm>>
    %dma_start3A_27 = tpu.memref_squeeze %dma_start3A_26 : memref<1x1x80xi32, #tpu.memory_space<hbm>> -> memref<80xi32, #tpu.memory_space<hbm>>
    tpu.enqueue_dma source(%dma_start3A_27 : memref<80xi32, #tpu.memory_space<hbm>>) target(%arg9 : memref<80xi32, #tpu.memory_space<vmem>>) target_semaphore(%arg23 : memref<!tpu.dma_semaphore, #tpu.memory_space<semaphore_mem>>)
    %dma_wait3A = arith.constant 0 : i32
    %dma_wait3A_28 = arith.constant 0 : i32
    %dma_wait3A_29 = tpu.memref_slice %arg3[%add3A, %dma_wait3A, %dma_wait3A_28] : memref<32x125x80xi32, #tpu.memory_space<hbm>> -> memref<1x1x80xi32, #tpu.memory_space<hbm>>
    %dma_wait3A_30 = tpu.memref_squeeze %dma_wait3A_29 : memref<1x1x80xi32, #tpu.memory_space<hbm>> -> memref<80xi32, #tpu.memory_space<hbm>>
    %dma_wait3A_31 = arith.constant 0 : i32
    %dma_wait3A_32 = tpu.memref_slice %arg3[%add3A, %dma_wait3A, %dma_wait3A_31] : memref<32x125x80xi32, #tpu.memory_space<hbm>> -> memref<1x1x80xi32, #tpu.memory_space<hbm>>
    %dma_wait3A_33 = tpu.memref_squeeze %dma_wait3A_32 : memref<1x1x80xi32, #tpu.memory_space<hbm>> -> memref<80xi32, #tpu.memory_space<hbm>>
    tpu.wait_dma2 semaphore(%arg22 : memref<!tpu.dma_semaphore, #tpu.memory_space<semaphore_mem>>) src(%dma_wait3A_33 : memref<80xi32, #tpu.memory_space<hbm>>) dst(%arg5 : memref<80xi32, #tpu.memory_space<vmem>>)
    %scan3A_34 = arith.constant 0 : i32
    %scan3A_35 = arith.constant 5 : i32
    %scan3A_36 = arith.addi %scan3A_34, %scan3A_35 : i32
    %scan3A_37 = arith.constant 1 : i32
    scf.for %scan3A_185 = %scan3A_34 to %scan3A_36 step %scan3A_37  : i32 {
      %mul3A_186 = arith.constant 16 : i32
      %mul3A_187 = arith.muli %scan3A_185, %mul3A_186 : i32
      %add3A_188 = arith.constant 0 : i32
      %add3A_189 = arith.addi %add3A_188, %mul3A_187 : i32
      %get3A = arith.index_cast %add3A_189 : i32 to index
      %get3A_190 = tpu.vector_load %arg5[%get3A] {strides = array<i32>} : memref<80xi32, #tpu.memory_space<vmem>>, vector<16xi32>,
      %get3A_191 = vector.shape_cast %get3A_190 : vector<16xi32> to vector<16xi32>
      %and3A = arith.constant 65535 : i32
      %and3A_192 = vector.broadcast %and3A : i32 to vector<16xi32>
      %and3A_193 = arith.andi %get3A_191, %and3A_192 : vector<16xi32>
      %swap3A = arith.index_cast %add3A_189 : i32 to index
      %swap3A_194 = tpu.vector_load %arg6[%swap3A] {strides = array<i32>} : memref<80xi32, #tpu.memory_space<vmem>>, vector<16xi32>,
      %swap3A_195 = vector.shape_cast %swap3A_194 : vector<16xi32> to vector<16xi32>
      %swap3A_196 = vector.shape_cast %and3A_193 : vector<16xi32> to vector<16xi32>
      tpu.vector_store %arg6[%swap3A], %swap3A_196 {strides = array<i32>} : memref<80xi32, #tpu.memory_space<vmem>>, vector<16xi32>,
      %shift_right_logical3A = arith.constant 16 : i32
      %shift_right_logical3A_197 = vector.broadcast %shift_right_logical3A : i32 to vector<16xi32>
      %shift_right_logical3A_198 = arith.shrui %get3A_191, %shift_right_logical3A_197 : vector<16xi32>
      %swap3A_199 = arith.index_cast %add3A_189 : i32 to index
      %swap3A_200 = tpu.vector_load %arg7[%swap3A_199] {strides = array<i32>} : memref<80xi32, #tpu.memory_space<vmem>>, vector<16xi32>,
      %swap3A_201 = vector.shape_cast %swap3A_200 : vector<16xi32> to vector<16xi32>
      %swap3A_202 = vector.shape_cast %shift_right_logical3A_198 : vector<16xi32> to vector<16xi32>
      tpu.vector_store %arg7[%swap3A_199], %swap3A_202 {strides = array<i32>} : memref<80xi32, #tpu.memory_space<vmem>>, vector<16xi32>,
    }
    %scan3A_38 = arith.constant 5 : i32
    %dma_start3A_39 = arith.constant 0 : i32
    %dma_start3A_40 = arith.constant 0 : i32
    %dma_start3A_41 = tpu.memref_slice %arg2[%dma_start3A_39, %dma_start3A_40] : memref<10000x128xf32, #tpu.memory_space<hbm>> -> memref<10000x128xf32, #tpu.memory_space<hbm>>
    tpu.enqueue_indirect_dma source(%dma_start3A_41 : memref<10000x128xf32, #tpu.memory_space<hbm>>) target(%arg8 : memref<80x128xf32, #tpu.memory_space<vmem>>) offsets(%arg6 : memref<80xi32, #tpu.memory_space<vmem>>) semaphore(%arg26 : memref<!tpu.dma_semaphore, #tpu.memory_space<semaphore_mem>>)
    %dma_start3A_42 = arith.constant 2 : i32
    %dma_start3A_43 = arith.constant 0 : i32
    %dma_start3A_44 = tpu.memref_slice %arg3[%add3A, %dma_start3A_42, %dma_start3A_43] : memref<32x125x80xi32, #tpu.memory_space<hbm>> -> memref<1x1x80xi32, #tpu.memory_space<hbm>>
    %dma_start3A_45 = tpu.memref_squeeze %dma_start3A_44 : memref<1x1x80xi32, #tpu.memory_space<hbm>> -> memref<80xi32, #tpu.memory_space<hbm>>
    %dma_start3A_46 = arith.constant 0 : i32
    %dma_start3A_47 = tpu.memref_slice %arg3[%add3A, %dma_start3A_42, %dma_start3A_46] : memref<32x125x80xi32, #tpu.memory_space<hbm>> -> memref<1x1x80xi32, #tpu.memory_space<hbm>>
    %dma_start3A_48 = tpu.memref_squeeze %dma_start3A_47 : memref<1x1x80xi32, #tpu.memory_space<hbm>> -> memref<80xi32, #tpu.memory_space<hbm>>
    tpu.enqueue_dma source(%dma_start3A_48 : memref<80xi32, #tpu.memory_space<hbm>>) target(%arg13 : memref<80xi32, #tpu.memory_space<vmem>>) target_semaphore(%arg24 : memref<!tpu.dma_semaphore, #tpu.memory_space<semaphore_mem>>)
    %dma_wait3A_49 = arith.constant 0 : i32
    %dma_wait3A_50 = arith.constant 0 : i32
    %dma_wait3A_51 = tpu.memref_slice %arg3[%add3A, %dma_wait3A_49, %dma_wait3A_50] : memref<32x125x80xi32, #tpu.memory_space<hbm>> -> memref<1x1x80xi32, #tpu.memory_space<hbm>>
    %dma_wait3A_52 = tpu.memref_squeeze %dma_wait3A_51 : memref<1x1x80xi32, #tpu.memory_space<hbm>> -> memref<80xi32, #tpu.memory_space<hbm>>
    %dma_wait3A_53 = arith.constant 0 : i32
    %dma_wait3A_54 = tpu.memref_slice %arg3[%add3A, %dma_wait3A_49, %dma_wait3A_53] : memref<32x125x80xi32, #tpu.memory_space<hbm>> -> memref<1x1x80xi32, #tpu.memory_space<hbm>>
    %dma_wait3A_55 = tpu.memref_squeeze %dma_wait3A_54 : memref<1x1x80xi32, #tpu.memory_space<hbm>> -> memref<80xi32, #tpu.memory_space<hbm>>
    tpu.wait_dma2 semaphore(%arg23 : memref<!tpu.dma_semaphore, #tpu.memory_space<semaphore_mem>>) src(%dma_wait3A_55 : memref<80xi32, #tpu.memory_space<hbm>>) dst(%arg9 : memref<80xi32, #tpu.memory_space<vmem>>)
    %scan3A_56 = arith.constant 0 : i32
    %scan3A_57 = arith.constant 5 : i32
    %scan3A_58 = arith.addi %scan3A_56, %scan3A_57 : i32
    %scan3A_59 = arith.constant 1 : i32
    scf.for %scan3A_185 = %scan3A_56 to %scan3A_58 step %scan3A_59  : i32 {
      %mul3A_186 = arith.constant 16 : i32
      %mul3A_187 = arith.muli %scan3A_185, %mul3A_186 : i32
      %add3A_188 = arith.constant 0 : i32
      %add3A_189 = arith.addi %add3A_188, %mul3A_187 : i32
      %get3A = arith.index_cast %add3A_189 : i32 to index
      %get3A_190 = tpu.vector_load %arg9[%get3A] {strides = array<i32>} : memref<80xi32, #tpu.memory_space<vmem>>, vector<16xi32>,
      %get3A_191 = vector.shape_cast %get3A_190 : vector<16xi32> to vector<16xi32>
      %and3A = arith.constant 65535 : i32
      %and3A_192 = vector.broadcast %and3A : i32 to vector<16xi32>
      %and3A_193 = arith.andi %get3A_191, %and3A_192 : vector<16xi32>
      %swap3A = arith.index_cast %add3A_189 : i32 to index
      %swap3A_194 = tpu.vector_load %arg10[%swap3A] {strides = array<i32>} : memref<80xi32, #tpu.memory_space<vmem>>, vector<16xi32>,
      %swap3A_195 = vector.shape_cast %swap3A_194 : vector<16xi32> to vector<16xi32>
      %swap3A_196 = vector.shape_cast %and3A_193 : vector<16xi32> to vector<16xi32>
      tpu.vector_store %arg10[%swap3A], %swap3A_196 {strides = array<i32>} : memref<80xi32, #tpu.memory_space<vmem>>, vector<16xi32>,
      %shift_right_logical3A = arith.constant 16 : i32
      %shift_right_logical3A_197 = vector.broadcast %shift_right_logical3A : i32 to vector<16xi32>
      %shift_right_logical3A_198 = arith.shrui %get3A_191, %shift_right_logical3A_197 : vector<16xi32>
      %swap3A_199 = arith.index_cast %add3A_189 : i32 to index
      %swap3A_200 = tpu.vector_load %arg11[%swap3A_199] {strides = array<i32>} : memref<80xi32, #tpu.memory_space<vmem>>, vector<16xi32>,
      %swap3A_201 = vector.shape_cast %swap3A_200 : vector<16xi32> to vector<16xi32>
      %swap3A_202 = vector.shape_cast %shift_right_logical3A_198 : vector<16xi32> to vector<16xi32>
      tpu.vector_store %arg11[%swap3A_199], %swap3A_202 {strides = array<i32>} : memref<80xi32, #tpu.memory_space<vmem>>, vector<16xi32>,
    }
    %scan3A_60 = arith.constant 5 : i32
    %dma_start3A_61 = arith.constant 0 : i32
    %dma_start3A_62 = arith.constant 0 : i32
    %dma_start3A_63 = tpu.memref_slice %arg2[%dma_start3A_61, %dma_start3A_62] : memref<10000x128xf32, #tpu.memory_space<hbm>> -> memref<10000x128xf32, #tpu.memory_space<hbm>>
    tpu.enqueue_indirect_dma source(%dma_start3A_63 : memref<10000x128xf32, #tpu.memory_space<hbm>>) target(%arg12 : memref<80x128xf32, #tpu.memory_space<vmem>>) offsets(%arg10 : memref<80xi32, #tpu.memory_space<vmem>>) semaphore(%arg27 : memref<!tpu.dma_semaphore, #tpu.memory_space<semaphore_mem>>)
    %dma_start3A_64 = arith.constant 3 : i32
    %dma_start3A_65 = arith.constant 0 : i32
    %dma_start3A_66 = tpu.memref_slice %arg3[%add3A, %dma_start3A_64, %dma_start3A_65] : memref<32x125x80xi32, #tpu.memory_space<hbm>> -> memref<1x1x80xi32, #tpu.memory_space<hbm>>
    %dma_start3A_67 = tpu.memref_squeeze %dma_start3A_66 : memref<1x1x80xi32, #tpu.memory_space<hbm>> -> memref<80xi32, #tpu.memory_space<hbm>>
    %dma_start3A_68 = arith.constant 0 : i32
    %dma_start3A_69 = tpu.memref_slice %arg3[%add3A, %dma_start3A_64, %dma_start3A_68] : memref<32x125x80xi32, #tpu.memory_space<hbm>> -> memref<1x1x80xi32, #tpu.memory_space<hbm>>
    %dma_start3A_70 = tpu.memref_squeeze %dma_start3A_69 : memref<1x1x80xi32, #tpu.memory_space<hbm>> -> memref<80xi32, #tpu.memory_space<hbm>>
    tpu.enqueue_dma source(%dma_start3A_70 : memref<80xi32, #tpu.memory_space<hbm>>) target(%arg17 : memref<80xi32, #tpu.memory_space<vmem>>) target_semaphore(%arg25 : memref<!tpu.dma_semaphore, #tpu.memory_space<semaphore_mem>>)
    %dma_wait3A_71 = arith.constant 0 : i32
    %dma_wait3A_72 = arith.constant 0 : i32
    %dma_wait3A_73 = tpu.memref_slice %arg3[%add3A, %dma_wait3A_71, %dma_wait3A_72] : memref<32x125x80xi32, #tpu.memory_space<hbm>> -> memref<1x1x80xi32, #tpu.memory_space<hbm>>
    %dma_wait3A_74 = tpu.memref_squeeze %dma_wait3A_73 : memref<1x1x80xi32, #tpu.memory_space<hbm>> -> memref<80xi32, #tpu.memory_space<hbm>>
    %dma_wait3A_75 = arith.constant 0 : i32
    %dma_wait3A_76 = tpu.memref_slice %arg3[%add3A, %dma_wait3A_71, %dma_wait3A_75] : memref<32x125x80xi32, #tpu.memory_space<hbm>> -> memref<1x1x80xi32, #tpu.memory_space<hbm>>
    %dma_wait3A_77 = tpu.memref_squeeze %dma_wait3A_76 : memref<1x1x80xi32, #tpu.memory_space<hbm>> -> memref<80xi32, #tpu.memory_space<hbm>>
    tpu.wait_dma2 semaphore(%arg24 : memref<!tpu.dma_semaphore, #tpu.memory_space<semaphore_mem>>) src(%dma_wait3A_77 : memref<80xi32, #tpu.memory_space<hbm>>) dst(%arg13 : memref<80xi32, #tpu.memory_space<vmem>>)
    %scan3A_78 = arith.constant 0 : i32
    %scan3A_79 = arith.constant 5 : i32
    %scan3A_80 = arith.addi %scan3A_78, %scan3A_79 : i32
    %scan3A_81 = arith.constant 1 : i32
    scf.for %scan3A_185 = %scan3A_78 to %scan3A_80 step %scan3A_81  : i32 {
      %mul3A_186 = arith.constant 16 : i32
      %mul3A_187 = arith.muli %scan3A_185, %mul3A_186 : i32
      %add3A_188 = arith.constant 0 : i32
      %add3A_189 = arith.addi %add3A_188, %mul3A_187 : i32
      %get3A = arith.index_cast %add3A_189 : i32 to index
      %get3A_190 = tpu.vector_load %arg13[%get3A] {strides = array<i32>} : memref<80xi32, #tpu.memory_space<vmem>>, vector<16xi32>,
      %get3A_191 = vector.shape_cast %get3A_190 : vector<16xi32> to vector<16xi32>
      %and3A = arith.constant 65535 : i32
      %and3A_192 = vector.broadcast %and3A : i32 to vector<16xi32>
      %and3A_193 = arith.andi %get3A_191, %and3A_192 : vector<16xi32>
      %swap3A = arith.index_cast %add3A_189 : i32 to index
      %swap3A_194 = tpu.vector_load %arg14[%swap3A] {strides = array<i32>} : memref<80xi32, #tpu.memory_space<vmem>>, vector<16xi32>,
      %swap3A_195 = vector.shape_cast %swap3A_194 : vector<16xi32> to vector<16xi32>
      %swap3A_196 = vector.shape_cast %and3A_193 : vector<16xi32> to vector<16xi32>
      tpu.vector_store %arg14[%swap3A], %swap3A_196 {strides = array<i32>} : memref<80xi32, #tpu.memory_space<vmem>>, vector<16xi32>,
      %shift_right_logical3A = arith.constant 16 : i32
      %shift_right_logical3A_197 = vector.broadcast %shift_right_logical3A : i32 to vector<16xi32>
      %shift_right_logical3A_198 = arith.shrui %get3A_191, %shift_right_logical3A_197 : vector<16xi32>
      %swap3A_199 = arith.index_cast %add3A_189 : i32 to index
      %swap3A_200 = tpu.vector_load %arg15[%swap3A_199] {strides = array<i32>} : memref<80xi32, #tpu.memory_space<vmem>>, vector<16xi32>,
      %swap3A_201 = vector.shape_cast %swap3A_200 : vector<16xi32> to vector<16xi32>
      %swap3A_202 = vector.shape_cast %shift_right_logical3A_198 : vector<16xi32> to vector<16xi32>
      tpu.vector_store %arg15[%swap3A_199], %swap3A_202 {strides = array<i32>} : memref<80xi32, #tpu.memory_space<vmem>>, vector<16xi32>,
    }
    %scan3A_82 = arith.constant 5 : i32
    %dma_start3A_83 = arith.constant 0 : i32
    %dma_start3A_84 = arith.constant 0 : i32
    %dma_start3A_85 = tpu.memref_slice %arg2[%dma_start3A_83, %dma_start3A_84] : memref<10000x128xf32, #tpu.memory_space<hbm>> -> memref<10000x128xf32, #tpu.memory_space<hbm>>
    tpu.enqueue_indirect_dma source(%dma_start3A_85 : memref<10000x128xf32, #tpu.memory_space<hbm>>) target(%arg16 : memref<80x128xf32, #tpu.memory_space<vmem>>) offsets(%arg14 : memref<80xi32, #tpu.memory_space<vmem>>) semaphore(%arg28 : memref<!tpu.dma_semaphore, #tpu.memory_space<semaphore_mem>>)
    %dma_wait3A_86 = arith.constant 0 : i32
    %dma_wait3A_87 = arith.constant 0 : i32
    %dma_wait3A_88 = tpu.memref_slice %arg2[%dma_wait3A_86, %dma_wait3A_87] : memref<10000x128xf32, #tpu.memory_space<hbm>> -> memref<10000x128xf32, #tpu.memory_space<hbm>>
    tpu.wait_indirect_dma semaphore(%arg26 : memref<!tpu.dma_semaphore, #tpu.memory_space<semaphore_mem>>) src(%dma_wait3A_88 : memref<10000x128xf32, #tpu.memory_space<hbm>>) dst(%arg8 : memref<80x128xf32, #tpu.memory_space<vmem>>)
    %dma_start3A_89 = arith.constant 0 : i32
    %dma_start3A_90 = arith.constant 0 : i32
    %dma_start3A_91 = tpu.memref_slice %arg21[%dma_start3A_89, %dma_start3A_90] : memref<10000x128xf32, #tpu.memory_space<vmem_shared>> -> memref<10000x128xf32, #tpu.memory_space<vmem_shared>>
    tpu.enqueue_indirect_dma source(%arg8 : memref<80x128xf32, #tpu.memory_space<vmem>>) target(%dma_start3A_91 : memref<10000x128xf32, #tpu.memory_space<vmem_shared>>) offsets(%arg7 : memref<80xi32, #tpu.memory_space<vmem>>) semaphore(%arg30 : memref<!tpu.dma_semaphore, #tpu.memory_space<semaphore_mem>>) {add = true}
    %scan3A_92 = arith.constant 0 : i32
    %scan3A_93 = arith.constant 30 : i32
    %scan3A_94 = arith.addi %scan3A_92, %scan3A_93 : i32
    %scan3A_95 = arith.constant 1 : i32
    scf.for %scan3A_185 = %scan3A_92 to %scan3A_94 step %scan3A_95  : i32 {
      %mul3A_186 = arith.constant 1 : i32
      %mul3A_187 = arith.muli %scan3A_185, %mul3A_186 : i32
      %add3A_188 = arith.constant 0 : i32
      %add3A_189 = arith.addi %add3A_188, %mul3A_187 : i32
      %mul3A_190 = arith.constant 4 : i32
      %mul3A_191 = arith.muli %mul3A_190, %add3A_189 : i32
      %add3A_192 = arith.constant 4 : i32
      %add3A_193 = arith.addi %add3A_192, %mul3A_191 : i32
      %add3A_194 = arith.constant 0 : i32
      %add3A_195 = arith.addi %add3A_193, %add3A_194 : i32
      %dma_wait3A_196 = arith.constant 0 : i32
      %dma_wait3A_197 = arith.constant 0 : i32
      %dma_wait3A_198 = tpu.memref_slice %arg21[%dma_wait3A_196, %dma_wait3A_197] : memref<10000x128xf32, #tpu.memory_space<vmem_shared>> -> memref<10000x128xf32, #tpu.memory_space<vmem_shared>>
      tpu.wait_indirect_dma semaphore(%arg30 : memref<!tpu.dma_semaphore, #tpu.memory_space<semaphore_mem>>) src(%arg8 : memref<80x128xf32, #tpu.memory_space<vmem>>) dst(%dma_wait3A_198 : memref<10000x128xf32, #tpu.memory_space<vmem_shared>>)
      %dma_start3A_199 = arith.constant 0 : i32
      %dma_start3A_200 = tpu.memref_slice %arg3[%add3A, %add3A_195, %dma_start3A_199] : memref<32x125x80xi32, #tpu.memory_space<hbm>> -> memref<1x1x80xi32, #tpu.memory_space<hbm>>
      %dma_start3A_201 = tpu.memref_squeeze %dma_start3A_200 : memref<1x1x80xi32, #tpu.memory_space<hbm>> -> memref<80xi32, #tpu.memory_space<hbm>>
      %dma_start3A_202 = arith.constant 0 : i32
      %dma_start3A_203 = tpu.memref_slice %arg3[%add3A, %add3A_195, %dma_start3A_202] : memref<32x125x80xi32, #tpu.memory_space<hbm>> -> memref<1x1x80xi32, #tpu.memory_space<hbm>>
      %dma_start3A_204 = tpu.memref_squeeze %dma_start3A_203 : memref<1x1x80xi32, #tpu.memory_space<hbm>> -> memref<80xi32, #tpu.memory_space<hbm>>
      tpu.enqueue_dma source(%dma_start3A_204 : memref<80xi32, #tpu.memory_space<hbm>>) target(%arg5 : memref<80xi32, #tpu.memory_space<vmem>>) target_semaphore(%arg22 : memref<!tpu.dma_semaphore, #tpu.memory_space<semaphore_mem>>)
      %dma_wait3A_205 = arith.constant 0 : i32
      %dma_wait3A_206 = arith.constant 0 : i32
      %dma_wait3A_207 = tpu.memref_slice %arg3[%add3A, %dma_wait3A_205, %dma_wait3A_206] : memref<32x125x80xi32, #tpu.memory_space<hbm>> -> memref<1x1x80xi32, #tpu.memory_space<hbm>>
      %dma_wait3A_208 = tpu.memref_squeeze %dma_wait3A_207 : memref<1x1x80xi32, #tpu.memory_space<hbm>> -> memref<80xi32, #tpu.memory_space<hbm>>
      %dma_wait3A_209 = arith.constant 0 : i32
      %dma_wait3A_210 = tpu.memref_slice %arg3[%add3A, %dma_wait3A_205, %dma_wait3A_209] : memref<32x125x80xi32, #tpu.memory_space<hbm>> -> memref<1x1x80xi32, #tpu.memory_space<hbm>>
      %dma_wait3A_211 = tpu.memref_squeeze %dma_wait3A_210 : memref<1x1x80xi32, #tpu.memory_space<hbm>> -> memref<80xi32, #tpu.memory_space<hbm>>
      tpu.wait_dma2 semaphore(%arg25 : memref<!tpu.dma_semaphore, #tpu.memory_space<semaphore_mem>>) src(%dma_wait3A_211 : memref<80xi32, #tpu.memory_space<hbm>>) dst(%arg17 : memref<80xi32, #tpu.memory_space<vmem>>)
      %scan3A_212 = arith.constant 0 : i32
      %scan3A_213 = arith.constant 5 : i32
      %scan3A_214 = arith.addi %scan3A_212, %scan3A_213 : i32
      %scan3A_215 = arith.constant 1 : i32
      scf.for %scan3A_334 = %scan3A_212 to %scan3A_214 step %scan3A_215  : i32 {
        %mul3A_335 = arith.constant 16 : i32
        %mul3A_336 = arith.muli %scan3A_334, %mul3A_335 : i32
        %add3A_337 = arith.constant 0 : i32
        %add3A_338 = arith.addi %add3A_337, %mul3A_336 : i32
        %get3A = arith.index_cast %add3A_338 : i32 to index
        %get3A_339 = tpu.vector_load %arg17[%get3A] {strides = array<i32>} : memref<80xi32, #tpu.memory_space<vmem>>, vector<16xi32>,
        %get3A_340 = vector.shape_cast %get3A_339 : vector<16xi32> to vector<16xi32>
        %and3A = arith.constant 65535 : i32
        %and3A_341 = vector.broadcast %and3A : i32 to vector<16xi32>
        %and3A_342 = arith.andi %get3A_340, %and3A_341 : vector<16xi32>
        %swap3A = arith.index_cast %add3A_338 : i32 to index
        %swap3A_343 = tpu.vector_load %arg18[%swap3A] {strides = array<i32>} : memref<80xi32, #tpu.memory_space<vmem>>, vector<16xi32>,
        %swap3A_344 = vector.shape_cast %swap3A_343 : vector<16xi32> to vector<16xi32>
        %swap3A_345 = vector.shape_cast %and3A_342 : vector<16xi32> to vector<16xi32>
        tpu.vector_store %arg18[%swap3A], %swap3A_345 {strides = array<i32>} : memref<80xi32, #tpu.memory_space<vmem>>, vector<16xi32>,
        %shift_right_logical3A = arith.constant 16 : i32
        %shift_right_logical3A_346 = vector.broadcast %shift_right_logical3A : i32 to vector<16xi32>
        %shift_right_logical3A_347 = arith.shrui %get3A_340, %shift_right_logical3A_346 : vector<16xi32>
        %swap3A_348 = arith.index_cast %add3A_338 : i32 to index
        %swap3A_349 = tpu.vector_load %arg19[%swap3A_348] {strides = array<i32>} : memref<80xi32, #tpu.memory_space<vmem>>, vector<16xi32>,
        %swap3A_350 = vector.shape_cast %swap3A_349 : vector<16xi32> to vector<16xi32>
        %swap3A_351 = vector.shape_cast %shift_right_logical3A_347 : vector<16xi32> to vector<16xi32>
        tpu.vector_store %arg19[%swap3A_348], %swap3A_351 {strides = array<i32>} : memref<80xi32, #tpu.memory_space<vmem>>, vector<16xi32>,
      }
      %scan3A_216 = arith.constant 5 : i32
      %dma_start3A_217 = arith.constant 0 : i32
      %dma_start3A_218 = arith.constant 0 : i32
      %dma_start3A_219 = tpu.memref_slice %arg2[%dma_start3A_217, %dma_start3A_218] : memref<10000x128xf32, #tpu.memory_space<hbm>> -> memref<10000x128xf32, #tpu.memory_space<hbm>>
      tpu.enqueue_indirect_dma source(%dma_start3A_219 : memref<10000x128xf32, #tpu.memory_space<hbm>>) target(%arg20 : memref<80x128xf32, #tpu.memory_space<vmem>>) offsets(%arg18 : memref<80xi32, #tpu.memory_space<vmem>>) semaphore(%arg29 : memref<!tpu.dma_semaphore, #tpu.memory_space<semaphore_mem>>)
      %dma_wait3A_220 = arith.constant 0 : i32
      %dma_wait3A_221 = arith.constant 0 : i32
      %dma_wait3A_222 = tpu.memref_slice %arg2[%dma_wait3A_220, %dma_wait3A_221] : memref<10000x128xf32, #tpu.memory_space<hbm>> -> memref<10000x128xf32, #tpu.memory_space<hbm>>
      tpu.wait_indirect_dma semaphore(%arg27 : memref<!tpu.dma_semaphore, #tpu.memory_space<semaphore_mem>>) src(%dma_wait3A_222 : memref<10000x128xf32, #tpu.memory_space<hbm>>) dst(%arg12 : memref<80x128xf32, #tpu.memory_space<vmem>>)
      %dma_start3A_223 = arith.constant 0 : i32
      %dma_start3A_224 = arith.constant 0 : i32
      %dma_start3A_225 = tpu.memref_slice %arg21[%dma_start3A_223, %dma_start3A_224] : memref<10000x128xf32, #tpu.memory_space<vmem_shared>> -> memref<10000x128xf32, #tpu.memory_space<vmem_shared>>
      tpu.enqueue_indirect_dma source(%arg12 : memref<80x128xf32, #tpu.memory_space<vmem>>) target(%dma_start3A_225 : memref<10000x128xf32, #tpu.memory_space<vmem_shared>>) offsets(%arg11 : memref<80xi32, #tpu.memory_space<vmem>>) semaphore(%arg31 : memref<!tpu.dma_semaphore, #tpu.memory_space<semaphore_mem>>) {add = true}
      %mul3A_226 = arith.constant 4 : i32
      %mul3A_227 = arith.muli %mul3A_226, %add3A_189 : i32
      %add3A_228 = arith.constant 4 : i32
      %add3A_229 = arith.addi %add3A_228, %mul3A_227 : i32
      %add3A_230 = arith.constant 1 : i32
      %add3A_231 = arith.addi %add3A_229, %add3A_230 : i32
      %dma_wait3A_232 = arith.constant 0 : i32
      %dma_wait3A_233 = arith.constant 0 : i32
      %dma_wait3A_234 = tpu.memref_slice %arg21[%dma_wait3A_232, %dma_wait3A_233] : memref<10000x128xf32, #tpu.memory_space<vmem_shared>> -> memref<10000x128xf32, #tpu.memory_space<vmem_shared>>
      tpu.wait_indirect_dma semaphore(%arg31 : memref<!tpu.dma_semaphore, #tpu.memory_space<semaphore_mem>>) src(%arg12 : memref<80x128xf32, #tpu.memory_space<vmem>>) dst(%dma_wait3A_234 : memref<10000x128xf32, #tpu.memory_space<vmem_shared>>)
      %dma_start3A_235 = arith.constant 0 : i32
      %dma_start3A_236 = tpu.memref_slice %arg3[%add3A, %add3A_231, %dma_start3A_235] : memref<32x125x80xi32, #tpu.memory_space<hbm>> -> memref<1x1x80xi32, #tpu.memory_space<hbm>>
      %dma_start3A_237 = tpu.memref_squeeze %dma_start3A_236 : memref<1x1x80xi32, #tpu.memory_space<hbm>> -> memref<80xi32, #tpu.memory_space<hbm>>
      %dma_start3A_238 = arith.constant 0 : i32
      %dma_start3A_239 = tpu.memref_slice %arg3[%add3A, %add3A_231, %dma_start3A_238] : memref<32x125x80xi32, #tpu.memory_space<hbm>> -> memref<1x1x80xi32, #tpu.memory_space<hbm>>
      %dma_start3A_240 = tpu.memref_squeeze %dma_start3A_239 : memref<1x1x80xi32, #tpu.memory_space<hbm>> -> memref<80xi32, #tpu.memory_space<hbm>>
      tpu.enqueue_dma source(%dma_start3A_240 : memref<80xi32, #tpu.memory_space<hbm>>) target(%arg9 : memref<80xi32, #tpu.memory_space<vmem>>) target_semaphore(%arg23 : memref<!tpu.dma_semaphore, #tpu.memory_space<semaphore_mem>>)
      %dma_wait3A_241 = arith.constant 0 : i32
      %dma_wait3A_242 = arith.constant 0 : i32
      %dma_wait3A_243 = tpu.memref_slice %arg3[%add3A, %dma_wait3A_241, %dma_wait3A_242] : memref<32x125x80xi32, #tpu.memory_space<hbm>> -> memref<1x1x80xi32, #tpu.memory_space<hbm>>
      %dma_wait3A_244 = tpu.memref_squeeze %dma_wait3A_243 : memref<1x1x80xi32, #tpu.memory_space<hbm>> -> memref<80xi32, #tpu.memory_space<hbm>>
      %dma_wait3A_245 = arith.constant 0 : i32
      %dma_wait3A_246 = tpu.memref_slice %arg3[%add3A, %dma_wait3A_241, %dma_wait3A_245] : memref<32x125x80xi32, #tpu.memory_space<hbm>> -> memref<1x1x80xi32, #tpu.memory_space<hbm>>
      %dma_wait3A_247 = tpu.memref_squeeze %dma_wait3A_246 : memref<1x1x80xi32, #tpu.memory_space<hbm>> -> memref<80xi32, #tpu.memory_space<hbm>>
      tpu.wait_dma2 semaphore(%arg22 : memref<!tpu.dma_semaphore, #tpu.memory_space<semaphore_mem>>) src(%dma_wait3A_247 : memref<80xi32, #tpu.memory_space<hbm>>) dst(%arg5 : memref<80xi32, #tpu.memory_space<vmem>>)
      %scan3A_248 = arith.constant 0 : i32
      %scan3A_249 = arith.constant 5 : i32
      %scan3A_250 = arith.addi %scan3A_248, %scan3A_249 : i32
      %scan3A_251 = arith.constant 1 : i32
      scf.for %scan3A_334 = %scan3A_248 to %scan3A_250 step %scan3A_251  : i32 {
        %mul3A_335 = arith.constant 16 : i32
        %mul3A_336 = arith.muli %scan3A_334, %mul3A_335 : i32
        %add3A_337 = arith.constant 0 : i32
        %add3A_338 = arith.addi %add3A_337, %mul3A_336 : i32
        %get3A = arith.index_cast %add3A_338 : i32 to index
        %get3A_339 = tpu.vector_load %arg5[%get3A] {strides = array<i32>} : memref<80xi32, #tpu.memory_space<vmem>>, vector<16xi32>,
        %get3A_340 = vector.shape_cast %get3A_339 : vector<16xi32> to vector<16xi32>
        %and3A = arith.constant 65535 : i32
        %and3A_341 = vector.broadcast %and3A : i32 to vector<16xi32>
        %and3A_342 = arith.andi %get3A_340, %and3A_341 : vector<16xi32>
        %swap3A = arith.index_cast %add3A_338 : i32 to index
        %swap3A_343 = tpu.vector_load %arg6[%swap3A] {strides = array<i32>} : memref<80xi32, #tpu.memory_space<vmem>>, vector<16xi32>,
        %swap3A_344 = vector.shape_cast %swap3A_343 : vector<16xi32> to vector<16xi32>
        %swap3A_345 = vector.shape_cast %and3A_342 : vector<16xi32> to vector<16xi32>
        tpu.vector_store %arg6[%swap3A], %swap3A_345 {strides = array<i32>} : memref<80xi32, #tpu.memory_space<vmem>>, vector<16xi32>,
        %shift_right_logical3A = arith.constant 16 : i32
        %shift_right_logical3A_346 = vector.broadcast %shift_right_logical3A : i32 to vector<16xi32>
        %shift_right_logical3A_347 = arith.shrui %get3A_340, %shift_right_logical3A_346 : vector<16xi32>
        %swap3A_348 = arith.index_cast %add3A_338 : i32 to index
        %swap3A_349 = tpu.vector_load %arg7[%swap3A_348] {strides = array<i32>} : memref<80xi32, #tpu.memory_space<vmem>>, vector<16xi32>,
        %swap3A_350 = vector.shape_cast %swap3A_349 : vector<16xi32> to vector<16xi32>
        %swap3A_351 = vector.shape_cast %shift_right_logical3A_347 : vector<16xi32> to vector<16xi32>
        tpu.vector_store %arg7[%swap3A_348], %swap3A_351 {strides = array<i32>} : memref<80xi32, #tpu.memory_space<vmem>>, vector<16xi32>,
      }
      %scan3A_252 = arith.constant 5 : i32
      %dma_start3A_253 = arith.constant 0 : i32
      %dma_start3A_254 = arith.constant 0 : i32
      %dma_start3A_255 = tpu.memref_slice %arg2[%dma_start3A_253, %dma_start3A_254] : memref<10000x128xf32, #tpu.memory_space<hbm>> -> memref<10000x128xf32, #tpu.memory_space<hbm>>
      tpu.enqueue_indirect_dma source(%dma_start3A_255 : memref<10000x128xf32, #tpu.memory_space<hbm>>) target(%arg8 : memref<80x128xf32, #tpu.memory_space<vmem>>) offsets(%arg6 : memref<80xi32, #tpu.memory_space<vmem>>) semaphore(%arg26 : memref<!tpu.dma_semaphore, #tpu.memory_space<semaphore_mem>>)
      %dma_wait3A_256 = arith.constant 0 : i32
      %dma_wait3A_257 = arith.constant 0 : i32
      %dma_wait3A_258 = tpu.memref_slice %arg2[%dma_wait3A_256, %dma_wait3A_257] : memref<10000x128xf32, #tpu.memory_space<hbm>> -> memref<10000x128xf32, #tpu.memory_space<hbm>>
      tpu.wait_indirect_dma semaphore(%arg28 : memref<!tpu.dma_semaphore, #tpu.memory_space<semaphore_mem>>) src(%dma_wait3A_258 : memref<10000x128xf32, #tpu.memory_space<hbm>>) dst(%arg16 : memref<80x128xf32, #tpu.memory_space<vmem>>)
      %dma_start3A_259 = arith.constant 0 : i32
      %dma_start3A_260 = arith.constant 0 : i32
      %dma_start3A_261 = tpu.memref_slice %arg21[%dma_start3A_259, %dma_start3A_260] : memref<10000x128xf32, #tpu.memory_space<vmem_shared>> -> memref<10000x128xf32, #tpu.memory_space<vmem_shared>>
      tpu.enqueue_indirect_dma source(%arg16 : memref<80x128xf32, #tpu.memory_space<vmem>>) target(%dma_start3A_261 : memref<10000x128xf32, #tpu.memory_space<vmem_shared>>) offsets(%arg15 : memref<80xi32, #tpu.memory_space<vmem>>) semaphore(%arg32 : memref<!tpu.dma_semaphore, #tpu.memory_space<semaphore_mem>>) {add = true}
      %mul3A_262 = arith.constant 4 : i32
      %mul3A_263 = arith.muli %mul3A_262, %add3A_189 : i32
      %add3A_264 = arith.constant 4 : i32
      %add3A_265 = arith.addi %add3A_264, %mul3A_263 : i32
      %add3A_266 = arith.constant 2 : i32
      %add3A_267 = arith.addi %add3A_265, %add3A_266 : i32
      %dma_wait3A_268 = arith.constant 0 : i32
      %dma_wait3A_269 = arith.constant 0 : i32
      %dma_wait3A_270 = tpu.memref_slice %arg21[%dma_wait3A_268, %dma_wait3A_269] : memref<10000x128xf32, #tpu.memory_space<vmem_shared>> -> memref<10000x128xf32, #tpu.memory_space<vmem_shared>>
      tpu.wait_indirect_dma semaphore(%arg32 : memref<!tpu.dma_semaphore, #tpu.memory_space<semaphore_mem>>) src(%arg16 : memref<80x128xf32, #tpu.memory_space<vmem>>) dst(%dma_wait3A_270 : memref<10000x128xf32, #tpu.memory_space<vmem_shared>>)
      %dma_start3A_271 = arith.constant 0 : i32
      %dma_start3A_272 = tpu.memref_slice %arg3[%add3A, %add3A_267, %dma_start3A_271] : memref<32x125x80xi32, #tpu.memory_space<hbm>> -> memref<1x1x80xi32, #tpu.memory_space<hbm>>
      %dma_start3A_273 = tpu.memref_squeeze %dma_start3A_272 : memref<1x1x80xi32, #tpu.memory_space<hbm>> -> memref<80xi32, #tpu.memory_space<hbm>>
      %dma_start3A_274 = arith.constant 0 : i32
      %dma_start3A_275 = tpu.memref_slice %arg3[%add3A, %add3A_267, %dma_start3A_274] : memref<32x125x80xi32, #tpu.memory_space<hbm>> -> memref<1x1x80xi32, #tpu.memory_space<hbm>>
      %dma_start3A_276 = tpu.memref_squeeze %dma_start3A_275 : memref<1x1x80xi32, #tpu.memory_space<hbm>> -> memref<80xi32, #tpu.memory_space<hbm>>
      tpu.enqueue_dma source(%dma_start3A_276 : memref<80xi32, #tpu.memory_space<hbm>>) target(%arg13 : memref<80xi32, #tpu.memory_space<vmem>>) target_semaphore(%arg24 : memref<!tpu.dma_semaphore, #tpu.memory_space<semaphore_mem>>)
      %dma_wait3A_277 = arith.constant 0 : i32
      %dma_wait3A_278 = arith.constant 0 : i32
      %dma_wait3A_279 = tpu.memref_slice %arg3[%add3A, %dma_wait3A_277, %dma_wait3A_278] : memref<32x125x80xi32, #tpu.memory_space<hbm>> -> memref<1x1x80xi32, #tpu.memory_space<hbm>>
      %dma_wait3A_280 = tpu.memref_squeeze %dma_wait3A_279 : memref<1x1x80xi32, #tpu.memory_space<hbm>> -> memref<80xi32, #tpu.memory_space<hbm>>
      %dma_wait3A_281 = arith.constant 0 : i32
      %dma_wait3A_282 = tpu.memref_slice %arg3[%add3A, %dma_wait3A_277, %dma_wait3A_281] : memref<32x125x80xi32, #tpu.memory_space<hbm>> -> memref<1x1x80xi32, #tpu.memory_space<hbm>>
      %dma_wait3A_283 = tpu.memref_squeeze %dma_wait3A_282 : memref<1x1x80xi32, #tpu.memory_space<hbm>> -> memref<80xi32, #tpu.memory_space<hbm>>
      tpu.wait_dma2 semaphore(%arg23 : memref<!tpu.dma_semaphore, #tpu.memory_space<semaphore_mem>>) src(%dma_wait3A_283 : memref<80xi32, #tpu.memory_space<hbm>>) dst(%arg9 : memref<80xi32, #tpu.memory_space<vmem>>)
      %scan3A_284 = arith.constant 0 : i32
      %scan3A_285 = arith.constant 5 : i32
      %scan3A_286 = arith.addi %scan3A_284, %scan3A_285 : i32
      %scan3A_287 = arith.constant 1 : i32
      scf.for %scan3A_334 = %scan3A_284 to %scan3A_286 step %scan3A_287  : i32 {
        %mul3A_335 = arith.constant 16 : i32
        %mul3A_336 = arith.muli %scan3A_334, %mul3A_335 : i32
        %add3A_337 = arith.constant 0 : i32
        %add3A_338 = arith.addi %add3A_337, %mul3A_336 : i32
        %get3A = arith.index_cast %add3A_338 : i32 to index
        %get3A_339 = tpu.vector_load %arg9[%get3A] {strides = array<i32>} : memref<80xi32, #tpu.memory_space<vmem>>, vector<16xi32>,
        %get3A_340 = vector.shape_cast %get3A_339 : vector<16xi32> to vector<16xi32>
        %and3A = arith.constant 65535 : i32
        %and3A_341 = vector.broadcast %and3A : i32 to vector<16xi32>
        %and3A_342 = arith.andi %get3A_340, %and3A_341 : vector<16xi32>
        %swap3A = arith.index_cast %add3A_338 : i32 to index
        %swap3A_343 = tpu.vector_load %arg10[%swap3A] {strides = array<i32>} : memref<80xi32, #tpu.memory_space<vmem>>, vector<16xi32>,
        %swap3A_344 = vector.shape_cast %swap3A_343 : vector<16xi32> to vector<16xi32>
        %swap3A_345 = vector.shape_cast %and3A_342 : vector<16xi32> to vector<16xi32>
        tpu.vector_store %arg10[%swap3A], %swap3A_345 {strides = array<i32>} : memref<80xi32, #tpu.memory_space<vmem>>, vector<16xi32>,
        %shift_right_logical3A = arith.constant 16 : i32
        %shift_right_logical3A_346 = vector.broadcast %shift_right_logical3A : i32 to vector<16xi32>
        %shift_right_logical3A_347 = arith.shrui %get3A_340, %shift_right_logical3A_346 : vector<16xi32>
        %swap3A_348 = arith.index_cast %add3A_338 : i32 to index
        %swap3A_349 = tpu.vector_load %arg11[%swap3A_348] {strides = array<i32>} : memref<80xi32, #tpu.memory_space<vmem>>, vector<16xi32>,
        %swap3A_350 = vector.shape_cast %swap3A_349 : vector<16xi32> to vector<16xi32>
        %swap3A_351 = vector.shape_cast %shift_right_logical3A_347 : vector<16xi32> to vector<16xi32>
        tpu.vector_store %arg11[%swap3A_348], %swap3A_351 {strides = array<i32>} : memref<80xi32, #tpu.memory_space<vmem>>, vector<16xi32>,
      }
      %scan3A_288 = arith.constant 5 : i32
      %dma_start3A_289 = arith.constant 0 : i32
      %dma_start3A_290 = arith.constant 0 : i32
      %dma_start3A_291 = tpu.memref_slice %arg2[%dma_start3A_289, %dma_start3A_290] : memref<10000x128xf32, #tpu.memory_space<hbm>> -> memref<10000x128xf32, #tpu.memory_space<hbm>>
      tpu.enqueue_indirect_dma source(%dma_start3A_291 : memref<10000x128xf32, #tpu.memory_space<hbm>>) target(%arg12 : memref<80x128xf32, #tpu.memory_space<vmem>>) offsets(%arg10 : memref<80xi32, #tpu.memory_space<vmem>>) semaphore(%arg27 : memref<!tpu.dma_semaphore, #tpu.memory_space<semaphore_mem>>)
      %dma_wait3A_292 = arith.constant 0 : i32
      %dma_wait3A_293 = arith.constant 0 : i32
      %dma_wait3A_294 = tpu.memref_slice %arg2[%dma_wait3A_292, %dma_wait3A_293] : memref<10000x128xf32, #tpu.memory_space<hbm>> -> memref<10000x128xf32, #tpu.memory_space<hbm>>
      tpu.wait_indirect_dma semaphore(%arg29 : memref<!tpu.dma_semaphore, #tpu.memory_space<semaphore_mem>>) src(%dma_wait3A_294 : memref<10000x128xf32, #tpu.memory_space<hbm>>) dst(%arg20 : memref<80x128xf32, #tpu.memory_space<vmem>>)
      %dma_start3A_295 = arith.constant 0 : i32
      %dma_start3A_296 = arith.constant 0 : i32
      %dma_start3A_297 = tpu.memref_slice %arg21[%dma_start3A_295, %dma_start3A_296] : memref<10000x128xf32, #tpu.memory_space<vmem_shared>> -> memref<10000x128xf32, #tpu.memory_space<vmem_shared>>
      tpu.enqueue_indirect_dma source(%arg20 : memref<80x128xf32, #tpu.memory_space<vmem>>) target(%dma_start3A_297 : memref<10000x128xf32, #tpu.memory_space<vmem_shared>>) offsets(%arg19 : memref<80xi32, #tpu.memory_space<vmem>>) semaphore(%arg33 : memref<!tpu.dma_semaphore, #tpu.memory_space<semaphore_mem>>) {add = true}
      %mul3A_298 = arith.constant 4 : i32
      %mul3A_299 = arith.muli %mul3A_298, %add3A_189 : i32
      %add3A_300 = arith.constant 4 : i32
      %add3A_301 = arith.addi %add3A_300, %mul3A_299 : i32
      %add3A_302 = arith.constant 3 : i32
      %add3A_303 = arith.addi %add3A_301, %add3A_302 : i32
      %dma_wait3A_304 = arith.constant 0 : i32
      %dma_wait3A_305 = arith.constant 0 : i32
      %dma_wait3A_306 = tpu.memref_slice %arg21[%dma_wait3A_304, %dma_wait3A_305] : memref<10000x128xf32, #tpu.memory_space<vmem_shared>> -> memref<10000x128xf32, #tpu.memory_space<vmem_shared>>
      tpu.wait_indirect_dma semaphore(%arg33 : memref<!tpu.dma_semaphore, #tpu.memory_space<semaphore_mem>>) src(%arg20 : memref<80x128xf32, #tpu.memory_space<vmem>>) dst(%dma_wait3A_306 : memref<10000x128xf32, #tpu.memory_space<vmem_shared>>)
      %dma_start3A_307 = arith.constant 0 : i32
      %dma_start3A_308 = tpu.memref_slice %arg3[%add3A, %add3A_303, %dma_start3A_307] : memref<32x125x80xi32, #tpu.memory_space<hbm>> -> memref<1x1x80xi32, #tpu.memory_space<hbm>>
      %dma_start3A_309 = tpu.memref_squeeze %dma_start3A_308 : memref<1x1x80xi32, #tpu.memory_space<hbm>> -> memref<80xi32, #tpu.memory_space<hbm>>
      %dma_start3A_310 = arith.constant 0 : i32
      %dma_start3A_311 = tpu.memref_slice %arg3[%add3A, %add3A_303, %dma_start3A_310] : memref<32x125x80xi32, #tpu.memory_space<hbm>> -> memref<1x1x80xi32, #tpu.memory_space<hbm>>
      %dma_start3A_312 = tpu.memref_squeeze %dma_start3A_311 : memref<1x1x80xi32, #tpu.memory_space<hbm>> -> memref<80xi32, #tpu.memory_space<hbm>>
      tpu.enqueue_dma source(%dma_start3A_312 : memref<80xi32, #tpu.memory_space<hbm>>) target(%arg17 : memref<80xi32, #tpu.memory_space<vmem>>) target_semaphore(%arg25 : memref<!tpu.dma_semaphore, #tpu.memory_space<semaphore_mem>>)
      %dma_wait3A_313 = arith.constant 0 : i32
      %dma_wait3A_314 = arith.constant 0 : i32
      %dma_wait3A_315 = tpu.memref_slice %arg3[%add3A, %dma_wait3A_313, %dma_wait3A_314] : memref<32x125x80xi32, #tpu.memory_space<hbm>> -> memref<1x1x80xi32, #tpu.memory_space<hbm>>
      %dma_wait3A_316 = tpu.memref_squeeze %dma_wait3A_315 : memref<1x1x80xi32, #tpu.memory_space<hbm>> -> memref<80xi32, #tpu.memory_space<hbm>>
      %dma_wait3A_317 = arith.constant 0 : i32
      %dma_wait3A_318 = tpu.memref_slice %arg3[%add3A, %dma_wait3A_313, %dma_wait3A_317] : memref<32x125x80xi32, #tpu.memory_space<hbm>> -> memref<1x1x80xi32, #tpu.memory_space<hbm>>
      %dma_wait3A_319 = tpu.memref_squeeze %dma_wait3A_318 : memref<1x1x80xi32, #tpu.memory_space<hbm>> -> memref<80xi32, #tpu.memory_space<hbm>>
      tpu.wait_dma2 semaphore(%arg24 : memref<!tpu.dma_semaphore, #tpu.memory_space<semaphore_mem>>) src(%dma_wait3A_319 : memref<80xi32, #tpu.memory_space<hbm>>) dst(%arg13 : memref<80xi32, #tpu.memory_space<vmem>>)
      %scan3A_320 = arith.constant 0 : i32
      %scan3A_321 = arith.constant 5 : i32
      %scan3A_322 = arith.addi %scan3A_320, %scan3A_321 : i32
      %scan3A_323 = arith.constant 1 : i32
      scf.for %scan3A_334 = %scan3A_320 to %scan3A_322 step %scan3A_323  : i32 {
        %mul3A_335 = arith.constant 16 : i32
        %mul3A_336 = arith.muli %scan3A_334, %mul3A_335 : i32
        %add3A_337 = arith.constant 0 : i32
        %add3A_338 = arith.addi %add3A_337, %mul3A_336 : i32
        %get3A = arith.index_cast %add3A_338 : i32 to index
        %get3A_339 = tpu.vector_load %arg13[%get3A] {strides = array<i32>} : memref<80xi32, #tpu.memory_space<vmem>>, vector<16xi32>,
        %get3A_340 = vector.shape_cast %get3A_339 : vector<16xi32> to vector<16xi32>
        %and3A = arith.constant 65535 : i32
        %and3A_341 = vector.broadcast %and3A : i32 to vector<16xi32>
        %and3A_342 = arith.andi %get3A_340, %and3A_341 : vector<16xi32>
        %swap3A = arith.index_cast %add3A_338 : i32 to index
        %swap3A_343 = tpu.vector_load %arg14[%swap3A] {strides = array<i32>} : memref<80xi32, #tpu.memory_space<vmem>>, vector<16xi32>,
        %swap3A_344 = vector.shape_cast %swap3A_343 : vector<16xi32> to vector<16xi32>
        %swap3A_345 = vector.shape_cast %and3A_342 : vector<16xi32> to vector<16xi32>
        tpu.vector_store %arg14[%swap3A], %swap3A_345 {strides = array<i32>} : memref<80xi32, #tpu.memory_space<vmem>>, vector<16xi32>,
        %shift_right_logical3A = arith.constant 16 : i32
        %shift_right_logical3A_346 = vector.broadcast %shift_right_logical3A : i32 to vector<16xi32>
        %shift_right_logical3A_347 = arith.shrui %get3A_340, %shift_right_logical3A_346 : vector<16xi32>
        %swap3A_348 = arith.index_cast %add3A_338 : i32 to index
        %swap3A_349 = tpu.vector_load %arg15[%swap3A_348] {strides = array<i32>} : memref<80xi32, #tpu.memory_space<vmem>>, vector<16xi32>,
        %swap3A_350 = vector.shape_cast %swap3A_349 : vector<16xi32> to vector<16xi32>
        %swap3A_351 = vector.shape_cast %shift_right_logical3A_347 : vector<16xi32> to vector<16xi32>
        tpu.vector_store %arg15[%swap3A_348], %swap3A_351 {strides = array<i32>} : memref<80xi32, #tpu.memory_space<vmem>>, vector<16xi32>,
      }
      %scan3A_324 = arith.constant 5 : i32
      %dma_start3A_325 = arith.constant 0 : i32
      %dma_start3A_326 = arith.constant 0 : i32
      %dma_start3A_327 = tpu.memref_slice %arg2[%dma_start3A_325, %dma_start3A_326] : memref<10000x128xf32, #tpu.memory_space<hbm>> -> memref<10000x128xf32, #tpu.memory_space<hbm>>
      tpu.enqueue_indirect_dma source(%dma_start3A_327 : memref<10000x128xf32, #tpu.memory_space<hbm>>) target(%arg16 : memref<80x128xf32, #tpu.memory_space<vmem>>) offsets(%arg14 : memref<80xi32, #tpu.memory_space<vmem>>) semaphore(%arg28 : memref<!tpu.dma_semaphore, #tpu.memory_space<semaphore_mem>>)
      %dma_wait3A_328 = arith.constant 0 : i32
      %dma_wait3A_329 = arith.constant 0 : i32
      %dma_wait3A_330 = tpu.memref_slice %arg2[%dma_wait3A_328, %dma_wait3A_329] : memref<10000x128xf32, #tpu.memory_space<hbm>> -> memref<10000x128xf32, #tpu.memory_space<hbm>>
      tpu.wait_indirect_dma semaphore(%arg26 : memref<!tpu.dma_semaphore, #tpu.memory_space<semaphore_mem>>) src(%dma_wait3A_330 : memref<10000x128xf32, #tpu.memory_space<hbm>>) dst(%arg8 : memref<80x128xf32, #tpu.memory_space<vmem>>)
      %dma_start3A_331 = arith.constant 0 : i32
      %dma_start3A_332 = arith.constant 0 : i32
      %dma_start3A_333 = tpu.memref_slice %arg21[%dma_start3A_331, %dma_start3A_332] : memref<10000x128xf32, #tpu.memory_space<vmem_shared>> -> memref<10000x128xf32, #tpu.memory_space<vmem_shared>>
      tpu.enqueue_indirect_dma source(%arg8 : memref<80x128xf32, #tpu.memory_space<vmem>>) target(%dma_start3A_333 : memref<10000x128xf32, #tpu.memory_space<vmem_shared>>) offsets(%arg7 : memref<80xi32, #tpu.memory_space<vmem>>) semaphore(%arg30 : memref<!tpu.dma_semaphore, #tpu.memory_space<semaphore_mem>>) {add = true}
    }
    %scan3A_96 = arith.constant 30 : i32
    %dma_wait3A_97 = arith.constant 0 : i32
    %dma_wait3A_98 = arith.constant 0 : i32
    %dma_wait3A_99 = tpu.memref_slice %arg21[%dma_wait3A_97, %dma_wait3A_98] : memref<10000x128xf32, #tpu.memory_space<vmem_shared>> -> memref<10000x128xf32, #tpu.memory_space<vmem_shared>>
    tpu.wait_indirect_dma semaphore(%arg30 : memref<!tpu.dma_semaphore, #tpu.memory_space<semaphore_mem>>) src(%arg8 : memref<80x128xf32, #tpu.memory_space<vmem>>) dst(%dma_wait3A_99 : memref<10000x128xf32, #tpu.memory_space<vmem_shared>>)
    %dma_start3A_100 = arith.constant 124 : i32
    %dma_start3A_101 = arith.constant 0 : i32
    %dma_start3A_102 = tpu.memref_slice %arg3[%add3A, %dma_start3A_100, %dma_start3A_101] : memref<32x125x80xi32, #tpu.memory_space<hbm>> -> memref<1x1x80xi32, #tpu.memory_space<hbm>>
    %dma_start3A_103 = tpu.memref_squeeze %dma_start3A_102 : memref<1x1x80xi32, #tpu.memory_space<hbm>> -> memref<80xi32, #tpu.memory_space<hbm>>
    %dma_start3A_104 = arith.constant 0 : i32
    %dma_start3A_105 = tpu.memref_slice %arg3[%add3A, %dma_start3A_100, %dma_start3A_104] : memref<32x125x80xi32, #tpu.memory_space<hbm>> -> memref<1x1x80xi32, #tpu.memory_space<hbm>>
    %dma_start3A_106 = tpu.memref_squeeze %dma_start3A_105 : memref<1x1x80xi32, #tpu.memory_space<hbm>> -> memref<80xi32, #tpu.memory_space<hbm>>
    tpu.enqueue_dma source(%dma_start3A_106 : memref<80xi32, #tpu.memory_space<hbm>>) target(%arg5 : memref<80xi32, #tpu.memory_space<vmem>>) target_semaphore(%arg22 : memref<!tpu.dma_semaphore, #tpu.memory_space<semaphore_mem>>)
    %dma_wait3A_107 = arith.constant 0 : i32
    %dma_wait3A_108 = arith.constant 0 : i32
    %dma_wait3A_109 = tpu.memref_slice %arg3[%add3A, %dma_wait3A_107, %dma_wait3A_108] : memref<32x125x80xi32, #tpu.memory_space<hbm>> -> memref<1x1x80xi32, #tpu.memory_space<hbm>>
    %dma_wait3A_110 = tpu.memref_squeeze %dma_wait3A_109 : memref<1x1x80xi32, #tpu.memory_space<hbm>> -> memref<80xi32, #tpu.memory_space<hbm>>
    %dma_wait3A_111 = arith.constant 0 : i32
    %dma_wait3A_112 = tpu.memref_slice %arg3[%add3A, %dma_wait3A_107, %dma_wait3A_111] : memref<32x125x80xi32, #tpu.memory_space<hbm>> -> memref<1x1x80xi32, #tpu.memory_space<hbm>>
    %dma_wait3A_113 = tpu.memref_squeeze %dma_wait3A_112 : memref<1x1x80xi32, #tpu.memory_space<hbm>> -> memref<80xi32, #tpu.memory_space<hbm>>
    tpu.wait_dma2 semaphore(%arg25 : memref<!tpu.dma_semaphore, #tpu.memory_space<semaphore_mem>>) src(%dma_wait3A_113 : memref<80xi32, #tpu.memory_space<hbm>>) dst(%arg17 : memref<80xi32, #tpu.memory_space<vmem>>)
    %scan3A_114 = arith.constant 0 : i32
    %scan3A_115 = arith.constant 5 : i32
    %scan3A_116 = arith.addi %scan3A_114, %scan3A_115 : i32
    %scan3A_117 = arith.constant 1 : i32
    scf.for %scan3A_185 = %scan3A_114 to %scan3A_116 step %scan3A_117  : i32 {
      %mul3A_186 = arith.constant 16 : i32
      %mul3A_187 = arith.muli %scan3A_185, %mul3A_186 : i32
      %add3A_188 = arith.constant 0 : i32
      %add3A_189 = arith.addi %add3A_188, %mul3A_187 : i32
      %get3A = arith.index_cast %add3A_189 : i32 to index
      %get3A_190 = tpu.vector_load %arg17[%get3A] {strides = array<i32>} : memref<80xi32, #tpu.memory_space<vmem>>, vector<16xi32>,
      %get3A_191 = vector.shape_cast %get3A_190 : vector<16xi32> to vector<16xi32>
      %and3A = arith.constant 65535 : i32
      %and3A_192 = vector.broadcast %and3A : i32 to vector<16xi32>
      %and3A_193 = arith.andi %get3A_191, %and3A_192 : vector<16xi32>
      %swap3A = arith.index_cast %add3A_189 : i32 to index
      %swap3A_194 = tpu.vector_load %arg18[%swap3A] {strides = array<i32>} : memref<80xi32, #tpu.memory_space<vmem>>, vector<16xi32>,
      %swap3A_195 = vector.shape_cast %swap3A_194 : vector<16xi32> to vector<16xi32>
      %swap3A_196 = vector.shape_cast %and3A_193 : vector<16xi32> to vector<16xi32>
      tpu.vector_store %arg18[%swap3A], %swap3A_196 {strides = array<i32>} : memref<80xi32, #tpu.memory_space<vmem>>, vector<16xi32>,
      %shift_right_logical3A = arith.constant 16 : i32
      %shift_right_logical3A_197 = vector.broadcast %shift_right_logical3A : i32 to vector<16xi32>
      %shift_right_logical3A_198 = arith.shrui %get3A_191, %shift_right_logical3A_197 : vector<16xi32>
      %swap3A_199 = arith.index_cast %add3A_189 : i32 to index
      %swap3A_200 = tpu.vector_load %arg19[%swap3A_199] {strides = array<i32>} : memref<80xi32, #tpu.memory_space<vmem>>, vector<16xi32>,
      %swap3A_201 = vector.shape_cast %swap3A_200 : vector<16xi32> to vector<16xi32>
      %swap3A_202 = vector.shape_cast %shift_right_logical3A_198 : vector<16xi32> to vector<16xi32>
      tpu.vector_store %arg19[%swap3A_199], %swap3A_202 {strides = array<i32>} : memref<80xi32, #tpu.memory_space<vmem>>, vector<16xi32>,
    }
    %scan3A_118 = arith.constant 5 : i32
    %dma_start3A_119 = arith.constant 0 : i32
    %dma_start3A_120 = arith.constant 0 : i32
    %dma_start3A_121 = tpu.memref_slice %arg2[%dma_start3A_119, %dma_start3A_120] : memref<10000x128xf32, #tpu.memory_space<hbm>> -> memref<10000x128xf32, #tpu.memory_space<hbm>>
    tpu.enqueue_indirect_dma source(%dma_start3A_121 : memref<10000x128xf32, #tpu.memory_space<hbm>>) target(%arg20 : memref<80x128xf32, #tpu.memory_space<vmem>>) offsets(%arg18 : memref<80xi32, #tpu.memory_space<vmem>>) semaphore(%arg29 : memref<!tpu.dma_semaphore, #tpu.memory_space<semaphore_mem>>)
    %dma_wait3A_122 = arith.constant 0 : i32
    %dma_wait3A_123 = arith.constant 0 : i32
    %dma_wait3A_124 = tpu.memref_slice %arg2[%dma_wait3A_122, %dma_wait3A_123] : memref<10000x128xf32, #tpu.memory_space<hbm>> -> memref<10000x128xf32, #tpu.memory_space<hbm>>
    tpu.wait_indirect_dma semaphore(%arg27 : memref<!tpu.dma_semaphore, #tpu.memory_space<semaphore_mem>>) src(%dma_wait3A_124 : memref<10000x128xf32, #tpu.memory_space<hbm>>) dst(%arg12 : memref<80x128xf32, #tpu.memory_space<vmem>>)
    %dma_start3A_125 = arith.constant 0 : i32
    %dma_start3A_126 = arith.constant 0 : i32
    %dma_start3A_127 = tpu.memref_slice %arg21[%dma_start3A_125, %dma_start3A_126] : memref<10000x128xf32, #tpu.memory_space<vmem_shared>> -> memref<10000x128xf32, #tpu.memory_space<vmem_shared>>
    tpu.enqueue_indirect_dma source(%arg12 : memref<80x128xf32, #tpu.memory_space<vmem>>) target(%dma_start3A_127 : memref<10000x128xf32, #tpu.memory_space<vmem_shared>>) offsets(%arg11 : memref<80xi32, #tpu.memory_space<vmem>>) semaphore(%arg31 : memref<!tpu.dma_semaphore, #tpu.memory_space<semaphore_mem>>) {add = true}
    %dma_wait3A_128 = arith.constant 0 : i32
    %dma_wait3A_129 = arith.constant 0 : i32
    %dma_wait3A_130 = tpu.memref_slice %arg3[%add3A, %dma_wait3A_128, %dma_wait3A_129] : memref<32x125x80xi32, #tpu.memory_space<hbm>> -> memref<1x1x80xi32, #tpu.memory_space<hbm>>
    %dma_wait3A_131 = tpu.memref_squeeze %dma_wait3A_130 : memref<1x1x80xi32, #tpu.memory_space<hbm>> -> memref<80xi32, #tpu.memory_space<hbm>>
    %dma_wait3A_132 = arith.constant 0 : i32
    %dma_wait3A_133 = tpu.memref_slice %arg3[%add3A, %dma_wait3A_128, %dma_wait3A_132] : memref<32x125x80xi32, #tpu.memory_space<hbm>> -> memref<1x1x80xi32, #tpu.memory_space<hbm>>
    %dma_wait3A_134 = tpu.memref_squeeze %dma_wait3A_133 : memref<1x1x80xi32, #tpu.memory_space<hbm>> -> memref<80xi32, #tpu.memory_space<hbm>>
    tpu.wait_dma2 semaphore(%arg22 : memref<!tpu.dma_semaphore, #tpu.memory_space<semaphore_mem>>) src(%dma_wait3A_134 : memref<80xi32, #tpu.memory_space<hbm>>) dst(%arg5 : memref<80xi32, #tpu.memory_space<vmem>>)
    %scan3A_135 = arith.constant 0 : i32
    %scan3A_136 = arith.constant 5 : i32
    %scan3A_137 = arith.addi %scan3A_135, %scan3A_136 : i32
    %scan3A_138 = arith.constant 1 : i32
    scf.for %scan3A_185 = %scan3A_135 to %scan3A_137 step %scan3A_138  : i32 {
      %mul3A_186 = arith.constant 16 : i32
      %mul3A_187 = arith.muli %scan3A_185, %mul3A_186 : i32
      %add3A_188 = arith.constant 0 : i32
      %add3A_189 = arith.addi %add3A_188, %mul3A_187 : i32
      %get3A = arith.index_cast %add3A_189 : i32 to index
      %get3A_190 = tpu.vector_load %arg5[%get3A] {strides = array<i32>} : memref<80xi32, #tpu.memory_space<vmem>>, vector<16xi32>,
      %get3A_191 = vector.shape_cast %get3A_190 : vector<16xi32> to vector<16xi32>
      %and3A = arith.constant 65535 : i32
      %and3A_192 = vector.broadcast %and3A : i32 to vector<16xi32>
      %and3A_193 = arith.andi %get3A_191, %and3A_192 : vector<16xi32>
      %swap3A = arith.index_cast %add3A_189 : i32 to index
      %swap3A_194 = tpu.vector_load %arg6[%swap3A] {strides = array<i32>} : memref<80xi32, #tpu.memory_space<vmem>>, vector<16xi32>,
      %swap3A_195 = vector.shape_cast %swap3A_194 : vector<16xi32> to vector<16xi32>
      %swap3A_196 = vector.shape_cast %and3A_193 : vector<16xi32> to vector<16xi32>
      tpu.vector_store %arg6[%swap3A], %swap3A_196 {strides = array<i32>} : memref<80xi32, #tpu.memory_space<vmem>>, vector<16xi32>,
      %shift_right_logical3A = arith.constant 16 : i32
      %shift_right_logical3A_197 = vector.broadcast %shift_right_logical3A : i32 to vector<16xi32>
      %shift_right_logical3A_198 = arith.shrui %get3A_191, %shift_right_logical3A_197 : vector<16xi32>
      %swap3A_199 = arith.index_cast %add3A_189 : i32 to index
      %swap3A_200 = tpu.vector_load %arg7[%swap3A_199] {strides = array<i32>} : memref<80xi32, #tpu.memory_space<vmem>>, vector<16xi32>,
      %swap3A_201 = vector.shape_cast %swap3A_200 : vector<16xi32> to vector<16xi32>
      %swap3A_202 = vector.shape_cast %shift_right_logical3A_198 : vector<16xi32> to vector<16xi32>
      tpu.vector_store %arg7[%swap3A_199], %swap3A_202 {strides = array<i32>} : memref<80xi32, #tpu.memory_space<vmem>>, vector<16xi32>,
    }
    %scan3A_139 = arith.constant 5 : i32
    %dma_start3A_140 = arith.constant 0 : i32
    %dma_start3A_141 = arith.constant 0 : i32
    %dma_start3A_142 = tpu.memref_slice %arg2[%dma_start3A_140, %dma_start3A_141] : memref<10000x128xf32, #tpu.memory_space<hbm>> -> memref<10000x128xf32, #tpu.memory_space<hbm>>
    tpu.enqueue_indirect_dma source(%dma_start3A_142 : memref<10000x128xf32, #tpu.memory_space<hbm>>) target(%arg8 : memref<80x128xf32, #tpu.memory_space<vmem>>) offsets(%arg6 : memref<80xi32, #tpu.memory_space<vmem>>) semaphore(%arg26 : memref<!tpu.dma_semaphore, #tpu.memory_space<semaphore_mem>>)
    %dma_wait3A_143 = arith.constant 0 : i32
    %dma_wait3A_144 = arith.constant 0 : i32
    %dma_wait3A_145 = tpu.memref_slice %arg2[%dma_wait3A_143, %dma_wait3A_144] : memref<10000x128xf32, #tpu.memory_space<hbm>> -> memref<10000x128xf32, #tpu.memory_space<hbm>>
    tpu.wait_indirect_dma semaphore(%arg28 : memref<!tpu.dma_semaphore, #tpu.memory_space<semaphore_mem>>) src(%dma_wait3A_145 : memref<10000x128xf32, #tpu.memory_space<hbm>>) dst(%arg16 : memref<80x128xf32, #tpu.memory_space<vmem>>)
    %dma_start3A_146 = arith.constant 0 : i32
    %dma_start3A_147 = arith.constant 0 : i32
    %dma_start3A_148 = tpu.memref_slice %arg21[%dma_start3A_146, %dma_start3A_147] : memref<10000x128xf32, #tpu.memory_space<vmem_shared>> -> memref<10000x128xf32, #tpu.memory_space<vmem_shared>>
    tpu.enqueue_indirect_dma source(%arg16 : memref<80x128xf32, #tpu.memory_space<vmem>>) target(%dma_start3A_148 : memref<10000x128xf32, #tpu.memory_space<vmem_shared>>) offsets(%arg15 : memref<80xi32, #tpu.memory_space<vmem>>) semaphore(%arg32 : memref<!tpu.dma_semaphore, #tpu.memory_space<semaphore_mem>>) {add = true}
    %dma_wait3A_149 = arith.constant 0 : i32
    %dma_wait3A_150 = arith.constant 0 : i32
    %dma_wait3A_151 = tpu.memref_slice %arg2[%dma_wait3A_149, %dma_wait3A_150] : memref<10000x128xf32, #tpu.memory_space<hbm>> -> memref<10000x128xf32, #tpu.memory_space<hbm>>
    tpu.wait_indirect_dma semaphore(%arg29 : memref<!tpu.dma_semaphore, #tpu.memory_space<semaphore_mem>>) src(%dma_wait3A_151 : memref<10000x128xf32, #tpu.memory_space<hbm>>) dst(%arg20 : memref<80x128xf32, #tpu.memory_space<vmem>>)
    %dma_start3A_152 = arith.constant 0 : i32
    %dma_start3A_153 = arith.constant 0 : i32
    %dma_start3A_154 = tpu.memref_slice %arg21[%dma_start3A_152, %dma_start3A_153] : memref<10000x128xf32, #tpu.memory_space<vmem_shared>> -> memref<10000x128xf32, #tpu.memory_space<vmem_shared>>
    tpu.enqueue_indirect_dma source(%arg20 : memref<80x128xf32, #tpu.memory_space<vmem>>) target(%dma_start3A_154 : memref<10000x128xf32, #tpu.memory_space<vmem_shared>>) offsets(%arg19 : memref<80xi32, #tpu.memory_space<vmem>>) semaphore(%arg33 : memref<!tpu.dma_semaphore, #tpu.memory_space<semaphore_mem>>) {add = true}
    %dma_wait3A_155 = arith.constant 0 : i32
    %dma_wait3A_156 = arith.constant 0 : i32
    %dma_wait3A_157 = tpu.memref_slice %arg2[%dma_wait3A_155, %dma_wait3A_156] : memref<10000x128xf32, #tpu.memory_space<hbm>> -> memref<10000x128xf32, #tpu.memory_space<hbm>>
    tpu.wait_indirect_dma semaphore(%arg26 : memref<!tpu.dma_semaphore, #tpu.memory_space<semaphore_mem>>) src(%dma_wait3A_157 : memref<10000x128xf32, #tpu.memory_space<hbm>>) dst(%arg8 : memref<80x128xf32, #tpu.memory_space<vmem>>)
    %dma_start3A_158 = arith.constant 0 : i32
    %dma_start3A_159 = arith.constant 0 : i32
    %dma_start3A_160 = tpu.memref_slice %arg21[%dma_start3A_158, %dma_start3A_159] : memref<10000x128xf32, #tpu.memory_space<vmem_shared>> -> memref<10000x128xf32, #tpu.memory_space<vmem_shared>>
    tpu.enqueue_indirect_dma source(%arg8 : memref<80x128xf32, #tpu.memory_space<vmem>>) target(%dma_start3A_160 : memref<10000x128xf32, #tpu.memory_space<vmem_shared>>) offsets(%arg7 : memref<80xi32, #tpu.memory_space<vmem>>) semaphore(%arg30 : memref<!tpu.dma_semaphore, #tpu.memory_space<semaphore_mem>>) {add = true}
    %dma_wait3A_161 = arith.constant 0 : i32
    %dma_wait3A_162 = arith.constant 0 : i32
    %dma_wait3A_163 = tpu.memref_slice %arg21[%dma_wait3A_161, %dma_wait3A_162] : memref<10000x128xf32, #tpu.memory_space<vmem_shared>> -> memref<10000x128xf32, #tpu.memory_space<vmem_shared>>
    tpu.wait_indirect_dma semaphore(%arg30 : memref<!tpu.dma_semaphore, #tpu.memory_space<semaphore_mem>>) src(%arg8 : memref<80x128xf32, #tpu.memory_space<vmem>>) dst(%dma_wait3A_163 : memref<10000x128xf32, #tpu.memory_space<vmem_shared>>)
    %dma_wait3A_164 = arith.constant 0 : i32
    %dma_wait3A_165 = arith.constant 0 : i32
    %dma_wait3A_166 = tpu.memref_slice %arg21[%dma_wait3A_164, %dma_wait3A_165] : memref<10000x128xf32, #tpu.memory_space<vmem_shared>> -> memref<10000x128xf32, #tpu.memory_space<vmem_shared>>
    tpu.wait_indirect_dma semaphore(%arg31 : memref<!tpu.dma_semaphore, #tpu.memory_space<semaphore_mem>>) src(%arg12 : memref<80x128xf32, #tpu.memory_space<vmem>>) dst(%dma_wait3A_166 : memref<10000x128xf32, #tpu.memory_space<vmem_shared>>)
    %dma_wait3A_167 = arith.constant 0 : i32
    %dma_wait3A_168 = arith.constant 0 : i32
    %dma_wait3A_169 = tpu.memref_slice %arg21[%dma_wait3A_167, %dma_wait3A_168] : memref<10000x128xf32, #tpu.memory_space<vmem_shared>> -> memref<10000x128xf32, #tpu.memory_space<vmem_shared>>
    tpu.wait_indirect_dma semaphore(%arg32 : memref<!tpu.dma_semaphore, #tpu.memory_space<semaphore_mem>>) src(%arg16 : memref<80x128xf32, #tpu.memory_space<vmem>>) dst(%dma_wait3A_169 : memref<10000x128xf32, #tpu.memory_space<vmem_shared>>)
    %dma_wait3A_170 = arith.constant 0 : i32
    %dma_wait3A_171 = arith.constant 0 : i32
    %dma_wait3A_172 = tpu.memref_slice %arg21[%dma_wait3A_170, %dma_wait3A_171] : memref<10000x128xf32, #tpu.memory_space<vmem_shared>> -> memref<10000x128xf32, #tpu.memory_space<vmem_shared>>
    tpu.wait_indirect_dma semaphore(%arg33 : memref<!tpu.dma_semaphore, #tpu.memory_space<semaphore_mem>>) src(%arg20 : memref<80x128xf32, #tpu.memory_space<vmem>>) dst(%dma_wait3A_172 : memref<10000x128xf32, #tpu.memory_space<vmem_shared>>)
    %barrier3A_173 = arith.constant 0 : index
    tpu.barrier barrier_id(%barrier3A_173)
    %scan3A_174 = arith.constant 0 : i32
    %scan3A_175 = arith.constant 7 : i32
    %scan3A_176 = arith.addi %scan3A_174, %scan3A_175 : i32
    %scan3A_177 = arith.constant 1 : i32
    scf.for %scan3A_185 = %scan3A_174 to %scan3A_176 step %scan3A_177  : i32 {
      %mul3A_186 = arith.constant 80 : i32
      %mul3A_187 = arith.muli %scan3A_185, %mul3A_186 : i32
      %add3A_188 = arith.constant 0 : i32
      %add3A_189 = arith.addi %add3A_188, %mul3A_187 : i32
      %mul3A_190 = arith.constant 625 : i32
      %mul3A_191 = arith.muli %arg1, %mul3A_190 : i32
      %add3A_192 = arith.addi %mul3A_191, %add3A_189 : i32
      "tpu.region"() ({
        %run_scoped3A = tpu.sem_alloc : memref<!tpu.dma_semaphore, #tpu.memory_space<semaphore_mem>>
        %dma_start3A_193 = arith.constant 0 : i32
        %dma_start3A_194 = tpu.memref_slice %arg21[%add3A_192, %dma_start3A_193] : memref<10000x128xf32, #tpu.memory_space<vmem_shared>> -> memref<80x128xf32, #tpu.memory_space<vmem_shared>>
        %dma_start3A_195 = arith.constant 0 : i32
        %dma_start3A_196 = tpu.memref_slice %arg21[%add3A_192, %dma_start3A_195] : memref<10000x128xf32, #tpu.memory_space<vmem_shared>> -> memref<80x128xf32, #tpu.memory_space<vmem_shared>>
        tpu.enqueue_dma source(%dma_start3A_196 : memref<80x128xf32, #tpu.memory_space<vmem_shared>>) target(%arg8 : memref<80x128xf32, #tpu.memory_space<vmem>>) target_semaphore(%run_scoped3A : memref<!tpu.dma_semaphore, #tpu.memory_space<semaphore_mem>>)
        %dma_wait3A_197 = arith.constant 0 : i32
        %dma_wait3A_198 = tpu.memref_slice %arg21[%add3A_192, %dma_wait3A_197] : memref<10000x128xf32, #tpu.memory_space<vmem_shared>> -> memref<80x128xf32, #tpu.memory_space<vmem_shared>>
        %dma_wait3A_199 = arith.constant 0 : i32
        %dma_wait3A_200 = tpu.memref_slice %arg21[%add3A_192, %dma_wait3A_199] : memref<10000x128xf32, #tpu.memory_space<vmem_shared>> -> memref<80x128xf32, #tpu.memory_space<vmem_shared>>
        tpu.wait_dma2 semaphore(%run_scoped3A : memref<!tpu.dma_semaphore, #tpu.memory_space<semaphore_mem>>) src(%dma_wait3A_200 : memref<80x128xf32, #tpu.memory_space<vmem_shared>>) dst(%arg8 : memref<80x128xf32, #tpu.memory_space<vmem>>)
        tpu.yield
      }) : () -> ()
      "tpu.region"() ({
        %run_scoped3A = tpu.sem_alloc : memref<!tpu.dma_semaphore, #tpu.memory_space<semaphore_mem>>
        %dma_start3A_193 = arith.constant 0 : i32
        %dma_start3A_194 = tpu.memref_slice %arg4[%arg0, %add3A_192, %dma_start3A_193] : memref<2x10000x128xf32, #tpu.memory_space<hbm>> -> memref<1x80x128xf32, #tpu.memory_space<hbm>>
        %dma_start3A_195 = tpu.memref_squeeze %dma_start3A_194 : memref<1x80x128xf32, #tpu.memory_space<hbm>> -> memref<80x128xf32, #tpu.memory_space<hbm>>
        %dma_start3A_196 = arith.constant 0 : i32
        %dma_start3A_197 = tpu.memref_slice %arg4[%arg0, %add3A_192, %dma_start3A_196] : memref<2x10000x128xf32, #tpu.memory_space<hbm>> -> memref<1x80x128xf32, #tpu.memory_space<hbm>>
        %dma_start3A_198 = tpu.memref_squeeze %dma_start3A_197 : memref<1x80x128xf32, #tpu.memory_space<hbm>> -> memref<80x128xf32, #tpu.memory_space<hbm>>
        tpu.enqueue_dma source(%arg8 : memref<80x128xf32, #tpu.memory_space<vmem>>) target(%dma_start3A_198 : memref<80x128xf32, #tpu.memory_space<hbm>>) target_semaphore(%run_scoped3A : memref<!tpu.dma_semaphore, #tpu.memory_space<semaphore_mem>>)
        %dma_wait3A_199 = arith.constant 0 : i32
        %dma_wait3A_200 = tpu.memref_slice %arg4[%arg0, %add3A_192, %dma_wait3A_199] : memref<2x10000x128xf32, #tpu.memory_space<hbm>> -> memref<1x80x128xf32, #tpu.memory_space<hbm>>
        %dma_wait3A_201 = tpu.memref_squeeze %dma_wait3A_200 : memref<1x80x128xf32, #tpu.memory_space<hbm>> -> memref<80x128xf32, #tpu.memory_space<hbm>>
        %dma_wait3A_202 = arith.constant 0 : i32
        %dma_wait3A_203 = tpu.memref_slice %arg4[%arg0, %add3A_192, %dma_wait3A_202] : memref<2x10000x128xf32, #tpu.memory_space<hbm>> -> memref<1x80x128xf32, #tpu.memory_space<hbm>>
        %dma_wait3A_204 = tpu.memref_squeeze %dma_wait3A_203 : memref<1x80x128xf32, #tpu.memory_space<hbm>> -> memref<80x128xf32, #tpu.memory_space<hbm>>
        tpu.wait_dma2 semaphore(%run_scoped3A : memref<!tpu.dma_semaphore, #tpu.memory_space<semaphore_mem>>) src(%arg8 : memref<80x128xf32, #tpu.memory_space<vmem>>) dst(%dma_wait3A_204 : memref<80x128xf32, #tpu.memory_space<hbm>>)
        tpu.yield
      }) : () -> ()
    }
    %scan3A_178 = arith.constant 7 : i32
    %mul3A_179 = arith.constant 625 : i32
    %mul3A_180 = arith.muli %arg1, %mul3A_179 : i32
    %add3A_181 = arith.constant 625 : i32
    %add3A_182 = arith.addi %mul3A_180, %add3A_181 : i32
    %sub3A_183 = arith.constant 65 : i32
    %sub3A_184 = arith.subi %add3A_182, %sub3A_183 : i32
    "tpu.region"() ({
      %run_scoped3A = tpu.sem_alloc : memref<!tpu.dma_semaphore, #tpu.memory_space<semaphore_mem>>
      %dma_start3A_185 = arith.constant 0 : i32
      %dma_start3A_186 = arith.constant 0 : i32
      %dma_start3A_187 = tpu.memref_slice %arg8[%dma_start3A_185, %dma_start3A_186] : memref<80x128xf32, #tpu.memory_space<vmem>> -> memref<65x128xf32, #tpu.memory_space<vmem>>
      %dma_start3A_188 = arith.constant 0 : i32
      %dma_start3A_189 = tpu.memref_slice %arg21[%sub3A_184, %dma_start3A_188] : memref<10000x128xf32, #tpu.memory_space<vmem_shared>> -> memref<65x128xf32, #tpu.memory_space<vmem_shared>>
      %dma_start3A_190 = arith.constant 0 : i32
      %dma_start3A_191 = arith.constant 0 : i32
      %dma_start3A_192 = tpu.memref_slice %arg8[%dma_start3A_190, %dma_start3A_191] : memref<80x128xf32, #tpu.memory_space<vmem>> -> memref<65x128xf32, #tpu.memory_space<vmem>>
      %dma_start3A_193 = arith.constant 0 : i32
      %dma_start3A_194 = tpu.memref_slice %arg21[%sub3A_184, %dma_start3A_193] : memref<10000x128xf32, #tpu.memory_space<vmem_shared>> -> memref<65x128xf32, #tpu.memory_space<vmem_shared>>
      tpu.enqueue_dma source(%dma_start3A_194 : memref<65x128xf32, #tpu.memory_space<vmem_shared>>) target(%dma_start3A_192 : memref<65x128xf32, #tpu.memory_space<vmem>>) target_semaphore(%run_scoped3A : memref<!tpu.dma_semaphore, #tpu.memory_space<semaphore_mem>>)
      %dma_wait3A_195 = arith.constant 0 : i32
      %dma_wait3A_196 = arith.constant 0 : i32
      %dma_wait3A_197 = tpu.memref_slice %arg8[%dma_wait3A_195, %dma_wait3A_196] : memref<80x128xf32, #tpu.memory_space<vmem>> -> memref<65x128xf32, #tpu.memory_space<vmem>>
      %dma_wait3A_198 = arith.constant 0 : i32
      %dma_wait3A_199 = tpu.memref_slice %arg21[%sub3A_184, %dma_wait3A_198] : memref<10000x128xf32, #tpu.memory_space<vmem_shared>> -> memref<65x128xf32, #tpu.memory_space<vmem_shared>>
      %dma_wait3A_200 = arith.constant 0 : i32
      %dma_wait3A_201 = arith.constant 0 : i32
      %dma_wait3A_202 = tpu.memref_slice %arg8[%dma_wait3A_200, %dma_wait3A_201] : memref<80x128xf32, #tpu.memory_space<vmem>> -> memref<65x128xf32, #tpu.memory_space<vmem>>
      %dma_wait3A_203 = arith.constant 0 : i32
      %dma_wait3A_204 = tpu.memref_slice %arg21[%sub3A_184, %dma_wait3A_203] : memref<10000x128xf32, #tpu.memory_space<vmem_shared>> -> memref<65x128xf32, #tpu.memory_space<vmem_shared>>
      tpu.wait_dma2 semaphore(%run_scoped3A : memref<!tpu.dma_semaphore, #tpu.memory_space<semaphore_mem>>) src(%dma_wait3A_204 : memref<65x128xf32, #tpu.memory_space<vmem_shared>>) dst(%dma_wait3A_202 : memref<65x128xf32, #tpu.memory_space<vmem>>)
      tpu.yield
    }) : () -> ()
    "tpu.region"() ({
      %run_scoped3A = tpu.sem_alloc : memref<!tpu.dma_semaphore, #tpu.memory_space<semaphore_mem>>
      %dma_start3A_185 = arith.constant 0 : i32
      %dma_start3A_186 = arith.constant 0 : i32
      %dma_start3A_187 = tpu.memref_slice %arg8[%dma_start3A_185, %dma_start3A_186] : memref<80x128xf32, #tpu.memory_space<vmem>> -> memref<65x128xf32, #tpu.memory_space<vmem>>
      %dma_start3A_188 = arith.constant 0 : i32
      %dma_start3A_189 = tpu.memref_slice %arg4[%arg0, %sub3A_184, %dma_start3A_188] : memref<2x10000x128xf32, #tpu.memory_space<hbm>> -> memref<1x65x128xf32, #tpu.memory_space<hbm>>
      %dma_start3A_190 = tpu.memref_squeeze %dma_start3A_189 : memref<1x65x128xf32, #tpu.memory_space<hbm>> -> memref<65x128xf32, #tpu.memory_space<hbm>>
      %dma_start3A_191 = arith.constant 0 : i32
      %dma_start3A_192 = tpu.memref_slice %arg4[%arg0, %sub3A_184, %dma_start3A_191] : memref<2x10000x128xf32, #tpu.memory_space<hbm>> -> memref<1x65x128xf32, #tpu.memory_space<hbm>>
      %dma_start3A_193 = tpu.memref_squeeze %dma_start3A_192 : memref<1x65x128xf32, #tpu.memory_space<hbm>> -> memref<65x128xf32, #tpu.memory_space<hbm>>
      %dma_start3A_194 = arith.constant 0 : i32
      %dma_start3A_195 = arith.constant 0 : i32
      %dma_start3A_196 = tpu.memref_slice %arg8[%dma_start3A_194, %dma_start3A_195] : memref<80x128xf32, #tpu.memory_space<vmem>> -> memref<65x128xf32, #tpu.memory_space<vmem>>
      tpu.enqueue_dma source(%dma_start3A_196 : memref<65x128xf32, #tpu.memory_space<vmem>>) target(%dma_start3A_193 : memref<65x128xf32, #tpu.memory_space<hbm>>) target_semaphore(%run_scoped3A : memref<!tpu.dma_semaphore, #tpu.memory_space<semaphore_mem>>)
      %dma_wait3A_197 = arith.constant 0 : i32
      %dma_wait3A_198 = arith.constant 0 : i32
      %dma_wait3A_199 = tpu.memref_slice %arg8[%dma_wait3A_197, %dma_wait3A_198] : memref<80x128xf32, #tpu.memory_space<vmem>> -> memref<65x128xf32, #tpu.memory_space<vmem>>
      %dma_wait3A_200 = arith.constant 0 : i32
      %dma_wait3A_201 = tpu.memref_slice %arg4[%arg0, %sub3A_184, %dma_wait3A_200] : memref<2x10000x128xf32, #tpu.memory_space<hbm>> -> memref<1x65x128xf32, #tpu.memory_space<hbm>>
      %dma_wait3A_202 = tpu.memref_squeeze %dma_wait3A_201 : memref<1x65x128xf32, #tpu.memory_space<hbm>> -> memref<65x128xf32, #tpu.memory_space<hbm>>
      %dma_wait3A_203 = arith.constant 0 : i32
      %dma_wait3A_204 = tpu.memref_slice %arg4[%arg0, %sub3A_184, %dma_wait3A_203] : memref<2x10000x128xf32, #tpu.memory_space<hbm>> -> memref<1x65x128xf32, #tpu.memory_space<hbm>>
      %dma_wait3A_205 = tpu.memref_squeeze %dma_wait3A_204 : memref<1x65x128xf32, #tpu.memory_space<hbm>> -> memref<65x128xf32, #tpu.memory_space<hbm>>
      %dma_wait3A_206 = arith.constant 0 : i32
      %dma_wait3A_207 = arith.constant 0 : i32
      %dma_wait3A_208 = tpu.memref_slice %arg8[%dma_wait3A_206, %dma_wait3A_207] : memref<80x128xf32, #tpu.memory_space<vmem>> -> memref<65x128xf32, #tpu.memory_space<vmem>>
      tpu.wait_dma2 semaphore(%run_scoped3A : memref<!tpu.dma_semaphore, #tpu.memory_space<semaphore_mem>>) src(%dma_wait3A_208 : memref<65x128xf32, #tpu.memory_space<vmem>>) dst(%dma_wait3A_205 : memref<65x128xf32, #tpu.memory_space<hbm>>)
      tpu.yield
    }) : () -> ()
    return
  }
}

#map = affine_map<(d0, d1) -> (0, 0, 0)>
module attributes {stable_mosaic.version = 14 : i64} {
  func.func @_sc_deg_body(%arg0: i32, %arg1: i32, %arg2: memref<32x125x80xi32, #tpu.memory_space<hbm>>, %arg3: memref<2x10000x16xf32, #tpu.memory_space<hbm>>, %arg4: memref<125x80xi32, #tpu.memory_space<vmem>>, %arg5: memref<80x16xf32, #tpu.memory_space<vmem>>, %arg6: memref<625x16xf32, #tpu.memory_space<vmem>>, %arg7: memref<10000x16xf32, #tpu.memory_space<vmem_shared>>) attributes {dimension_semantics = [#tpu.dimension_semantics<core_parallel>, #tpu.dimension_semantics<subcore_parallel>], iteration_bounds = array<i64: 2, 16>, scalar_prefetch = 0 : i64, scratch_operands = 4 : i64, tpu.core_type = #tpu.core_type<sc_vector_subcore>, window_params = [{transform_indices = #map}, {transform_indices = #map}]} {
    %mul3A = arith.constant 2 : i32
    %mul3A_0 = arith.muli %arg1, %mul3A : i32
    %add3A = arith.addi %mul3A_0, %arg0 : i32
    "tpu.region"() ({
      %run_scoped3A = tpu.sem_alloc : memref<!tpu.dma_semaphore, #tpu.memory_space<semaphore_mem>>
      %dma_start3A = arith.constant 0 : i32
      %dma_start3A_22 = arith.constant 0 : i32
      %dma_start3A_23 = tpu.memref_slice %arg2[%add3A, %dma_start3A, %dma_start3A_22] : memref<32x125x80xi32, #tpu.memory_space<hbm>> -> memref<1x125x80xi32, #tpu.memory_space<hbm>>
      %dma_start3A_24 = tpu.memref_squeeze %dma_start3A_23 : memref<1x125x80xi32, #tpu.memory_space<hbm>> -> memref<125x80xi32, #tpu.memory_space<hbm>>
      %dma_start3A_25 = arith.constant 0 : i32
      %dma_start3A_26 = arith.constant 0 : i32
      %dma_start3A_27 = tpu.memref_slice %arg2[%add3A, %dma_start3A_25, %dma_start3A_26] : memref<32x125x80xi32, #tpu.memory_space<hbm>> -> memref<1x125x80xi32, #tpu.memory_space<hbm>>
      %dma_start3A_28 = tpu.memref_squeeze %dma_start3A_27 : memref<1x125x80xi32, #tpu.memory_space<hbm>> -> memref<125x80xi32, #tpu.memory_space<hbm>>
      tpu.enqueue_dma source(%dma_start3A_28 : memref<125x80xi32, #tpu.memory_space<hbm>>) target(%arg4 : memref<125x80xi32, #tpu.memory_space<vmem>>) target_semaphore(%run_scoped3A : memref<!tpu.dma_semaphore, #tpu.memory_space<semaphore_mem>>)
      %dma_wait3A = arith.constant 0 : i32
      %dma_wait3A_29 = arith.constant 0 : i32
      %dma_wait3A_30 = tpu.memref_slice %arg2[%add3A, %dma_wait3A, %dma_wait3A_29] : memref<32x125x80xi32, #tpu.memory_space<hbm>> -> memref<1x125x80xi32, #tpu.memory_space<hbm>>
      %dma_wait3A_31 = tpu.memref_squeeze %dma_wait3A_30 : memref<1x125x80xi32, #tpu.memory_space<hbm>> -> memref<125x80xi32, #tpu.memory_space<hbm>>
      %dma_wait3A_32 = arith.constant 0 : i32
      %dma_wait3A_33 = arith.constant 0 : i32
      %dma_wait3A_34 = tpu.memref_slice %arg2[%add3A, %dma_wait3A_32, %dma_wait3A_33] : memref<32x125x80xi32, #tpu.memory_space<hbm>> -> memref<1x125x80xi32, #tpu.memory_space<hbm>>
      %dma_wait3A_35 = tpu.memref_squeeze %dma_wait3A_34 : memref<1x125x80xi32, #tpu.memory_space<hbm>> -> memref<125x80xi32, #tpu.memory_space<hbm>>
      tpu.wait_dma2 semaphore(%run_scoped3A : memref<!tpu.dma_semaphore, #tpu.memory_space<semaphore_mem>>) src(%dma_wait3A_35 : memref<125x80xi32, #tpu.memory_space<hbm>>) dst(%arg4 : memref<125x80xi32, #tpu.memory_space<vmem>>)
      tpu.yield
    }) : () -> ()
    %scan3A = arith.constant 0 : i32
    %scan3A_1 = arith.constant 80 : i32
    %scan3A_2 = arith.addi %scan3A, %scan3A_1 : i32
    %scan3A_3 = arith.constant 1 : i32
    scf.for %scan3A_22 = %scan3A to %scan3A_2 step %scan3A_3  : i32 {
      %mul3A_23 = arith.constant 1 : i32
      %mul3A_24 = arith.muli %scan3A_22, %mul3A_23 : i32
      %add3A_25 = arith.constant 0 : i32
      %add3A_26 = arith.addi %add3A_25, %mul3A_24 : i32
      %broadcast_in_dim3A = arith.constant 1.000000e+00 : f32
      %broadcast_in_dim3A_27 = vector.broadcast %broadcast_in_dim3A : f32 to vector<16xf32>
      %swap3A = arith.index_cast %add3A_26 : i32 to index
      %swap3A_28 = arith.constant 0 : index
      %swap3A_29 = tpu.vector_load %arg5[%swap3A, %swap3A_28] {strides = array<i32>} : memref<80x16xf32, #tpu.memory_space<vmem>>, vector<1x16xf32>,
      %swap3A_30 = vector.shape_cast %swap3A_29 : vector<1x16xf32> to vector<16xf32>
      %swap3A_31 = vector.shape_cast %broadcast_in_dim3A_27 : vector<16xf32> to vector<1x16xf32>
      tpu.vector_store %arg5[%swap3A, %swap3A_28], %swap3A_31 {strides = array<i32>} : memref<80x16xf32, #tpu.memory_space<vmem>>, vector<1x16xf32>,
    }
    %scan3A_4 = arith.constant 80 : i32
    %scan3A_5 = arith.constant 0 : i32
    %scan3A_6 = arith.constant 625 : i32
    %scan3A_7 = arith.addi %scan3A_5, %scan3A_6 : i32
    %scan3A_8 = arith.constant 1 : i32
    scf.for %scan3A_22 = %scan3A_5 to %scan3A_7 step %scan3A_8  : i32 {
      %mul3A_23 = arith.constant 1 : i32
      %mul3A_24 = arith.muli %scan3A_22, %mul3A_23 : i32
      %add3A_25 = arith.constant 0 : i32
      %add3A_26 = arith.addi %add3A_25, %mul3A_24 : i32
      %scan3A_27 = arith.constant 0 : i32
      %mul3A_28 = arith.constant 16 : i32
      %mul3A_29 = arith.muli %scan3A_27, %mul3A_28 : i32
      %add3A_30 = arith.constant 0 : i32
      %add3A_31 = arith.addi %add3A_30, %mul3A_29 : i32
      %broadcast_in_dim3A = arith.constant 0.000000e+00 : f32
      %broadcast_in_dim3A_32 = vector.broadcast %broadcast_in_dim3A : f32 to vector<16xf32>
      %swap3A = arith.index_cast %add3A_26 : i32 to index
      %swap3A_33 = arith.index_cast %add3A_31 : i32 to index
      %swap3A_34 = tpu.vector_load %arg6[%swap3A, %swap3A_33] {strides = array<i32>} : memref<625x16xf32, #tpu.memory_space<vmem>>, vector<1x16xf32>,
      %swap3A_35 = vector.shape_cast %swap3A_34 : vector<1x16xf32> to vector<16xf32>
      %swap3A_36 = vector.shape_cast %broadcast_in_dim3A_32 : vector<16xf32> to vector<1x16xf32>
      tpu.vector_store %arg6[%swap3A, %swap3A_33], %swap3A_36 {strides = array<i32>} : memref<625x16xf32, #tpu.memory_space<vmem>>, vector<1x16xf32>,
      %scan3A_37 = arith.constant 1 : i32
    }
    %scan3A_9 = arith.constant 625 : i32
    %mul3A_10 = arith.constant 625 : i32
    %mul3A_11 = arith.muli %arg1, %mul3A_10 : i32
    "tpu.region"() ({
      %run_scoped3A = tpu.sem_alloc : memref<!tpu.dma_semaphore, #tpu.memory_space<semaphore_mem>>
      %dma_start3A = arith.constant 0 : i32
      %dma_start3A_22 = tpu.memref_slice %arg7[%mul3A_11, %dma_start3A] : memref<10000x16xf32, #tpu.memory_space<vmem_shared>> -> memref<625x16xf32, #tpu.memory_space<vmem_shared>>
      %dma_start3A_23 = arith.constant 0 : i32
      %dma_start3A_24 = tpu.memref_slice %arg7[%mul3A_11, %dma_start3A_23] : memref<10000x16xf32, #tpu.memory_space<vmem_shared>> -> memref<625x16xf32, #tpu.memory_space<vmem_shared>>
      tpu.enqueue_dma source(%arg6 : memref<625x16xf32, #tpu.memory_space<vmem>>) target(%dma_start3A_24 : memref<625x16xf32, #tpu.memory_space<vmem_shared>>) target_semaphore(%run_scoped3A : memref<!tpu.dma_semaphore, #tpu.memory_space<semaphore_mem>>)
      %dma_wait3A = arith.constant 0 : i32
      %dma_wait3A_25 = tpu.memref_slice %arg7[%mul3A_11, %dma_wait3A] : memref<10000x16xf32, #tpu.memory_space<vmem_shared>> -> memref<625x16xf32, #tpu.memory_space<vmem_shared>>
      %dma_wait3A_26 = arith.constant 0 : i32
      %dma_wait3A_27 = tpu.memref_slice %arg7[%mul3A_11, %dma_wait3A_26] : memref<10000x16xf32, #tpu.memory_space<vmem_shared>> -> memref<625x16xf32, #tpu.memory_space<vmem_shared>>
      tpu.wait_dma2 semaphore(%run_scoped3A : memref<!tpu.dma_semaphore, #tpu.memory_space<semaphore_mem>>) src(%arg6 : memref<625x16xf32, #tpu.memory_space<vmem>>) dst(%dma_wait3A_27 : memref<625x16xf32, #tpu.memory_space<vmem_shared>>)
      tpu.yield
    }) : () -> ()
    %barrier3A = arith.constant 0 : index
    tpu.barrier barrier_id(%barrier3A)
    %scan3A_12 = arith.constant 0 : i32
    %scan3A_13 = arith.constant 125 : i32
    %scan3A_14 = arith.addi %scan3A_12, %scan3A_13 : i32
    %scan3A_15 = arith.constant 1 : i32
    scf.for %scan3A_22 = %scan3A_12 to %scan3A_14 step %scan3A_15  : i32 {
      %mul3A_23 = arith.constant 1 : i32
      %mul3A_24 = arith.muli %scan3A_22, %mul3A_23 : i32
      %add3A_25 = arith.constant 0 : i32
      %add3A_26 = arith.addi %add3A_25, %mul3A_24 : i32
      "tpu.region"() ({
        %run_scoped3A = tpu.sem_alloc : memref<!tpu.dma_semaphore, #tpu.memory_space<semaphore_mem>>
        %dma_start3A = arith.constant 0 : i32
        %dma_start3A_27 = tpu.memref_slice %arg4[%add3A_26, %dma_start3A] : memref<125x80xi32, #tpu.memory_space<vmem>> -> memref<1x80xi32, #tpu.memory_space<vmem>>
        %dma_start3A_28 = tpu.memref_squeeze %dma_start3A_27 : memref<1x80xi32, #tpu.memory_space<vmem>> -> memref<80xi32, #tpu.memory_space<vmem>>
        %dma_start3A_29 = arith.constant 0 : i32
        %dma_start3A_30 = arith.constant 0 : i32
        %dma_start3A_31 = tpu.memref_slice %arg7[%dma_start3A_29, %dma_start3A_30] : memref<10000x16xf32, #tpu.memory_space<vmem_shared>> -> memref<10000x16xf32, #tpu.memory_space<vmem_shared>>
        tpu.enqueue_indirect_dma source(%arg5 : memref<80x16xf32, #tpu.memory_space<vmem>>) target(%dma_start3A_31 : memref<10000x16xf32, #tpu.memory_space<vmem_shared>>) offsets(%dma_start3A_28 : memref<80xi32, #tpu.memory_space<vmem>>) semaphore(%run_scoped3A : memref<!tpu.dma_semaphore, #tpu.memory_space<semaphore_mem>>) {add = true}
        %dma_wait3A = arith.constant 0 : i32
        %dma_wait3A_32 = tpu.memref_slice %arg4[%add3A_26, %dma_wait3A] : memref<125x80xi32, #tpu.memory_space<vmem>> -> memref<1x80xi32, #tpu.memory_space<vmem>>
        %dma_wait3A_33 = tpu.memref_squeeze %dma_wait3A_32 : memref<1x80xi32, #tpu.memory_space<vmem>> -> memref<80xi32, #tpu.memory_space<vmem>>
        %dma_wait3A_34 = arith.constant 0 : i32
        %dma_wait3A_35 = arith.constant 0 : i32
        %dma_wait3A_36 = tpu.memref_slice %arg7[%dma_wait3A_34, %dma_wait3A_35] : memref<10000x16xf32, #tpu.memory_space<vmem_shared>> -> memref<10000x16xf32, #tpu.memory_space<vmem_shared>>
        tpu.wait_indirect_dma semaphore(%run_scoped3A : memref<!tpu.dma_semaphore, #tpu.memory_space<semaphore_mem>>) src(%arg5 : memref<80x16xf32, #tpu.memory_space<vmem>>) dst(%dma_wait3A_36 : memref<10000x16xf32, #tpu.memory_space<vmem_shared>>)
        tpu.yield
      }) : () -> ()
    }
    %scan3A_16 = arith.constant 125 : i32
    %barrier3A_17 = arith.constant 0 : index
    tpu.barrier barrier_id(%barrier3A_17)
    %mul3A_18 = arith.constant 625 : i32
    %mul3A_19 = arith.muli %arg1, %mul3A_18 : i32
    "tpu.region"() ({
      %run_scoped3A = tpu.sem_alloc : memref<!tpu.dma_semaphore, #tpu.memory_space<semaphore_mem>>
      %dma_start3A = arith.constant 0 : i32
      %dma_start3A_22 = tpu.memref_slice %arg7[%mul3A_19, %dma_start3A] : memref<10000x16xf32, #tpu.memory_space<vmem_shared>> -> memref<625x16xf32, #tpu.memory_space<vmem_shared>>
      %dma_start3A_23 = arith.constant 0 : i32
      %dma_start3A_24 = tpu.memref_slice %arg7[%mul3A_19, %dma_start3A_23] : memref<10000x16xf32, #tpu.memory_space<vmem_shared>> -> memref<625x16xf32, #tpu.memory_space<vmem_shared>>
      tpu.enqueue_dma source(%dma_start3A_24 : memref<625x16xf32, #tpu.memory_space<vmem_shared>>) target(%arg6 : memref<625x16xf32, #tpu.memory_space<vmem>>) target_semaphore(%run_scoped3A : memref<!tpu.dma_semaphore, #tpu.memory_space<semaphore_mem>>)
      %dma_wait3A = arith.constant 0 : i32
      %dma_wait3A_25 = tpu.memref_slice %arg7[%mul3A_19, %dma_wait3A] : memref<10000x16xf32, #tpu.memory_space<vmem_shared>> -> memref<625x16xf32, #tpu.memory_space<vmem_shared>>
      %dma_wait3A_26 = arith.constant 0 : i32
      %dma_wait3A_27 = tpu.memref_slice %arg7[%mul3A_19, %dma_wait3A_26] : memref<10000x16xf32, #tpu.memory_space<vmem_shared>> -> memref<625x16xf32, #tpu.memory_space<vmem_shared>>
      tpu.wait_dma2 semaphore(%run_scoped3A : memref<!tpu.dma_semaphore, #tpu.memory_space<semaphore_mem>>) src(%dma_wait3A_27 : memref<625x16xf32, #tpu.memory_space<vmem_shared>>) dst(%arg6 : memref<625x16xf32, #tpu.memory_space<vmem>>)
      tpu.yield
    }) : () -> ()
    %mul3A_20 = arith.constant 625 : i32
    %mul3A_21 = arith.muli %arg1, %mul3A_20 : i32
    "tpu.region"() ({
      %run_scoped3A = tpu.sem_alloc : memref<!tpu.dma_semaphore, #tpu.memory_space<semaphore_mem>>
      %dma_start3A = arith.constant 0 : i32
      %dma_start3A_22 = tpu.memref_slice %arg3[%arg0, %mul3A_21, %dma_start3A] : memref<2x10000x16xf32, #tpu.memory_space<hbm>> -> memref<1x625x16xf32, #tpu.memory_space<hbm>>
      %dma_start3A_23 = tpu.memref_squeeze %dma_start3A_22 : memref<1x625x16xf32, #tpu.memory_space<hbm>> -> memref<625x16xf32, #tpu.memory_space<hbm>>
      %dma_start3A_24 = arith.constant 0 : i32
      %dma_start3A_25 = tpu.memref_slice %arg3[%arg0, %mul3A_21, %dma_start3A_24] : memref<2x10000x16xf32, #tpu.memory_space<hbm>> -> memref<1x625x16xf32, #tpu.memory_space<hbm>>
      %dma_start3A_26 = tpu.memref_squeeze %dma_start3A_25 : memref<1x625x16xf32, #tpu.memory_space<hbm>> -> memref<625x16xf32, #tpu.memory_space<hbm>>
      tpu.enqueue_dma source(%arg6 : memref<625x16xf32, #tpu.memory_space<vmem>>) target(%dma_start3A_26 : memref<625x16xf32, #tpu.memory_space<hbm>>) target_semaphore(%run_scoped3A : memref<!tpu.dma_semaphore, #tpu.memory_space<semaphore_mem>>)
      %dma_wait3A = arith.constant 0 : i32
      %dma_wait3A_27 = tpu.memref_slice %arg3[%arg0, %mul3A_21, %dma_wait3A] : memref<2x10000x16xf32, #tpu.memory_space<hbm>> -> memref<1x625x16xf32, #tpu.memory_space<hbm>>
      %dma_wait3A_28 = tpu.memref_squeeze %dma_wait3A_27 : memref<1x625x16xf32, #tpu.memory_space<hbm>> -> memref<625x16xf32, #tpu.memory_space<hbm>>
      %dma_wait3A_29 = arith.constant 0 : i32
      %dma_wait3A_30 = tpu.memref_slice %arg3[%arg0, %mul3A_21, %dma_wait3A_29] : memref<2x10000x16xf32, #tpu.memory_space<hbm>> -> memref<1x625x16xf32, #tpu.memory_space<hbm>>
      %dma_wait3A_31 = tpu.memref_squeeze %dma_wait3A_30 : memref<1x625x16xf32, #tpu.memory_space<hbm>> -> memref<625x16xf32, #tpu.memory_space<hbm>>
      tpu.wait_dma2 semaphore(%run_scoped3A : memref<!tpu.dma_semaphore, #tpu.memory_space<semaphore_mem>>) src(%arg6 : memref<625x16xf32, #tpu.memory_space<vmem>>) dst(%dma_wait3A_31 : memref<625x16xf32, #tpu.memory_space<hbm>>)
      tpu.yield
    }) : () -> ()
    return
  }
}

#map = affine_map<(d0, d1) -> (0, 0)>
#map1 = affine_map<(d0, d1) -> (0, 0, 0)>
module attributes {stable_mosaic.version = 14 : i64} {
  func.func @_sc_agg_body(%arg0: i32, %arg1: i32, %arg2: memref<10000x128xf32, #tpu.memory_space<hbm>>, %arg3: memref<32x125x80xi32, #tpu.memory_space<hbm>>, %arg4: memref<2x10000x128xf32, #tpu.memory_space<hbm>>, %arg5: memref<80xi32, #tpu.memory_space<vmem>>, %arg6: memref<80xi32, #tpu.memory_space<vmem>>, %arg7: memref<80xi32, #tpu.memory_space<vmem>>, %arg8: memref<80x128xf32, #tpu.memory_space<vmem>>, %arg9: memref<80xi32, #tpu.memory_space<vmem>>, %arg10: memref<80xi32, #tpu.memory_space<vmem>>, %arg11: memref<80xi32, #tpu.memory_space<vmem>>, %arg12: memref<80x128xf32, #tpu.memory_space<vmem>>, %arg13: memref<80xi32, #tpu.memory_space<vmem>>, %arg14: memref<80xi32, #tpu.memory_space<vmem>>, %arg15: memref<80xi32, #tpu.memory_space<vmem>>, %arg16: memref<80x128xf32, #tpu.memory_space<vmem>>, %arg17: memref<80xi32, #tpu.memory_space<vmem>>, %arg18: memref<80xi32, #tpu.memory_space<vmem>>, %arg19: memref<80xi32, #tpu.memory_space<vmem>>, %arg20: memref<80x128xf32, #tpu.memory_space<vmem>>, %arg21: memref<10000x128xf32, #tpu.memory_space<vmem_shared>>, %arg22: memref<!tpu.dma_semaphore, #tpu.memory_space<semaphore_mem>>, %arg23: memref<!tpu.dma_semaphore, #tpu.memory_space<semaphore_mem>>, %arg24: memref<!tpu.dma_semaphore, #tpu.memory_space<semaphore_mem>>, %arg25: memref<!tpu.dma_semaphore, #tpu.memory_space<semaphore_mem>>, %arg26: memref<!tpu.dma_semaphore, #tpu.memory_space<semaphore_mem>>, %arg27: memref<!tpu.dma_semaphore, #tpu.memory_space<semaphore_mem>>, %arg28: memref<!tpu.dma_semaphore, #tpu.memory_space<semaphore_mem>>, %arg29: memref<!tpu.dma_semaphore, #tpu.memory_space<semaphore_mem>>, %arg30: memref<!tpu.dma_semaphore, #tpu.memory_space<semaphore_mem>>, %arg31: memref<!tpu.dma_semaphore, #tpu.memory_space<semaphore_mem>>, %arg32: memref<!tpu.dma_semaphore, #tpu.memory_space<semaphore_mem>>, %arg33: memref<!tpu.dma_semaphore, #tpu.memory_space<semaphore_mem>>) attributes {dimension_semantics = [#tpu.dimension_semantics<core_parallel>, #tpu.dimension_semantics<subcore_parallel>], iteration_bounds = array<i64: 2, 16>, scalar_prefetch = 0 : i64, scratch_operands = 29 : i64, tpu.core_type = #tpu.core_type<sc_vector_subcore>, window_params = [{transform_indices = #map}, {transform_indices = #map1}, {transform_indices = #map1}]} {
    %mul3A = arith.constant 2 : i32
    %mul3A_0 = arith.muli %arg1, %mul3A : i32
    %add3A = arith.addi %mul3A_0, %arg0 : i32
    %scan3A = arith.constant 0 : i32
    %scan3A_1 = arith.constant 80 : i32
    %scan3A_2 = arith.addi %scan3A, %scan3A_1 : i32
    %scan3A_3 = arith.constant 1 : i32
    scf.for %scan3A_185 = %scan3A to %scan3A_2 step %scan3A_3  : i32 {
      %mul3A_186 = arith.constant 1 : i32
      %mul3A_187 = arith.muli %scan3A_185, %mul3A_186 : i32
      %add3A_188 = arith.constant 0 : i32
      %add3A_189 = arith.addi %add3A_188, %mul3A_187 : i32
      %scan3A_190 = arith.constant 0 : i32
      %scan3A_191 = arith.constant 8 : i32
      %scan3A_192 = arith.addi %scan3A_190, %scan3A_191 : i32
      %scan3A_193 = arith.constant 1 : i32
      scf.for %scan3A_195 = %scan3A_190 to %scan3A_192 step %scan3A_193  : i32 {
        %mul3A_196 = arith.constant 16 : i32
        %mul3A_197 = arith.muli %scan3A_195, %mul3A_196 : i32
        %add3A_198 = arith.constant 0 : i32
        %add3A_199 = arith.addi %add3A_198, %mul3A_197 : i32
        %broadcast_in_dim3A = arith.constant 0.000000e+00 : f32
        %broadcast_in_dim3A_200 = vector.broadcast %broadcast_in_dim3A : f32 to vector<16xf32>
        %swap3A = arith.index_cast %add3A_189 : i32 to index
        %swap3A_201 = arith.index_cast %add3A_199 : i32 to index
        %swap3A_202 = tpu.vector_load %arg8[%swap3A, %swap3A_201] {strides = array<i32>} : memref<80x128xf32, #tpu.memory_space<vmem>>, vector<1x16xf32>,
        %swap3A_203 = vector.shape_cast %swap3A_202 : vector<1x16xf32> to vector<16xf32>
        %swap3A_204 = vector.shape_cast %broadcast_in_dim3A_200 : vector<16xf32> to vector<1x16xf32>
        tpu.vector_store %arg8[%swap3A, %swap3A_201], %swap3A_204 {strides = array<i32>} : memref<80x128xf32, #tpu.memory_space<vmem>>, vector<1x16xf32>,
      }
      %scan3A_194 = arith.constant 8 : i32
    }
    %scan3A_4 = arith.constant 80 : i32
    %scan3A_5 = arith.constant 0 : i32
    %scan3A_6 = arith.constant 7 : i32
    %scan3A_7 = arith.addi %scan3A_5, %scan3A_6 : i32
    %scan3A_8 = arith.constant 1 : i32
    scf.for %scan3A_185 = %scan3A_5 to %scan3A_7 step %scan3A_8  : i32 {
      %mul3A_186 = arith.constant 80 : i32
      %mul3A_187 = arith.muli %scan3A_185, %mul3A_186 : i32
      %add3A_188 = arith.constant 0 : i32
      %add3A_189 = arith.addi %add3A_188, %mul3A_187 : i32
      %mul3A_190 = arith.constant 625 : i32
      %mul3A_191 = arith.muli %arg1, %mul3A_190 : i32
      %add3A_192 = arith.addi %mul3A_191, %add3A_189 : i32
      "tpu.region"() ({
        %run_scoped3A = tpu.sem_alloc : memref<!tpu.dma_semaphore, #tpu.memory_space<semaphore_mem>>
        %dma_start3A_193 = arith.constant 0 : i32
        %dma_start3A_194 = tpu.memref_slice %arg21[%add3A_192, %dma_start3A_193] : memref<10000x128xf32, #tpu.memory_space<vmem_shared>> -> memref<80x128xf32, #tpu.memory_space<vmem_shared>>
        %dma_start3A_195 = arith.constant 0 : i32
        %dma_start3A_196 = tpu.memref_slice %arg21[%add3A_192, %dma_start3A_195] : memref<10000x128xf32, #tpu.memory_space<vmem_shared>> -> memref<80x128xf32, #tpu.memory_space<vmem_shared>>
        tpu.enqueue_dma source(%arg8 : memref<80x128xf32, #tpu.memory_space<vmem>>) target(%dma_start3A_196 : memref<80x128xf32, #tpu.memory_space<vmem_shared>>) target_semaphore(%run_scoped3A : memref<!tpu.dma_semaphore, #tpu.memory_space<semaphore_mem>>)
        %dma_wait3A_197 = arith.constant 0 : i32
        %dma_wait3A_198 = tpu.memref_slice %arg21[%add3A_192, %dma_wait3A_197] : memref<10000x128xf32, #tpu.memory_space<vmem_shared>> -> memref<80x128xf32, #tpu.memory_space<vmem_shared>>
        %dma_wait3A_199 = arith.constant 0 : i32
        %dma_wait3A_200 = tpu.memref_slice %arg21[%add3A_192, %dma_wait3A_199] : memref<10000x128xf32, #tpu.memory_space<vmem_shared>> -> memref<80x128xf32, #tpu.memory_space<vmem_shared>>
        tpu.wait_dma2 semaphore(%run_scoped3A : memref<!tpu.dma_semaphore, #tpu.memory_space<semaphore_mem>>) src(%arg8 : memref<80x128xf32, #tpu.memory_space<vmem>>) dst(%dma_wait3A_200 : memref<80x128xf32, #tpu.memory_space<vmem_shared>>)
        tpu.yield
      }) : () -> ()
    }
    %scan3A_9 = arith.constant 7 : i32
    %mul3A_10 = arith.constant 625 : i32
    %mul3A_11 = arith.muli %arg1, %mul3A_10 : i32
    %add3A_12 = arith.constant 625 : i32
    %add3A_13 = arith.addi %mul3A_11, %add3A_12 : i32
    %sub3A = arith.constant 65 : i32
    %sub3A_14 = arith.subi %add3A_13, %sub3A : i32
    "tpu.region"() ({
      %run_scoped3A = tpu.sem_alloc : memref<!tpu.dma_semaphore, #tpu.memory_space<semaphore_mem>>
      %dma_start3A_185 = arith.constant 0 : i32
      %dma_start3A_186 = arith.constant 0 : i32
      %dma_start3A_187 = tpu.memref_slice %arg8[%dma_start3A_185, %dma_start3A_186] : memref<80x128xf32, #tpu.memory_space<vmem>> -> memref<65x128xf32, #tpu.memory_space<vmem>>
      %dma_start3A_188 = arith.constant 0 : i32
      %dma_start3A_189 = tpu.memref_slice %arg21[%sub3A_14, %dma_start3A_188] : memref<10000x128xf32, #tpu.memory_space<vmem_shared>> -> memref<65x128xf32, #tpu.memory_space<vmem_shared>>
      %dma_start3A_190 = arith.constant 0 : i32
      %dma_start3A_191 = tpu.memref_slice %arg21[%sub3A_14, %dma_start3A_190] : memref<10000x128xf32, #tpu.memory_space<vmem_shared>> -> memref<65x128xf32, #tpu.memory_space<vmem_shared>>
      %dma_start3A_192 = arith.constant 0 : i32
      %dma_start3A_193 = arith.constant 0 : i32
      %dma_start3A_194 = tpu.memref_slice %arg8[%dma_start3A_192, %dma_start3A_193] : memref<80x128xf32, #tpu.memory_space<vmem>> -> memref<65x128xf32, #tpu.memory_space<vmem>>
      tpu.enqueue_dma source(%dma_start3A_194 : memref<65x128xf32, #tpu.memory_space<vmem>>) target(%dma_start3A_191 : memref<65x128xf32, #tpu.memory_space<vmem_shared>>) target_semaphore(%run_scoped3A : memref<!tpu.dma_semaphore, #tpu.memory_space<semaphore_mem>>)
      %dma_wait3A_195 = arith.constant 0 : i32
      %dma_wait3A_196 = arith.constant 0 : i32
      %dma_wait3A_197 = tpu.memref_slice %arg8[%dma_wait3A_195, %dma_wait3A_196] : memref<80x128xf32, #tpu.memory_space<vmem>> -> memref<65x128xf32, #tpu.memory_space<vmem>>
      %dma_wait3A_198 = arith.constant 0 : i32
      %dma_wait3A_199 = tpu.memref_slice %arg21[%sub3A_14, %dma_wait3A_198] : memref<10000x128xf32, #tpu.memory_space<vmem_shared>> -> memref<65x128xf32, #tpu.memory_space<vmem_shared>>
      %dma_wait3A_200 = arith.constant 0 : i32
      %dma_wait3A_201 = tpu.memref_slice %arg21[%sub3A_14, %dma_wait3A_200] : memref<10000x128xf32, #tpu.memory_space<vmem_shared>> -> memref<65x128xf32, #tpu.memory_space<vmem_shared>>
      %dma_wait3A_202 = arith.constant 0 : i32
      %dma_wait3A_203 = arith.constant 0 : i32
      %dma_wait3A_204 = tpu.memref_slice %arg8[%dma_wait3A_202, %dma_wait3A_203] : memref<80x128xf32, #tpu.memory_space<vmem>> -> memref<65x128xf32, #tpu.memory_space<vmem>>
      tpu.wait_dma2 semaphore(%run_scoped3A : memref<!tpu.dma_semaphore, #tpu.memory_space<semaphore_mem>>) src(%dma_wait3A_204 : memref<65x128xf32, #tpu.memory_space<vmem>>) dst(%dma_wait3A_201 : memref<65x128xf32, #tpu.memory_space<vmem_shared>>)
      tpu.yield
    }) : () -> ()
    %barrier3A = arith.constant 0 : index
    tpu.barrier barrier_id(%barrier3A)
    %dma_start3A = arith.constant 0 : i32
    %dma_start3A_15 = arith.constant 0 : i32
    %dma_start3A_16 = tpu.memref_slice %arg3[%add3A, %dma_start3A, %dma_start3A_15] : memref<32x125x80xi32, #tpu.memory_space<hbm>> -> memref<1x1x80xi32, #tpu.memory_space<hbm>>
    %dma_start3A_17 = tpu.memref_squeeze %dma_start3A_16 : memref<1x1x80xi32, #tpu.memory_space<hbm>> -> memref<80xi32, #tpu.memory_space<hbm>>
    %dma_start3A_18 = arith.constant 0 : i32
    %dma_start3A_19 = tpu.memref_slice %arg3[%add3A, %dma_start3A, %dma_start3A_18] : memref<32x125x80xi32, #tpu.memory_space<hbm>> -> memref<1x1x80xi32, #tpu.memory_space<hbm>>
    %dma_start3A_20 = tpu.memref_squeeze %dma_start3A_19 : memref<1x1x80xi32, #tpu.memory_space<hbm>> -> memref<80xi32, #tpu.memory_space<hbm>>
    tpu.enqueue_dma source(%dma_start3A_20 : memref<80xi32, #tpu.memory_space<hbm>>) target(%arg5 : memref<80xi32, #tpu.memory_space<vmem>>) target_semaphore(%arg22 : memref<!tpu.dma_semaphore, #tpu.memory_space<semaphore_mem>>)
    %dma_start3A_21 = arith.constant 1 : i32
    %dma_start3A_22 = arith.constant 0 : i32
    %dma_start3A_23 = tpu.memref_slice %arg3[%add3A, %dma_start3A_21, %dma_start3A_22] : memref<32x125x80xi32, #tpu.memory_space<hbm>> -> memref<1x1x80xi32, #tpu.memory_space<hbm>>
    %dma_start3A_24 = tpu.memref_squeeze %dma_start3A_23 : memref<1x1x80xi32, #tpu.memory_space<hbm>> -> memref<80xi32, #tpu.memory_space<hbm>>
    %dma_start3A_25 = arith.constant 0 : i32
    %dma_start3A_26 = tpu.memref_slice %arg3[%add3A, %dma_start3A_21, %dma_start3A_25] : memref<32x125x80xi32, #tpu.memory_space<hbm>> -> memref<1x1x80xi32, #tpu.memory_space<hbm>>
    %dma_start3A_27 = tpu.memref_squeeze %dma_start3A_26 : memref<1x1x80xi32, #tpu.memory_space<hbm>> -> memref<80xi32, #tpu.memory_space<hbm>>
    tpu.enqueue_dma source(%dma_start3A_27 : memref<80xi32, #tpu.memory_space<hbm>>) target(%arg9 : memref<80xi32, #tpu.memory_space<vmem>>) target_semaphore(%arg23 : memref<!tpu.dma_semaphore, #tpu.memory_space<semaphore_mem>>)
    %dma_wait3A = arith.constant 0 : i32
    %dma_wait3A_28 = arith.constant 0 : i32
    %dma_wait3A_29 = tpu.memref_slice %arg3[%add3A, %dma_wait3A, %dma_wait3A_28] : memref<32x125x80xi32, #tpu.memory_space<hbm>> -> memref<1x1x80xi32, #tpu.memory_space<hbm>>
    %dma_wait3A_30 = tpu.memref_squeeze %dma_wait3A_29 : memref<1x1x80xi32, #tpu.memory_space<hbm>> -> memref<80xi32, #tpu.memory_space<hbm>>
    %dma_wait3A_31 = arith.constant 0 : i32
    %dma_wait3A_32 = tpu.memref_slice %arg3[%add3A, %dma_wait3A, %dma_wait3A_31] : memref<32x125x80xi32, #tpu.memory_space<hbm>> -> memref<1x1x80xi32, #tpu.memory_space<hbm>>
    %dma_wait3A_33 = tpu.memref_squeeze %dma_wait3A_32 : memref<1x1x80xi32, #tpu.memory_space<hbm>> -> memref<80xi32, #tpu.memory_space<hbm>>
    tpu.wait_dma2 semaphore(%arg22 : memref<!tpu.dma_semaphore, #tpu.memory_space<semaphore_mem>>) src(%dma_wait3A_33 : memref<80xi32, #tpu.memory_space<hbm>>) dst(%arg5 : memref<80xi32, #tpu.memory_space<vmem>>)
    %scan3A_34 = arith.constant 0 : i32
    %scan3A_35 = arith.constant 5 : i32
    %scan3A_36 = arith.addi %scan3A_34, %scan3A_35 : i32
    %scan3A_37 = arith.constant 1 : i32
    scf.for %scan3A_185 = %scan3A_34 to %scan3A_36 step %scan3A_37  : i32 {
      %mul3A_186 = arith.constant 16 : i32
      %mul3A_187 = arith.muli %scan3A_185, %mul3A_186 : i32
      %add3A_188 = arith.constant 0 : i32
      %add3A_189 = arith.addi %add3A_188, %mul3A_187 : i32
      %get3A = arith.index_cast %add3A_189 : i32 to index
      %get3A_190 = tpu.vector_load %arg5[%get3A] {strides = array<i32>} : memref<80xi32, #tpu.memory_space<vmem>>, vector<16xi32>,
      %get3A_191 = vector.shape_cast %get3A_190 : vector<16xi32> to vector<16xi32>
      %and3A = arith.constant 65535 : i32
      %and3A_192 = vector.broadcast %and3A : i32 to vector<16xi32>
      %and3A_193 = arith.andi %get3A_191, %and3A_192 : vector<16xi32>
      %swap3A = arith.index_cast %add3A_189 : i32 to index
      %swap3A_194 = tpu.vector_load %arg6[%swap3A] {strides = array<i32>} : memref<80xi32, #tpu.memory_space<vmem>>, vector<16xi32>,
      %swap3A_195 = vector.shape_cast %swap3A_194 : vector<16xi32> to vector<16xi32>
      %swap3A_196 = vector.shape_cast %and3A_193 : vector<16xi32> to vector<16xi32>
      tpu.vector_store %arg6[%swap3A], %swap3A_196 {strides = array<i32>} : memref<80xi32, #tpu.memory_space<vmem>>, vector<16xi32>,
      %shift_right_logical3A = arith.constant 16 : i32
      %shift_right_logical3A_197 = vector.broadcast %shift_right_logical3A : i32 to vector<16xi32>
      %shift_right_logical3A_198 = arith.shrui %get3A_191, %shift_right_logical3A_197 : vector<16xi32>
      %swap3A_199 = arith.index_cast %add3A_189 : i32 to index
      %swap3A_200 = tpu.vector_load %arg7[%swap3A_199] {strides = array<i32>} : memref<80xi32, #tpu.memory_space<vmem>>, vector<16xi32>,
      %swap3A_201 = vector.shape_cast %swap3A_200 : vector<16xi32> to vector<16xi32>
      %swap3A_202 = vector.shape_cast %shift_right_logical3A_198 : vector<16xi32> to vector<16xi32>
      tpu.vector_store %arg7[%swap3A_199], %swap3A_202 {strides = array<i32>} : memref<80xi32, #tpu.memory_space<vmem>>, vector<16xi32>,
    }
    %scan3A_38 = arith.constant 5 : i32
    %dma_start3A_39 = arith.constant 0 : i32
    %dma_start3A_40 = arith.constant 0 : i32
    %dma_start3A_41 = tpu.memref_slice %arg2[%dma_start3A_39, %dma_start3A_40] : memref<10000x128xf32, #tpu.memory_space<hbm>> -> memref<10000x128xf32, #tpu.memory_space<hbm>>
    tpu.enqueue_indirect_dma source(%dma_start3A_41 : memref<10000x128xf32, #tpu.memory_space<hbm>>) target(%arg8 : memref<80x128xf32, #tpu.memory_space<vmem>>) offsets(%arg6 : memref<80xi32, #tpu.memory_space<vmem>>) semaphore(%arg26 : memref<!tpu.dma_semaphore, #tpu.memory_space<semaphore_mem>>)
    %dma_start3A_42 = arith.constant 2 : i32
    %dma_start3A_43 = arith.constant 0 : i32
    %dma_start3A_44 = tpu.memref_slice %arg3[%add3A, %dma_start3A_42, %dma_start3A_43] : memref<32x125x80xi32, #tpu.memory_space<hbm>> -> memref<1x1x80xi32, #tpu.memory_space<hbm>>
    %dma_start3A_45 = tpu.memref_squeeze %dma_start3A_44 : memref<1x1x80xi32, #tpu.memory_space<hbm>> -> memref<80xi32, #tpu.memory_space<hbm>>
    %dma_start3A_46 = arith.constant 0 : i32
    %dma_start3A_47 = tpu.memref_slice %arg3[%add3A, %dma_start3A_42, %dma_start3A_46] : memref<32x125x80xi32, #tpu.memory_space<hbm>> -> memref<1x1x80xi32, #tpu.memory_space<hbm>>
    %dma_start3A_48 = tpu.memref_squeeze %dma_start3A_47 : memref<1x1x80xi32, #tpu.memory_space<hbm>> -> memref<80xi32, #tpu.memory_space<hbm>>
    tpu.enqueue_dma source(%dma_start3A_48 : memref<80xi32, #tpu.memory_space<hbm>>) target(%arg13 : memref<80xi32, #tpu.memory_space<vmem>>) target_semaphore(%arg24 : memref<!tpu.dma_semaphore, #tpu.memory_space<semaphore_mem>>)
    %dma_wait3A_49 = arith.constant 0 : i32
    %dma_wait3A_50 = arith.constant 0 : i32
    %dma_wait3A_51 = tpu.memref_slice %arg3[%add3A, %dma_wait3A_49, %dma_wait3A_50] : memref<32x125x80xi32, #tpu.memory_space<hbm>> -> memref<1x1x80xi32, #tpu.memory_space<hbm>>
    %dma_wait3A_52 = tpu.memref_squeeze %dma_wait3A_51 : memref<1x1x80xi32, #tpu.memory_space<hbm>> -> memref<80xi32, #tpu.memory_space<hbm>>
    %dma_wait3A_53 = arith.constant 0 : i32
    %dma_wait3A_54 = tpu.memref_slice %arg3[%add3A, %dma_wait3A_49, %dma_wait3A_53] : memref<32x125x80xi32, #tpu.memory_space<hbm>> -> memref<1x1x80xi32, #tpu.memory_space<hbm>>
    %dma_wait3A_55 = tpu.memref_squeeze %dma_wait3A_54 : memref<1x1x80xi32, #tpu.memory_space<hbm>> -> memref<80xi32, #tpu.memory_space<hbm>>
    tpu.wait_dma2 semaphore(%arg23 : memref<!tpu.dma_semaphore, #tpu.memory_space<semaphore_mem>>) src(%dma_wait3A_55 : memref<80xi32, #tpu.memory_space<hbm>>) dst(%arg9 : memref<80xi32, #tpu.memory_space<vmem>>)
    %scan3A_56 = arith.constant 0 : i32
    %scan3A_57 = arith.constant 5 : i32
    %scan3A_58 = arith.addi %scan3A_56, %scan3A_57 : i32
    %scan3A_59 = arith.constant 1 : i32
    scf.for %scan3A_185 = %scan3A_56 to %scan3A_58 step %scan3A_59  : i32 {
      %mul3A_186 = arith.constant 16 : i32
      %mul3A_187 = arith.muli %scan3A_185, %mul3A_186 : i32
      %add3A_188 = arith.constant 0 : i32
      %add3A_189 = arith.addi %add3A_188, %mul3A_187 : i32
      %get3A = arith.index_cast %add3A_189 : i32 to index
      %get3A_190 = tpu.vector_load %arg9[%get3A] {strides = array<i32>} : memref<80xi32, #tpu.memory_space<vmem>>, vector<16xi32>,
      %get3A_191 = vector.shape_cast %get3A_190 : vector<16xi32> to vector<16xi32>
      %and3A = arith.constant 65535 : i32
      %and3A_192 = vector.broadcast %and3A : i32 to vector<16xi32>
      %and3A_193 = arith.andi %get3A_191, %and3A_192 : vector<16xi32>
      %swap3A = arith.index_cast %add3A_189 : i32 to index
      %swap3A_194 = tpu.vector_load %arg10[%swap3A] {strides = array<i32>} : memref<80xi32, #tpu.memory_space<vmem>>, vector<16xi32>,
      %swap3A_195 = vector.shape_cast %swap3A_194 : vector<16xi32> to vector<16xi32>
      %swap3A_196 = vector.shape_cast %and3A_193 : vector<16xi32> to vector<16xi32>
      tpu.vector_store %arg10[%swap3A], %swap3A_196 {strides = array<i32>} : memref<80xi32, #tpu.memory_space<vmem>>, vector<16xi32>,
      %shift_right_logical3A = arith.constant 16 : i32
      %shift_right_logical3A_197 = vector.broadcast %shift_right_logical3A : i32 to vector<16xi32>
      %shift_right_logical3A_198 = arith.shrui %get3A_191, %shift_right_logical3A_197 : vector<16xi32>
      %swap3A_199 = arith.index_cast %add3A_189 : i32 to index
      %swap3A_200 = tpu.vector_load %arg11[%swap3A_199] {strides = array<i32>} : memref<80xi32, #tpu.memory_space<vmem>>, vector<16xi32>,
      %swap3A_201 = vector.shape_cast %swap3A_200 : vector<16xi32> to vector<16xi32>
      %swap3A_202 = vector.shape_cast %shift_right_logical3A_198 : vector<16xi32> to vector<16xi32>
      tpu.vector_store %arg11[%swap3A_199], %swap3A_202 {strides = array<i32>} : memref<80xi32, #tpu.memory_space<vmem>>, vector<16xi32>,
    }
    %scan3A_60 = arith.constant 5 : i32
    %dma_start3A_61 = arith.constant 0 : i32
    %dma_start3A_62 = arith.constant 0 : i32
    %dma_start3A_63 = tpu.memref_slice %arg2[%dma_start3A_61, %dma_start3A_62] : memref<10000x128xf32, #tpu.memory_space<hbm>> -> memref<10000x128xf32, #tpu.memory_space<hbm>>
    tpu.enqueue_indirect_dma source(%dma_start3A_63 : memref<10000x128xf32, #tpu.memory_space<hbm>>) target(%arg12 : memref<80x128xf32, #tpu.memory_space<vmem>>) offsets(%arg10 : memref<80xi32, #tpu.memory_space<vmem>>) semaphore(%arg27 : memref<!tpu.dma_semaphore, #tpu.memory_space<semaphore_mem>>)
    %dma_start3A_64 = arith.constant 3 : i32
    %dma_start3A_65 = arith.constant 0 : i32
    %dma_start3A_66 = tpu.memref_slice %arg3[%add3A, %dma_start3A_64, %dma_start3A_65] : memref<32x125x80xi32, #tpu.memory_space<hbm>> -> memref<1x1x80xi32, #tpu.memory_space<hbm>>
    %dma_start3A_67 = tpu.memref_squeeze %dma_start3A_66 : memref<1x1x80xi32, #tpu.memory_space<hbm>> -> memref<80xi32, #tpu.memory_space<hbm>>
    %dma_start3A_68 = arith.constant 0 : i32
    %dma_start3A_69 = tpu.memref_slice %arg3[%add3A, %dma_start3A_64, %dma_start3A_68] : memref<32x125x80xi32, #tpu.memory_space<hbm>> -> memref<1x1x80xi32, #tpu.memory_space<hbm>>
    %dma_start3A_70 = tpu.memref_squeeze %dma_start3A_69 : memref<1x1x80xi32, #tpu.memory_space<hbm>> -> memref<80xi32, #tpu.memory_space<hbm>>
    tpu.enqueue_dma source(%dma_start3A_70 : memref<80xi32, #tpu.memory_space<hbm>>) target(%arg17 : memref<80xi32, #tpu.memory_space<vmem>>) target_semaphore(%arg25 : memref<!tpu.dma_semaphore, #tpu.memory_space<semaphore_mem>>)
    %dma_wait3A_71 = arith.constant 0 : i32
    %dma_wait3A_72 = arith.constant 0 : i32
    %dma_wait3A_73 = tpu.memref_slice %arg3[%add3A, %dma_wait3A_71, %dma_wait3A_72] : memref<32x125x80xi32, #tpu.memory_space<hbm>> -> memref<1x1x80xi32, #tpu.memory_space<hbm>>
    %dma_wait3A_74 = tpu.memref_squeeze %dma_wait3A_73 : memref<1x1x80xi32, #tpu.memory_space<hbm>> -> memref<80xi32, #tpu.memory_space<hbm>>
    %dma_wait3A_75 = arith.constant 0 : i32
    %dma_wait3A_76 = tpu.memref_slice %arg3[%add3A, %dma_wait3A_71, %dma_wait3A_75] : memref<32x125x80xi32, #tpu.memory_space<hbm>> -> memref<1x1x80xi32, #tpu.memory_space<hbm>>
    %dma_wait3A_77 = tpu.memref_squeeze %dma_wait3A_76 : memref<1x1x80xi32, #tpu.memory_space<hbm>> -> memref<80xi32, #tpu.memory_space<hbm>>
    tpu.wait_dma2 semaphore(%arg24 : memref<!tpu.dma_semaphore, #tpu.memory_space<semaphore_mem>>) src(%dma_wait3A_77 : memref<80xi32, #tpu.memory_space<hbm>>) dst(%arg13 : memref<80xi32, #tpu.memory_space<vmem>>)
    %scan3A_78 = arith.constant 0 : i32
    %scan3A_79 = arith.constant 5 : i32
    %scan3A_80 = arith.addi %scan3A_78, %scan3A_79 : i32
    %scan3A_81 = arith.constant 1 : i32
    scf.for %scan3A_185 = %scan3A_78 to %scan3A_80 step %scan3A_81  : i32 {
      %mul3A_186 = arith.constant 16 : i32
      %mul3A_187 = arith.muli %scan3A_185, %mul3A_186 : i32
      %add3A_188 = arith.constant 0 : i32
      %add3A_189 = arith.addi %add3A_188, %mul3A_187 : i32
      %get3A = arith.index_cast %add3A_189 : i32 to index
      %get3A_190 = tpu.vector_load %arg13[%get3A] {strides = array<i32>} : memref<80xi32, #tpu.memory_space<vmem>>, vector<16xi32>,
      %get3A_191 = vector.shape_cast %get3A_190 : vector<16xi32> to vector<16xi32>
      %and3A = arith.constant 65535 : i32
      %and3A_192 = vector.broadcast %and3A : i32 to vector<16xi32>
      %and3A_193 = arith.andi %get3A_191, %and3A_192 : vector<16xi32>
      %swap3A = arith.index_cast %add3A_189 : i32 to index
      %swap3A_194 = tpu.vector_load %arg14[%swap3A] {strides = array<i32>} : memref<80xi32, #tpu.memory_space<vmem>>, vector<16xi32>,
      %swap3A_195 = vector.shape_cast %swap3A_194 : vector<16xi32> to vector<16xi32>
      %swap3A_196 = vector.shape_cast %and3A_193 : vector<16xi32> to vector<16xi32>
      tpu.vector_store %arg14[%swap3A], %swap3A_196 {strides = array<i32>} : memref<80xi32, #tpu.memory_space<vmem>>, vector<16xi32>,
      %shift_right_logical3A = arith.constant 16 : i32
      %shift_right_logical3A_197 = vector.broadcast %shift_right_logical3A : i32 to vector<16xi32>
      %shift_right_logical3A_198 = arith.shrui %get3A_191, %shift_right_logical3A_197 : vector<16xi32>
      %swap3A_199 = arith.index_cast %add3A_189 : i32 to index
      %swap3A_200 = tpu.vector_load %arg15[%swap3A_199] {strides = array<i32>} : memref<80xi32, #tpu.memory_space<vmem>>, vector<16xi32>,
      %swap3A_201 = vector.shape_cast %swap3A_200 : vector<16xi32> to vector<16xi32>
      %swap3A_202 = vector.shape_cast %shift_right_logical3A_198 : vector<16xi32> to vector<16xi32>
      tpu.vector_store %arg15[%swap3A_199], %swap3A_202 {strides = array<i32>} : memref<80xi32, #tpu.memory_space<vmem>>, vector<16xi32>,
    }
    %scan3A_82 = arith.constant 5 : i32
    %dma_start3A_83 = arith.constant 0 : i32
    %dma_start3A_84 = arith.constant 0 : i32
    %dma_start3A_85 = tpu.memref_slice %arg2[%dma_start3A_83, %dma_start3A_84] : memref<10000x128xf32, #tpu.memory_space<hbm>> -> memref<10000x128xf32, #tpu.memory_space<hbm>>
    tpu.enqueue_indirect_dma source(%dma_start3A_85 : memref<10000x128xf32, #tpu.memory_space<hbm>>) target(%arg16 : memref<80x128xf32, #tpu.memory_space<vmem>>) offsets(%arg14 : memref<80xi32, #tpu.memory_space<vmem>>) semaphore(%arg28 : memref<!tpu.dma_semaphore, #tpu.memory_space<semaphore_mem>>)
    %dma_wait3A_86 = arith.constant 0 : i32
    %dma_wait3A_87 = arith.constant 0 : i32
    %dma_wait3A_88 = tpu.memref_slice %arg2[%dma_wait3A_86, %dma_wait3A_87] : memref<10000x128xf32, #tpu.memory_space<hbm>> -> memref<10000x128xf32, #tpu.memory_space<hbm>>
    tpu.wait_indirect_dma semaphore(%arg26 : memref<!tpu.dma_semaphore, #tpu.memory_space<semaphore_mem>>) src(%dma_wait3A_88 : memref<10000x128xf32, #tpu.memory_space<hbm>>) dst(%arg8 : memref<80x128xf32, #tpu.memory_space<vmem>>)
    %dma_start3A_89 = arith.constant 0 : i32
    %dma_start3A_90 = arith.constant 0 : i32
    %dma_start3A_91 = tpu.memref_slice %arg21[%dma_start3A_89, %dma_start3A_90] : memref<10000x128xf32, #tpu.memory_space<vmem_shared>> -> memref<10000x128xf32, #tpu.memory_space<vmem_shared>>
    tpu.enqueue_indirect_dma source(%arg8 : memref<80x128xf32, #tpu.memory_space<vmem>>) target(%dma_start3A_91 : memref<10000x128xf32, #tpu.memory_space<vmem_shared>>) offsets(%arg7 : memref<80xi32, #tpu.memory_space<vmem>>) semaphore(%arg30 : memref<!tpu.dma_semaphore, #tpu.memory_space<semaphore_mem>>) {add = true}
    %scan3A_92 = arith.constant 0 : i32
    %scan3A_93 = arith.constant 30 : i32
    %scan3A_94 = arith.addi %scan3A_92, %scan3A_93 : i32
    %scan3A_95 = arith.constant 1 : i32
    scf.for %scan3A_185 = %scan3A_92 to %scan3A_94 step %scan3A_95  : i32 {
      %mul3A_186 = arith.constant 1 : i32
      %mul3A_187 = arith.muli %scan3A_185, %mul3A_186 : i32
      %add3A_188 = arith.constant 0 : i32
      %add3A_189 = arith.addi %add3A_188, %mul3A_187 : i32
      %mul3A_190 = arith.constant 4 : i32
      %mul3A_191 = arith.muli %mul3A_190, %add3A_189 : i32
      %add3A_192 = arith.constant 4 : i32
      %add3A_193 = arith.addi %add3A_192, %mul3A_191 : i32
      %add3A_194 = arith.constant 0 : i32
      %add3A_195 = arith.addi %add3A_193, %add3A_194 : i32
      %dma_wait3A_196 = arith.constant 0 : i32
      %dma_wait3A_197 = arith.constant 0 : i32
      %dma_wait3A_198 = tpu.memref_slice %arg21[%dma_wait3A_196, %dma_wait3A_197] : memref<10000x128xf32, #tpu.memory_space<vmem_shared>> -> memref<10000x128xf32, #tpu.memory_space<vmem_shared>>
      tpu.wait_indirect_dma semaphore(%arg30 : memref<!tpu.dma_semaphore, #tpu.memory_space<semaphore_mem>>) src(%arg8 : memref<80x128xf32, #tpu.memory_space<vmem>>) dst(%dma_wait3A_198 : memref<10000x128xf32, #tpu.memory_space<vmem_shared>>)
      %dma_start3A_199 = arith.constant 0 : i32
      %dma_start3A_200 = tpu.memref_slice %arg3[%add3A, %add3A_195, %dma_start3A_199] : memref<32x125x80xi32, #tpu.memory_space<hbm>> -> memref<1x1x80xi32, #tpu.memory_space<hbm>>
      %dma_start3A_201 = tpu.memref_squeeze %dma_start3A_200 : memref<1x1x80xi32, #tpu.memory_space<hbm>> -> memref<80xi32, #tpu.memory_space<hbm>>
      %dma_start3A_202 = arith.constant 0 : i32
      %dma_start3A_203 = tpu.memref_slice %arg3[%add3A, %add3A_195, %dma_start3A_202] : memref<32x125x80xi32, #tpu.memory_space<hbm>> -> memref<1x1x80xi32, #tpu.memory_space<hbm>>
      %dma_start3A_204 = tpu.memref_squeeze %dma_start3A_203 : memref<1x1x80xi32, #tpu.memory_space<hbm>> -> memref<80xi32, #tpu.memory_space<hbm>>
      tpu.enqueue_dma source(%dma_start3A_204 : memref<80xi32, #tpu.memory_space<hbm>>) target(%arg5 : memref<80xi32, #tpu.memory_space<vmem>>) target_semaphore(%arg22 : memref<!tpu.dma_semaphore, #tpu.memory_space<semaphore_mem>>)
      %dma_wait3A_205 = arith.constant 0 : i32
      %dma_wait3A_206 = arith.constant 0 : i32
      %dma_wait3A_207 = tpu.memref_slice %arg3[%add3A, %dma_wait3A_205, %dma_wait3A_206] : memref<32x125x80xi32, #tpu.memory_space<hbm>> -> memref<1x1x80xi32, #tpu.memory_space<hbm>>
      %dma_wait3A_208 = tpu.memref_squeeze %dma_wait3A_207 : memref<1x1x80xi32, #tpu.memory_space<hbm>> -> memref<80xi32, #tpu.memory_space<hbm>>
      %dma_wait3A_209 = arith.constant 0 : i32
      %dma_wait3A_210 = tpu.memref_slice %arg3[%add3A, %dma_wait3A_205, %dma_wait3A_209] : memref<32x125x80xi32, #tpu.memory_space<hbm>> -> memref<1x1x80xi32, #tpu.memory_space<hbm>>
      %dma_wait3A_211 = tpu.memref_squeeze %dma_wait3A_210 : memref<1x1x80xi32, #tpu.memory_space<hbm>> -> memref<80xi32, #tpu.memory_space<hbm>>
      tpu.wait_dma2 semaphore(%arg25 : memref<!tpu.dma_semaphore, #tpu.memory_space<semaphore_mem>>) src(%dma_wait3A_211 : memref<80xi32, #tpu.memory_space<hbm>>) dst(%arg17 : memref<80xi32, #tpu.memory_space<vmem>>)
      %scan3A_212 = arith.constant 0 : i32
      %scan3A_213 = arith.constant 5 : i32
      %scan3A_214 = arith.addi %scan3A_212, %scan3A_213 : i32
      %scan3A_215 = arith.constant 1 : i32
      scf.for %scan3A_334 = %scan3A_212 to %scan3A_214 step %scan3A_215  : i32 {
        %mul3A_335 = arith.constant 16 : i32
        %mul3A_336 = arith.muli %scan3A_334, %mul3A_335 : i32
        %add3A_337 = arith.constant 0 : i32
        %add3A_338 = arith.addi %add3A_337, %mul3A_336 : i32
        %get3A = arith.index_cast %add3A_338 : i32 to index
        %get3A_339 = tpu.vector_load %arg17[%get3A] {strides = array<i32>} : memref<80xi32, #tpu.memory_space<vmem>>, vector<16xi32>,
        %get3A_340 = vector.shape_cast %get3A_339 : vector<16xi32> to vector<16xi32>
        %and3A = arith.constant 65535 : i32
        %and3A_341 = vector.broadcast %and3A : i32 to vector<16xi32>
        %and3A_342 = arith.andi %get3A_340, %and3A_341 : vector<16xi32>
        %swap3A = arith.index_cast %add3A_338 : i32 to index
        %swap3A_343 = tpu.vector_load %arg18[%swap3A] {strides = array<i32>} : memref<80xi32, #tpu.memory_space<vmem>>, vector<16xi32>,
        %swap3A_344 = vector.shape_cast %swap3A_343 : vector<16xi32> to vector<16xi32>
        %swap3A_345 = vector.shape_cast %and3A_342 : vector<16xi32> to vector<16xi32>
        tpu.vector_store %arg18[%swap3A], %swap3A_345 {strides = array<i32>} : memref<80xi32, #tpu.memory_space<vmem>>, vector<16xi32>,
        %shift_right_logical3A = arith.constant 16 : i32
        %shift_right_logical3A_346 = vector.broadcast %shift_right_logical3A : i32 to vector<16xi32>
        %shift_right_logical3A_347 = arith.shrui %get3A_340, %shift_right_logical3A_346 : vector<16xi32>
        %swap3A_348 = arith.index_cast %add3A_338 : i32 to index
        %swap3A_349 = tpu.vector_load %arg19[%swap3A_348] {strides = array<i32>} : memref<80xi32, #tpu.memory_space<vmem>>, vector<16xi32>,
        %swap3A_350 = vector.shape_cast %swap3A_349 : vector<16xi32> to vector<16xi32>
        %swap3A_351 = vector.shape_cast %shift_right_logical3A_347 : vector<16xi32> to vector<16xi32>
        tpu.vector_store %arg19[%swap3A_348], %swap3A_351 {strides = array<i32>} : memref<80xi32, #tpu.memory_space<vmem>>, vector<16xi32>,
      }
      %scan3A_216 = arith.constant 5 : i32
      %dma_start3A_217 = arith.constant 0 : i32
      %dma_start3A_218 = arith.constant 0 : i32
      %dma_start3A_219 = tpu.memref_slice %arg2[%dma_start3A_217, %dma_start3A_218] : memref<10000x128xf32, #tpu.memory_space<hbm>> -> memref<10000x128xf32, #tpu.memory_space<hbm>>
      tpu.enqueue_indirect_dma source(%dma_start3A_219 : memref<10000x128xf32, #tpu.memory_space<hbm>>) target(%arg20 : memref<80x128xf32, #tpu.memory_space<vmem>>) offsets(%arg18 : memref<80xi32, #tpu.memory_space<vmem>>) semaphore(%arg29 : memref<!tpu.dma_semaphore, #tpu.memory_space<semaphore_mem>>)
      %dma_wait3A_220 = arith.constant 0 : i32
      %dma_wait3A_221 = arith.constant 0 : i32
      %dma_wait3A_222 = tpu.memref_slice %arg2[%dma_wait3A_220, %dma_wait3A_221] : memref<10000x128xf32, #tpu.memory_space<hbm>> -> memref<10000x128xf32, #tpu.memory_space<hbm>>
      tpu.wait_indirect_dma semaphore(%arg27 : memref<!tpu.dma_semaphore, #tpu.memory_space<semaphore_mem>>) src(%dma_wait3A_222 : memref<10000x128xf32, #tpu.memory_space<hbm>>) dst(%arg12 : memref<80x128xf32, #tpu.memory_space<vmem>>)
      %dma_start3A_223 = arith.constant 0 : i32
      %dma_start3A_224 = arith.constant 0 : i32
      %dma_start3A_225 = tpu.memref_slice %arg21[%dma_start3A_223, %dma_start3A_224] : memref<10000x128xf32, #tpu.memory_space<vmem_shared>> -> memref<10000x128xf32, #tpu.memory_space<vmem_shared>>
      tpu.enqueue_indirect_dma source(%arg12 : memref<80x128xf32, #tpu.memory_space<vmem>>) target(%dma_start3A_225 : memref<10000x128xf32, #tpu.memory_space<vmem_shared>>) offsets(%arg11 : memref<80xi32, #tpu.memory_space<vmem>>) semaphore(%arg31 : memref<!tpu.dma_semaphore, #tpu.memory_space<semaphore_mem>>) {add = true}
      %mul3A_226 = arith.constant 4 : i32
      %mul3A_227 = arith.muli %mul3A_226, %add3A_189 : i32
      %add3A_228 = arith.constant 4 : i32
      %add3A_229 = arith.addi %add3A_228, %mul3A_227 : i32
      %add3A_230 = arith.constant 1 : i32
      %add3A_231 = arith.addi %add3A_229, %add3A_230 : i32
      %dma_wait3A_232 = arith.constant 0 : i32
      %dma_wait3A_233 = arith.constant 0 : i32
      %dma_wait3A_234 = tpu.memref_slice %arg21[%dma_wait3A_232, %dma_wait3A_233] : memref<10000x128xf32, #tpu.memory_space<vmem_shared>> -> memref<10000x128xf32, #tpu.memory_space<vmem_shared>>
      tpu.wait_indirect_dma semaphore(%arg31 : memref<!tpu.dma_semaphore, #tpu.memory_space<semaphore_mem>>) src(%arg12 : memref<80x128xf32, #tpu.memory_space<vmem>>) dst(%dma_wait3A_234 : memref<10000x128xf32, #tpu.memory_space<vmem_shared>>)
      %dma_start3A_235 = arith.constant 0 : i32
      %dma_start3A_236 = tpu.memref_slice %arg3[%add3A, %add3A_231, %dma_start3A_235] : memref<32x125x80xi32, #tpu.memory_space<hbm>> -> memref<1x1x80xi32, #tpu.memory_space<hbm>>
      %dma_start3A_237 = tpu.memref_squeeze %dma_start3A_236 : memref<1x1x80xi32, #tpu.memory_space<hbm>> -> memref<80xi32, #tpu.memory_space<hbm>>
      %dma_start3A_238 = arith.constant 0 : i32
      %dma_start3A_239 = tpu.memref_slice %arg3[%add3A, %add3A_231, %dma_start3A_238] : memref<32x125x80xi32, #tpu.memory_space<hbm>> -> memref<1x1x80xi32, #tpu.memory_space<hbm>>
      %dma_start3A_240 = tpu.memref_squeeze %dma_start3A_239 : memref<1x1x80xi32, #tpu.memory_space<hbm>> -> memref<80xi32, #tpu.memory_space<hbm>>
      tpu.enqueue_dma source(%dma_start3A_240 : memref<80xi32, #tpu.memory_space<hbm>>) target(%arg9 : memref<80xi32, #tpu.memory_space<vmem>>) target_semaphore(%arg23 : memref<!tpu.dma_semaphore, #tpu.memory_space<semaphore_mem>>)
      %dma_wait3A_241 = arith.constant 0 : i32
      %dma_wait3A_242 = arith.constant 0 : i32
      %dma_wait3A_243 = tpu.memref_slice %arg3[%add3A, %dma_wait3A_241, %dma_wait3A_242] : memref<32x125x80xi32, #tpu.memory_space<hbm>> -> memref<1x1x80xi32, #tpu.memory_space<hbm>>
      %dma_wait3A_244 = tpu.memref_squeeze %dma_wait3A_243 : memref<1x1x80xi32, #tpu.memory_space<hbm>> -> memref<80xi32, #tpu.memory_space<hbm>>
      %dma_wait3A_245 = arith.constant 0 : i32
      %dma_wait3A_246 = tpu.memref_slice %arg3[%add3A, %dma_wait3A_241, %dma_wait3A_245] : memref<32x125x80xi32, #tpu.memory_space<hbm>> -> memref<1x1x80xi32, #tpu.memory_space<hbm>>
      %dma_wait3A_247 = tpu.memref_squeeze %dma_wait3A_246 : memref<1x1x80xi32, #tpu.memory_space<hbm>> -> memref<80xi32, #tpu.memory_space<hbm>>
      tpu.wait_dma2 semaphore(%arg22 : memref<!tpu.dma_semaphore, #tpu.memory_space<semaphore_mem>>) src(%dma_wait3A_247 : memref<80xi32, #tpu.memory_space<hbm>>) dst(%arg5 : memref<80xi32, #tpu.memory_space<vmem>>)
      %scan3A_248 = arith.constant 0 : i32
      %scan3A_249 = arith.constant 5 : i32
      %scan3A_250 = arith.addi %scan3A_248, %scan3A_249 : i32
      %scan3A_251 = arith.constant 1 : i32
      scf.for %scan3A_334 = %scan3A_248 to %scan3A_250 step %scan3A_251  : i32 {
        %mul3A_335 = arith.constant 16 : i32
        %mul3A_336 = arith.muli %scan3A_334, %mul3A_335 : i32
        %add3A_337 = arith.constant 0 : i32
        %add3A_338 = arith.addi %add3A_337, %mul3A_336 : i32
        %get3A = arith.index_cast %add3A_338 : i32 to index
        %get3A_339 = tpu.vector_load %arg5[%get3A] {strides = array<i32>} : memref<80xi32, #tpu.memory_space<vmem>>, vector<16xi32>,
        %get3A_340 = vector.shape_cast %get3A_339 : vector<16xi32> to vector<16xi32>
        %and3A = arith.constant 65535 : i32
        %and3A_341 = vector.broadcast %and3A : i32 to vector<16xi32>
        %and3A_342 = arith.andi %get3A_340, %and3A_341 : vector<16xi32>
        %swap3A = arith.index_cast %add3A_338 : i32 to index
        %swap3A_343 = tpu.vector_load %arg6[%swap3A] {strides = array<i32>} : memref<80xi32, #tpu.memory_space<vmem>>, vector<16xi32>,
        %swap3A_344 = vector.shape_cast %swap3A_343 : vector<16xi32> to vector<16xi32>
        %swap3A_345 = vector.shape_cast %and3A_342 : vector<16xi32> to vector<16xi32>
        tpu.vector_store %arg6[%swap3A], %swap3A_345 {strides = array<i32>} : memref<80xi32, #tpu.memory_space<vmem>>, vector<16xi32>,
        %shift_right_logical3A = arith.constant 16 : i32
        %shift_right_logical3A_346 = vector.broadcast %shift_right_logical3A : i32 to vector<16xi32>
        %shift_right_logical3A_347 = arith.shrui %get3A_340, %shift_right_logical3A_346 : vector<16xi32>
        %swap3A_348 = arith.index_cast %add3A_338 : i32 to index
        %swap3A_349 = tpu.vector_load %arg7[%swap3A_348] {strides = array<i32>} : memref<80xi32, #tpu.memory_space<vmem>>, vector<16xi32>,
        %swap3A_350 = vector.shape_cast %swap3A_349 : vector<16xi32> to vector<16xi32>
        %swap3A_351 = vector.shape_cast %shift_right_logical3A_347 : vector<16xi32> to vector<16xi32>
        tpu.vector_store %arg7[%swap3A_348], %swap3A_351 {strides = array<i32>} : memref<80xi32, #tpu.memory_space<vmem>>, vector<16xi32>,
      }
      %scan3A_252 = arith.constant 5 : i32
      %dma_start3A_253 = arith.constant 0 : i32
      %dma_start3A_254 = arith.constant 0 : i32
      %dma_start3A_255 = tpu.memref_slice %arg2[%dma_start3A_253, %dma_start3A_254] : memref<10000x128xf32, #tpu.memory_space<hbm>> -> memref<10000x128xf32, #tpu.memory_space<hbm>>
      tpu.enqueue_indirect_dma source(%dma_start3A_255 : memref<10000x128xf32, #tpu.memory_space<hbm>>) target(%arg8 : memref<80x128xf32, #tpu.memory_space<vmem>>) offsets(%arg6 : memref<80xi32, #tpu.memory_space<vmem>>) semaphore(%arg26 : memref<!tpu.dma_semaphore, #tpu.memory_space<semaphore_mem>>)
      %dma_wait3A_256 = arith.constant 0 : i32
      %dma_wait3A_257 = arith.constant 0 : i32
      %dma_wait3A_258 = tpu.memref_slice %arg2[%dma_wait3A_256, %dma_wait3A_257] : memref<10000x128xf32, #tpu.memory_space<hbm>> -> memref<10000x128xf32, #tpu.memory_space<hbm>>
      tpu.wait_indirect_dma semaphore(%arg28 : memref<!tpu.dma_semaphore, #tpu.memory_space<semaphore_mem>>) src(%dma_wait3A_258 : memref<10000x128xf32, #tpu.memory_space<hbm>>) dst(%arg16 : memref<80x128xf32, #tpu.memory_space<vmem>>)
      %dma_start3A_259 = arith.constant 0 : i32
      %dma_start3A_260 = arith.constant 0 : i32
      %dma_start3A_261 = tpu.memref_slice %arg21[%dma_start3A_259, %dma_start3A_260] : memref<10000x128xf32, #tpu.memory_space<vmem_shared>> -> memref<10000x128xf32, #tpu.memory_space<vmem_shared>>
      tpu.enqueue_indirect_dma source(%arg16 : memref<80x128xf32, #tpu.memory_space<vmem>>) target(%dma_start3A_261 : memref<10000x128xf32, #tpu.memory_space<vmem_shared>>) offsets(%arg15 : memref<80xi32, #tpu.memory_space<vmem>>) semaphore(%arg32 : memref<!tpu.dma_semaphore, #tpu.memory_space<semaphore_mem>>) {add = true}
      %mul3A_262 = arith.constant 4 : i32
      %mul3A_263 = arith.muli %mul3A_262, %add3A_189 : i32
      %add3A_264 = arith.constant 4 : i32
      %add3A_265 = arith.addi %add3A_264, %mul3A_263 : i32
      %add3A_266 = arith.constant 2 : i32
      %add3A_267 = arith.addi %add3A_265, %add3A_266 : i32
      %dma_wait3A_268 = arith.constant 0 : i32
      %dma_wait3A_269 = arith.constant 0 : i32
      %dma_wait3A_270 = tpu.memref_slice %arg21[%dma_wait3A_268, %dma_wait3A_269] : memref<10000x128xf32, #tpu.memory_space<vmem_shared>> -> memref<10000x128xf32, #tpu.memory_space<vmem_shared>>
      tpu.wait_indirect_dma semaphore(%arg32 : memref<!tpu.dma_semaphore, #tpu.memory_space<semaphore_mem>>) src(%arg16 : memref<80x128xf32, #tpu.memory_space<vmem>>) dst(%dma_wait3A_270 : memref<10000x128xf32, #tpu.memory_space<vmem_shared>>)
      %dma_start3A_271 = arith.constant 0 : i32
      %dma_start3A_272 = tpu.memref_slice %arg3[%add3A, %add3A_267, %dma_start3A_271] : memref<32x125x80xi32, #tpu.memory_space<hbm>> -> memref<1x1x80xi32, #tpu.memory_space<hbm>>
      %dma_start3A_273 = tpu.memref_squeeze %dma_start3A_272 : memref<1x1x80xi32, #tpu.memory_space<hbm>> -> memref<80xi32, #tpu.memory_space<hbm>>
      %dma_start3A_274 = arith.constant 0 : i32
      %dma_start3A_275 = tpu.memref_slice %arg3[%add3A, %add3A_267, %dma_start3A_274] : memref<32x125x80xi32, #tpu.memory_space<hbm>> -> memref<1x1x80xi32, #tpu.memory_space<hbm>>
      %dma_start3A_276 = tpu.memref_squeeze %dma_start3A_275 : memref<1x1x80xi32, #tpu.memory_space<hbm>> -> memref<80xi32, #tpu.memory_space<hbm>>
      tpu.enqueue_dma source(%dma_start3A_276 : memref<80xi32, #tpu.memory_space<hbm>>) target(%arg13 : memref<80xi32, #tpu.memory_space<vmem>>) target_semaphore(%arg24 : memref<!tpu.dma_semaphore, #tpu.memory_space<semaphore_mem>>)
      %dma_wait3A_277 = arith.constant 0 : i32
      %dma_wait3A_278 = arith.constant 0 : i32
      %dma_wait3A_279 = tpu.memref_slice %arg3[%add3A, %dma_wait3A_277, %dma_wait3A_278] : memref<32x125x80xi32, #tpu.memory_space<hbm>> -> memref<1x1x80xi32, #tpu.memory_space<hbm>>
      %dma_wait3A_280 = tpu.memref_squeeze %dma_wait3A_279 : memref<1x1x80xi32, #tpu.memory_space<hbm>> -> memref<80xi32, #tpu.memory_space<hbm>>
      %dma_wait3A_281 = arith.constant 0 : i32
      %dma_wait3A_282 = tpu.memref_slice %arg3[%add3A, %dma_wait3A_277, %dma_wait3A_281] : memref<32x125x80xi32, #tpu.memory_space<hbm>> -> memref<1x1x80xi32, #tpu.memory_space<hbm>>
      %dma_wait3A_283 = tpu.memref_squeeze %dma_wait3A_282 : memref<1x1x80xi32, #tpu.memory_space<hbm>> -> memref<80xi32, #tpu.memory_space<hbm>>
      tpu.wait_dma2 semaphore(%arg23 : memref<!tpu.dma_semaphore, #tpu.memory_space<semaphore_mem>>) src(%dma_wait3A_283 : memref<80xi32, #tpu.memory_space<hbm>>) dst(%arg9 : memref<80xi32, #tpu.memory_space<vmem>>)
      %scan3A_284 = arith.constant 0 : i32
      %scan3A_285 = arith.constant 5 : i32
      %scan3A_286 = arith.addi %scan3A_284, %scan3A_285 : i32
      %scan3A_287 = arith.constant 1 : i32
      scf.for %scan3A_334 = %scan3A_284 to %scan3A_286 step %scan3A_287  : i32 {
        %mul3A_335 = arith.constant 16 : i32
        %mul3A_336 = arith.muli %scan3A_334, %mul3A_335 : i32
        %add3A_337 = arith.constant 0 : i32
        %add3A_338 = arith.addi %add3A_337, %mul3A_336 : i32
        %get3A = arith.index_cast %add3A_338 : i32 to index
        %get3A_339 = tpu.vector_load %arg9[%get3A] {strides = array<i32>} : memref<80xi32, #tpu.memory_space<vmem>>, vector<16xi32>,
        %get3A_340 = vector.shape_cast %get3A_339 : vector<16xi32> to vector<16xi32>
        %and3A = arith.constant 65535 : i32
        %and3A_341 = vector.broadcast %and3A : i32 to vector<16xi32>
        %and3A_342 = arith.andi %get3A_340, %and3A_341 : vector<16xi32>
        %swap3A = arith.index_cast %add3A_338 : i32 to index
        %swap3A_343 = tpu.vector_load %arg10[%swap3A] {strides = array<i32>} : memref<80xi32, #tpu.memory_space<vmem>>, vector<16xi32>,
        %swap3A_344 = vector.shape_cast %swap3A_343 : vector<16xi32> to vector<16xi32>
        %swap3A_345 = vector.shape_cast %and3A_342 : vector<16xi32> to vector<16xi32>
        tpu.vector_store %arg10[%swap3A], %swap3A_345 {strides = array<i32>} : memref<80xi32, #tpu.memory_space<vmem>>, vector<16xi32>,
        %shift_right_logical3A = arith.constant 16 : i32
        %shift_right_logical3A_346 = vector.broadcast %shift_right_logical3A : i32 to vector<16xi32>
        %shift_right_logical3A_347 = arith.shrui %get3A_340, %shift_right_logical3A_346 : vector<16xi32>
        %swap3A_348 = arith.index_cast %add3A_338 : i32 to index
        %swap3A_349 = tpu.vector_load %arg11[%swap3A_348] {strides = array<i32>} : memref<80xi32, #tpu.memory_space<vmem>>, vector<16xi32>,
        %swap3A_350 = vector.shape_cast %swap3A_349 : vector<16xi32> to vector<16xi32>
        %swap3A_351 = vector.shape_cast %shift_right_logical3A_347 : vector<16xi32> to vector<16xi32>
        tpu.vector_store %arg11[%swap3A_348], %swap3A_351 {strides = array<i32>} : memref<80xi32, #tpu.memory_space<vmem>>, vector<16xi32>,
      }
      %scan3A_288 = arith.constant 5 : i32
      %dma_start3A_289 = arith.constant 0 : i32
      %dma_start3A_290 = arith.constant 0 : i32
      %dma_start3A_291 = tpu.memref_slice %arg2[%dma_start3A_289, %dma_start3A_290] : memref<10000x128xf32, #tpu.memory_space<hbm>> -> memref<10000x128xf32, #tpu.memory_space<hbm>>
      tpu.enqueue_indirect_dma source(%dma_start3A_291 : memref<10000x128xf32, #tpu.memory_space<hbm>>) target(%arg12 : memref<80x128xf32, #tpu.memory_space<vmem>>) offsets(%arg10 : memref<80xi32, #tpu.memory_space<vmem>>) semaphore(%arg27 : memref<!tpu.dma_semaphore, #tpu.memory_space<semaphore_mem>>)
      %dma_wait3A_292 = arith.constant 0 : i32
      %dma_wait3A_293 = arith.constant 0 : i32
      %dma_wait3A_294 = tpu.memref_slice %arg2[%dma_wait3A_292, %dma_wait3A_293] : memref<10000x128xf32, #tpu.memory_space<hbm>> -> memref<10000x128xf32, #tpu.memory_space<hbm>>
      tpu.wait_indirect_dma semaphore(%arg29 : memref<!tpu.dma_semaphore, #tpu.memory_space<semaphore_mem>>) src(%dma_wait3A_294 : memref<10000x128xf32, #tpu.memory_space<hbm>>) dst(%arg20 : memref<80x128xf32, #tpu.memory_space<vmem>>)
      %dma_start3A_295 = arith.constant 0 : i32
      %dma_start3A_296 = arith.constant 0 : i32
      %dma_start3A_297 = tpu.memref_slice %arg21[%dma_start3A_295, %dma_start3A_296] : memref<10000x128xf32, #tpu.memory_space<vmem_shared>> -> memref<10000x128xf32, #tpu.memory_space<vmem_shared>>
      tpu.enqueue_indirect_dma source(%arg20 : memref<80x128xf32, #tpu.memory_space<vmem>>) target(%dma_start3A_297 : memref<10000x128xf32, #tpu.memory_space<vmem_shared>>) offsets(%arg19 : memref<80xi32, #tpu.memory_space<vmem>>) semaphore(%arg33 : memref<!tpu.dma_semaphore, #tpu.memory_space<semaphore_mem>>) {add = true}
      %mul3A_298 = arith.constant 4 : i32
      %mul3A_299 = arith.muli %mul3A_298, %add3A_189 : i32
      %add3A_300 = arith.constant 4 : i32
      %add3A_301 = arith.addi %add3A_300, %mul3A_299 : i32
      %add3A_302 = arith.constant 3 : i32
      %add3A_303 = arith.addi %add3A_301, %add3A_302 : i32
      %dma_wait3A_304 = arith.constant 0 : i32
      %dma_wait3A_305 = arith.constant 0 : i32
      %dma_wait3A_306 = tpu.memref_slice %arg21[%dma_wait3A_304, %dma_wait3A_305] : memref<10000x128xf32, #tpu.memory_space<vmem_shared>> -> memref<10000x128xf32, #tpu.memory_space<vmem_shared>>
      tpu.wait_indirect_dma semaphore(%arg33 : memref<!tpu.dma_semaphore, #tpu.memory_space<semaphore_mem>>) src(%arg20 : memref<80x128xf32, #tpu.memory_space<vmem>>) dst(%dma_wait3A_306 : memref<10000x128xf32, #tpu.memory_space<vmem_shared>>)
      %dma_start3A_307 = arith.constant 0 : i32
      %dma_start3A_308 = tpu.memref_slice %arg3[%add3A, %add3A_303, %dma_start3A_307] : memref<32x125x80xi32, #tpu.memory_space<hbm>> -> memref<1x1x80xi32, #tpu.memory_space<hbm>>
      %dma_start3A_309 = tpu.memref_squeeze %dma_start3A_308 : memref<1x1x80xi32, #tpu.memory_space<hbm>> -> memref<80xi32, #tpu.memory_space<hbm>>
      %dma_start3A_310 = arith.constant 0 : i32
      %dma_start3A_311 = tpu.memref_slice %arg3[%add3A, %add3A_303, %dma_start3A_310] : memref<32x125x80xi32, #tpu.memory_space<hbm>> -> memref<1x1x80xi32, #tpu.memory_space<hbm>>
      %dma_start3A_312 = tpu.memref_squeeze %dma_start3A_311 : memref<1x1x80xi32, #tpu.memory_space<hbm>> -> memref<80xi32, #tpu.memory_space<hbm>>
      tpu.enqueue_dma source(%dma_start3A_312 : memref<80xi32, #tpu.memory_space<hbm>>) target(%arg17 : memref<80xi32, #tpu.memory_space<vmem>>) target_semaphore(%arg25 : memref<!tpu.dma_semaphore, #tpu.memory_space<semaphore_mem>>)
      %dma_wait3A_313 = arith.constant 0 : i32
      %dma_wait3A_314 = arith.constant 0 : i32
      %dma_wait3A_315 = tpu.memref_slice %arg3[%add3A, %dma_wait3A_313, %dma_wait3A_314] : memref<32x125x80xi32, #tpu.memory_space<hbm>> -> memref<1x1x80xi32, #tpu.memory_space<hbm>>
      %dma_wait3A_316 = tpu.memref_squeeze %dma_wait3A_315 : memref<1x1x80xi32, #tpu.memory_space<hbm>> -> memref<80xi32, #tpu.memory_space<hbm>>
      %dma_wait3A_317 = arith.constant 0 : i32
      %dma_wait3A_318 = tpu.memref_slice %arg3[%add3A, %dma_wait3A_313, %dma_wait3A_317] : memref<32x125x80xi32, #tpu.memory_space<hbm>> -> memref<1x1x80xi32, #tpu.memory_space<hbm>>
      %dma_wait3A_319 = tpu.memref_squeeze %dma_wait3A_318 : memref<1x1x80xi32, #tpu.memory_space<hbm>> -> memref<80xi32, #tpu.memory_space<hbm>>
      tpu.wait_dma2 semaphore(%arg24 : memref<!tpu.dma_semaphore, #tpu.memory_space<semaphore_mem>>) src(%dma_wait3A_319 : memref<80xi32, #tpu.memory_space<hbm>>) dst(%arg13 : memref<80xi32, #tpu.memory_space<vmem>>)
      %scan3A_320 = arith.constant 0 : i32
      %scan3A_321 = arith.constant 5 : i32
      %scan3A_322 = arith.addi %scan3A_320, %scan3A_321 : i32
      %scan3A_323 = arith.constant 1 : i32
      scf.for %scan3A_334 = %scan3A_320 to %scan3A_322 step %scan3A_323  : i32 {
        %mul3A_335 = arith.constant 16 : i32
        %mul3A_336 = arith.muli %scan3A_334, %mul3A_335 : i32
        %add3A_337 = arith.constant 0 : i32
        %add3A_338 = arith.addi %add3A_337, %mul3A_336 : i32
        %get3A = arith.index_cast %add3A_338 : i32 to index
        %get3A_339 = tpu.vector_load %arg13[%get3A] {strides = array<i32>} : memref<80xi32, #tpu.memory_space<vmem>>, vector<16xi32>,
        %get3A_340 = vector.shape_cast %get3A_339 : vector<16xi32> to vector<16xi32>
        %and3A = arith.constant 65535 : i32
        %and3A_341 = vector.broadcast %and3A : i32 to vector<16xi32>
        %and3A_342 = arith.andi %get3A_340, %and3A_341 : vector<16xi32>
        %swap3A = arith.index_cast %add3A_338 : i32 to index
        %swap3A_343 = tpu.vector_load %arg14[%swap3A] {strides = array<i32>} : memref<80xi32, #tpu.memory_space<vmem>>, vector<16xi32>,
        %swap3A_344 = vector.shape_cast %swap3A_343 : vector<16xi32> to vector<16xi32>
        %swap3A_345 = vector.shape_cast %and3A_342 : vector<16xi32> to vector<16xi32>
        tpu.vector_store %arg14[%swap3A], %swap3A_345 {strides = array<i32>} : memref<80xi32, #tpu.memory_space<vmem>>, vector<16xi32>,
        %shift_right_logical3A = arith.constant 16 : i32
        %shift_right_logical3A_346 = vector.broadcast %shift_right_logical3A : i32 to vector<16xi32>
        %shift_right_logical3A_347 = arith.shrui %get3A_340, %shift_right_logical3A_346 : vector<16xi32>
        %swap3A_348 = arith.index_cast %add3A_338 : i32 to index
        %swap3A_349 = tpu.vector_load %arg15[%swap3A_348] {strides = array<i32>} : memref<80xi32, #tpu.memory_space<vmem>>, vector<16xi32>,
        %swap3A_350 = vector.shape_cast %swap3A_349 : vector<16xi32> to vector<16xi32>
        %swap3A_351 = vector.shape_cast %shift_right_logical3A_347 : vector<16xi32> to vector<16xi32>
        tpu.vector_store %arg15[%swap3A_348], %swap3A_351 {strides = array<i32>} : memref<80xi32, #tpu.memory_space<vmem>>, vector<16xi32>,
      }
      %scan3A_324 = arith.constant 5 : i32
      %dma_start3A_325 = arith.constant 0 : i32
      %dma_start3A_326 = arith.constant 0 : i32
      %dma_start3A_327 = tpu.memref_slice %arg2[%dma_start3A_325, %dma_start3A_326] : memref<10000x128xf32, #tpu.memory_space<hbm>> -> memref<10000x128xf32, #tpu.memory_space<hbm>>
      tpu.enqueue_indirect_dma source(%dma_start3A_327 : memref<10000x128xf32, #tpu.memory_space<hbm>>) target(%arg16 : memref<80x128xf32, #tpu.memory_space<vmem>>) offsets(%arg14 : memref<80xi32, #tpu.memory_space<vmem>>) semaphore(%arg28 : memref<!tpu.dma_semaphore, #tpu.memory_space<semaphore_mem>>)
      %dma_wait3A_328 = arith.constant 0 : i32
      %dma_wait3A_329 = arith.constant 0 : i32
      %dma_wait3A_330 = tpu.memref_slice %arg2[%dma_wait3A_328, %dma_wait3A_329] : memref<10000x128xf32, #tpu.memory_space<hbm>> -> memref<10000x128xf32, #tpu.memory_space<hbm>>
      tpu.wait_indirect_dma semaphore(%arg26 : memref<!tpu.dma_semaphore, #tpu.memory_space<semaphore_mem>>) src(%dma_wait3A_330 : memref<10000x128xf32, #tpu.memory_space<hbm>>) dst(%arg8 : memref<80x128xf32, #tpu.memory_space<vmem>>)
      %dma_start3A_331 = arith.constant 0 : i32
      %dma_start3A_332 = arith.constant 0 : i32
      %dma_start3A_333 = tpu.memref_slice %arg21[%dma_start3A_331, %dma_start3A_332] : memref<10000x128xf32, #tpu.memory_space<vmem_shared>> -> memref<10000x128xf32, #tpu.memory_space<vmem_shared>>
      tpu.enqueue_indirect_dma source(%arg8 : memref<80x128xf32, #tpu.memory_space<vmem>>) target(%dma_start3A_333 : memref<10000x128xf32, #tpu.memory_space<vmem_shared>>) offsets(%arg7 : memref<80xi32, #tpu.memory_space<vmem>>) semaphore(%arg30 : memref<!tpu.dma_semaphore, #tpu.memory_space<semaphore_mem>>) {add = true}
    }
    %scan3A_96 = arith.constant 30 : i32
    %dma_wait3A_97 = arith.constant 0 : i32
    %dma_wait3A_98 = arith.constant 0 : i32
    %dma_wait3A_99 = tpu.memref_slice %arg21[%dma_wait3A_97, %dma_wait3A_98] : memref<10000x128xf32, #tpu.memory_space<vmem_shared>> -> memref<10000x128xf32, #tpu.memory_space<vmem_shared>>
    tpu.wait_indirect_dma semaphore(%arg30 : memref<!tpu.dma_semaphore, #tpu.memory_space<semaphore_mem>>) src(%arg8 : memref<80x128xf32, #tpu.memory_space<vmem>>) dst(%dma_wait3A_99 : memref<10000x128xf32, #tpu.memory_space<vmem_shared>>)
    %dma_start3A_100 = arith.constant 124 : i32
    %dma_start3A_101 = arith.constant 0 : i32
    %dma_start3A_102 = tpu.memref_slice %arg3[%add3A, %dma_start3A_100, %dma_start3A_101] : memref<32x125x80xi32, #tpu.memory_space<hbm>> -> memref<1x1x80xi32, #tpu.memory_space<hbm>>
    %dma_start3A_103 = tpu.memref_squeeze %dma_start3A_102 : memref<1x1x80xi32, #tpu.memory_space<hbm>> -> memref<80xi32, #tpu.memory_space<hbm>>
    %dma_start3A_104 = arith.constant 0 : i32
    %dma_start3A_105 = tpu.memref_slice %arg3[%add3A, %dma_start3A_100, %dma_start3A_104] : memref<32x125x80xi32, #tpu.memory_space<hbm>> -> memref<1x1x80xi32, #tpu.memory_space<hbm>>
    %dma_start3A_106 = tpu.memref_squeeze %dma_start3A_105 : memref<1x1x80xi32, #tpu.memory_space<hbm>> -> memref<80xi32, #tpu.memory_space<hbm>>
    tpu.enqueue_dma source(%dma_start3A_106 : memref<80xi32, #tpu.memory_space<hbm>>) target(%arg5 : memref<80xi32, #tpu.memory_space<vmem>>) target_semaphore(%arg22 : memref<!tpu.dma_semaphore, #tpu.memory_space<semaphore_mem>>)
    %dma_wait3A_107 = arith.constant 0 : i32
    %dma_wait3A_108 = arith.constant 0 : i32
    %dma_wait3A_109 = tpu.memref_slice %arg3[%add3A, %dma_wait3A_107, %dma_wait3A_108] : memref<32x125x80xi32, #tpu.memory_space<hbm>> -> memref<1x1x80xi32, #tpu.memory_space<hbm>>
    %dma_wait3A_110 = tpu.memref_squeeze %dma_wait3A_109 : memref<1x1x80xi32, #tpu.memory_space<hbm>> -> memref<80xi32, #tpu.memory_space<hbm>>
    %dma_wait3A_111 = arith.constant 0 : i32
    %dma_wait3A_112 = tpu.memref_slice %arg3[%add3A, %dma_wait3A_107, %dma_wait3A_111] : memref<32x125x80xi32, #tpu.memory_space<hbm>> -> memref<1x1x80xi32, #tpu.memory_space<hbm>>
    %dma_wait3A_113 = tpu.memref_squeeze %dma_wait3A_112 : memref<1x1x80xi32, #tpu.memory_space<hbm>> -> memref<80xi32, #tpu.memory_space<hbm>>
    tpu.wait_dma2 semaphore(%arg25 : memref<!tpu.dma_semaphore, #tpu.memory_space<semaphore_mem>>) src(%dma_wait3A_113 : memref<80xi32, #tpu.memory_space<hbm>>) dst(%arg17 : memref<80xi32, #tpu.memory_space<vmem>>)
    %scan3A_114 = arith.constant 0 : i32
    %scan3A_115 = arith.constant 5 : i32
    %scan3A_116 = arith.addi %scan3A_114, %scan3A_115 : i32
    %scan3A_117 = arith.constant 1 : i32
    scf.for %scan3A_185 = %scan3A_114 to %scan3A_116 step %scan3A_117  : i32 {
      %mul3A_186 = arith.constant 16 : i32
      %mul3A_187 = arith.muli %scan3A_185, %mul3A_186 : i32
      %add3A_188 = arith.constant 0 : i32
      %add3A_189 = arith.addi %add3A_188, %mul3A_187 : i32
      %get3A = arith.index_cast %add3A_189 : i32 to index
      %get3A_190 = tpu.vector_load %arg17[%get3A] {strides = array<i32>} : memref<80xi32, #tpu.memory_space<vmem>>, vector<16xi32>,
      %get3A_191 = vector.shape_cast %get3A_190 : vector<16xi32> to vector<16xi32>
      %and3A = arith.constant 65535 : i32
      %and3A_192 = vector.broadcast %and3A : i32 to vector<16xi32>
      %and3A_193 = arith.andi %get3A_191, %and3A_192 : vector<16xi32>
      %swap3A = arith.index_cast %add3A_189 : i32 to index
      %swap3A_194 = tpu.vector_load %arg18[%swap3A] {strides = array<i32>} : memref<80xi32, #tpu.memory_space<vmem>>, vector<16xi32>,
      %swap3A_195 = vector.shape_cast %swap3A_194 : vector<16xi32> to vector<16xi32>
      %swap3A_196 = vector.shape_cast %and3A_193 : vector<16xi32> to vector<16xi32>
      tpu.vector_store %arg18[%swap3A], %swap3A_196 {strides = array<i32>} : memref<80xi32, #tpu.memory_space<vmem>>, vector<16xi32>,
      %shift_right_logical3A = arith.constant 16 : i32
      %shift_right_logical3A_197 = vector.broadcast %shift_right_logical3A : i32 to vector<16xi32>
      %shift_right_logical3A_198 = arith.shrui %get3A_191, %shift_right_logical3A_197 : vector<16xi32>
      %swap3A_199 = arith.index_cast %add3A_189 : i32 to index
      %swap3A_200 = tpu.vector_load %arg19[%swap3A_199] {strides = array<i32>} : memref<80xi32, #tpu.memory_space<vmem>>, vector<16xi32>,
      %swap3A_201 = vector.shape_cast %swap3A_200 : vector<16xi32> to vector<16xi32>
      %swap3A_202 = vector.shape_cast %shift_right_logical3A_198 : vector<16xi32> to vector<16xi32>
      tpu.vector_store %arg19[%swap3A_199], %swap3A_202 {strides = array<i32>} : memref<80xi32, #tpu.memory_space<vmem>>, vector<16xi32>,
    }
    %scan3A_118 = arith.constant 5 : i32
    %dma_start3A_119 = arith.constant 0 : i32
    %dma_start3A_120 = arith.constant 0 : i32
    %dma_start3A_121 = tpu.memref_slice %arg2[%dma_start3A_119, %dma_start3A_120] : memref<10000x128xf32, #tpu.memory_space<hbm>> -> memref<10000x128xf32, #tpu.memory_space<hbm>>
    tpu.enqueue_indirect_dma source(%dma_start3A_121 : memref<10000x128xf32, #tpu.memory_space<hbm>>) target(%arg20 : memref<80x128xf32, #tpu.memory_space<vmem>>) offsets(%arg18 : memref<80xi32, #tpu.memory_space<vmem>>) semaphore(%arg29 : memref<!tpu.dma_semaphore, #tpu.memory_space<semaphore_mem>>)
    %dma_wait3A_122 = arith.constant 0 : i32
    %dma_wait3A_123 = arith.constant 0 : i32
    %dma_wait3A_124 = tpu.memref_slice %arg2[%dma_wait3A_122, %dma_wait3A_123] : memref<10000x128xf32, #tpu.memory_space<hbm>> -> memref<10000x128xf32, #tpu.memory_space<hbm>>
    tpu.wait_indirect_dma semaphore(%arg27 : memref<!tpu.dma_semaphore, #tpu.memory_space<semaphore_mem>>) src(%dma_wait3A_124 : memref<10000x128xf32, #tpu.memory_space<hbm>>) dst(%arg12 : memref<80x128xf32, #tpu.memory_space<vmem>>)
    %dma_start3A_125 = arith.constant 0 : i32
    %dma_start3A_126 = arith.constant 0 : i32
    %dma_start3A_127 = tpu.memref_slice %arg21[%dma_start3A_125, %dma_start3A_126] : memref<10000x128xf32, #tpu.memory_space<vmem_shared>> -> memref<10000x128xf32, #tpu.memory_space<vmem_shared>>
    tpu.enqueue_indirect_dma source(%arg12 : memref<80x128xf32, #tpu.memory_space<vmem>>) target(%dma_start3A_127 : memref<10000x128xf32, #tpu.memory_space<vmem_shared>>) offsets(%arg11 : memref<80xi32, #tpu.memory_space<vmem>>) semaphore(%arg31 : memref<!tpu.dma_semaphore, #tpu.memory_space<semaphore_mem>>) {add = true}
    %dma_wait3A_128 = arith.constant 0 : i32
    %dma_wait3A_129 = arith.constant 0 : i32
    %dma_wait3A_130 = tpu.memref_slice %arg3[%add3A, %dma_wait3A_128, %dma_wait3A_129] : memref<32x125x80xi32, #tpu.memory_space<hbm>> -> memref<1x1x80xi32, #tpu.memory_space<hbm>>
    %dma_wait3A_131 = tpu.memref_squeeze %dma_wait3A_130 : memref<1x1x80xi32, #tpu.memory_space<hbm>> -> memref<80xi32, #tpu.memory_space<hbm>>
    %dma_wait3A_132 = arith.constant 0 : i32
    %dma_wait3A_133 = tpu.memref_slice %arg3[%add3A, %dma_wait3A_128, %dma_wait3A_132] : memref<32x125x80xi32, #tpu.memory_space<hbm>> -> memref<1x1x80xi32, #tpu.memory_space<hbm>>
    %dma_wait3A_134 = tpu.memref_squeeze %dma_wait3A_133 : memref<1x1x80xi32, #tpu.memory_space<hbm>> -> memref<80xi32, #tpu.memory_space<hbm>>
    tpu.wait_dma2 semaphore(%arg22 : memref<!tpu.dma_semaphore, #tpu.memory_space<semaphore_mem>>) src(%dma_wait3A_134 : memref<80xi32, #tpu.memory_space<hbm>>) dst(%arg5 : memref<80xi32, #tpu.memory_space<vmem>>)
    %scan3A_135 = arith.constant 0 : i32
    %scan3A_136 = arith.constant 5 : i32
    %scan3A_137 = arith.addi %scan3A_135, %scan3A_136 : i32
    %scan3A_138 = arith.constant 1 : i32
    scf.for %scan3A_185 = %scan3A_135 to %scan3A_137 step %scan3A_138  : i32 {
      %mul3A_186 = arith.constant 16 : i32
      %mul3A_187 = arith.muli %scan3A_185, %mul3A_186 : i32
      %add3A_188 = arith.constant 0 : i32
      %add3A_189 = arith.addi %add3A_188, %mul3A_187 : i32
      %get3A = arith.index_cast %add3A_189 : i32 to index
      %get3A_190 = tpu.vector_load %arg5[%get3A] {strides = array<i32>} : memref<80xi32, #tpu.memory_space<vmem>>, vector<16xi32>,
      %get3A_191 = vector.shape_cast %get3A_190 : vector<16xi32> to vector<16xi32>
      %and3A = arith.constant 65535 : i32
      %and3A_192 = vector.broadcast %and3A : i32 to vector<16xi32>
      %and3A_193 = arith.andi %get3A_191, %and3A_192 : vector<16xi32>
      %swap3A = arith.index_cast %add3A_189 : i32 to index
      %swap3A_194 = tpu.vector_load %arg6[%swap3A] {strides = array<i32>} : memref<80xi32, #tpu.memory_space<vmem>>, vector<16xi32>,
      %swap3A_195 = vector.shape_cast %swap3A_194 : vector<16xi32> to vector<16xi32>
      %swap3A_196 = vector.shape_cast %and3A_193 : vector<16xi32> to vector<16xi32>
      tpu.vector_store %arg6[%swap3A], %swap3A_196 {strides = array<i32>} : memref<80xi32, #tpu.memory_space<vmem>>, vector<16xi32>,
      %shift_right_logical3A = arith.constant 16 : i32
      %shift_right_logical3A_197 = vector.broadcast %shift_right_logical3A : i32 to vector<16xi32>
      %shift_right_logical3A_198 = arith.shrui %get3A_191, %shift_right_logical3A_197 : vector<16xi32>
      %swap3A_199 = arith.index_cast %add3A_189 : i32 to index
      %swap3A_200 = tpu.vector_load %arg7[%swap3A_199] {strides = array<i32>} : memref<80xi32, #tpu.memory_space<vmem>>, vector<16xi32>,
      %swap3A_201 = vector.shape_cast %swap3A_200 : vector<16xi32> to vector<16xi32>
      %swap3A_202 = vector.shape_cast %shift_right_logical3A_198 : vector<16xi32> to vector<16xi32>
      tpu.vector_store %arg7[%swap3A_199], %swap3A_202 {strides = array<i32>} : memref<80xi32, #tpu.memory_space<vmem>>, vector<16xi32>,
    }
    %scan3A_139 = arith.constant 5 : i32
    %dma_start3A_140 = arith.constant 0 : i32
    %dma_start3A_141 = arith.constant 0 : i32
    %dma_start3A_142 = tpu.memref_slice %arg2[%dma_start3A_140, %dma_start3A_141] : memref<10000x128xf32, #tpu.memory_space<hbm>> -> memref<10000x128xf32, #tpu.memory_space<hbm>>
    tpu.enqueue_indirect_dma source(%dma_start3A_142 : memref<10000x128xf32, #tpu.memory_space<hbm>>) target(%arg8 : memref<80x128xf32, #tpu.memory_space<vmem>>) offsets(%arg6 : memref<80xi32, #tpu.memory_space<vmem>>) semaphore(%arg26 : memref<!tpu.dma_semaphore, #tpu.memory_space<semaphore_mem>>)
    %dma_wait3A_143 = arith.constant 0 : i32
    %dma_wait3A_144 = arith.constant 0 : i32
    %dma_wait3A_145 = tpu.memref_slice %arg2[%dma_wait3A_143, %dma_wait3A_144] : memref<10000x128xf32, #tpu.memory_space<hbm>> -> memref<10000x128xf32, #tpu.memory_space<hbm>>
    tpu.wait_indirect_dma semaphore(%arg28 : memref<!tpu.dma_semaphore, #tpu.memory_space<semaphore_mem>>) src(%dma_wait3A_145 : memref<10000x128xf32, #tpu.memory_space<hbm>>) dst(%arg16 : memref<80x128xf32, #tpu.memory_space<vmem>>)
    %dma_start3A_146 = arith.constant 0 : i32
    %dma_start3A_147 = arith.constant 0 : i32
    %dma_start3A_148 = tpu.memref_slice %arg21[%dma_start3A_146, %dma_start3A_147] : memref<10000x128xf32, #tpu.memory_space<vmem_shared>> -> memref<10000x128xf32, #tpu.memory_space<vmem_shared>>
    tpu.enqueue_indirect_dma source(%arg16 : memref<80x128xf32, #tpu.memory_space<vmem>>) target(%dma_start3A_148 : memref<10000x128xf32, #tpu.memory_space<vmem_shared>>) offsets(%arg15 : memref<80xi32, #tpu.memory_space<vmem>>) semaphore(%arg32 : memref<!tpu.dma_semaphore, #tpu.memory_space<semaphore_mem>>) {add = true}
    %dma_wait3A_149 = arith.constant 0 : i32
    %dma_wait3A_150 = arith.constant 0 : i32
    %dma_wait3A_151 = tpu.memref_slice %arg2[%dma_wait3A_149, %dma_wait3A_150] : memref<10000x128xf32, #tpu.memory_space<hbm>> -> memref<10000x128xf32, #tpu.memory_space<hbm>>
    tpu.wait_indirect_dma semaphore(%arg29 : memref<!tpu.dma_semaphore, #tpu.memory_space<semaphore_mem>>) src(%dma_wait3A_151 : memref<10000x128xf32, #tpu.memory_space<hbm>>) dst(%arg20 : memref<80x128xf32, #tpu.memory_space<vmem>>)
    %dma_start3A_152 = arith.constant 0 : i32
    %dma_start3A_153 = arith.constant 0 : i32
    %dma_start3A_154 = tpu.memref_slice %arg21[%dma_start3A_152, %dma_start3A_153] : memref<10000x128xf32, #tpu.memory_space<vmem_shared>> -> memref<10000x128xf32, #tpu.memory_space<vmem_shared>>
    tpu.enqueue_indirect_dma source(%arg20 : memref<80x128xf32, #tpu.memory_space<vmem>>) target(%dma_start3A_154 : memref<10000x128xf32, #tpu.memory_space<vmem_shared>>) offsets(%arg19 : memref<80xi32, #tpu.memory_space<vmem>>) semaphore(%arg33 : memref<!tpu.dma_semaphore, #tpu.memory_space<semaphore_mem>>) {add = true}
    %dma_wait3A_155 = arith.constant 0 : i32
    %dma_wait3A_156 = arith.constant 0 : i32
    %dma_wait3A_157 = tpu.memref_slice %arg2[%dma_wait3A_155, %dma_wait3A_156] : memref<10000x128xf32, #tpu.memory_space<hbm>> -> memref<10000x128xf32, #tpu.memory_space<hbm>>
    tpu.wait_indirect_dma semaphore(%arg26 : memref<!tpu.dma_semaphore, #tpu.memory_space<semaphore_mem>>) src(%dma_wait3A_157 : memref<10000x128xf32, #tpu.memory_space<hbm>>) dst(%arg8 : memref<80x128xf32, #tpu.memory_space<vmem>>)
    %dma_start3A_158 = arith.constant 0 : i32
    %dma_start3A_159 = arith.constant 0 : i32
    %dma_start3A_160 = tpu.memref_slice %arg21[%dma_start3A_158, %dma_start3A_159] : memref<10000x128xf32, #tpu.memory_space<vmem_shared>> -> memref<10000x128xf32, #tpu.memory_space<vmem_shared>>
    tpu.enqueue_indirect_dma source(%arg8 : memref<80x128xf32, #tpu.memory_space<vmem>>) target(%dma_start3A_160 : memref<10000x128xf32, #tpu.memory_space<vmem_shared>>) offsets(%arg7 : memref<80xi32, #tpu.memory_space<vmem>>) semaphore(%arg30 : memref<!tpu.dma_semaphore, #tpu.memory_space<semaphore_mem>>) {add = true}
    %dma_wait3A_161 = arith.constant 0 : i32
    %dma_wait3A_162 = arith.constant 0 : i32
    %dma_wait3A_163 = tpu.memref_slice %arg21[%dma_wait3A_161, %dma_wait3A_162] : memref<10000x128xf32, #tpu.memory_space<vmem_shared>> -> memref<10000x128xf32, #tpu.memory_space<vmem_shared>>
    tpu.wait_indirect_dma semaphore(%arg30 : memref<!tpu.dma_semaphore, #tpu.memory_space<semaphore_mem>>) src(%arg8 : memref<80x128xf32, #tpu.memory_space<vmem>>) dst(%dma_wait3A_163 : memref<10000x128xf32, #tpu.memory_space<vmem_shared>>)
    %dma_wait3A_164 = arith.constant 0 : i32
    %dma_wait3A_165 = arith.constant 0 : i32
    %dma_wait3A_166 = tpu.memref_slice %arg21[%dma_wait3A_164, %dma_wait3A_165] : memref<10000x128xf32, #tpu.memory_space<vmem_shared>> -> memref<10000x128xf32, #tpu.memory_space<vmem_shared>>
    tpu.wait_indirect_dma semaphore(%arg31 : memref<!tpu.dma_semaphore, #tpu.memory_space<semaphore_mem>>) src(%arg12 : memref<80x128xf32, #tpu.memory_space<vmem>>) dst(%dma_wait3A_166 : memref<10000x128xf32, #tpu.memory_space<vmem_shared>>)
    %dma_wait3A_167 = arith.constant 0 : i32
    %dma_wait3A_168 = arith.constant 0 : i32
    %dma_wait3A_169 = tpu.memref_slice %arg21[%dma_wait3A_167, %dma_wait3A_168] : memref<10000x128xf32, #tpu.memory_space<vmem_shared>> -> memref<10000x128xf32, #tpu.memory_space<vmem_shared>>
    tpu.wait_indirect_dma semaphore(%arg32 : memref<!tpu.dma_semaphore, #tpu.memory_space<semaphore_mem>>) src(%arg16 : memref<80x128xf32, #tpu.memory_space<vmem>>) dst(%dma_wait3A_169 : memref<10000x128xf32, #tpu.memory_space<vmem_shared>>)
    %dma_wait3A_170 = arith.constant 0 : i32
    %dma_wait3A_171 = arith.constant 0 : i32
    %dma_wait3A_172 = tpu.memref_slice %arg21[%dma_wait3A_170, %dma_wait3A_171] : memref<10000x128xf32, #tpu.memory_space<vmem_shared>> -> memref<10000x128xf32, #tpu.memory_space<vmem_shared>>
    tpu.wait_indirect_dma semaphore(%arg33 : memref<!tpu.dma_semaphore, #tpu.memory_space<semaphore_mem>>) src(%arg20 : memref<80x128xf32, #tpu.memory_space<vmem>>) dst(%dma_wait3A_172 : memref<10000x128xf32, #tpu.memory_space<vmem_shared>>)
    %barrier3A_173 = arith.constant 0 : index
    tpu.barrier barrier_id(%barrier3A_173)
    %scan3A_174 = arith.constant 0 : i32
    %scan3A_175 = arith.constant 7 : i32
    %scan3A_176 = arith.addi %scan3A_174, %scan3A_175 : i32
    %scan3A_177 = arith.constant 1 : i32
    scf.for %scan3A_185 = %scan3A_174 to %scan3A_176 step %scan3A_177  : i32 {
      %mul3A_186 = arith.constant 80 : i32
      %mul3A_187 = arith.muli %scan3A_185, %mul3A_186 : i32
      %add3A_188 = arith.constant 0 : i32
      %add3A_189 = arith.addi %add3A_188, %mul3A_187 : i32
      %mul3A_190 = arith.constant 625 : i32
      %mul3A_191 = arith.muli %arg1, %mul3A_190 : i32
      %add3A_192 = arith.addi %mul3A_191, %add3A_189 : i32
      "tpu.region"() ({
        %run_scoped3A = tpu.sem_alloc : memref<!tpu.dma_semaphore, #tpu.memory_space<semaphore_mem>>
        %dma_start3A_193 = arith.constant 0 : i32
        %dma_start3A_194 = tpu.memref_slice %arg21[%add3A_192, %dma_start3A_193] : memref<10000x128xf32, #tpu.memory_space<vmem_shared>> -> memref<80x128xf32, #tpu.memory_space<vmem_shared>>
        %dma_start3A_195 = arith.constant 0 : i32
        %dma_start3A_196 = tpu.memref_slice %arg21[%add3A_192, %dma_start3A_195] : memref<10000x128xf32, #tpu.memory_space<vmem_shared>> -> memref<80x128xf32, #tpu.memory_space<vmem_shared>>
        tpu.enqueue_dma source(%dma_start3A_196 : memref<80x128xf32, #tpu.memory_space<vmem_shared>>) target(%arg8 : memref<80x128xf32, #tpu.memory_space<vmem>>) target_semaphore(%run_scoped3A : memref<!tpu.dma_semaphore, #tpu.memory_space<semaphore_mem>>)
        %dma_wait3A_197 = arith.constant 0 : i32
        %dma_wait3A_198 = tpu.memref_slice %arg21[%add3A_192, %dma_wait3A_197] : memref<10000x128xf32, #tpu.memory_space<vmem_shared>> -> memref<80x128xf32, #tpu.memory_space<vmem_shared>>
        %dma_wait3A_199 = arith.constant 0 : i32
        %dma_wait3A_200 = tpu.memref_slice %arg21[%add3A_192, %dma_wait3A_199] : memref<10000x128xf32, #tpu.memory_space<vmem_shared>> -> memref<80x128xf32, #tpu.memory_space<vmem_shared>>
        tpu.wait_dma2 semaphore(%run_scoped3A : memref<!tpu.dma_semaphore, #tpu.memory_space<semaphore_mem>>) src(%dma_wait3A_200 : memref<80x128xf32, #tpu.memory_space<vmem_shared>>) dst(%arg8 : memref<80x128xf32, #tpu.memory_space<vmem>>)
        tpu.yield
      }) : () -> ()
      "tpu.region"() ({
        %run_scoped3A = tpu.sem_alloc : memref<!tpu.dma_semaphore, #tpu.memory_space<semaphore_mem>>
        %dma_start3A_193 = arith.constant 0 : i32
        %dma_start3A_194 = tpu.memref_slice %arg4[%arg0, %add3A_192, %dma_start3A_193] : memref<2x10000x128xf32, #tpu.memory_space<hbm>> -> memref<1x80x128xf32, #tpu.memory_space<hbm>>
        %dma_start3A_195 = tpu.memref_squeeze %dma_start3A_194 : memref<1x80x128xf32, #tpu.memory_space<hbm>> -> memref<80x128xf32, #tpu.memory_space<hbm>>
        %dma_start3A_196 = arith.constant 0 : i32
        %dma_start3A_197 = tpu.memref_slice %arg4[%arg0, %add3A_192, %dma_start3A_196] : memref<2x10000x128xf32, #tpu.memory_space<hbm>> -> memref<1x80x128xf32, #tpu.memory_space<hbm>>
        %dma_start3A_198 = tpu.memref_squeeze %dma_start3A_197 : memref<1x80x128xf32, #tpu.memory_space<hbm>> -> memref<80x128xf32, #tpu.memory_space<hbm>>
        tpu.enqueue_dma source(%arg8 : memref<80x128xf32, #tpu.memory_space<vmem>>) target(%dma_start3A_198 : memref<80x128xf32, #tpu.memory_space<hbm>>) target_semaphore(%run_scoped3A : memref<!tpu.dma_semaphore, #tpu.memory_space<semaphore_mem>>)
        %dma_wait3A_199 = arith.constant 0 : i32
        %dma_wait3A_200 = tpu.memref_slice %arg4[%arg0, %add3A_192, %dma_wait3A_199] : memref<2x10000x128xf32, #tpu.memory_space<hbm>> -> memref<1x80x128xf32, #tpu.memory_space<hbm>>
        %dma_wait3A_201 = tpu.memref_squeeze %dma_wait3A_200 : memref<1x80x128xf32, #tpu.memory_space<hbm>> -> memref<80x128xf32, #tpu.memory_space<hbm>>
        %dma_wait3A_202 = arith.constant 0 : i32
        %dma_wait3A_203 = tpu.memref_slice %arg4[%arg0, %add3A_192, %dma_wait3A_202] : memref<2x10000x128xf32, #tpu.memory_space<hbm>> -> memref<1x80x128xf32, #tpu.memory_space<hbm>>
        %dma_wait3A_204 = tpu.memref_squeeze %dma_wait3A_203 : memref<1x80x128xf32, #tpu.memory_space<hbm>> -> memref<80x128xf32, #tpu.memory_space<hbm>>
        tpu.wait_dma2 semaphore(%run_scoped3A : memref<!tpu.dma_semaphore, #tpu.memory_space<semaphore_mem>>) src(%arg8 : memref<80x128xf32, #tpu.memory_space<vmem>>) dst(%dma_wait3A_204 : memref<80x128xf32, #tpu.memory_space<hbm>>)
        tpu.yield
      }) : () -> ()
    }
    %scan3A_178 = arith.constant 7 : i32
    %mul3A_179 = arith.constant 625 : i32
    %mul3A_180 = arith.muli %arg1, %mul3A_179 : i32
    %add3A_181 = arith.constant 625 : i32
    %add3A_182 = arith.addi %mul3A_180, %add3A_181 : i32
    %sub3A_183 = arith.constant 65 : i32
    %sub3A_184 = arith.subi %add3A_182, %sub3A_183 : i32
    "tpu.region"() ({
      %run_scoped3A = tpu.sem_alloc : memref<!tpu.dma_semaphore, #tpu.memory_space<semaphore_mem>>
      %dma_start3A_185 = arith.constant 0 : i32
      %dma_start3A_186 = arith.constant 0 : i32
      %dma_start3A_187 = tpu.memref_slice %arg8[%dma_start3A_185, %dma_start3A_186] : memref<80x128xf32, #tpu.memory_space<vmem>> -> memref<65x128xf32, #tpu.memory_space<vmem>>
      %dma_start3A_188 = arith.constant 0 : i32
      %dma_start3A_189 = tpu.memref_slice %arg21[%sub3A_184, %dma_start3A_188] : memref<10000x128xf32, #tpu.memory_space<vmem_shared>> -> memref<65x128xf32, #tpu.memory_space<vmem_shared>>
      %dma_start3A_190 = arith.constant 0 : i32
      %dma_start3A_191 = arith.constant 0 : i32
      %dma_start3A_192 = tpu.memref_slice %arg8[%dma_start3A_190, %dma_start3A_191] : memref<80x128xf32, #tpu.memory_space<vmem>> -> memref<65x128xf32, #tpu.memory_space<vmem>>
      %dma_start3A_193 = arith.constant 0 : i32
      %dma_start3A_194 = tpu.memref_slice %arg21[%sub3A_184, %dma_start3A_193] : memref<10000x128xf32, #tpu.memory_space<vmem_shared>> -> memref<65x128xf32, #tpu.memory_space<vmem_shared>>
      tpu.enqueue_dma source(%dma_start3A_194 : memref<65x128xf32, #tpu.memory_space<vmem_shared>>) target(%dma_start3A_192 : memref<65x128xf32, #tpu.memory_space<vmem>>) target_semaphore(%run_scoped3A : memref<!tpu.dma_semaphore, #tpu.memory_space<semaphore_mem>>)
      %dma_wait3A_195 = arith.constant 0 : i32
      %dma_wait3A_196 = arith.constant 0 : i32
      %dma_wait3A_197 = tpu.memref_slice %arg8[%dma_wait3A_195, %dma_wait3A_196] : memref<80x128xf32, #tpu.memory_space<vmem>> -> memref<65x128xf32, #tpu.memory_space<vmem>>
      %dma_wait3A_198 = arith.constant 0 : i32
      %dma_wait3A_199 = tpu.memref_slice %arg21[%sub3A_184, %dma_wait3A_198] : memref<10000x128xf32, #tpu.memory_space<vmem_shared>> -> memref<65x128xf32, #tpu.memory_space<vmem_shared>>
      %dma_wait3A_200 = arith.constant 0 : i32
      %dma_wait3A_201 = arith.constant 0 : i32
      %dma_wait3A_202 = tpu.memref_slice %arg8[%dma_wait3A_200, %dma_wait3A_201] : memref<80x128xf32, #tpu.memory_space<vmem>> -> memref<65x128xf32, #tpu.memory_space<vmem>>
      %dma_wait3A_203 = arith.constant 0 : i32
      %dma_wait3A_204 = tpu.memref_slice %arg21[%sub3A_184, %dma_wait3A_203] : memref<10000x128xf32, #tpu.memory_space<vmem_shared>> -> memref<65x128xf32, #tpu.memory_space<vmem_shared>>
      tpu.wait_dma2 semaphore(%run_scoped3A : memref<!tpu.dma_semaphore, #tpu.memory_space<semaphore_mem>>) src(%dma_wait3A_204 : memref<65x128xf32, #tpu.memory_space<vmem_shared>>) dst(%dma_wait3A_202 : memref<65x128xf32, #tpu.memory_space<vmem>>)
      tpu.yield
    }) : () -> ()
    "tpu.region"() ({
      %run_scoped3A = tpu.sem_alloc : memref<!tpu.dma_semaphore, #tpu.memory_space<semaphore_mem>>
      %dma_start3A_185 = arith.constant 0 : i32
      %dma_start3A_186 = arith.constant 0 : i32
      %dma_start3A_187 = tpu.memref_slice %arg8[%dma_start3A_185, %dma_start3A_186] : memref<80x128xf32, #tpu.memory_space<vmem>> -> memref<65x128xf32, #tpu.memory_space<vmem>>
      %dma_start3A_188 = arith.constant 0 : i32
      %dma_start3A_189 = tpu.memref_slice %arg4[%arg0, %sub3A_184, %dma_start3A_188] : memref<2x10000x128xf32, #tpu.memory_space<hbm>> -> memref<1x65x128xf32, #tpu.memory_space<hbm>>
      %dma_start3A_190 = tpu.memref_squeeze %dma_start3A_189 : memref<1x65x128xf32, #tpu.memory_space<hbm>> -> memref<65x128xf32, #tpu.memory_space<hbm>>
      %dma_start3A_191 = arith.constant 0 : i32
      %dma_start3A_192 = tpu.memref_slice %arg4[%arg0, %sub3A_184, %dma_start3A_191] : memref<2x10000x128xf32, #tpu.memory_space<hbm>> -> memref<1x65x128xf32, #tpu.memory_space<hbm>>
      %dma_start3A_193 = tpu.memref_squeeze %dma_start3A_192 : memref<1x65x128xf32, #tpu.memory_space<hbm>> -> memref<65x128xf32, #tpu.memory_space<hbm>>
      %dma_start3A_194 = arith.constant 0 : i32
      %dma_start3A_195 = arith.constant 0 : i32
      %dma_start3A_196 = tpu.memref_slice %arg8[%dma_start3A_194, %dma_start3A_195] : memref<80x128xf32, #tpu.memory_space<vmem>> -> memref<65x128xf32, #tpu.memory_space<vmem>>
      tpu.enqueue_dma source(%dma_start3A_196 : memref<65x128xf32, #tpu.memory_space<vmem>>) target(%dma_start3A_193 : memref<65x128xf32, #tpu.memory_space<hbm>>) target_semaphore(%run_scoped3A : memref<!tpu.dma_semaphore, #tpu.memory_space<semaphore_mem>>)
      %dma_wait3A_197 = arith.constant 0 : i32
      %dma_wait3A_198 = arith.constant 0 : i32
      %dma_wait3A_199 = tpu.memref_slice %arg8[%dma_wait3A_197, %dma_wait3A_198] : memref<80x128xf32, #tpu.memory_space<vmem>> -> memref<65x128xf32, #tpu.memory_space<vmem>>
      %dma_wait3A_200 = arith.constant 0 : i32
      %dma_wait3A_201 = tpu.memref_slice %arg4[%arg0, %sub3A_184, %dma_wait3A_200] : memref<2x10000x128xf32, #tpu.memory_space<hbm>> -> memref<1x65x128xf32, #tpu.memory_space<hbm>>
      %dma_wait3A_202 = tpu.memref_squeeze %dma_wait3A_201 : memref<1x65x128xf32, #tpu.memory_space<hbm>> -> memref<65x128xf32, #tpu.memory_space<hbm>>
      %dma_wait3A_203 = arith.constant 0 : i32
      %dma_wait3A_204 = tpu.memref_slice %arg4[%arg0, %sub3A_184, %dma_wait3A_203] : memref<2x10000x128xf32, #tpu.memory_space<hbm>> -> memref<1x65x128xf32, #tpu.memory_space<hbm>>
      %dma_wait3A_205 = tpu.memref_squeeze %dma_wait3A_204 : memref<1x65x128xf32, #tpu.memory_space<hbm>> -> memref<65x128xf32, #tpu.memory_space<hbm>>
      %dma_wait3A_206 = arith.constant 0 : i32
      %dma_wait3A_207 = arith.constant 0 : i32
      %dma_wait3A_208 = tpu.memref_slice %arg8[%dma_wait3A_206, %dma_wait3A_207] : memref<80x128xf32, #tpu.memory_space<vmem>> -> memref<65x128xf32, #tpu.memory_space<vmem>>
      tpu.wait_dma2 semaphore(%run_scoped3A : memref<!tpu.dma_semaphore, #tpu.memory_space<semaphore_mem>>) src(%dma_wait3A_208 : memref<65x128xf32, #tpu.memory_space<vmem>>) dst(%dma_wait3A_205 : memref<65x128xf32, #tpu.memory_space<hbm>>)
      tpu.yield
    }) : () -> ()
    return
  }
}

#map = affine_map<(d0, d1) -> (0, 0)>
#map1 = affine_map<(d0, d1) -> (0, 0, 0)>
module attributes {stable_mosaic.version = 14 : i64} {
  func.func @_sc_agg_body(%arg0: i32, %arg1: i32, %arg2: memref<10000x128xf32, #tpu.memory_space<hbm>>, %arg3: memref<32x125x80xi32, #tpu.memory_space<hbm>>, %arg4: memref<2x10000x128xf32, #tpu.memory_space<hbm>>, %arg5: memref<80xi32, #tpu.memory_space<vmem>>, %arg6: memref<80xi32, #tpu.memory_space<vmem>>, %arg7: memref<80xi32, #tpu.memory_space<vmem>>, %arg8: memref<80x128xf32, #tpu.memory_space<vmem>>, %arg9: memref<80xi32, #tpu.memory_space<vmem>>, %arg10: memref<80xi32, #tpu.memory_space<vmem>>, %arg11: memref<80xi32, #tpu.memory_space<vmem>>, %arg12: memref<80x128xf32, #tpu.memory_space<vmem>>, %arg13: memref<80xi32, #tpu.memory_space<vmem>>, %arg14: memref<80xi32, #tpu.memory_space<vmem>>, %arg15: memref<80xi32, #tpu.memory_space<vmem>>, %arg16: memref<80x128xf32, #tpu.memory_space<vmem>>, %arg17: memref<80xi32, #tpu.memory_space<vmem>>, %arg18: memref<80xi32, #tpu.memory_space<vmem>>, %arg19: memref<80xi32, #tpu.memory_space<vmem>>, %arg20: memref<80x128xf32, #tpu.memory_space<vmem>>, %arg21: memref<10000x128xf32, #tpu.memory_space<vmem_shared>>, %arg22: memref<!tpu.dma_semaphore, #tpu.memory_space<semaphore_mem>>, %arg23: memref<!tpu.dma_semaphore, #tpu.memory_space<semaphore_mem>>, %arg24: memref<!tpu.dma_semaphore, #tpu.memory_space<semaphore_mem>>, %arg25: memref<!tpu.dma_semaphore, #tpu.memory_space<semaphore_mem>>, %arg26: memref<!tpu.dma_semaphore, #tpu.memory_space<semaphore_mem>>, %arg27: memref<!tpu.dma_semaphore, #tpu.memory_space<semaphore_mem>>, %arg28: memref<!tpu.dma_semaphore, #tpu.memory_space<semaphore_mem>>, %arg29: memref<!tpu.dma_semaphore, #tpu.memory_space<semaphore_mem>>, %arg30: memref<!tpu.dma_semaphore, #tpu.memory_space<semaphore_mem>>, %arg31: memref<!tpu.dma_semaphore, #tpu.memory_space<semaphore_mem>>, %arg32: memref<!tpu.dma_semaphore, #tpu.memory_space<semaphore_mem>>, %arg33: memref<!tpu.dma_semaphore, #tpu.memory_space<semaphore_mem>>) attributes {dimension_semantics = [#tpu.dimension_semantics<core_parallel>, #tpu.dimension_semantics<subcore_parallel>], iteration_bounds = array<i64: 2, 16>, scalar_prefetch = 0 : i64, scratch_operands = 29 : i64, tpu.core_type = #tpu.core_type<sc_vector_subcore>, window_params = [{transform_indices = #map}, {transform_indices = #map1}, {transform_indices = #map1}]} {
    %mul3A = arith.constant 2 : i32
    %mul3A_0 = arith.muli %arg1, %mul3A : i32
    %add3A = arith.addi %mul3A_0, %arg0 : i32
    %scan3A = arith.constant 0 : i32
    %scan3A_1 = arith.constant 80 : i32
    %scan3A_2 = arith.addi %scan3A, %scan3A_1 : i32
    %scan3A_3 = arith.constant 1 : i32
    scf.for %scan3A_185 = %scan3A to %scan3A_2 step %scan3A_3  : i32 {
      %mul3A_186 = arith.constant 1 : i32
      %mul3A_187 = arith.muli %scan3A_185, %mul3A_186 : i32
      %add3A_188 = arith.constant 0 : i32
      %add3A_189 = arith.addi %add3A_188, %mul3A_187 : i32
      %scan3A_190 = arith.constant 0 : i32
      %scan3A_191 = arith.constant 8 : i32
      %scan3A_192 = arith.addi %scan3A_190, %scan3A_191 : i32
      %scan3A_193 = arith.constant 1 : i32
      scf.for %scan3A_195 = %scan3A_190 to %scan3A_192 step %scan3A_193  : i32 {
        %mul3A_196 = arith.constant 16 : i32
        %mul3A_197 = arith.muli %scan3A_195, %mul3A_196 : i32
        %add3A_198 = arith.constant 0 : i32
        %add3A_199 = arith.addi %add3A_198, %mul3A_197 : i32
        %broadcast_in_dim3A = arith.constant 0.000000e+00 : f32
        %broadcast_in_dim3A_200 = vector.broadcast %broadcast_in_dim3A : f32 to vector<16xf32>
        %swap3A = arith.index_cast %add3A_189 : i32 to index
        %swap3A_201 = arith.index_cast %add3A_199 : i32 to index
        %swap3A_202 = tpu.vector_load %arg8[%swap3A, %swap3A_201] {strides = array<i32>} : memref<80x128xf32, #tpu.memory_space<vmem>>, vector<1x16xf32>,
        %swap3A_203 = vector.shape_cast %swap3A_202 : vector<1x16xf32> to vector<16xf32>
        %swap3A_204 = vector.shape_cast %broadcast_in_dim3A_200 : vector<16xf32> to vector<1x16xf32>
        tpu.vector_store %arg8[%swap3A, %swap3A_201], %swap3A_204 {strides = array<i32>} : memref<80x128xf32, #tpu.memory_space<vmem>>, vector<1x16xf32>,
      }
      %scan3A_194 = arith.constant 8 : i32
    }
    %scan3A_4 = arith.constant 80 : i32
    %scan3A_5 = arith.constant 0 : i32
    %scan3A_6 = arith.constant 7 : i32
    %scan3A_7 = arith.addi %scan3A_5, %scan3A_6 : i32
    %scan3A_8 = arith.constant 1 : i32
    scf.for %scan3A_185 = %scan3A_5 to %scan3A_7 step %scan3A_8  : i32 {
      %mul3A_186 = arith.constant 80 : i32
      %mul3A_187 = arith.muli %scan3A_185, %mul3A_186 : i32
      %add3A_188 = arith.constant 0 : i32
      %add3A_189 = arith.addi %add3A_188, %mul3A_187 : i32
      %mul3A_190 = arith.constant 625 : i32
      %mul3A_191 = arith.muli %arg1, %mul3A_190 : i32
      %add3A_192 = arith.addi %mul3A_191, %add3A_189 : i32
      "tpu.region"() ({
        %run_scoped3A = tpu.sem_alloc : memref<!tpu.dma_semaphore, #tpu.memory_space<semaphore_mem>>
        %dma_start3A_193 = arith.constant 0 : i32
        %dma_start3A_194 = tpu.memref_slice %arg21[%add3A_192, %dma_start3A_193] : memref<10000x128xf32, #tpu.memory_space<vmem_shared>> -> memref<80x128xf32, #tpu.memory_space<vmem_shared>>
        %dma_start3A_195 = arith.constant 0 : i32
        %dma_start3A_196 = tpu.memref_slice %arg21[%add3A_192, %dma_start3A_195] : memref<10000x128xf32, #tpu.memory_space<vmem_shared>> -> memref<80x128xf32, #tpu.memory_space<vmem_shared>>
        tpu.enqueue_dma source(%arg8 : memref<80x128xf32, #tpu.memory_space<vmem>>) target(%dma_start3A_196 : memref<80x128xf32, #tpu.memory_space<vmem_shared>>) target_semaphore(%run_scoped3A : memref<!tpu.dma_semaphore, #tpu.memory_space<semaphore_mem>>)
        %dma_wait3A_197 = arith.constant 0 : i32
        %dma_wait3A_198 = tpu.memref_slice %arg21[%add3A_192, %dma_wait3A_197] : memref<10000x128xf32, #tpu.memory_space<vmem_shared>> -> memref<80x128xf32, #tpu.memory_space<vmem_shared>>
        %dma_wait3A_199 = arith.constant 0 : i32
        %dma_wait3A_200 = tpu.memref_slice %arg21[%add3A_192, %dma_wait3A_199] : memref<10000x128xf32, #tpu.memory_space<vmem_shared>> -> memref<80x128xf32, #tpu.memory_space<vmem_shared>>
        tpu.wait_dma2 semaphore(%run_scoped3A : memref<!tpu.dma_semaphore, #tpu.memory_space<semaphore_mem>>) src(%arg8 : memref<80x128xf32, #tpu.memory_space<vmem>>) dst(%dma_wait3A_200 : memref<80x128xf32, #tpu.memory_space<vmem_shared>>)
        tpu.yield
      }) : () -> ()
    }
    %scan3A_9 = arith.constant 7 : i32
    %mul3A_10 = arith.constant 625 : i32
    %mul3A_11 = arith.muli %arg1, %mul3A_10 : i32
    %add3A_12 = arith.constant 625 : i32
    %add3A_13 = arith.addi %mul3A_11, %add3A_12 : i32
    %sub3A = arith.constant 65 : i32
    %sub3A_14 = arith.subi %add3A_13, %sub3A : i32
    "tpu.region"() ({
      %run_scoped3A = tpu.sem_alloc : memref<!tpu.dma_semaphore, #tpu.memory_space<semaphore_mem>>
      %dma_start3A_185 = arith.constant 0 : i32
      %dma_start3A_186 = arith.constant 0 : i32
      %dma_start3A_187 = tpu.memref_slice %arg8[%dma_start3A_185, %dma_start3A_186] : memref<80x128xf32, #tpu.memory_space<vmem>> -> memref<65x128xf32, #tpu.memory_space<vmem>>
      %dma_start3A_188 = arith.constant 0 : i32
      %dma_start3A_189 = tpu.memref_slice %arg21[%sub3A_14, %dma_start3A_188] : memref<10000x128xf32, #tpu.memory_space<vmem_shared>> -> memref<65x128xf32, #tpu.memory_space<vmem_shared>>
      %dma_start3A_190 = arith.constant 0 : i32
      %dma_start3A_191 = tpu.memref_slice %arg21[%sub3A_14, %dma_start3A_190] : memref<10000x128xf32, #tpu.memory_space<vmem_shared>> -> memref<65x128xf32, #tpu.memory_space<vmem_shared>>
      %dma_start3A_192 = arith.constant 0 : i32
      %dma_start3A_193 = arith.constant 0 : i32
      %dma_start3A_194 = tpu.memref_slice %arg8[%dma_start3A_192, %dma_start3A_193] : memref<80x128xf32, #tpu.memory_space<vmem>> -> memref<65x128xf32, #tpu.memory_space<vmem>>
      tpu.enqueue_dma source(%dma_start3A_194 : memref<65x128xf32, #tpu.memory_space<vmem>>) target(%dma_start3A_191 : memref<65x128xf32, #tpu.memory_space<vmem_shared>>) target_semaphore(%run_scoped3A : memref<!tpu.dma_semaphore, #tpu.memory_space<semaphore_mem>>)
      %dma_wait3A_195 = arith.constant 0 : i32
      %dma_wait3A_196 = arith.constant 0 : i32
      %dma_wait3A_197 = tpu.memref_slice %arg8[%dma_wait3A_195, %dma_wait3A_196] : memref<80x128xf32, #tpu.memory_space<vmem>> -> memref<65x128xf32, #tpu.memory_space<vmem>>
      %dma_wait3A_198 = arith.constant 0 : i32
      %dma_wait3A_199 = tpu.memref_slice %arg21[%sub3A_14, %dma_wait3A_198] : memref<10000x128xf32, #tpu.memory_space<vmem_shared>> -> memref<65x128xf32, #tpu.memory_space<vmem_shared>>
      %dma_wait3A_200 = arith.constant 0 : i32
      %dma_wait3A_201 = tpu.memref_slice %arg21[%sub3A_14, %dma_wait3A_200] : memref<10000x128xf32, #tpu.memory_space<vmem_shared>> -> memref<65x128xf32, #tpu.memory_space<vmem_shared>>
      %dma_wait3A_202 = arith.constant 0 : i32
      %dma_wait3A_203 = arith.constant 0 : i32
      %dma_wait3A_204 = tpu.memref_slice %arg8[%dma_wait3A_202, %dma_wait3A_203] : memref<80x128xf32, #tpu.memory_space<vmem>> -> memref<65x128xf32, #tpu.memory_space<vmem>>
      tpu.wait_dma2 semaphore(%run_scoped3A : memref<!tpu.dma_semaphore, #tpu.memory_space<semaphore_mem>>) src(%dma_wait3A_204 : memref<65x128xf32, #tpu.memory_space<vmem>>) dst(%dma_wait3A_201 : memref<65x128xf32, #tpu.memory_space<vmem_shared>>)
      tpu.yield
    }) : () -> ()
    %barrier3A = arith.constant 0 : index
    tpu.barrier barrier_id(%barrier3A)
    %dma_start3A = arith.constant 0 : i32
    %dma_start3A_15 = arith.constant 0 : i32
    %dma_start3A_16 = tpu.memref_slice %arg3[%add3A, %dma_start3A, %dma_start3A_15] : memref<32x125x80xi32, #tpu.memory_space<hbm>> -> memref<1x1x80xi32, #tpu.memory_space<hbm>>
    %dma_start3A_17 = tpu.memref_squeeze %dma_start3A_16 : memref<1x1x80xi32, #tpu.memory_space<hbm>> -> memref<80xi32, #tpu.memory_space<hbm>>
    %dma_start3A_18 = arith.constant 0 : i32
    %dma_start3A_19 = tpu.memref_slice %arg3[%add3A, %dma_start3A, %dma_start3A_18] : memref<32x125x80xi32, #tpu.memory_space<hbm>> -> memref<1x1x80xi32, #tpu.memory_space<hbm>>
    %dma_start3A_20 = tpu.memref_squeeze %dma_start3A_19 : memref<1x1x80xi32, #tpu.memory_space<hbm>> -> memref<80xi32, #tpu.memory_space<hbm>>
    tpu.enqueue_dma source(%dma_start3A_20 : memref<80xi32, #tpu.memory_space<hbm>>) target(%arg5 : memref<80xi32, #tpu.memory_space<vmem>>) target_semaphore(%arg22 : memref<!tpu.dma_semaphore, #tpu.memory_space<semaphore_mem>>)
    %dma_start3A_21 = arith.constant 1 : i32
    %dma_start3A_22 = arith.constant 0 : i32
    %dma_start3A_23 = tpu.memref_slice %arg3[%add3A, %dma_start3A_21, %dma_start3A_22] : memref<32x125x80xi32, #tpu.memory_space<hbm>> -> memref<1x1x80xi32, #tpu.memory_space<hbm>>
    %dma_start3A_24 = tpu.memref_squeeze %dma_start3A_23 : memref<1x1x80xi32, #tpu.memory_space<hbm>> -> memref<80xi32, #tpu.memory_space<hbm>>
    %dma_start3A_25 = arith.constant 0 : i32
    %dma_start3A_26 = tpu.memref_slice %arg3[%add3A, %dma_start3A_21, %dma_start3A_25] : memref<32x125x80xi32, #tpu.memory_space<hbm>> -> memref<1x1x80xi32, #tpu.memory_space<hbm>>
    %dma_start3A_27 = tpu.memref_squeeze %dma_start3A_26 : memref<1x1x80xi32, #tpu.memory_space<hbm>> -> memref<80xi32, #tpu.memory_space<hbm>>
    tpu.enqueue_dma source(%dma_start3A_27 : memref<80xi32, #tpu.memory_space<hbm>>) target(%arg9 : memref<80xi32, #tpu.memory_space<vmem>>) target_semaphore(%arg23 : memref<!tpu.dma_semaphore, #tpu.memory_space<semaphore_mem>>)
    %dma_wait3A = arith.constant 0 : i32
    %dma_wait3A_28 = arith.constant 0 : i32
    %dma_wait3A_29 = tpu.memref_slice %arg3[%add3A, %dma_wait3A, %dma_wait3A_28] : memref<32x125x80xi32, #tpu.memory_space<hbm>> -> memref<1x1x80xi32, #tpu.memory_space<hbm>>
    %dma_wait3A_30 = tpu.memref_squeeze %dma_wait3A_29 : memref<1x1x80xi32, #tpu.memory_space<hbm>> -> memref<80xi32, #tpu.memory_space<hbm>>
    %dma_wait3A_31 = arith.constant 0 : i32
    %dma_wait3A_32 = tpu.memref_slice %arg3[%add3A, %dma_wait3A, %dma_wait3A_31] : memref<32x125x80xi32, #tpu.memory_space<hbm>> -> memref<1x1x80xi32, #tpu.memory_space<hbm>>
    %dma_wait3A_33 = tpu.memref_squeeze %dma_wait3A_32 : memref<1x1x80xi32, #tpu.memory_space<hbm>> -> memref<80xi32, #tpu.memory_space<hbm>>
    tpu.wait_dma2 semaphore(%arg22 : memref<!tpu.dma_semaphore, #tpu.memory_space<semaphore_mem>>) src(%dma_wait3A_33 : memref<80xi32, #tpu.memory_space<hbm>>) dst(%arg5 : memref<80xi32, #tpu.memory_space<vmem>>)
    %scan3A_34 = arith.constant 0 : i32
    %scan3A_35 = arith.constant 5 : i32
    %scan3A_36 = arith.addi %scan3A_34, %scan3A_35 : i32
    %scan3A_37 = arith.constant 1 : i32
    scf.for %scan3A_185 = %scan3A_34 to %scan3A_36 step %scan3A_37  : i32 {
      %mul3A_186 = arith.constant 16 : i32
      %mul3A_187 = arith.muli %scan3A_185, %mul3A_186 : i32
      %add3A_188 = arith.constant 0 : i32
      %add3A_189 = arith.addi %add3A_188, %mul3A_187 : i32
      %get3A = arith.index_cast %add3A_189 : i32 to index
      %get3A_190 = tpu.vector_load %arg5[%get3A] {strides = array<i32>} : memref<80xi32, #tpu.memory_space<vmem>>, vector<16xi32>,
      %get3A_191 = vector.shape_cast %get3A_190 : vector<16xi32> to vector<16xi32>
      %and3A = arith.constant 65535 : i32
      %and3A_192 = vector.broadcast %and3A : i32 to vector<16xi32>
      %and3A_193 = arith.andi %get3A_191, %and3A_192 : vector<16xi32>
      %swap3A = arith.index_cast %add3A_189 : i32 to index
      %swap3A_194 = tpu.vector_load %arg6[%swap3A] {strides = array<i32>} : memref<80xi32, #tpu.memory_space<vmem>>, vector<16xi32>,
      %swap3A_195 = vector.shape_cast %swap3A_194 : vector<16xi32> to vector<16xi32>
      %swap3A_196 = vector.shape_cast %and3A_193 : vector<16xi32> to vector<16xi32>
      tpu.vector_store %arg6[%swap3A], %swap3A_196 {strides = array<i32>} : memref<80xi32, #tpu.memory_space<vmem>>, vector<16xi32>,
      %shift_right_logical3A = arith.constant 16 : i32
      %shift_right_logical3A_197 = vector.broadcast %shift_right_logical3A : i32 to vector<16xi32>
      %shift_right_logical3A_198 = arith.shrui %get3A_191, %shift_right_logical3A_197 : vector<16xi32>
      %swap3A_199 = arith.index_cast %add3A_189 : i32 to index
      %swap3A_200 = tpu.vector_load %arg7[%swap3A_199] {strides = array<i32>} : memref<80xi32, #tpu.memory_space<vmem>>, vector<16xi32>,
      %swap3A_201 = vector.shape_cast %swap3A_200 : vector<16xi32> to vector<16xi32>
      %swap3A_202 = vector.shape_cast %shift_right_logical3A_198 : vector<16xi32> to vector<16xi32>
      tpu.vector_store %arg7[%swap3A_199], %swap3A_202 {strides = array<i32>} : memref<80xi32, #tpu.memory_space<vmem>>, vector<16xi32>,
    }
    %scan3A_38 = arith.constant 5 : i32
    %dma_start3A_39 = arith.constant 0 : i32
    %dma_start3A_40 = arith.constant 0 : i32
    %dma_start3A_41 = tpu.memref_slice %arg2[%dma_start3A_39, %dma_start3A_40] : memref<10000x128xf32, #tpu.memory_space<hbm>> -> memref<10000x128xf32, #tpu.memory_space<hbm>>
    tpu.enqueue_indirect_dma source(%dma_start3A_41 : memref<10000x128xf32, #tpu.memory_space<hbm>>) target(%arg8 : memref<80x128xf32, #tpu.memory_space<vmem>>) offsets(%arg6 : memref<80xi32, #tpu.memory_space<vmem>>) semaphore(%arg26 : memref<!tpu.dma_semaphore, #tpu.memory_space<semaphore_mem>>)
    %dma_start3A_42 = arith.constant 2 : i32
    %dma_start3A_43 = arith.constant 0 : i32
    %dma_start3A_44 = tpu.memref_slice %arg3[%add3A, %dma_start3A_42, %dma_start3A_43] : memref<32x125x80xi32, #tpu.memory_space<hbm>> -> memref<1x1x80xi32, #tpu.memory_space<hbm>>
    %dma_start3A_45 = tpu.memref_squeeze %dma_start3A_44 : memref<1x1x80xi32, #tpu.memory_space<hbm>> -> memref<80xi32, #tpu.memory_space<hbm>>
    %dma_start3A_46 = arith.constant 0 : i32
    %dma_start3A_47 = tpu.memref_slice %arg3[%add3A, %dma_start3A_42, %dma_start3A_46] : memref<32x125x80xi32, #tpu.memory_space<hbm>> -> memref<1x1x80xi32, #tpu.memory_space<hbm>>
    %dma_start3A_48 = tpu.memref_squeeze %dma_start3A_47 : memref<1x1x80xi32, #tpu.memory_space<hbm>> -> memref<80xi32, #tpu.memory_space<hbm>>
    tpu.enqueue_dma source(%dma_start3A_48 : memref<80xi32, #tpu.memory_space<hbm>>) target(%arg13 : memref<80xi32, #tpu.memory_space<vmem>>) target_semaphore(%arg24 : memref<!tpu.dma_semaphore, #tpu.memory_space<semaphore_mem>>)
    %dma_wait3A_49 = arith.constant 0 : i32
    %dma_wait3A_50 = arith.constant 0 : i32
    %dma_wait3A_51 = tpu.memref_slice %arg3[%add3A, %dma_wait3A_49, %dma_wait3A_50] : memref<32x125x80xi32, #tpu.memory_space<hbm>> -> memref<1x1x80xi32, #tpu.memory_space<hbm>>
    %dma_wait3A_52 = tpu.memref_squeeze %dma_wait3A_51 : memref<1x1x80xi32, #tpu.memory_space<hbm>> -> memref<80xi32, #tpu.memory_space<hbm>>
    %dma_wait3A_53 = arith.constant 0 : i32
    %dma_wait3A_54 = tpu.memref_slice %arg3[%add3A, %dma_wait3A_49, %dma_wait3A_53] : memref<32x125x80xi32, #tpu.memory_space<hbm>> -> memref<1x1x80xi32, #tpu.memory_space<hbm>>
    %dma_wait3A_55 = tpu.memref_squeeze %dma_wait3A_54 : memref<1x1x80xi32, #tpu.memory_space<hbm>> -> memref<80xi32, #tpu.memory_space<hbm>>
    tpu.wait_dma2 semaphore(%arg23 : memref<!tpu.dma_semaphore, #tpu.memory_space<semaphore_mem>>) src(%dma_wait3A_55 : memref<80xi32, #tpu.memory_space<hbm>>) dst(%arg9 : memref<80xi32, #tpu.memory_space<vmem>>)
    %scan3A_56 = arith.constant 0 : i32
    %scan3A_57 = arith.constant 5 : i32
    %scan3A_58 = arith.addi %scan3A_56, %scan3A_57 : i32
    %scan3A_59 = arith.constant 1 : i32
    scf.for %scan3A_185 = %scan3A_56 to %scan3A_58 step %scan3A_59  : i32 {
      %mul3A_186 = arith.constant 16 : i32
      %mul3A_187 = arith.muli %scan3A_185, %mul3A_186 : i32
      %add3A_188 = arith.constant 0 : i32
      %add3A_189 = arith.addi %add3A_188, %mul3A_187 : i32
      %get3A = arith.index_cast %add3A_189 : i32 to index
      %get3A_190 = tpu.vector_load %arg9[%get3A] {strides = array<i32>} : memref<80xi32, #tpu.memory_space<vmem>>, vector<16xi32>,
      %get3A_191 = vector.shape_cast %get3A_190 : vector<16xi32> to vector<16xi32>
      %and3A = arith.constant 65535 : i32
      %and3A_192 = vector.broadcast %and3A : i32 to vector<16xi32>
      %and3A_193 = arith.andi %get3A_191, %and3A_192 : vector<16xi32>
      %swap3A = arith.index_cast %add3A_189 : i32 to index
      %swap3A_194 = tpu.vector_load %arg10[%swap3A] {strides = array<i32>} : memref<80xi32, #tpu.memory_space<vmem>>, vector<16xi32>,
      %swap3A_195 = vector.shape_cast %swap3A_194 : vector<16xi32> to vector<16xi32>
      %swap3A_196 = vector.shape_cast %and3A_193 : vector<16xi32> to vector<16xi32>
      tpu.vector_store %arg10[%swap3A], %swap3A_196 {strides = array<i32>} : memref<80xi32, #tpu.memory_space<vmem>>, vector<16xi32>,
      %shift_right_logical3A = arith.constant 16 : i32
      %shift_right_logical3A_197 = vector.broadcast %shift_right_logical3A : i32 to vector<16xi32>
      %shift_right_logical3A_198 = arith.shrui %get3A_191, %shift_right_logical3A_197 : vector<16xi32>
      %swap3A_199 = arith.index_cast %add3A_189 : i32 to index
      %swap3A_200 = tpu.vector_load %arg11[%swap3A_199] {strides = array<i32>} : memref<80xi32, #tpu.memory_space<vmem>>, vector<16xi32>,
      %swap3A_201 = vector.shape_cast %swap3A_200 : vector<16xi32> to vector<16xi32>
      %swap3A_202 = vector.shape_cast %shift_right_logical3A_198 : vector<16xi32> to vector<16xi32>
      tpu.vector_store %arg11[%swap3A_199], %swap3A_202 {strides = array<i32>} : memref<80xi32, #tpu.memory_space<vmem>>, vector<16xi32>,
    }
    %scan3A_60 = arith.constant 5 : i32
    %dma_start3A_61 = arith.constant 0 : i32
    %dma_start3A_62 = arith.constant 0 : i32
    %dma_start3A_63 = tpu.memref_slice %arg2[%dma_start3A_61, %dma_start3A_62] : memref<10000x128xf32, #tpu.memory_space<hbm>> -> memref<10000x128xf32, #tpu.memory_space<hbm>>
    tpu.enqueue_indirect_dma source(%dma_start3A_63 : memref<10000x128xf32, #tpu.memory_space<hbm>>) target(%arg12 : memref<80x128xf32, #tpu.memory_space<vmem>>) offsets(%arg10 : memref<80xi32, #tpu.memory_space<vmem>>) semaphore(%arg27 : memref<!tpu.dma_semaphore, #tpu.memory_space<semaphore_mem>>)
    %dma_start3A_64 = arith.constant 3 : i32
    %dma_start3A_65 = arith.constant 0 : i32
    %dma_start3A_66 = tpu.memref_slice %arg3[%add3A, %dma_start3A_64, %dma_start3A_65] : memref<32x125x80xi32, #tpu.memory_space<hbm>> -> memref<1x1x80xi32, #tpu.memory_space<hbm>>
    %dma_start3A_67 = tpu.memref_squeeze %dma_start3A_66 : memref<1x1x80xi32, #tpu.memory_space<hbm>> -> memref<80xi32, #tpu.memory_space<hbm>>
    %dma_start3A_68 = arith.constant 0 : i32
    %dma_start3A_69 = tpu.memref_slice %arg3[%add3A, %dma_start3A_64, %dma_start3A_68] : memref<32x125x80xi32, #tpu.memory_space<hbm>> -> memref<1x1x80xi32, #tpu.memory_space<hbm>>
    %dma_start3A_70 = tpu.memref_squeeze %dma_start3A_69 : memref<1x1x80xi32, #tpu.memory_space<hbm>> -> memref<80xi32, #tpu.memory_space<hbm>>
    tpu.enqueue_dma source(%dma_start3A_70 : memref<80xi32, #tpu.memory_space<hbm>>) target(%arg17 : memref<80xi32, #tpu.memory_space<vmem>>) target_semaphore(%arg25 : memref<!tpu.dma_semaphore, #tpu.memory_space<semaphore_mem>>)
    %dma_wait3A_71 = arith.constant 0 : i32
    %dma_wait3A_72 = arith.constant 0 : i32
    %dma_wait3A_73 = tpu.memref_slice %arg3[%add3A, %dma_wait3A_71, %dma_wait3A_72] : memref<32x125x80xi32, #tpu.memory_space<hbm>> -> memref<1x1x80xi32, #tpu.memory_space<hbm>>
    %dma_wait3A_74 = tpu.memref_squeeze %dma_wait3A_73 : memref<1x1x80xi32, #tpu.memory_space<hbm>> -> memref<80xi32, #tpu.memory_space<hbm>>
    %dma_wait3A_75 = arith.constant 0 : i32
    %dma_wait3A_76 = tpu.memref_slice %arg3[%add3A, %dma_wait3A_71, %dma_wait3A_75] : memref<32x125x80xi32, #tpu.memory_space<hbm>> -> memref<1x1x80xi32, #tpu.memory_space<hbm>>
    %dma_wait3A_77 = tpu.memref_squeeze %dma_wait3A_76 : memref<1x1x80xi32, #tpu.memory_space<hbm>> -> memref<80xi32, #tpu.memory_space<hbm>>
    tpu.wait_dma2 semaphore(%arg24 : memref<!tpu.dma_semaphore, #tpu.memory_space<semaphore_mem>>) src(%dma_wait3A_77 : memref<80xi32, #tpu.memory_space<hbm>>) dst(%arg13 : memref<80xi32, #tpu.memory_space<vmem>>)
    %scan3A_78 = arith.constant 0 : i32
    %scan3A_79 = arith.constant 5 : i32
    %scan3A_80 = arith.addi %scan3A_78, %scan3A_79 : i32
    %scan3A_81 = arith.constant 1 : i32
    scf.for %scan3A_185 = %scan3A_78 to %scan3A_80 step %scan3A_81  : i32 {
      %mul3A_186 = arith.constant 16 : i32
      %mul3A_187 = arith.muli %scan3A_185, %mul3A_186 : i32
      %add3A_188 = arith.constant 0 : i32
      %add3A_189 = arith.addi %add3A_188, %mul3A_187 : i32
      %get3A = arith.index_cast %add3A_189 : i32 to index
      %get3A_190 = tpu.vector_load %arg13[%get3A] {strides = array<i32>} : memref<80xi32, #tpu.memory_space<vmem>>, vector<16xi32>,
      %get3A_191 = vector.shape_cast %get3A_190 : vector<16xi32> to vector<16xi32>
      %and3A = arith.constant 65535 : i32
      %and3A_192 = vector.broadcast %and3A : i32 to vector<16xi32>
      %and3A_193 = arith.andi %get3A_191, %and3A_192 : vector<16xi32>
      %swap3A = arith.index_cast %add3A_189 : i32 to index
      %swap3A_194 = tpu.vector_load %arg14[%swap3A] {strides = array<i32>} : memref<80xi32, #tpu.memory_space<vmem>>, vector<16xi32>,
      %swap3A_195 = vector.shape_cast %swap3A_194 : vector<16xi32> to vector<16xi32>
      %swap3A_196 = vector.shape_cast %and3A_193 : vector<16xi32> to vector<16xi32>
      tpu.vector_store %arg14[%swap3A], %swap3A_196 {strides = array<i32>} : memref<80xi32, #tpu.memory_space<vmem>>, vector<16xi32>,
      %shift_right_logical3A = arith.constant 16 : i32
      %shift_right_logical3A_197 = vector.broadcast %shift_right_logical3A : i32 to vector<16xi32>
      %shift_right_logical3A_198 = arith.shrui %get3A_191, %shift_right_logical3A_197 : vector<16xi32>
      %swap3A_199 = arith.index_cast %add3A_189 : i32 to index
      %swap3A_200 = tpu.vector_load %arg15[%swap3A_199] {strides = array<i32>} : memref<80xi32, #tpu.memory_space<vmem>>, vector<16xi32>,
      %swap3A_201 = vector.shape_cast %swap3A_200 : vector<16xi32> to vector<16xi32>
      %swap3A_202 = vector.shape_cast %shift_right_logical3A_198 : vector<16xi32> to vector<16xi32>
      tpu.vector_store %arg15[%swap3A_199], %swap3A_202 {strides = array<i32>} : memref<80xi32, #tpu.memory_space<vmem>>, vector<16xi32>,
    }
    %scan3A_82 = arith.constant 5 : i32
    %dma_start3A_83 = arith.constant 0 : i32
    %dma_start3A_84 = arith.constant 0 : i32
    %dma_start3A_85 = tpu.memref_slice %arg2[%dma_start3A_83, %dma_start3A_84] : memref<10000x128xf32, #tpu.memory_space<hbm>> -> memref<10000x128xf32, #tpu.memory_space<hbm>>
    tpu.enqueue_indirect_dma source(%dma_start3A_85 : memref<10000x128xf32, #tpu.memory_space<hbm>>) target(%arg16 : memref<80x128xf32, #tpu.memory_space<vmem>>) offsets(%arg14 : memref<80xi32, #tpu.memory_space<vmem>>) semaphore(%arg28 : memref<!tpu.dma_semaphore, #tpu.memory_space<semaphore_mem>>)
    %dma_wait3A_86 = arith.constant 0 : i32
    %dma_wait3A_87 = arith.constant 0 : i32
    %dma_wait3A_88 = tpu.memref_slice %arg2[%dma_wait3A_86, %dma_wait3A_87] : memref<10000x128xf32, #tpu.memory_space<hbm>> -> memref<10000x128xf32, #tpu.memory_space<hbm>>
    tpu.wait_indirect_dma semaphore(%arg26 : memref<!tpu.dma_semaphore, #tpu.memory_space<semaphore_mem>>) src(%dma_wait3A_88 : memref<10000x128xf32, #tpu.memory_space<hbm>>) dst(%arg8 : memref<80x128xf32, #tpu.memory_space<vmem>>)
    %dma_start3A_89 = arith.constant 0 : i32
    %dma_start3A_90 = arith.constant 0 : i32
    %dma_start3A_91 = tpu.memref_slice %arg21[%dma_start3A_89, %dma_start3A_90] : memref<10000x128xf32, #tpu.memory_space<vmem_shared>> -> memref<10000x128xf32, #tpu.memory_space<vmem_shared>>
    tpu.enqueue_indirect_dma source(%arg8 : memref<80x128xf32, #tpu.memory_space<vmem>>) target(%dma_start3A_91 : memref<10000x128xf32, #tpu.memory_space<vmem_shared>>) offsets(%arg7 : memref<80xi32, #tpu.memory_space<vmem>>) semaphore(%arg30 : memref<!tpu.dma_semaphore, #tpu.memory_space<semaphore_mem>>) {add = true}
    %scan3A_92 = arith.constant 0 : i32
    %scan3A_93 = arith.constant 30 : i32
    %scan3A_94 = arith.addi %scan3A_92, %scan3A_93 : i32
    %scan3A_95 = arith.constant 1 : i32
    scf.for %scan3A_185 = %scan3A_92 to %scan3A_94 step %scan3A_95  : i32 {
      %mul3A_186 = arith.constant 1 : i32
      %mul3A_187 = arith.muli %scan3A_185, %mul3A_186 : i32
      %add3A_188 = arith.constant 0 : i32
      %add3A_189 = arith.addi %add3A_188, %mul3A_187 : i32
      %mul3A_190 = arith.constant 4 : i32
      %mul3A_191 = arith.muli %mul3A_190, %add3A_189 : i32
      %add3A_192 = arith.constant 4 : i32
      %add3A_193 = arith.addi %add3A_192, %mul3A_191 : i32
      %add3A_194 = arith.constant 0 : i32
      %add3A_195 = arith.addi %add3A_193, %add3A_194 : i32
      %dma_wait3A_196 = arith.constant 0 : i32
      %dma_wait3A_197 = arith.constant 0 : i32
      %dma_wait3A_198 = tpu.memref_slice %arg21[%dma_wait3A_196, %dma_wait3A_197] : memref<10000x128xf32, #tpu.memory_space<vmem_shared>> -> memref<10000x128xf32, #tpu.memory_space<vmem_shared>>
      tpu.wait_indirect_dma semaphore(%arg30 : memref<!tpu.dma_semaphore, #tpu.memory_space<semaphore_mem>>) src(%arg8 : memref<80x128xf32, #tpu.memory_space<vmem>>) dst(%dma_wait3A_198 : memref<10000x128xf32, #tpu.memory_space<vmem_shared>>)
      %dma_start3A_199 = arith.constant 0 : i32
      %dma_start3A_200 = tpu.memref_slice %arg3[%add3A, %add3A_195, %dma_start3A_199] : memref<32x125x80xi32, #tpu.memory_space<hbm>> -> memref<1x1x80xi32, #tpu.memory_space<hbm>>
      %dma_start3A_201 = tpu.memref_squeeze %dma_start3A_200 : memref<1x1x80xi32, #tpu.memory_space<hbm>> -> memref<80xi32, #tpu.memory_space<hbm>>
      %dma_start3A_202 = arith.constant 0 : i32
      %dma_start3A_203 = tpu.memref_slice %arg3[%add3A, %add3A_195, %dma_start3A_202] : memref<32x125x80xi32, #tpu.memory_space<hbm>> -> memref<1x1x80xi32, #tpu.memory_space<hbm>>
      %dma_start3A_204 = tpu.memref_squeeze %dma_start3A_203 : memref<1x1x80xi32, #tpu.memory_space<hbm>> -> memref<80xi32, #tpu.memory_space<hbm>>
      tpu.enqueue_dma source(%dma_start3A_204 : memref<80xi32, #tpu.memory_space<hbm>>) target(%arg5 : memref<80xi32, #tpu.memory_space<vmem>>) target_semaphore(%arg22 : memref<!tpu.dma_semaphore, #tpu.memory_space<semaphore_mem>>)
      %dma_wait3A_205 = arith.constant 0 : i32
      %dma_wait3A_206 = arith.constant 0 : i32
      %dma_wait3A_207 = tpu.memref_slice %arg3[%add3A, %dma_wait3A_205, %dma_wait3A_206] : memref<32x125x80xi32, #tpu.memory_space<hbm>> -> memref<1x1x80xi32, #tpu.memory_space<hbm>>
      %dma_wait3A_208 = tpu.memref_squeeze %dma_wait3A_207 : memref<1x1x80xi32, #tpu.memory_space<hbm>> -> memref<80xi32, #tpu.memory_space<hbm>>
      %dma_wait3A_209 = arith.constant 0 : i32
      %dma_wait3A_210 = tpu.memref_slice %arg3[%add3A, %dma_wait3A_205, %dma_wait3A_209] : memref<32x125x80xi32, #tpu.memory_space<hbm>> -> memref<1x1x80xi32, #tpu.memory_space<hbm>>
      %dma_wait3A_211 = tpu.memref_squeeze %dma_wait3A_210 : memref<1x1x80xi32, #tpu.memory_space<hbm>> -> memref<80xi32, #tpu.memory_space<hbm>>
      tpu.wait_dma2 semaphore(%arg25 : memref<!tpu.dma_semaphore, #tpu.memory_space<semaphore_mem>>) src(%dma_wait3A_211 : memref<80xi32, #tpu.memory_space<hbm>>) dst(%arg17 : memref<80xi32, #tpu.memory_space<vmem>>)
      %scan3A_212 = arith.constant 0 : i32
      %scan3A_213 = arith.constant 5 : i32
      %scan3A_214 = arith.addi %scan3A_212, %scan3A_213 : i32
      %scan3A_215 = arith.constant 1 : i32
      scf.for %scan3A_334 = %scan3A_212 to %scan3A_214 step %scan3A_215  : i32 {
        %mul3A_335 = arith.constant 16 : i32
        %mul3A_336 = arith.muli %scan3A_334, %mul3A_335 : i32
        %add3A_337 = arith.constant 0 : i32
        %add3A_338 = arith.addi %add3A_337, %mul3A_336 : i32
        %get3A = arith.index_cast %add3A_338 : i32 to index
        %get3A_339 = tpu.vector_load %arg17[%get3A] {strides = array<i32>} : memref<80xi32, #tpu.memory_space<vmem>>, vector<16xi32>,
        %get3A_340 = vector.shape_cast %get3A_339 : vector<16xi32> to vector<16xi32>
        %and3A = arith.constant 65535 : i32
        %and3A_341 = vector.broadcast %and3A : i32 to vector<16xi32>
        %and3A_342 = arith.andi %get3A_340, %and3A_341 : vector<16xi32>
        %swap3A = arith.index_cast %add3A_338 : i32 to index
        %swap3A_343 = tpu.vector_load %arg18[%swap3A] {strides = array<i32>} : memref<80xi32, #tpu.memory_space<vmem>>, vector<16xi32>,
        %swap3A_344 = vector.shape_cast %swap3A_343 : vector<16xi32> to vector<16xi32>
        %swap3A_345 = vector.shape_cast %and3A_342 : vector<16xi32> to vector<16xi32>
        tpu.vector_store %arg18[%swap3A], %swap3A_345 {strides = array<i32>} : memref<80xi32, #tpu.memory_space<vmem>>, vector<16xi32>,
        %shift_right_logical3A = arith.constant 16 : i32
        %shift_right_logical3A_346 = vector.broadcast %shift_right_logical3A : i32 to vector<16xi32>
        %shift_right_logical3A_347 = arith.shrui %get3A_340, %shift_right_logical3A_346 : vector<16xi32>
        %swap3A_348 = arith.index_cast %add3A_338 : i32 to index
        %swap3A_349 = tpu.vector_load %arg19[%swap3A_348] {strides = array<i32>} : memref<80xi32, #tpu.memory_space<vmem>>, vector<16xi32>,
        %swap3A_350 = vector.shape_cast %swap3A_349 : vector<16xi32> to vector<16xi32>
        %swap3A_351 = vector.shape_cast %shift_right_logical3A_347 : vector<16xi32> to vector<16xi32>
        tpu.vector_store %arg19[%swap3A_348], %swap3A_351 {strides = array<i32>} : memref<80xi32, #tpu.memory_space<vmem>>, vector<16xi32>,
      }
      %scan3A_216 = arith.constant 5 : i32
      %dma_start3A_217 = arith.constant 0 : i32
      %dma_start3A_218 = arith.constant 0 : i32
      %dma_start3A_219 = tpu.memref_slice %arg2[%dma_start3A_217, %dma_start3A_218] : memref<10000x128xf32, #tpu.memory_space<hbm>> -> memref<10000x128xf32, #tpu.memory_space<hbm>>
      tpu.enqueue_indirect_dma source(%dma_start3A_219 : memref<10000x128xf32, #tpu.memory_space<hbm>>) target(%arg20 : memref<80x128xf32, #tpu.memory_space<vmem>>) offsets(%arg18 : memref<80xi32, #tpu.memory_space<vmem>>) semaphore(%arg29 : memref<!tpu.dma_semaphore, #tpu.memory_space<semaphore_mem>>)
      %dma_wait3A_220 = arith.constant 0 : i32
      %dma_wait3A_221 = arith.constant 0 : i32
      %dma_wait3A_222 = tpu.memref_slice %arg2[%dma_wait3A_220, %dma_wait3A_221] : memref<10000x128xf32, #tpu.memory_space<hbm>> -> memref<10000x128xf32, #tpu.memory_space<hbm>>
      tpu.wait_indirect_dma semaphore(%arg27 : memref<!tpu.dma_semaphore, #tpu.memory_space<semaphore_mem>>) src(%dma_wait3A_222 : memref<10000x128xf32, #tpu.memory_space<hbm>>) dst(%arg12 : memref<80x128xf32, #tpu.memory_space<vmem>>)
      %dma_start3A_223 = arith.constant 0 : i32
      %dma_start3A_224 = arith.constant 0 : i32
      %dma_start3A_225 = tpu.memref_slice %arg21[%dma_start3A_223, %dma_start3A_224] : memref<10000x128xf32, #tpu.memory_space<vmem_shared>> -> memref<10000x128xf32, #tpu.memory_space<vmem_shared>>
      tpu.enqueue_indirect_dma source(%arg12 : memref<80x128xf32, #tpu.memory_space<vmem>>) target(%dma_start3A_225 : memref<10000x128xf32, #tpu.memory_space<vmem_shared>>) offsets(%arg11 : memref<80xi32, #tpu.memory_space<vmem>>) semaphore(%arg31 : memref<!tpu.dma_semaphore, #tpu.memory_space<semaphore_mem>>) {add = true}
      %mul3A_226 = arith.constant 4 : i32
      %mul3A_227 = arith.muli %mul3A_226, %add3A_189 : i32
      %add3A_228 = arith.constant 4 : i32
      %add3A_229 = arith.addi %add3A_228, %mul3A_227 : i32
      %add3A_230 = arith.constant 1 : i32
      %add3A_231 = arith.addi %add3A_229, %add3A_230 : i32
      %dma_wait3A_232 = arith.constant 0 : i32
      %dma_wait3A_233 = arith.constant 0 : i32
      %dma_wait3A_234 = tpu.memref_slice %arg21[%dma_wait3A_232, %dma_wait3A_233] : memref<10000x128xf32, #tpu.memory_space<vmem_shared>> -> memref<10000x128xf32, #tpu.memory_space<vmem_shared>>
      tpu.wait_indirect_dma semaphore(%arg31 : memref<!tpu.dma_semaphore, #tpu.memory_space<semaphore_mem>>) src(%arg12 : memref<80x128xf32, #tpu.memory_space<vmem>>) dst(%dma_wait3A_234 : memref<10000x128xf32, #tpu.memory_space<vmem_shared>>)
      %dma_start3A_235 = arith.constant 0 : i32
      %dma_start3A_236 = tpu.memref_slice %arg3[%add3A, %add3A_231, %dma_start3A_235] : memref<32x125x80xi32, #tpu.memory_space<hbm>> -> memref<1x1x80xi32, #tpu.memory_space<hbm>>
      %dma_start3A_237 = tpu.memref_squeeze %dma_start3A_236 : memref<1x1x80xi32, #tpu.memory_space<hbm>> -> memref<80xi32, #tpu.memory_space<hbm>>
      %dma_start3A_238 = arith.constant 0 : i32
      %dma_start3A_239 = tpu.memref_slice %arg3[%add3A, %add3A_231, %dma_start3A_238] : memref<32x125x80xi32, #tpu.memory_space<hbm>> -> memref<1x1x80xi32, #tpu.memory_space<hbm>>
      %dma_start3A_240 = tpu.memref_squeeze %dma_start3A_239 : memref<1x1x80xi32, #tpu.memory_space<hbm>> -> memref<80xi32, #tpu.memory_space<hbm>>
      tpu.enqueue_dma source(%dma_start3A_240 : memref<80xi32, #tpu.memory_space<hbm>>) target(%arg9 : memref<80xi32, #tpu.memory_space<vmem>>) target_semaphore(%arg23 : memref<!tpu.dma_semaphore, #tpu.memory_space<semaphore_mem>>)
      %dma_wait3A_241 = arith.constant 0 : i32
      %dma_wait3A_242 = arith.constant 0 : i32
      %dma_wait3A_243 = tpu.memref_slice %arg3[%add3A, %dma_wait3A_241, %dma_wait3A_242] : memref<32x125x80xi32, #tpu.memory_space<hbm>> -> memref<1x1x80xi32, #tpu.memory_space<hbm>>
      %dma_wait3A_244 = tpu.memref_squeeze %dma_wait3A_243 : memref<1x1x80xi32, #tpu.memory_space<hbm>> -> memref<80xi32, #tpu.memory_space<hbm>>
      %dma_wait3A_245 = arith.constant 0 : i32
      %dma_wait3A_246 = tpu.memref_slice %arg3[%add3A, %dma_wait3A_241, %dma_wait3A_245] : memref<32x125x80xi32, #tpu.memory_space<hbm>> -> memref<1x1x80xi32, #tpu.memory_space<hbm>>
      %dma_wait3A_247 = tpu.memref_squeeze %dma_wait3A_246 : memref<1x1x80xi32, #tpu.memory_space<hbm>> -> memref<80xi32, #tpu.memory_space<hbm>>
      tpu.wait_dma2 semaphore(%arg22 : memref<!tpu.dma_semaphore, #tpu.memory_space<semaphore_mem>>) src(%dma_wait3A_247 : memref<80xi32, #tpu.memory_space<hbm>>) dst(%arg5 : memref<80xi32, #tpu.memory_space<vmem>>)
      %scan3A_248 = arith.constant 0 : i32
      %scan3A_249 = arith.constant 5 : i32
      %scan3A_250 = arith.addi %scan3A_248, %scan3A_249 : i32
      %scan3A_251 = arith.constant 1 : i32
      scf.for %scan3A_334 = %scan3A_248 to %scan3A_250 step %scan3A_251  : i32 {
        %mul3A_335 = arith.constant 16 : i32
        %mul3A_336 = arith.muli %scan3A_334, %mul3A_335 : i32
        %add3A_337 = arith.constant 0 : i32
        %add3A_338 = arith.addi %add3A_337, %mul3A_336 : i32
        %get3A = arith.index_cast %add3A_338 : i32 to index
        %get3A_339 = tpu.vector_load %arg5[%get3A] {strides = array<i32>} : memref<80xi32, #tpu.memory_space<vmem>>, vector<16xi32>,
        %get3A_340 = vector.shape_cast %get3A_339 : vector<16xi32> to vector<16xi32>
        %and3A = arith.constant 65535 : i32
        %and3A_341 = vector.broadcast %and3A : i32 to vector<16xi32>
        %and3A_342 = arith.andi %get3A_340, %and3A_341 : vector<16xi32>
        %swap3A = arith.index_cast %add3A_338 : i32 to index
        %swap3A_343 = tpu.vector_load %arg6[%swap3A] {strides = array<i32>} : memref<80xi32, #tpu.memory_space<vmem>>, vector<16xi32>,
        %swap3A_344 = vector.shape_cast %swap3A_343 : vector<16xi32> to vector<16xi32>
        %swap3A_345 = vector.shape_cast %and3A_342 : vector<16xi32> to vector<16xi32>
        tpu.vector_store %arg6[%swap3A], %swap3A_345 {strides = array<i32>} : memref<80xi32, #tpu.memory_space<vmem>>, vector<16xi32>,
        %shift_right_logical3A = arith.constant 16 : i32
        %shift_right_logical3A_346 = vector.broadcast %shift_right_logical3A : i32 to vector<16xi32>
        %shift_right_logical3A_347 = arith.shrui %get3A_340, %shift_right_logical3A_346 : vector<16xi32>
        %swap3A_348 = arith.index_cast %add3A_338 : i32 to index
        %swap3A_349 = tpu.vector_load %arg7[%swap3A_348] {strides = array<i32>} : memref<80xi32, #tpu.memory_space<vmem>>, vector<16xi32>,
        %swap3A_350 = vector.shape_cast %swap3A_349 : vector<16xi32> to vector<16xi32>
        %swap3A_351 = vector.shape_cast %shift_right_logical3A_347 : vector<16xi32> to vector<16xi32>
        tpu.vector_store %arg7[%swap3A_348], %swap3A_351 {strides = array<i32>} : memref<80xi32, #tpu.memory_space<vmem>>, vector<16xi32>,
      }
      %scan3A_252 = arith.constant 5 : i32
      %dma_start3A_253 = arith.constant 0 : i32
      %dma_start3A_254 = arith.constant 0 : i32
      %dma_start3A_255 = tpu.memref_slice %arg2[%dma_start3A_253, %dma_start3A_254] : memref<10000x128xf32, #tpu.memory_space<hbm>> -> memref<10000x128xf32, #tpu.memory_space<hbm>>
      tpu.enqueue_indirect_dma source(%dma_start3A_255 : memref<10000x128xf32, #tpu.memory_space<hbm>>) target(%arg8 : memref<80x128xf32, #tpu.memory_space<vmem>>) offsets(%arg6 : memref<80xi32, #tpu.memory_space<vmem>>) semaphore(%arg26 : memref<!tpu.dma_semaphore, #tpu.memory_space<semaphore_mem>>)
      %dma_wait3A_256 = arith.constant 0 : i32
      %dma_wait3A_257 = arith.constant 0 : i32
      %dma_wait3A_258 = tpu.memref_slice %arg2[%dma_wait3A_256, %dma_wait3A_257] : memref<10000x128xf32, #tpu.memory_space<hbm>> -> memref<10000x128xf32, #tpu.memory_space<hbm>>
      tpu.wait_indirect_dma semaphore(%arg28 : memref<!tpu.dma_semaphore, #tpu.memory_space<semaphore_mem>>) src(%dma_wait3A_258 : memref<10000x128xf32, #tpu.memory_space<hbm>>) dst(%arg16 : memref<80x128xf32, #tpu.memory_space<vmem>>)
      %dma_start3A_259 = arith.constant 0 : i32
      %dma_start3A_260 = arith.constant 0 : i32
      %dma_start3A_261 = tpu.memref_slice %arg21[%dma_start3A_259, %dma_start3A_260] : memref<10000x128xf32, #tpu.memory_space<vmem_shared>> -> memref<10000x128xf32, #tpu.memory_space<vmem_shared>>
      tpu.enqueue_indirect_dma source(%arg16 : memref<80x128xf32, #tpu.memory_space<vmem>>) target(%dma_start3A_261 : memref<10000x128xf32, #tpu.memory_space<vmem_shared>>) offsets(%arg15 : memref<80xi32, #tpu.memory_space<vmem>>) semaphore(%arg32 : memref<!tpu.dma_semaphore, #tpu.memory_space<semaphore_mem>>) {add = true}
      %mul3A_262 = arith.constant 4 : i32
      %mul3A_263 = arith.muli %mul3A_262, %add3A_189 : i32
      %add3A_264 = arith.constant 4 : i32
      %add3A_265 = arith.addi %add3A_264, %mul3A_263 : i32
      %add3A_266 = arith.constant 2 : i32
      %add3A_267 = arith.addi %add3A_265, %add3A_266 : i32
      %dma_wait3A_268 = arith.constant 0 : i32
      %dma_wait3A_269 = arith.constant 0 : i32
      %dma_wait3A_270 = tpu.memref_slice %arg21[%dma_wait3A_268, %dma_wait3A_269] : memref<10000x128xf32, #tpu.memory_space<vmem_shared>> -> memref<10000x128xf32, #tpu.memory_space<vmem_shared>>
      tpu.wait_indirect_dma semaphore(%arg32 : memref<!tpu.dma_semaphore, #tpu.memory_space<semaphore_mem>>) src(%arg16 : memref<80x128xf32, #tpu.memory_space<vmem>>) dst(%dma_wait3A_270 : memref<10000x128xf32, #tpu.memory_space<vmem_shared>>)
      %dma_start3A_271 = arith.constant 0 : i32
      %dma_start3A_272 = tpu.memref_slice %arg3[%add3A, %add3A_267, %dma_start3A_271] : memref<32x125x80xi32, #tpu.memory_space<hbm>> -> memref<1x1x80xi32, #tpu.memory_space<hbm>>
      %dma_start3A_273 = tpu.memref_squeeze %dma_start3A_272 : memref<1x1x80xi32, #tpu.memory_space<hbm>> -> memref<80xi32, #tpu.memory_space<hbm>>
      %dma_start3A_274 = arith.constant 0 : i32
      %dma_start3A_275 = tpu.memref_slice %arg3[%add3A, %add3A_267, %dma_start3A_274] : memref<32x125x80xi32, #tpu.memory_space<hbm>> -> memref<1x1x80xi32, #tpu.memory_space<hbm>>
      %dma_start3A_276 = tpu.memref_squeeze %dma_start3A_275 : memref<1x1x80xi32, #tpu.memory_space<hbm>> -> memref<80xi32, #tpu.memory_space<hbm>>
      tpu.enqueue_dma source(%dma_start3A_276 : memref<80xi32, #tpu.memory_space<hbm>>) target(%arg13 : memref<80xi32, #tpu.memory_space<vmem>>) target_semaphore(%arg24 : memref<!tpu.dma_semaphore, #tpu.memory_space<semaphore_mem>>)
      %dma_wait3A_277 = arith.constant 0 : i32
      %dma_wait3A_278 = arith.constant 0 : i32
      %dma_wait3A_279 = tpu.memref_slice %arg3[%add3A, %dma_wait3A_277, %dma_wait3A_278] : memref<32x125x80xi32, #tpu.memory_space<hbm>> -> memref<1x1x80xi32, #tpu.memory_space<hbm>>
      %dma_wait3A_280 = tpu.memref_squeeze %dma_wait3A_279 : memref<1x1x80xi32, #tpu.memory_space<hbm>> -> memref<80xi32, #tpu.memory_space<hbm>>
      %dma_wait3A_281 = arith.constant 0 : i32
      %dma_wait3A_282 = tpu.memref_slice %arg3[%add3A, %dma_wait3A_277, %dma_wait3A_281] : memref<32x125x80xi32, #tpu.memory_space<hbm>> -> memref<1x1x80xi32, #tpu.memory_space<hbm>>
      %dma_wait3A_283 = tpu.memref_squeeze %dma_wait3A_282 : memref<1x1x80xi32, #tpu.memory_space<hbm>> -> memref<80xi32, #tpu.memory_space<hbm>>
      tpu.wait_dma2 semaphore(%arg23 : memref<!tpu.dma_semaphore, #tpu.memory_space<semaphore_mem>>) src(%dma_wait3A_283 : memref<80xi32, #tpu.memory_space<hbm>>) dst(%arg9 : memref<80xi32, #tpu.memory_space<vmem>>)
      %scan3A_284 = arith.constant 0 : i32
      %scan3A_285 = arith.constant 5 : i32
      %scan3A_286 = arith.addi %scan3A_284, %scan3A_285 : i32
      %scan3A_287 = arith.constant 1 : i32
      scf.for %scan3A_334 = %scan3A_284 to %scan3A_286 step %scan3A_287  : i32 {
        %mul3A_335 = arith.constant 16 : i32
        %mul3A_336 = arith.muli %scan3A_334, %mul3A_335 : i32
        %add3A_337 = arith.constant 0 : i32
        %add3A_338 = arith.addi %add3A_337, %mul3A_336 : i32
        %get3A = arith.index_cast %add3A_338 : i32 to index
        %get3A_339 = tpu.vector_load %arg9[%get3A] {strides = array<i32>} : memref<80xi32, #tpu.memory_space<vmem>>, vector<16xi32>,
        %get3A_340 = vector.shape_cast %get3A_339 : vector<16xi32> to vector<16xi32>
        %and3A = arith.constant 65535 : i32
        %and3A_341 = vector.broadcast %and3A : i32 to vector<16xi32>
        %and3A_342 = arith.andi %get3A_340, %and3A_341 : vector<16xi32>
        %swap3A = arith.index_cast %add3A_338 : i32 to index
        %swap3A_343 = tpu.vector_load %arg10[%swap3A] {strides = array<i32>} : memref<80xi32, #tpu.memory_space<vmem>>, vector<16xi32>,
        %swap3A_344 = vector.shape_cast %swap3A_343 : vector<16xi32> to vector<16xi32>
        %swap3A_345 = vector.shape_cast %and3A_342 : vector<16xi32> to vector<16xi32>
        tpu.vector_store %arg10[%swap3A], %swap3A_345 {strides = array<i32>} : memref<80xi32, #tpu.memory_space<vmem>>, vector<16xi32>,
        %shift_right_logical3A = arith.constant 16 : i32
        %shift_right_logical3A_346 = vector.broadcast %shift_right_logical3A : i32 to vector<16xi32>
        %shift_right_logical3A_347 = arith.shrui %get3A_340, %shift_right_logical3A_346 : vector<16xi32>
        %swap3A_348 = arith.index_cast %add3A_338 : i32 to index
        %swap3A_349 = tpu.vector_load %arg11[%swap3A_348] {strides = array<i32>} : memref<80xi32, #tpu.memory_space<vmem>>, vector<16xi32>,
        %swap3A_350 = vector.shape_cast %swap3A_349 : vector<16xi32> to vector<16xi32>
        %swap3A_351 = vector.shape_cast %shift_right_logical3A_347 : vector<16xi32> to vector<16xi32>
        tpu.vector_store %arg11[%swap3A_348], %swap3A_351 {strides = array<i32>} : memref<80xi32, #tpu.memory_space<vmem>>, vector<16xi32>,
      }
      %scan3A_288 = arith.constant 5 : i32
      %dma_start3A_289 = arith.constant 0 : i32
      %dma_start3A_290 = arith.constant 0 : i32
      %dma_start3A_291 = tpu.memref_slice %arg2[%dma_start3A_289, %dma_start3A_290] : memref<10000x128xf32, #tpu.memory_space<hbm>> -> memref<10000x128xf32, #tpu.memory_space<hbm>>
      tpu.enqueue_indirect_dma source(%dma_start3A_291 : memref<10000x128xf32, #tpu.memory_space<hbm>>) target(%arg12 : memref<80x128xf32, #tpu.memory_space<vmem>>) offsets(%arg10 : memref<80xi32, #tpu.memory_space<vmem>>) semaphore(%arg27 : memref<!tpu.dma_semaphore, #tpu.memory_space<semaphore_mem>>)
      %dma_wait3A_292 = arith.constant 0 : i32
      %dma_wait3A_293 = arith.constant 0 : i32
      %dma_wait3A_294 = tpu.memref_slice %arg2[%dma_wait3A_292, %dma_wait3A_293] : memref<10000x128xf32, #tpu.memory_space<hbm>> -> memref<10000x128xf32, #tpu.memory_space<hbm>>
      tpu.wait_indirect_dma semaphore(%arg29 : memref<!tpu.dma_semaphore, #tpu.memory_space<semaphore_mem>>) src(%dma_wait3A_294 : memref<10000x128xf32, #tpu.memory_space<hbm>>) dst(%arg20 : memref<80x128xf32, #tpu.memory_space<vmem>>)
      %dma_start3A_295 = arith.constant 0 : i32
      %dma_start3A_296 = arith.constant 0 : i32
      %dma_start3A_297 = tpu.memref_slice %arg21[%dma_start3A_295, %dma_start3A_296] : memref<10000x128xf32, #tpu.memory_space<vmem_shared>> -> memref<10000x128xf32, #tpu.memory_space<vmem_shared>>
      tpu.enqueue_indirect_dma source(%arg20 : memref<80x128xf32, #tpu.memory_space<vmem>>) target(%dma_start3A_297 : memref<10000x128xf32, #tpu.memory_space<vmem_shared>>) offsets(%arg19 : memref<80xi32, #tpu.memory_space<vmem>>) semaphore(%arg33 : memref<!tpu.dma_semaphore, #tpu.memory_space<semaphore_mem>>) {add = true}
      %mul3A_298 = arith.constant 4 : i32
      %mul3A_299 = arith.muli %mul3A_298, %add3A_189 : i32
      %add3A_300 = arith.constant 4 : i32
      %add3A_301 = arith.addi %add3A_300, %mul3A_299 : i32
      %add3A_302 = arith.constant 3 : i32
      %add3A_303 = arith.addi %add3A_301, %add3A_302 : i32
      %dma_wait3A_304 = arith.constant 0 : i32
      %dma_wait3A_305 = arith.constant 0 : i32
      %dma_wait3A_306 = tpu.memref_slice %arg21[%dma_wait3A_304, %dma_wait3A_305] : memref<10000x128xf32, #tpu.memory_space<vmem_shared>> -> memref<10000x128xf32, #tpu.memory_space<vmem_shared>>
      tpu.wait_indirect_dma semaphore(%arg33 : memref<!tpu.dma_semaphore, #tpu.memory_space<semaphore_mem>>) src(%arg20 : memref<80x128xf32, #tpu.memory_space<vmem>>) dst(%dma_wait3A_306 : memref<10000x128xf32, #tpu.memory_space<vmem_shared>>)
      %dma_start3A_307 = arith.constant 0 : i32
      %dma_start3A_308 = tpu.memref_slice %arg3[%add3A, %add3A_303, %dma_start3A_307] : memref<32x125x80xi32, #tpu.memory_space<hbm>> -> memref<1x1x80xi32, #tpu.memory_space<hbm>>
      %dma_start3A_309 = tpu.memref_squeeze %dma_start3A_308 : memref<1x1x80xi32, #tpu.memory_space<hbm>> -> memref<80xi32, #tpu.memory_space<hbm>>
      %dma_start3A_310 = arith.constant 0 : i32
      %dma_start3A_311 = tpu.memref_slice %arg3[%add3A, %add3A_303, %dma_start3A_310] : memref<32x125x80xi32, #tpu.memory_space<hbm>> -> memref<1x1x80xi32, #tpu.memory_space<hbm>>
      %dma_start3A_312 = tpu.memref_squeeze %dma_start3A_311 : memref<1x1x80xi32, #tpu.memory_space<hbm>> -> memref<80xi32, #tpu.memory_space<hbm>>
      tpu.enqueue_dma source(%dma_start3A_312 : memref<80xi32, #tpu.memory_space<hbm>>) target(%arg17 : memref<80xi32, #tpu.memory_space<vmem>>) target_semaphore(%arg25 : memref<!tpu.dma_semaphore, #tpu.memory_space<semaphore_mem>>)
      %dma_wait3A_313 = arith.constant 0 : i32
      %dma_wait3A_314 = arith.constant 0 : i32
      %dma_wait3A_315 = tpu.memref_slice %arg3[%add3A, %dma_wait3A_313, %dma_wait3A_314] : memref<32x125x80xi32, #tpu.memory_space<hbm>> -> memref<1x1x80xi32, #tpu.memory_space<hbm>>
      %dma_wait3A_316 = tpu.memref_squeeze %dma_wait3A_315 : memref<1x1x80xi32, #tpu.memory_space<hbm>> -> memref<80xi32, #tpu.memory_space<hbm>>
      %dma_wait3A_317 = arith.constant 0 : i32
      %dma_wait3A_318 = tpu.memref_slice %arg3[%add3A, %dma_wait3A_313, %dma_wait3A_317] : memref<32x125x80xi32, #tpu.memory_space<hbm>> -> memref<1x1x80xi32, #tpu.memory_space<hbm>>
      %dma_wait3A_319 = tpu.memref_squeeze %dma_wait3A_318 : memref<1x1x80xi32, #tpu.memory_space<hbm>> -> memref<80xi32, #tpu.memory_space<hbm>>
      tpu.wait_dma2 semaphore(%arg24 : memref<!tpu.dma_semaphore, #tpu.memory_space<semaphore_mem>>) src(%dma_wait3A_319 : memref<80xi32, #tpu.memory_space<hbm>>) dst(%arg13 : memref<80xi32, #tpu.memory_space<vmem>>)
      %scan3A_320 = arith.constant 0 : i32
      %scan3A_321 = arith.constant 5 : i32
      %scan3A_322 = arith.addi %scan3A_320, %scan3A_321 : i32
      %scan3A_323 = arith.constant 1 : i32
      scf.for %scan3A_334 = %scan3A_320 to %scan3A_322 step %scan3A_323  : i32 {
        %mul3A_335 = arith.constant 16 : i32
        %mul3A_336 = arith.muli %scan3A_334, %mul3A_335 : i32
        %add3A_337 = arith.constant 0 : i32
        %add3A_338 = arith.addi %add3A_337, %mul3A_336 : i32
        %get3A = arith.index_cast %add3A_338 : i32 to index
        %get3A_339 = tpu.vector_load %arg13[%get3A] {strides = array<i32>} : memref<80xi32, #tpu.memory_space<vmem>>, vector<16xi32>,
        %get3A_340 = vector.shape_cast %get3A_339 : vector<16xi32> to vector<16xi32>
        %and3A = arith.constant 65535 : i32
        %and3A_341 = vector.broadcast %and3A : i32 to vector<16xi32>
        %and3A_342 = arith.andi %get3A_340, %and3A_341 : vector<16xi32>
        %swap3A = arith.index_cast %add3A_338 : i32 to index
        %swap3A_343 = tpu.vector_load %arg14[%swap3A] {strides = array<i32>} : memref<80xi32, #tpu.memory_space<vmem>>, vector<16xi32>,
        %swap3A_344 = vector.shape_cast %swap3A_343 : vector<16xi32> to vector<16xi32>
        %swap3A_345 = vector.shape_cast %and3A_342 : vector<16xi32> to vector<16xi32>
        tpu.vector_store %arg14[%swap3A], %swap3A_345 {strides = array<i32>} : memref<80xi32, #tpu.memory_space<vmem>>, vector<16xi32>,
        %shift_right_logical3A = arith.constant 16 : i32
        %shift_right_logical3A_346 = vector.broadcast %shift_right_logical3A : i32 to vector<16xi32>
        %shift_right_logical3A_347 = arith.shrui %get3A_340, %shift_right_logical3A_346 : vector<16xi32>
        %swap3A_348 = arith.index_cast %add3A_338 : i32 to index
        %swap3A_349 = tpu.vector_load %arg15[%swap3A_348] {strides = array<i32>} : memref<80xi32, #tpu.memory_space<vmem>>, vector<16xi32>,
        %swap3A_350 = vector.shape_cast %swap3A_349 : vector<16xi32> to vector<16xi32>
        %swap3A_351 = vector.shape_cast %shift_right_logical3A_347 : vector<16xi32> to vector<16xi32>
        tpu.vector_store %arg15[%swap3A_348], %swap3A_351 {strides = array<i32>} : memref<80xi32, #tpu.memory_space<vmem>>, vector<16xi32>,
      }
      %scan3A_324 = arith.constant 5 : i32
      %dma_start3A_325 = arith.constant 0 : i32
      %dma_start3A_326 = arith.constant 0 : i32
      %dma_start3A_327 = tpu.memref_slice %arg2[%dma_start3A_325, %dma_start3A_326] : memref<10000x128xf32, #tpu.memory_space<hbm>> -> memref<10000x128xf32, #tpu.memory_space<hbm>>
      tpu.enqueue_indirect_dma source(%dma_start3A_327 : memref<10000x128xf32, #tpu.memory_space<hbm>>) target(%arg16 : memref<80x128xf32, #tpu.memory_space<vmem>>) offsets(%arg14 : memref<80xi32, #tpu.memory_space<vmem>>) semaphore(%arg28 : memref<!tpu.dma_semaphore, #tpu.memory_space<semaphore_mem>>)
      %dma_wait3A_328 = arith.constant 0 : i32
      %dma_wait3A_329 = arith.constant 0 : i32
      %dma_wait3A_330 = tpu.memref_slice %arg2[%dma_wait3A_328, %dma_wait3A_329] : memref<10000x128xf32, #tpu.memory_space<hbm>> -> memref<10000x128xf32, #tpu.memory_space<hbm>>
      tpu.wait_indirect_dma semaphore(%arg26 : memref<!tpu.dma_semaphore, #tpu.memory_space<semaphore_mem>>) src(%dma_wait3A_330 : memref<10000x128xf32, #tpu.memory_space<hbm>>) dst(%arg8 : memref<80x128xf32, #tpu.memory_space<vmem>>)
      %dma_start3A_331 = arith.constant 0 : i32
      %dma_start3A_332 = arith.constant 0 : i32
      %dma_start3A_333 = tpu.memref_slice %arg21[%dma_start3A_331, %dma_start3A_332] : memref<10000x128xf32, #tpu.memory_space<vmem_shared>> -> memref<10000x128xf32, #tpu.memory_space<vmem_shared>>
      tpu.enqueue_indirect_dma source(%arg8 : memref<80x128xf32, #tpu.memory_space<vmem>>) target(%dma_start3A_333 : memref<10000x128xf32, #tpu.memory_space<vmem_shared>>) offsets(%arg7 : memref<80xi32, #tpu.memory_space<vmem>>) semaphore(%arg30 : memref<!tpu.dma_semaphore, #tpu.memory_space<semaphore_mem>>) {add = true}
    }
    %scan3A_96 = arith.constant 30 : i32
    %dma_wait3A_97 = arith.constant 0 : i32
    %dma_wait3A_98 = arith.constant 0 : i32
    %dma_wait3A_99 = tpu.memref_slice %arg21[%dma_wait3A_97, %dma_wait3A_98] : memref<10000x128xf32, #tpu.memory_space<vmem_shared>> -> memref<10000x128xf32, #tpu.memory_space<vmem_shared>>
    tpu.wait_indirect_dma semaphore(%arg30 : memref<!tpu.dma_semaphore, #tpu.memory_space<semaphore_mem>>) src(%arg8 : memref<80x128xf32, #tpu.memory_space<vmem>>) dst(%dma_wait3A_99 : memref<10000x128xf32, #tpu.memory_space<vmem_shared>>)
    %dma_start3A_100 = arith.constant 124 : i32
    %dma_start3A_101 = arith.constant 0 : i32
    %dma_start3A_102 = tpu.memref_slice %arg3[%add3A, %dma_start3A_100, %dma_start3A_101] : memref<32x125x80xi32, #tpu.memory_space<hbm>> -> memref<1x1x80xi32, #tpu.memory_space<hbm>>
    %dma_start3A_103 = tpu.memref_squeeze %dma_start3A_102 : memref<1x1x80xi32, #tpu.memory_space<hbm>> -> memref<80xi32, #tpu.memory_space<hbm>>
    %dma_start3A_104 = arith.constant 0 : i32
    %dma_start3A_105 = tpu.memref_slice %arg3[%add3A, %dma_start3A_100, %dma_start3A_104] : memref<32x125x80xi32, #tpu.memory_space<hbm>> -> memref<1x1x80xi32, #tpu.memory_space<hbm>>
    %dma_start3A_106 = tpu.memref_squeeze %dma_start3A_105 : memref<1x1x80xi32, #tpu.memory_space<hbm>> -> memref<80xi32, #tpu.memory_space<hbm>>
    tpu.enqueue_dma source(%dma_start3A_106 : memref<80xi32, #tpu.memory_space<hbm>>) target(%arg5 : memref<80xi32, #tpu.memory_space<vmem>>) target_semaphore(%arg22 : memref<!tpu.dma_semaphore, #tpu.memory_space<semaphore_mem>>)
    %dma_wait3A_107 = arith.constant 0 : i32
    %dma_wait3A_108 = arith.constant 0 : i32
    %dma_wait3A_109 = tpu.memref_slice %arg3[%add3A, %dma_wait3A_107, %dma_wait3A_108] : memref<32x125x80xi32, #tpu.memory_space<hbm>> -> memref<1x1x80xi32, #tpu.memory_space<hbm>>
    %dma_wait3A_110 = tpu.memref_squeeze %dma_wait3A_109 : memref<1x1x80xi32, #tpu.memory_space<hbm>> -> memref<80xi32, #tpu.memory_space<hbm>>
    %dma_wait3A_111 = arith.constant 0 : i32
    %dma_wait3A_112 = tpu.memref_slice %arg3[%add3A, %dma_wait3A_107, %dma_wait3A_111] : memref<32x125x80xi32, #tpu.memory_space<hbm>> -> memref<1x1x80xi32, #tpu.memory_space<hbm>>
    %dma_wait3A_113 = tpu.memref_squeeze %dma_wait3A_112 : memref<1x1x80xi32, #tpu.memory_space<hbm>> -> memref<80xi32, #tpu.memory_space<hbm>>
    tpu.wait_dma2 semaphore(%arg25 : memref<!tpu.dma_semaphore, #tpu.memory_space<semaphore_mem>>) src(%dma_wait3A_113 : memref<80xi32, #tpu.memory_space<hbm>>) dst(%arg17 : memref<80xi32, #tpu.memory_space<vmem>>)
    %scan3A_114 = arith.constant 0 : i32
    %scan3A_115 = arith.constant 5 : i32
    %scan3A_116 = arith.addi %scan3A_114, %scan3A_115 : i32
    %scan3A_117 = arith.constant 1 : i32
    scf.for %scan3A_185 = %scan3A_114 to %scan3A_116 step %scan3A_117  : i32 {
      %mul3A_186 = arith.constant 16 : i32
      %mul3A_187 = arith.muli %scan3A_185, %mul3A_186 : i32
      %add3A_188 = arith.constant 0 : i32
      %add3A_189 = arith.addi %add3A_188, %mul3A_187 : i32
      %get3A = arith.index_cast %add3A_189 : i32 to index
      %get3A_190 = tpu.vector_load %arg17[%get3A] {strides = array<i32>} : memref<80xi32, #tpu.memory_space<vmem>>, vector<16xi32>,
      %get3A_191 = vector.shape_cast %get3A_190 : vector<16xi32> to vector<16xi32>
      %and3A = arith.constant 65535 : i32
      %and3A_192 = vector.broadcast %and3A : i32 to vector<16xi32>
      %and3A_193 = arith.andi %get3A_191, %and3A_192 : vector<16xi32>
      %swap3A = arith.index_cast %add3A_189 : i32 to index
      %swap3A_194 = tpu.vector_load %arg18[%swap3A] {strides = array<i32>} : memref<80xi32, #tpu.memory_space<vmem>>, vector<16xi32>,
      %swap3A_195 = vector.shape_cast %swap3A_194 : vector<16xi32> to vector<16xi32>
      %swap3A_196 = vector.shape_cast %and3A_193 : vector<16xi32> to vector<16xi32>
      tpu.vector_store %arg18[%swap3A], %swap3A_196 {strides = array<i32>} : memref<80xi32, #tpu.memory_space<vmem>>, vector<16xi32>,
      %shift_right_logical3A = arith.constant 16 : i32
      %shift_right_logical3A_197 = vector.broadcast %shift_right_logical3A : i32 to vector<16xi32>
      %shift_right_logical3A_198 = arith.shrui %get3A_191, %shift_right_logical3A_197 : vector<16xi32>
      %swap3A_199 = arith.index_cast %add3A_189 : i32 to index
      %swap3A_200 = tpu.vector_load %arg19[%swap3A_199] {strides = array<i32>} : memref<80xi32, #tpu.memory_space<vmem>>, vector<16xi32>,
      %swap3A_201 = vector.shape_cast %swap3A_200 : vector<16xi32> to vector<16xi32>
      %swap3A_202 = vector.shape_cast %shift_right_logical3A_198 : vector<16xi32> to vector<16xi32>
      tpu.vector_store %arg19[%swap3A_199], %swap3A_202 {strides = array<i32>} : memref<80xi32, #tpu.memory_space<vmem>>, vector<16xi32>,
    }
    %scan3A_118 = arith.constant 5 : i32
    %dma_start3A_119 = arith.constant 0 : i32
    %dma_start3A_120 = arith.constant 0 : i32
    %dma_start3A_121 = tpu.memref_slice %arg2[%dma_start3A_119, %dma_start3A_120] : memref<10000x128xf32, #tpu.memory_space<hbm>> -> memref<10000x128xf32, #tpu.memory_space<hbm>>
    tpu.enqueue_indirect_dma source(%dma_start3A_121 : memref<10000x128xf32, #tpu.memory_space<hbm>>) target(%arg20 : memref<80x128xf32, #tpu.memory_space<vmem>>) offsets(%arg18 : memref<80xi32, #tpu.memory_space<vmem>>) semaphore(%arg29 : memref<!tpu.dma_semaphore, #tpu.memory_space<semaphore_mem>>)
    %dma_wait3A_122 = arith.constant 0 : i32
    %dma_wait3A_123 = arith.constant 0 : i32
    %dma_wait3A_124 = tpu.memref_slice %arg2[%dma_wait3A_122, %dma_wait3A_123] : memref<10000x128xf32, #tpu.memory_space<hbm>> -> memref<10000x128xf32, #tpu.memory_space<hbm>>
    tpu.wait_indirect_dma semaphore(%arg27 : memref<!tpu.dma_semaphore, #tpu.memory_space<semaphore_mem>>) src(%dma_wait3A_124 : memref<10000x128xf32, #tpu.memory_space<hbm>>) dst(%arg12 : memref<80x128xf32, #tpu.memory_space<vmem>>)
    %dma_start3A_125 = arith.constant 0 : i32
    %dma_start3A_126 = arith.constant 0 : i32
    %dma_start3A_127 = tpu.memref_slice %arg21[%dma_start3A_125, %dma_start3A_126] : memref<10000x128xf32, #tpu.memory_space<vmem_shared>> -> memref<10000x128xf32, #tpu.memory_space<vmem_shared>>
    tpu.enqueue_indirect_dma source(%arg12 : memref<80x128xf32, #tpu.memory_space<vmem>>) target(%dma_start3A_127 : memref<10000x128xf32, #tpu.memory_space<vmem_shared>>) offsets(%arg11 : memref<80xi32, #tpu.memory_space<vmem>>) semaphore(%arg31 : memref<!tpu.dma_semaphore, #tpu.memory_space<semaphore_mem>>) {add = true}
    %dma_wait3A_128 = arith.constant 0 : i32
    %dma_wait3A_129 = arith.constant 0 : i32
    %dma_wait3A_130 = tpu.memref_slice %arg3[%add3A, %dma_wait3A_128, %dma_wait3A_129] : memref<32x125x80xi32, #tpu.memory_space<hbm>> -> memref<1x1x80xi32, #tpu.memory_space<hbm>>
    %dma_wait3A_131 = tpu.memref_squeeze %dma_wait3A_130 : memref<1x1x80xi32, #tpu.memory_space<hbm>> -> memref<80xi32, #tpu.memory_space<hbm>>
    %dma_wait3A_132 = arith.constant 0 : i32
    %dma_wait3A_133 = tpu.memref_slice %arg3[%add3A, %dma_wait3A_128, %dma_wait3A_132] : memref<32x125x80xi32, #tpu.memory_space<hbm>> -> memref<1x1x80xi32, #tpu.memory_space<hbm>>
    %dma_wait3A_134 = tpu.memref_squeeze %dma_wait3A_133 : memref<1x1x80xi32, #tpu.memory_space<hbm>> -> memref<80xi32, #tpu.memory_space<hbm>>
    tpu.wait_dma2 semaphore(%arg22 : memref<!tpu.dma_semaphore, #tpu.memory_space<semaphore_mem>>) src(%dma_wait3A_134 : memref<80xi32, #tpu.memory_space<hbm>>) dst(%arg5 : memref<80xi32, #tpu.memory_space<vmem>>)
    %scan3A_135 = arith.constant 0 : i32
    %scan3A_136 = arith.constant 5 : i32
    %scan3A_137 = arith.addi %scan3A_135, %scan3A_136 : i32
    %scan3A_138 = arith.constant 1 : i32
    scf.for %scan3A_185 = %scan3A_135 to %scan3A_137 step %scan3A_138  : i32 {
      %mul3A_186 = arith.constant 16 : i32
      %mul3A_187 = arith.muli %scan3A_185, %mul3A_186 : i32
      %add3A_188 = arith.constant 0 : i32
      %add3A_189 = arith.addi %add3A_188, %mul3A_187 : i32
      %get3A = arith.index_cast %add3A_189 : i32 to index
      %get3A_190 = tpu.vector_load %arg5[%get3A] {strides = array<i32>} : memref<80xi32, #tpu.memory_space<vmem>>, vector<16xi32>,
      %get3A_191 = vector.shape_cast %get3A_190 : vector<16xi32> to vector<16xi32>
      %and3A = arith.constant 65535 : i32
      %and3A_192 = vector.broadcast %and3A : i32 to vector<16xi32>
      %and3A_193 = arith.andi %get3A_191, %and3A_192 : vector<16xi32>
      %swap3A = arith.index_cast %add3A_189 : i32 to index
      %swap3A_194 = tpu.vector_load %arg6[%swap3A] {strides = array<i32>} : memref<80xi32, #tpu.memory_space<vmem>>, vector<16xi32>,
      %swap3A_195 = vector.shape_cast %swap3A_194 : vector<16xi32> to vector<16xi32>
      %swap3A_196 = vector.shape_cast %and3A_193 : vector<16xi32> to vector<16xi32>
      tpu.vector_store %arg6[%swap3A], %swap3A_196 {strides = array<i32>} : memref<80xi32, #tpu.memory_space<vmem>>, vector<16xi32>,
      %shift_right_logical3A = arith.constant 16 : i32
      %shift_right_logical3A_197 = vector.broadcast %shift_right_logical3A : i32 to vector<16xi32>
      %shift_right_logical3A_198 = arith.shrui %get3A_191, %shift_right_logical3A_197 : vector<16xi32>
      %swap3A_199 = arith.index_cast %add3A_189 : i32 to index
      %swap3A_200 = tpu.vector_load %arg7[%swap3A_199] {strides = array<i32>} : memref<80xi32, #tpu.memory_space<vmem>>, vector<16xi32>,
      %swap3A_201 = vector.shape_cast %swap3A_200 : vector<16xi32> to vector<16xi32>
      %swap3A_202 = vector.shape_cast %shift_right_logical3A_198 : vector<16xi32> to vector<16xi32>
      tpu.vector_store %arg7[%swap3A_199], %swap3A_202 {strides = array<i32>} : memref<80xi32, #tpu.memory_space<vmem>>, vector<16xi32>,
    }
    %scan3A_139 = arith.constant 5 : i32
    %dma_start3A_140 = arith.constant 0 : i32
    %dma_start3A_141 = arith.constant 0 : i32
    %dma_start3A_142 = tpu.memref_slice %arg2[%dma_start3A_140, %dma_start3A_141] : memref<10000x128xf32, #tpu.memory_space<hbm>> -> memref<10000x128xf32, #tpu.memory_space<hbm>>
    tpu.enqueue_indirect_dma source(%dma_start3A_142 : memref<10000x128xf32, #tpu.memory_space<hbm>>) target(%arg8 : memref<80x128xf32, #tpu.memory_space<vmem>>) offsets(%arg6 : memref<80xi32, #tpu.memory_space<vmem>>) semaphore(%arg26 : memref<!tpu.dma_semaphore, #tpu.memory_space<semaphore_mem>>)
    %dma_wait3A_143 = arith.constant 0 : i32
    %dma_wait3A_144 = arith.constant 0 : i32
    %dma_wait3A_145 = tpu.memref_slice %arg2[%dma_wait3A_143, %dma_wait3A_144] : memref<10000x128xf32, #tpu.memory_space<hbm>> -> memref<10000x128xf32, #tpu.memory_space<hbm>>
    tpu.wait_indirect_dma semaphore(%arg28 : memref<!tpu.dma_semaphore, #tpu.memory_space<semaphore_mem>>) src(%dma_wait3A_145 : memref<10000x128xf32, #tpu.memory_space<hbm>>) dst(%arg16 : memref<80x128xf32, #tpu.memory_space<vmem>>)
    %dma_start3A_146 = arith.constant 0 : i32
    %dma_start3A_147 = arith.constant 0 : i32
    %dma_start3A_148 = tpu.memref_slice %arg21[%dma_start3A_146, %dma_start3A_147] : memref<10000x128xf32, #tpu.memory_space<vmem_shared>> -> memref<10000x128xf32, #tpu.memory_space<vmem_shared>>
    tpu.enqueue_indirect_dma source(%arg16 : memref<80x128xf32, #tpu.memory_space<vmem>>) target(%dma_start3A_148 : memref<10000x128xf32, #tpu.memory_space<vmem_shared>>) offsets(%arg15 : memref<80xi32, #tpu.memory_space<vmem>>) semaphore(%arg32 : memref<!tpu.dma_semaphore, #tpu.memory_space<semaphore_mem>>) {add = true}
    %dma_wait3A_149 = arith.constant 0 : i32
    %dma_wait3A_150 = arith.constant 0 : i32
    %dma_wait3A_151 = tpu.memref_slice %arg2[%dma_wait3A_149, %dma_wait3A_150] : memref<10000x128xf32, #tpu.memory_space<hbm>> -> memref<10000x128xf32, #tpu.memory_space<hbm>>
    tpu.wait_indirect_dma semaphore(%arg29 : memref<!tpu.dma_semaphore, #tpu.memory_space<semaphore_mem>>) src(%dma_wait3A_151 : memref<10000x128xf32, #tpu.memory_space<hbm>>) dst(%arg20 : memref<80x128xf32, #tpu.memory_space<vmem>>)
    %dma_start3A_152 = arith.constant 0 : i32
    %dma_start3A_153 = arith.constant 0 : i32
    %dma_start3A_154 = tpu.memref_slice %arg21[%dma_start3A_152, %dma_start3A_153] : memref<10000x128xf32, #tpu.memory_space<vmem_shared>> -> memref<10000x128xf32, #tpu.memory_space<vmem_shared>>
    tpu.enqueue_indirect_dma source(%arg20 : memref<80x128xf32, #tpu.memory_space<vmem>>) target(%dma_start3A_154 : memref<10000x128xf32, #tpu.memory_space<vmem_shared>>) offsets(%arg19 : memref<80xi32, #tpu.memory_space<vmem>>) semaphore(%arg33 : memref<!tpu.dma_semaphore, #tpu.memory_space<semaphore_mem>>) {add = true}
    %dma_wait3A_155 = arith.constant 0 : i32
    %dma_wait3A_156 = arith.constant 0 : i32
    %dma_wait3A_157 = tpu.memref_slice %arg2[%dma_wait3A_155, %dma_wait3A_156] : memref<10000x128xf32, #tpu.memory_space<hbm>> -> memref<10000x128xf32, #tpu.memory_space<hbm>>
    tpu.wait_indirect_dma semaphore(%arg26 : memref<!tpu.dma_semaphore, #tpu.memory_space<semaphore_mem>>) src(%dma_wait3A_157 : memref<10000x128xf32, #tpu.memory_space<hbm>>) dst(%arg8 : memref<80x128xf32, #tpu.memory_space<vmem>>)
    %dma_start3A_158 = arith.constant 0 : i32
    %dma_start3A_159 = arith.constant 0 : i32
    %dma_start3A_160 = tpu.memref_slice %arg21[%dma_start3A_158, %dma_start3A_159] : memref<10000x128xf32, #tpu.memory_space<vmem_shared>> -> memref<10000x128xf32, #tpu.memory_space<vmem_shared>>
    tpu.enqueue_indirect_dma source(%arg8 : memref<80x128xf32, #tpu.memory_space<vmem>>) target(%dma_start3A_160 : memref<10000x128xf32, #tpu.memory_space<vmem_shared>>) offsets(%arg7 : memref<80xi32, #tpu.memory_space<vmem>>) semaphore(%arg30 : memref<!tpu.dma_semaphore, #tpu.memory_space<semaphore_mem>>) {add = true}
    %dma_wait3A_161 = arith.constant 0 : i32
    %dma_wait3A_162 = arith.constant 0 : i32
    %dma_wait3A_163 = tpu.memref_slice %arg21[%dma_wait3A_161, %dma_wait3A_162] : memref<10000x128xf32, #tpu.memory_space<vmem_shared>> -> memref<10000x128xf32, #tpu.memory_space<vmem_shared>>
    tpu.wait_indirect_dma semaphore(%arg30 : memref<!tpu.dma_semaphore, #tpu.memory_space<semaphore_mem>>) src(%arg8 : memref<80x128xf32, #tpu.memory_space<vmem>>) dst(%dma_wait3A_163 : memref<10000x128xf32, #tpu.memory_space<vmem_shared>>)
    %dma_wait3A_164 = arith.constant 0 : i32
    %dma_wait3A_165 = arith.constant 0 : i32
    %dma_wait3A_166 = tpu.memref_slice %arg21[%dma_wait3A_164, %dma_wait3A_165] : memref<10000x128xf32, #tpu.memory_space<vmem_shared>> -> memref<10000x128xf32, #tpu.memory_space<vmem_shared>>
    tpu.wait_indirect_dma semaphore(%arg31 : memref<!tpu.dma_semaphore, #tpu.memory_space<semaphore_mem>>) src(%arg12 : memref<80x128xf32, #tpu.memory_space<vmem>>) dst(%dma_wait3A_166 : memref<10000x128xf32, #tpu.memory_space<vmem_shared>>)
    %dma_wait3A_167 = arith.constant 0 : i32
    %dma_wait3A_168 = arith.constant 0 : i32
    %dma_wait3A_169 = tpu.memref_slice %arg21[%dma_wait3A_167, %dma_wait3A_168] : memref<10000x128xf32, #tpu.memory_space<vmem_shared>> -> memref<10000x128xf32, #tpu.memory_space<vmem_shared>>
    tpu.wait_indirect_dma semaphore(%arg32 : memref<!tpu.dma_semaphore, #tpu.memory_space<semaphore_mem>>) src(%arg16 : memref<80x128xf32, #tpu.memory_space<vmem>>) dst(%dma_wait3A_169 : memref<10000x128xf32, #tpu.memory_space<vmem_shared>>)
    %dma_wait3A_170 = arith.constant 0 : i32
    %dma_wait3A_171 = arith.constant 0 : i32
    %dma_wait3A_172 = tpu.memref_slice %arg21[%dma_wait3A_170, %dma_wait3A_171] : memref<10000x128xf32, #tpu.memory_space<vmem_shared>> -> memref<10000x128xf32, #tpu.memory_space<vmem_shared>>
    tpu.wait_indirect_dma semaphore(%arg33 : memref<!tpu.dma_semaphore, #tpu.memory_space<semaphore_mem>>) src(%arg20 : memref<80x128xf32, #tpu.memory_space<vmem>>) dst(%dma_wait3A_172 : memref<10000x128xf32, #tpu.memory_space<vmem_shared>>)
    %barrier3A_173 = arith.constant 0 : index
    tpu.barrier barrier_id(%barrier3A_173)
    %scan3A_174 = arith.constant 0 : i32
    %scan3A_175 = arith.constant 7 : i32
    %scan3A_176 = arith.addi %scan3A_174, %scan3A_175 : i32
    %scan3A_177 = arith.constant 1 : i32
    scf.for %scan3A_185 = %scan3A_174 to %scan3A_176 step %scan3A_177  : i32 {
      %mul3A_186 = arith.constant 80 : i32
      %mul3A_187 = arith.muli %scan3A_185, %mul3A_186 : i32
      %add3A_188 = arith.constant 0 : i32
      %add3A_189 = arith.addi %add3A_188, %mul3A_187 : i32
      %mul3A_190 = arith.constant 625 : i32
      %mul3A_191 = arith.muli %arg1, %mul3A_190 : i32
      %add3A_192 = arith.addi %mul3A_191, %add3A_189 : i32
      "tpu.region"() ({
        %run_scoped3A = tpu.sem_alloc : memref<!tpu.dma_semaphore, #tpu.memory_space<semaphore_mem>>
        %dma_start3A_193 = arith.constant 0 : i32
        %dma_start3A_194 = tpu.memref_slice %arg21[%add3A_192, %dma_start3A_193] : memref<10000x128xf32, #tpu.memory_space<vmem_shared>> -> memref<80x128xf32, #tpu.memory_space<vmem_shared>>
        %dma_start3A_195 = arith.constant 0 : i32
        %dma_start3A_196 = tpu.memref_slice %arg21[%add3A_192, %dma_start3A_195] : memref<10000x128xf32, #tpu.memory_space<vmem_shared>> -> memref<80x128xf32, #tpu.memory_space<vmem_shared>>
        tpu.enqueue_dma source(%dma_start3A_196 : memref<80x128xf32, #tpu.memory_space<vmem_shared>>) target(%arg8 : memref<80x128xf32, #tpu.memory_space<vmem>>) target_semaphore(%run_scoped3A : memref<!tpu.dma_semaphore, #tpu.memory_space<semaphore_mem>>)
        %dma_wait3A_197 = arith.constant 0 : i32
        %dma_wait3A_198 = tpu.memref_slice %arg21[%add3A_192, %dma_wait3A_197] : memref<10000x128xf32, #tpu.memory_space<vmem_shared>> -> memref<80x128xf32, #tpu.memory_space<vmem_shared>>
        %dma_wait3A_199 = arith.constant 0 : i32
        %dma_wait3A_200 = tpu.memref_slice %arg21[%add3A_192, %dma_wait3A_199] : memref<10000x128xf32, #tpu.memory_space<vmem_shared>> -> memref<80x128xf32, #tpu.memory_space<vmem_shared>>
        tpu.wait_dma2 semaphore(%run_scoped3A : memref<!tpu.dma_semaphore, #tpu.memory_space<semaphore_mem>>) src(%dma_wait3A_200 : memref<80x128xf32, #tpu.memory_space<vmem_shared>>) dst(%arg8 : memref<80x128xf32, #tpu.memory_space<vmem>>)
        tpu.yield
      }) : () -> ()
      "tpu.region"() ({
        %run_scoped3A = tpu.sem_alloc : memref<!tpu.dma_semaphore, #tpu.memory_space<semaphore_mem>>
        %dma_start3A_193 = arith.constant 0 : i32
        %dma_start3A_194 = tpu.memref_slice %arg4[%arg0, %add3A_192, %dma_start3A_193] : memref<2x10000x128xf32, #tpu.memory_space<hbm>> -> memref<1x80x128xf32, #tpu.memory_space<hbm>>
        %dma_start3A_195 = tpu.memref_squeeze %dma_start3A_194 : memref<1x80x128xf32, #tpu.memory_space<hbm>> -> memref<80x128xf32, #tpu.memory_space<hbm>>
        %dma_start3A_196 = arith.constant 0 : i32
        %dma_start3A_197 = tpu.memref_slice %arg4[%arg0, %add3A_192, %dma_start3A_196] : memref<2x10000x128xf32, #tpu.memory_space<hbm>> -> memref<1x80x128xf32, #tpu.memory_space<hbm>>
        %dma_start3A_198 = tpu.memref_squeeze %dma_start3A_197 : memref<1x80x128xf32, #tpu.memory_space<hbm>> -> memref<80x128xf32, #tpu.memory_space<hbm>>
        tpu.enqueue_dma source(%arg8 : memref<80x128xf32, #tpu.memory_space<vmem>>) target(%dma_start3A_198 : memref<80x128xf32, #tpu.memory_space<hbm>>) target_semaphore(%run_scoped3A : memref<!tpu.dma_semaphore, #tpu.memory_space<semaphore_mem>>)
        %dma_wait3A_199 = arith.constant 0 : i32
        %dma_wait3A_200 = tpu.memref_slice %arg4[%arg0, %add3A_192, %dma_wait3A_199] : memref<2x10000x128xf32, #tpu.memory_space<hbm>> -> memref<1x80x128xf32, #tpu.memory_space<hbm>>
        %dma_wait3A_201 = tpu.memref_squeeze %dma_wait3A_200 : memref<1x80x128xf32, #tpu.memory_space<hbm>> -> memref<80x128xf32, #tpu.memory_space<hbm>>
        %dma_wait3A_202 = arith.constant 0 : i32
        %dma_wait3A_203 = tpu.memref_slice %arg4[%arg0, %add3A_192, %dma_wait3A_202] : memref<2x10000x128xf32, #tpu.memory_space<hbm>> -> memref<1x80x128xf32, #tpu.memory_space<hbm>>
        %dma_wait3A_204 = tpu.memref_squeeze %dma_wait3A_203 : memref<1x80x128xf32, #tpu.memory_space<hbm>> -> memref<80x128xf32, #tpu.memory_space<hbm>>
        tpu.wait_dma2 semaphore(%run_scoped3A : memref<!tpu.dma_semaphore, #tpu.memory_space<semaphore_mem>>) src(%arg8 : memref<80x128xf32, #tpu.memory_space<vmem>>) dst(%dma_wait3A_204 : memref<80x128xf32, #tpu.memory_space<hbm>>)
        tpu.yield
      }) : () -> ()
    }
    %scan3A_178 = arith.constant 7 : i32
    %mul3A_179 = arith.constant 625 : i32
    %mul3A_180 = arith.muli %arg1, %mul3A_179 : i32
    %add3A_181 = arith.constant 625 : i32
    %add3A_182 = arith.addi %mul3A_180, %add3A_181 : i32
    %sub3A_183 = arith.constant 65 : i32
    %sub3A_184 = arith.subi %add3A_182, %sub3A_183 : i32
    "tpu.region"() ({
      %run_scoped3A = tpu.sem_alloc : memref<!tpu.dma_semaphore, #tpu.memory_space<semaphore_mem>>
      %dma_start3A_185 = arith.constant 0 : i32
      %dma_start3A_186 = arith.constant 0 : i32
      %dma_start3A_187 = tpu.memref_slice %arg8[%dma_start3A_185, %dma_start3A_186] : memref<80x128xf32, #tpu.memory_space<vmem>> -> memref<65x128xf32, #tpu.memory_space<vmem>>
      %dma_start3A_188 = arith.constant 0 : i32
      %dma_start3A_189 = tpu.memref_slice %arg21[%sub3A_184, %dma_start3A_188] : memref<10000x128xf32, #tpu.memory_space<vmem_shared>> -> memref<65x128xf32, #tpu.memory_space<vmem_shared>>
      %dma_start3A_190 = arith.constant 0 : i32
      %dma_start3A_191 = arith.constant 0 : i32
      %dma_start3A_192 = tpu.memref_slice %arg8[%dma_start3A_190, %dma_start3A_191] : memref<80x128xf32, #tpu.memory_space<vmem>> -> memref<65x128xf32, #tpu.memory_space<vmem>>
      %dma_start3A_193 = arith.constant 0 : i32
      %dma_start3A_194 = tpu.memref_slice %arg21[%sub3A_184, %dma_start3A_193] : memref<10000x128xf32, #tpu.memory_space<vmem_shared>> -> memref<65x128xf32, #tpu.memory_space<vmem_shared>>
      tpu.enqueue_dma source(%dma_start3A_194 : memref<65x128xf32, #tpu.memory_space<vmem_shared>>) target(%dma_start3A_192 : memref<65x128xf32, #tpu.memory_space<vmem>>) target_semaphore(%run_scoped3A : memref<!tpu.dma_semaphore, #tpu.memory_space<semaphore_mem>>)
      %dma_wait3A_195 = arith.constant 0 : i32
      %dma_wait3A_196 = arith.constant 0 : i32
      %dma_wait3A_197 = tpu.memref_slice %arg8[%dma_wait3A_195, %dma_wait3A_196] : memref<80x128xf32, #tpu.memory_space<vmem>> -> memref<65x128xf32, #tpu.memory_space<vmem>>
      %dma_wait3A_198 = arith.constant 0 : i32
      %dma_wait3A_199 = tpu.memref_slice %arg21[%sub3A_184, %dma_wait3A_198] : memref<10000x128xf32, #tpu.memory_space<vmem_shared>> -> memref<65x128xf32, #tpu.memory_space<vmem_shared>>
      %dma_wait3A_200 = arith.constant 0 : i32
      %dma_wait3A_201 = arith.constant 0 : i32
      %dma_wait3A_202 = tpu.memref_slice %arg8[%dma_wait3A_200, %dma_wait3A_201] : memref<80x128xf32, #tpu.memory_space<vmem>> -> memref<65x128xf32, #tpu.memory_space<vmem>>
      %dma_wait3A_203 = arith.constant 0 : i32
      %dma_wait3A_204 = tpu.memref_slice %arg21[%sub3A_184, %dma_wait3A_203] : memref<10000x128xf32, #tpu.memory_space<vmem_shared>> -> memref<65x128xf32, #tpu.memory_space<vmem_shared>>
      tpu.wait_dma2 semaphore(%run_scoped3A : memref<!tpu.dma_semaphore, #tpu.memory_space<semaphore_mem>>) src(%dma_wait3A_204 : memref<65x128xf32, #tpu.memory_space<vmem_shared>>) dst(%dma_wait3A_202 : memref<65x128xf32, #tpu.memory_space<vmem>>)
      tpu.yield
    }) : () -> ()
    "tpu.region"() ({
      %run_scoped3A = tpu.sem_alloc : memref<!tpu.dma_semaphore, #tpu.memory_space<semaphore_mem>>
      %dma_start3A_185 = arith.constant 0 : i32
      %dma_start3A_186 = arith.constant 0 : i32
      %dma_start3A_187 = tpu.memref_slice %arg8[%dma_start3A_185, %dma_start3A_186] : memref<80x128xf32, #tpu.memory_space<vmem>> -> memref<65x128xf32, #tpu.memory_space<vmem>>
      %dma_start3A_188 = arith.constant 0 : i32
      %dma_start3A_189 = tpu.memref_slice %arg4[%arg0, %sub3A_184, %dma_start3A_188] : memref<2x10000x128xf32, #tpu.memory_space<hbm>> -> memref<1x65x128xf32, #tpu.memory_space<hbm>>
      %dma_start3A_190 = tpu.memref_squeeze %dma_start3A_189 : memref<1x65x128xf32, #tpu.memory_space<hbm>> -> memref<65x128xf32, #tpu.memory_space<hbm>>
      %dma_start3A_191 = arith.constant 0 : i32
      %dma_start3A_192 = tpu.memref_slice %arg4[%arg0, %sub3A_184, %dma_start3A_191] : memref<2x10000x128xf32, #tpu.memory_space<hbm>> -> memref<1x65x128xf32, #tpu.memory_space<hbm>>
      %dma_start3A_193 = tpu.memref_squeeze %dma_start3A_192 : memref<1x65x128xf32, #tpu.memory_space<hbm>> -> memref<65x128xf32, #tpu.memory_space<hbm>>
      %dma_start3A_194 = arith.constant 0 : i32
      %dma_start3A_195 = arith.constant 0 : i32
      %dma_start3A_196 = tpu.memref_slice %arg8[%dma_start3A_194, %dma_start3A_195] : memref<80x128xf32, #tpu.memory_space<vmem>> -> memref<65x128xf32, #tpu.memory_space<vmem>>
      tpu.enqueue_dma source(%dma_start3A_196 : memref<65x128xf32, #tpu.memory_space<vmem>>) target(%dma_start3A_193 : memref<65x128xf32, #tpu.memory_space<hbm>>) target_semaphore(%run_scoped3A : memref<!tpu.dma_semaphore, #tpu.memory_space<semaphore_mem>>)
      %dma_wait3A_197 = arith.constant 0 : i32
      %dma_wait3A_198 = arith.constant 0 : i32
      %dma_wait3A_199 = tpu.memref_slice %arg8[%dma_wait3A_197, %dma_wait3A_198] : memref<80x128xf32, #tpu.memory_space<vmem>> -> memref<65x128xf32, #tpu.memory_space<vmem>>
      %dma_wait3A_200 = arith.constant 0 : i32
      %dma_wait3A_201 = tpu.memref_slice %arg4[%arg0, %sub3A_184, %dma_wait3A_200] : memref<2x10000x128xf32, #tpu.memory_space<hbm>> -> memref<1x65x128xf32, #tpu.memory_space<hbm>>
      %dma_wait3A_202 = tpu.memref_squeeze %dma_wait3A_201 : memref<1x65x128xf32, #tpu.memory_space<hbm>> -> memref<65x128xf32, #tpu.memory_space<hbm>>
      %dma_wait3A_203 = arith.constant 0 : i32
      %dma_wait3A_204 = tpu.memref_slice %arg4[%arg0, %sub3A_184, %dma_wait3A_203] : memref<2x10000x128xf32, #tpu.memory_space<hbm>> -> memref<1x65x128xf32, #tpu.memory_space<hbm>>
      %dma_wait3A_205 = tpu.memref_squeeze %dma_wait3A_204 : memref<1x65x128xf32, #tpu.memory_space<hbm>> -> memref<65x128xf32, #tpu.memory_space<hbm>>
      %dma_wait3A_206 = arith.constant 0 : i32
      %dma_wait3A_207 = arith.constant 0 : i32
      %dma_wait3A_208 = tpu.memref_slice %arg8[%dma_wait3A_206, %dma_wait3A_207] : memref<80x128xf32, #tpu.memory_space<vmem>> -> memref<65x128xf32, #tpu.memory_space<vmem>>
      tpu.wait_dma2 semaphore(%run_scoped3A : memref<!tpu.dma_semaphore, #tpu.memory_space<semaphore_mem>>) src(%dma_wait3A_208 : memref<65x128xf32, #tpu.memory_space<vmem>>) dst(%dma_wait3A_205 : memref<65x128xf32, #tpu.memory_space<hbm>>)
      tpu.yield
    }) : () -> ()
    return
  }
}

module attributes {stable_mosaic.version = 14 : i64} {
  func.func @_tc_mm_body(%arg0: i32, %arg1: memref<2000x128xf32, #tpu.memory_space<vmem>>, %arg2: memref<128x128xf32, #tpu.memory_space<vmem>>, %arg3: memref<2000x128xf32, #tpu.memory_space<vmem>>) attributes {dimension_semantics = [#tpu.dimension_semantics<arbitrary>], iteration_bounds = array<i64: 5>, scalar_prefetch = 0 : i64, scratch_operands = 0 : i64, tpu.core_type = #tpu.core_type<tc>, window_params = [{transform_indices = @transform_0, window_bounds = array<i64: 2000, 128>}, {pipeline_mode = #tpu.pipeline_mode<synchronous>, transform_indices = @transform_1, window_bounds = array<i64: 128, 128>}, {transform_indices = @transform_2, window_bounds = array<i64: 2000, 128>}]} {
    %get3A = arith.constant 0 : index
    %get3A_0 = arith.constant 0 : index
    %get3A_1 = vector.load %arg1[%get3A, %get3A_0] : memref<2000x128xf32, #tpu.memory_space<vmem>>, vector<2000x128xf32>
    %get3A_2 = arith.constant 0 : index
    %get3A_3 = arith.constant 0 : index
    %get3A_4 = vector.load %arg2[%get3A_2, %get3A_3] : memref<128x128xf32, #tpu.memory_space<vmem>>, vector<128x128xf32>
    %dot_general3A = arith.constant dense<0.000000e+00> : vector<2000x128xf32>
    %dot_general3A_5 = tpu.matmul %get3A_1, %get3A_4, %dot_general3A {dimension_numbers = #tpu.dot_dimension_numbers<[1], [0], [0], [1], [0, 0, 1, 1], [], []>, precision = #tpu.contract_precision<fp32>, transpose_lhs_hint = false} : vector<2000x128xf32>, vector<128x128xf32>, vector<2000x128xf32> -> vector<2000x128xf32>
    %swap3A = arith.constant 0 : index
    %swap3A_6 = arith.constant 0 : index
    %swap3A_7 = vector.load %arg3[%swap3A, %swap3A_6] : memref<2000x128xf32, #tpu.memory_space<vmem>>, vector<2000x128xf32>
    tpu.vector_store %arg3[%swap3A, %swap3A_6], %dot_general3A_5 {strides = array<i32>} : memref<2000x128xf32, #tpu.memory_space<vmem>>, vector<2000x128xf32>,
    return
  }
  func.func @transform_0(%arg0: i32) -> (i32, i32) {
    %c0_i32 = arith.constant 0 : i32
    %c0_i32_0 = arith.constant 0 : i32
    return %arg0, %c0_i32 : i32, i32
  }
  func.func @transform_1(%arg0: i32) -> (i32, i32) {
    %c0_i32 = arith.constant 0 : i32
    %c0_i32_0 = arith.constant 0 : i32
    %c0_i32_1 = arith.constant 0 : i32
    return %c0_i32, %c0_i32_0 : i32, i32
  }
  func.func @transform_2(%arg0: i32) -> (i32, i32) {
    %c0_i32 = arith.constant 0 : i32
    %c0_i32_0 = arith.constant 0 : i32
    return %arg0, %c0_i32 : i32, i32
  }
}

module attributes {stable_mosaic.version = 14 : i64} {
  func.func @_tc_layer_body(%arg0: i32, %arg1: memref<2x2000x128xf32, #tpu.memory_space<vmem>>, %arg2: memref<2x2000x16xf32, #tpu.memory_space<vmem>>, %arg3: memref<2000x128xf32, #tpu.memory_space<vmem>>, %arg4: memref<128x128xf32, #tpu.memory_space<vmem>>, %arg5: memref<1x128xf32, #tpu.memory_space<vmem>>, %arg6: memref<2000x128xf32, #tpu.memory_space<vmem>>) attributes {dimension_semantics = [#tpu.dimension_semantics<arbitrary>], iteration_bounds = array<i64: 5>, scalar_prefetch = 0 : i64, scratch_operands = 0 : i64, tpu.core_type = #tpu.core_type<tc>, window_params = [{transform_indices = @transform_0, window_bounds = array<i64: 2, 2000, 128>}, {transform_indices = @transform_1, window_bounds = array<i64: 2, 2000, 16>}, {transform_indices = @transform_2, window_bounds = array<i64: 2000, 128>}, {pipeline_mode = #tpu.pipeline_mode<synchronous>, transform_indices = @transform_3, window_bounds = array<i64: 128, 128>}, {pipeline_mode = #tpu.pipeline_mode<synchronous>, transform_indices = @transform_4, window_bounds = array<i64: 1, 128>}, {transform_indices = @transform_5, window_bounds = array<i64: 2000, 128>}]} {
    %get3A = arith.constant 0 : index
    %get3A_0 = arith.constant 0 : index
    %get3A_1 = arith.constant 0 : index
    %get3A_2 = vector.load %arg2[%get3A, %get3A_0, %get3A_1] : memref<2x2000x16xf32, #tpu.memory_space<vmem>>, vector<1x2000x1xf32>
    %get3A_3 = vector.shape_cast %get3A_2 : vector<1x2000x1xf32> to vector<2000x1xf32>
    %get3A_4 = arith.constant 1 : index
    %get3A_5 = arith.constant 0 : index
    %get3A_6 = arith.constant 0 : index
    %get3A_7 = vector.load %arg2[%get3A_4, %get3A_5, %get3A_6] : memref<2x2000x16xf32, #tpu.memory_space<vmem>>, vector<1x2000x1xf32>
    %get3A_8 = vector.shape_cast %get3A_7 : vector<1x2000x1xf32> to vector<2000x1xf32>
    %add3A = arith.addf %get3A_3, %get3A_8 : vector<2000x1xf32>
    %max3A = arith.constant 1.000000e+00 : f32
    %max3A_9 = vector.broadcast %max3A : f32 to vector<2000x1xf32>
    %max3A_10 = arith.maximumf %add3A, %max3A_9 : vector<2000x1xf32>
    %div3A = arith.constant 1.000000e+00 : f32
    %div3A_11 = vector.broadcast %div3A : f32 to vector<2000x1xf32>
    %div3A_12 = arith.divf %div3A_11, %max3A_10 : vector<2000x1xf32>
    %get3A_13 = arith.constant 0 : index
    %get3A_14 = arith.constant 0 : index
    %get3A_15 = arith.constant 0 : index
    %get3A_16 = vector.load %arg1[%get3A_13, %get3A_14, %get3A_15] : memref<2x2000x128xf32, #tpu.memory_space<vmem>>, vector<1x2000x128xf32>
    %get3A_17 = vector.shape_cast %get3A_16 : vector<1x2000x128xf32> to vector<2000x128xf32>
    %get3A_18 = arith.constant 1 : index
    %get3A_19 = arith.constant 0 : index
    %get3A_20 = arith.constant 0 : index
    %get3A_21 = vector.load %arg1[%get3A_18, %get3A_19, %get3A_20] : memref<2x2000x128xf32, #tpu.memory_space<vmem>>, vector<1x2000x128xf32>
    %get3A_22 = vector.shape_cast %get3A_21 : vector<1x2000x128xf32> to vector<2000x128xf32>
    %add3A_23 = arith.addf %get3A_17, %get3A_22 : vector<2000x128xf32>
    %mul3A = vector.broadcast %div3A_12 : vector<2000x1xf32> to vector<2000x128xf32>
    %mul3A_24 = arith.mulf %add3A_23, %mul3A : vector<2000x128xf32>
    %get3A_25 = arith.constant 0 : index
    %get3A_26 = arith.constant 0 : index
    %get3A_27 = vector.load %arg4[%get3A_25, %get3A_26] : memref<128x128xf32, #tpu.memory_space<vmem>>, vector<128x128xf32>
    %dot_general3A = arith.constant dense<0.000000e+00> : vector<2000x128xf32>
    %dot_general3A_28 = tpu.matmul %mul3A_24, %get3A_27, %dot_general3A {dimension_numbers = #tpu.dot_dimension_numbers<[1], [0], [0], [1], [0, 0, 1, 1], [], []>, precision = #tpu.contract_precision<fp32>, transpose_lhs_hint = false} : vector<2000x128xf32>, vector<128x128xf32>, vector<2000x128xf32> -> vector<2000x128xf32>
    %get3A_29 = arith.constant 0 : index
    %get3A_30 = arith.constant 0 : index
    %get3A_31 = vector.load %arg5[%get3A_29, %get3A_30] : memref<1x128xf32, #tpu.memory_space<vmem>>, vector<1x128xf32>
    %add3A_32 = vector.broadcast %get3A_31 : vector<1x128xf32> to vector<2000x128xf32>
    %add3A_33 = arith.addf %dot_general3A_28, %add3A_32 : vector<2000x128xf32>
    %get3A_34 = arith.constant 0 : index
    %get3A_35 = arith.constant 0 : index
    %get3A_36 = vector.load %arg3[%get3A_34, %get3A_35] : memref<2000x128xf32, #tpu.memory_space<vmem>>, vector<2000x128xf32>
    %add3A_37 = arith.addf %add3A_33, %get3A_36 : vector<2000x128xf32>
    %max3A_38 = arith.constant 0.000000e+00 : f32
    %max3A_39 = vector.broadcast %max3A_38 : f32 to vector<2000x128xf32>
    %max3A_40 = arith.maximumf %add3A_37, %max3A_39 : vector<2000x128xf32>
    %swap3A = arith.constant 0 : index
    %swap3A_41 = arith.constant 0 : index
    %swap3A_42 = vector.load %arg6[%swap3A, %swap3A_41] : memref<2000x128xf32, #tpu.memory_space<vmem>>, vector<2000x128xf32>
    tpu.vector_store %arg6[%swap3A, %swap3A_41], %max3A_40 {strides = array<i32>} : memref<2000x128xf32, #tpu.memory_space<vmem>>, vector<2000x128xf32>,
    return
  }
  func.func @transform_0(%arg0: i32) -> (i32, i32, i32) {
    %c0_i32 = arith.constant 0 : i32
    %c0_i32_0 = arith.constant 0 : i32
    %c0_i32_1 = arith.constant 0 : i32
    return %c0_i32, %arg0, %c0_i32_0 : i32, i32, i32
  }
  func.func @transform_1(%arg0: i32) -> (i32, i32, i32) {
    %c0_i32 = arith.constant 0 : i32
    %c0_i32_0 = arith.constant 0 : i32
    %c0_i32_1 = arith.constant 0 : i32
    return %c0_i32, %arg0, %c0_i32_0 : i32, i32, i32
  }
  func.func @transform_2(%arg0: i32) -> (i32, i32) {
    %c0_i32 = arith.constant 0 : i32
    %c0_i32_0 = arith.constant 0 : i32
    return %arg0, %c0_i32 : i32, i32
  }
  func.func @transform_3(%arg0: i32) -> (i32, i32) {
    %c0_i32 = arith.constant 0 : i32
    %c0_i32_0 = arith.constant 0 : i32
    %c0_i32_1 = arith.constant 0 : i32
    return %c0_i32, %c0_i32_0 : i32, i32
  }
  func.func @transform_4(%arg0: i32) -> (i32, i32) {
    %c0_i32 = arith.constant 0 : i32
    %c0_i32_0 = arith.constant 0 : i32
    %c0_i32_1 = arith.constant 0 : i32
    return %c0_i32, %c0_i32_0 : i32, i32
  }
  func.func @transform_5(%arg0: i32) -> (i32, i32) {
    %c0_i32 = arith.constant 0 : i32
    %c0_i32_0 = arith.constant 0 : i32
    return %arg0, %c0_i32 : i32, i32
  }
}

module attributes {stable_mosaic.version = 14 : i64} {
  func.func @_tc_final_body(%arg0: memref<2x10000x128xf32, #tpu.memory_space<vmem>>, %arg1: memref<2x10000x16xf32, #tpu.memory_space<vmem>>, %arg2: memref<10000x128xf32, #tpu.memory_space<vmem>>, %arg3: memref<1x10000xi32, #tpu.memory_space<vmem>>, %arg4: memref<128x128xf32, #tpu.memory_space<vmem>>, %arg5: memref<1x128xf32, #tpu.memory_space<vmem>>, %arg6: memref<1x128xf32, #tpu.memory_space<vmem>>, %arg7: memref<1x128xf32, #tpu.memory_space<vmem>>, %arg8: memref<128x128xf32, #tpu.memory_space<vmem>>, %arg9: memref<1x128xf32, #tpu.memory_space<vmem>>, %arg10: memref<1x128xf32, #tpu.memory_space<vmem>>, %arg11: memref<1x128xf32, #tpu.memory_space<vmem>>, %arg12: memref<128x128xf32, #tpu.memory_space<vmem>>, %arg13: memref<1x128xf32, #tpu.memory_space<vmem>>, %arg14: memref<1x128xf32, #tpu.memory_space<vmem>>, %arg15: memref<1x128xf32, #tpu.memory_space<vmem>>, %arg16: memref<128x64xf32, #tpu.memory_space<vmem>>, %arg17: memref<1x64xf32, #tpu.memory_space<vmem>>, %arg18: memref<64x64xf32, #tpu.memory_space<vmem>>) attributes {dimension_semantics = [], scalar_prefetch = 0 : i64, scratch_operands = 0 : i64, tpu.core_type = #tpu.core_type<tc>} {
    %get3A = arith.constant 0 : index
    %get3A_0 = arith.constant 0 : index
    %get3A_1 = arith.constant 0 : index
    %get3A_2 = vector.load %arg1[%get3A, %get3A_0, %get3A_1] : memref<2x10000x16xf32, #tpu.memory_space<vmem>>, vector<1x10000x1xf32>
    %get3A_3 = vector.shape_cast %get3A_2 : vector<1x10000x1xf32> to vector<10000x1xf32>
    %get3A_4 = arith.constant 1 : index
    %get3A_5 = arith.constant 0 : index
    %get3A_6 = arith.constant 0 : index
    %get3A_7 = vector.load %arg1[%get3A_4, %get3A_5, %get3A_6] : memref<2x10000x16xf32, #tpu.memory_space<vmem>>, vector<1x10000x1xf32>
    %get3A_8 = vector.shape_cast %get3A_7 : vector<1x10000x1xf32> to vector<10000x1xf32>
    %add3A = arith.addf %get3A_3, %get3A_8 : vector<10000x1xf32>
    %max3A = arith.constant 1.000000e+00 : f32
    %max3A_9 = vector.broadcast %max3A : f32 to vector<10000x1xf32>
    %max3A_10 = arith.maximumf %add3A, %max3A_9 : vector<10000x1xf32>
    %div3A = arith.constant 1.000000e+00 : f32
    %div3A_11 = vector.broadcast %div3A : f32 to vector<10000x1xf32>
    %div3A_12 = arith.divf %div3A_11, %max3A_10 : vector<10000x1xf32>
    %get3A_13 = arith.constant 0 : index
    %get3A_14 = arith.constant 0 : index
    %get3A_15 = arith.constant 0 : index
    %get3A_16 = vector.load %arg0[%get3A_13, %get3A_14, %get3A_15] : memref<2x10000x128xf32, #tpu.memory_space<vmem>>, vector<1x10000x128xf32>
    %get3A_17 = vector.shape_cast %get3A_16 : vector<1x10000x128xf32> to vector<10000x128xf32>
    %get3A_18 = arith.constant 1 : index
    %get3A_19 = arith.constant 0 : index
    %get3A_20 = arith.constant 0 : index
    %get3A_21 = vector.load %arg0[%get3A_18, %get3A_19, %get3A_20] : memref<2x10000x128xf32, #tpu.memory_space<vmem>>, vector<1x10000x128xf32>
    %get3A_22 = vector.shape_cast %get3A_21 : vector<1x10000x128xf32> to vector<10000x128xf32>
    %add3A_23 = arith.addf %get3A_17, %get3A_22 : vector<10000x128xf32>
    %mul3A = vector.broadcast %div3A_12 : vector<10000x1xf32> to vector<10000x128xf32>
    %mul3A_24 = arith.mulf %add3A_23, %mul3A : vector<10000x128xf32>
    %get3A_25 = arith.constant 0 : index
    %get3A_26 = arith.constant 0 : index
    %get3A_27 = vector.load %arg4[%get3A_25, %get3A_26] : memref<128x128xf32, #tpu.memory_space<vmem>>, vector<128x128xf32>
    %dot_general3A = arith.constant dense<0.000000e+00> : vector<10000x128xf32>
    %dot_general3A_28 = tpu.matmul %mul3A_24, %get3A_27, %dot_general3A {dimension_numbers = #tpu.dot_dimension_numbers<[1], [0], [0], [1], [0, 0, 1, 1], [], []>, precision = #tpu.contract_precision<fp32>, transpose_lhs_hint = false} : vector<10000x128xf32>, vector<128x128xf32>, vector<10000x128xf32> -> vector<10000x128xf32>
    %get3A_29 = arith.constant 0 : index
    %get3A_30 = arith.constant 0 : index
    %get3A_31 = vector.load %arg5[%get3A_29, %get3A_30] : memref<1x128xf32, #tpu.memory_space<vmem>>, vector<1x128xf32>
    %add3A_32 = vector.broadcast %get3A_31 : vector<1x128xf32> to vector<10000x128xf32>
    %add3A_33 = arith.addf %dot_general3A_28, %add3A_32 : vector<10000x128xf32>
    %get3A_34 = arith.constant 0 : index
    %get3A_35 = arith.constant 0 : index
    %get3A_36 = vector.load %arg2[%get3A_34, %get3A_35] : memref<10000x128xf32, #tpu.memory_space<vmem>>, vector<10000x128xf32>
    %add3A_37 = arith.addf %add3A_33, %get3A_36 : vector<10000x128xf32>
    %max3A_38 = arith.constant 0.000000e+00 : f32
    %max3A_39 = vector.broadcast %max3A_38 : f32 to vector<10000x128xf32>
    %max3A_40 = arith.maximumf %add3A_37, %max3A_39 : vector<10000x128xf32>
    %iota3A = tpu.iota {dimensions = array<i32: 0>} : vector<64x10000xi32>
    %get3A_41 = arith.constant 0 : index
    %get3A_42 = arith.constant 0 : index
    %get3A_43 = vector.load %arg3[%get3A_41, %get3A_42] : memref<1x10000xi32, #tpu.memory_space<vmem>>, vector<1x10000xi32>
    %eq3A = vector.broadcast %get3A_43 : vector<1x10000xi32> to vector<64x10000xi32>
    %eq3A_44 = arith.cmpi eq, %iota3A, %eq3A : vector<64x10000xi32>
    %convert_element_type3A = arith.extui %eq3A_44 : vector<64x10000xi1> to vector<64x10000xi32>
    %convert_element_type3A_45 = arith.sitofp %convert_element_type3A : vector<64x10000xi32> to vector<64x10000xf32>
    %dot_general3A_46 = arith.constant dense<0.000000e+00> : vector<64x128xf32>
    %dot_general3A_47 = tpu.matmul %convert_element_type3A_45, %max3A_40, %dot_general3A_46 {dimension_numbers = #tpu.dot_dimension_numbers<[1], [0], [0], [1], [0, 0, 1, 1], [], []>, precision = #tpu.contract_precision<fp32>, transpose_lhs_hint = false} : vector<64x10000xf32>, vector<10000x128xf32>, vector<64x128xf32> -> vector<64x128xf32>
    %sqrt3A = arith.constant 1.000010e+00 : f32
    %sqrt3A_48 = math.sqrt %sqrt3A : f32
    %div3A_49 = arith.constant 1.000000e+00 : f32
    %div3A_50 = arith.divf %div3A_49, %sqrt3A_48 : f32
    %mul3A_51 = vector.broadcast %div3A_50 : f32 to vector<64x128xf32>
    %mul3A_52 = arith.mulf %dot_general3A_47, %mul3A_51 : vector<64x128xf32>
    %get3A_53 = arith.constant 0 : index
    %get3A_54 = arith.constant 0 : index
    %get3A_55 = vector.load %arg6[%get3A_53, %get3A_54] : memref<1x128xf32, #tpu.memory_space<vmem>>, vector<1x128xf32>
    %mul3A_56 = vector.broadcast %get3A_55 : vector<1x128xf32> to vector<64x128xf32>
    %mul3A_57 = arith.mulf %mul3A_52, %mul3A_56 : vector<64x128xf32>
    %get3A_58 = arith.constant 0 : index
    %get3A_59 = arith.constant 0 : index
    %get3A_60 = vector.load %arg7[%get3A_58, %get3A_59] : memref<1x128xf32, #tpu.memory_space<vmem>>, vector<1x128xf32>
    %add3A_61 = vector.broadcast %get3A_60 : vector<1x128xf32> to vector<64x128xf32>
    %add3A_62 = arith.addf %mul3A_57, %add3A_61 : vector<64x128xf32>
    %get3A_63 = arith.constant 0 : index
    %get3A_64 = arith.constant 0 : index
    %get3A_65 = vector.load %arg8[%get3A_63, %get3A_64] : memref<128x128xf32, #tpu.memory_space<vmem>>, vector<128x128xf32>
    %dot_general3A_66 = arith.constant dense<0.000000e+00> : vector<64x128xf32>
    %dot_general3A_67 = tpu.matmul %add3A_62, %get3A_65, %dot_general3A_66 {dimension_numbers = #tpu.dot_dimension_numbers<[1], [0], [0], [1], [0, 0, 1, 1], [], []>, precision = #tpu.contract_precision<fp32>, transpose_lhs_hint = false} : vector<64x128xf32>, vector<128x128xf32>, vector<64x128xf32> -> vector<64x128xf32>
    %get3A_68 = arith.constant 0 : index
    %get3A_69 = arith.constant 0 : index
    %get3A_70 = vector.load %arg9[%get3A_68, %get3A_69] : memref<1x128xf32, #tpu.memory_space<vmem>>, vector<1x128xf32>
    %add3A_71 = vector.broadcast %get3A_70 : vector<1x128xf32> to vector<64x128xf32>
    %add3A_72 = arith.addf %dot_general3A_67, %add3A_71 : vector<64x128xf32>
    %gt3A = arith.constant 0.000000e+00 : f32
    %gt3A_73 = vector.broadcast %gt3A : f32 to vector<64x128xf32>
    %gt3A_74 = arith.cmpf ogt, %add3A_72, %gt3A_73 : vector<64x128xf32>
    %mul3A_75 = arith.constant 2.000000e-01 : f32
    %mul3A_76 = vector.broadcast %mul3A_75 : f32 to vector<64x128xf32>
    %mul3A_77 = arith.mulf %mul3A_76, %add3A_72 : vector<64x128xf32>
    %select_n3A = arith.select %gt3A_74, %add3A_72, %mul3A_77 : vector<64x128xi1>, vector<64x128xf32>
    %mul3A_78 = vector.broadcast %div3A_50 : f32 to vector<64x128xf32>
    %mul3A_79 = arith.mulf %select_n3A, %mul3A_78 : vector<64x128xf32>
    %get3A_80 = arith.constant 0 : index
    %get3A_81 = arith.constant 0 : index
    %get3A_82 = vector.load %arg10[%get3A_80, %get3A_81] : memref<1x128xf32, #tpu.memory_space<vmem>>, vector<1x128xf32>
    %mul3A_83 = vector.broadcast %get3A_82 : vector<1x128xf32> to vector<64x128xf32>
    %mul3A_84 = arith.mulf %mul3A_79, %mul3A_83 : vector<64x128xf32>
    %get3A_85 = arith.constant 0 : index
    %get3A_86 = arith.constant 0 : index
    %get3A_87 = vector.load %arg11[%get3A_85, %get3A_86] : memref<1x128xf32, #tpu.memory_space<vmem>>, vector<1x128xf32>
    %add3A_88 = vector.broadcast %get3A_87 : vector<1x128xf32> to vector<64x128xf32>
    %add3A_89 = arith.addf %mul3A_84, %add3A_88 : vector<64x128xf32>
    %get3A_90 = arith.constant 0 : index
    %get3A_91 = arith.constant 0 : index
    %get3A_92 = vector.load %arg12[%get3A_90, %get3A_91] : memref<128x128xf32, #tpu.memory_space<vmem>>, vector<128x128xf32>
    %dot_general3A_93 = arith.constant dense<0.000000e+00> : vector<64x128xf32>
    %dot_general3A_94 = tpu.matmul %add3A_89, %get3A_92, %dot_general3A_93 {dimension_numbers = #tpu.dot_dimension_numbers<[1], [0], [0], [1], [0, 0, 1, 1], [], []>, precision = #tpu.contract_precision<fp32>, transpose_lhs_hint = false} : vector<64x128xf32>, vector<128x128xf32>, vector<64x128xf32> -> vector<64x128xf32>
    %get3A_95 = arith.constant 0 : index
    %get3A_96 = arith.constant 0 : index
    %get3A_97 = vector.load %arg13[%get3A_95, %get3A_96] : memref<1x128xf32, #tpu.memory_space<vmem>>, vector<1x128xf32>
    %add3A_98 = vector.broadcast %get3A_97 : vector<1x128xf32> to vector<64x128xf32>
    %add3A_99 = arith.addf %dot_general3A_94, %add3A_98 : vector<64x128xf32>
    %gt3A_100 = arith.constant 0.000000e+00 : f32
    %gt3A_101 = vector.broadcast %gt3A_100 : f32 to vector<64x128xf32>
    %gt3A_102 = arith.cmpf ogt, %add3A_99, %gt3A_101 : vector<64x128xf32>
    %mul3A_103 = arith.constant 2.000000e-01 : f32
    %mul3A_104 = vector.broadcast %mul3A_103 : f32 to vector<64x128xf32>
    %mul3A_105 = arith.mulf %mul3A_104, %add3A_99 : vector<64x128xf32>
    %select_n3A_106 = arith.select %gt3A_102, %add3A_99, %mul3A_105 : vector<64x128xi1>, vector<64x128xf32>
    %mul3A_107 = vector.broadcast %div3A_50 : f32 to vector<64x128xf32>
    %mul3A_108 = arith.mulf %select_n3A_106, %mul3A_107 : vector<64x128xf32>
    %get3A_109 = arith.constant 0 : index
    %get3A_110 = arith.constant 0 : index
    %get3A_111 = vector.load %arg14[%get3A_109, %get3A_110] : memref<1x128xf32, #tpu.memory_space<vmem>>, vector<1x128xf32>
    %mul3A_112 = vector.broadcast %get3A_111 : vector<1x128xf32> to vector<64x128xf32>
    %mul3A_113 = arith.mulf %mul3A_108, %mul3A_112 : vector<64x128xf32>
    %get3A_114 = arith.constant 0 : index
    %get3A_115 = arith.constant 0 : index
    %get3A_116 = vector.load %arg15[%get3A_114, %get3A_115] : memref<1x128xf32, #tpu.memory_space<vmem>>, vector<1x128xf32>
    %add3A_117 = vector.broadcast %get3A_116 : vector<1x128xf32> to vector<64x128xf32>
    %add3A_118 = arith.addf %mul3A_113, %add3A_117 : vector<64x128xf32>
    %get3A_119 = arith.constant 0 : index
    %get3A_120 = arith.constant 0 : index
    %get3A_121 = vector.load %arg16[%get3A_119, %get3A_120] : memref<128x64xf32, #tpu.memory_space<vmem>>, vector<128x64xf32>
    %dot_general3A_122 = arith.constant dense<0.000000e+00> : vector<64x64xf32>
    %dot_general3A_123 = tpu.matmul %add3A_118, %get3A_121, %dot_general3A_122 {dimension_numbers = #tpu.dot_dimension_numbers<[1], [0], [0], [1], [0, 0, 1, 1], [], []>, precision = #tpu.contract_precision<fp32>, transpose_lhs_hint = false} : vector<64x128xf32>, vector<128x64xf32>, vector<64x64xf32> -> vector<64x64xf32>
    %get3A_124 = arith.constant 0 : index
    %get3A_125 = arith.constant 0 : index
    %get3A_126 = vector.load %arg17[%get3A_124, %get3A_125] : memref<1x64xf32, #tpu.memory_space<vmem>>, vector<1x64xf32>
    %add3A_127 = vector.broadcast %get3A_126 : vector<1x64xf32> to vector<64x64xf32>
    %add3A_128 = arith.addf %dot_general3A_123, %add3A_127 : vector<64x64xf32>
    %gt3A_129 = arith.constant 0.000000e+00 : f32
    %gt3A_130 = vector.broadcast %gt3A_129 : f32 to vector<64x64xf32>
    %gt3A_131 = arith.cmpf ogt, %add3A_128, %gt3A_130 : vector<64x64xf32>
    %mul3A_132 = arith.constant 2.000000e-01 : f32
    %mul3A_133 = vector.broadcast %mul3A_132 : f32 to vector<64x64xf32>
    %mul3A_134 = arith.mulf %mul3A_133, %add3A_128 : vector<64x64xf32>
    %select_n3A_135 = arith.select %gt3A_131, %add3A_128, %mul3A_134 : vector<64x64xi1>, vector<64x64xf32>
    %swap3A = arith.constant 0 : index
    %swap3A_136 = arith.constant 0 : index
    %swap3A_137 = vector.load %arg18[%swap3A, %swap3A_136] : memref<64x64xf32, #tpu.memory_space<vmem>>, vector<64x64xf32>
    tpu.vector_store %arg18[%swap3A, %swap3A_136], %select_n3A_135 {strides = array<i32>} : memref<64x64xf32, #tpu.memory_space<vmem>>, vector<64x64xf32>,
    return
  }
}

</mosaic_0001>

<sc_bundles>
// kernel: kernel.12.cloned.1.call-start
scs
__scs_entry_jumppad:
0x0: {  	(pc) =	sbr.rel $0x88, $3  }
0x1: {  	(tag) =	ssettag $0x0;
	lr =	simm.s32 $0x1  }
0x2: {  	[smem:$0x3F89] =	sst lr;
	_ =	strace $0xD0000000  }
0x3: {  	_ = 	snop  }
0x4: {  	_ = 	snop  }
0x5: {  	_ = 	snop  }
0x6: {  	_ = 	snop  }
0x7: {  	_ = 	snop  }
__scs_overlays_trampoline_lowered:
0x8: {  	[smem:$0x3F98] =	sst s0  }
0x9: {  	[smem:$0x3F99] =	sst s1  }
0xa: {  	[smem:$0x3F9A] =	sst s2  }
0xb: {  	[smem:$0x3F9B] =	sst s3  }
0xc: {  	[smem:$0x3F9C] =	sst s4  }
0xd: {  	[smem:$0x3F9D] =	sst s5  }
0xe: {  	[smem:$0x3F9E] =	sst s6  }
0xf: {  	[smem:$0x3F9F] =	sst s7  }
0x10: {  	[smem:$0x3FA0] =	sst s8  }
0x11: {  	[smem:$0x3FA1] =	sst s9;
	s0 =	simm.s32 @!p0 $0x0  }
0x12: {  	s1 =	sld [smem:$0x3F87];
	s0 =	simm.s32 @p0 $0x1  }
0x13: {  	[smem:$0x3FA2] =	sst s0;
	s0 =	simm.s32 @!p1 $0x0  }
0x14: {  	s2 =	sld [smem:$0x3F86];
	s0 =	simm.s32 @p1 $0x1  }
0x15: {  	[smem:$0x3FA3] =	sst s0;
	s0 =	simm.s32 @!p2 $0x0  }
0x16: {  	s3 =	sld [smem:$0x3FDB];
	s0 =	simm.s32 @p2 $0x1  }
0x17: {  	s4 =	simm.s32 $0x1BF5;
	[smem:$0x3FA5] =	sst s0  }
0x18: {  	s0 =	sld [smem:$0x3F88];
	_ =	swait.ge [sflag:s4], $0x0  }
0x19: {  	s7 =	sld [smem:$0x3F89]  }
0x1a: {  	s8 =	sadd.s32 $0xFFFFE003, lr  }
0x1b: {  	s9 =	sadd.s32 $0xFFFFFEF7, lr;
	s5 =	simm.s32 $0xFFFFFFFF;
	p2 =	slt.u32 s8, $0xFFFFF086  }
0x1c: {  	p1 =	slt.u32 s9, $0xF7A;
	s5 =	simm.s32 @!p2 $0x0  }
0x1d: {  	s5 =	simm.s32 @p1 $0x1;
	p0 =	seq.s32 s7, s2  }
0x1e: {  	s7 =	smul.u32 @!p0 $0xF7A, s2;
	p2 =	seq.s32 @!p0 s5, $0x0  }
0x1f: {  	s9 =	smul.u32 $0xF7A, s1;
	s8 =	simm.s32 @!p0 $0x1BF5;
	p2 =	por !p2, p0  }
0x20: {  	[sflag:s8] =	ssyncset.s32 @!p0 $0xFFFFF086;
	s6 =	sadd.s32 @!p0 s3, s7;
	s7 =	simm.s32 @!p0 $0x108  }
0x21: {  	s3 =	sadd.s32 s3, s9;
	s6 =	sadd.s32 @!p0 $0x88, s6;
	s7 =	simm.s32 @p2 $0x1082  }
0x22: {  	[simem:s7], [sflag:s8] =	dma.local @!p0 [hbm:s6], $0xF7A  }
0x23: {  	s9 =	sor.u32 $0xD0000000, s2;
	s6 =	simm.s32 $0x108;
	_ =	swait.ge @!p0 [sflag:s8], $0x0  }
0x24: {  	s3 =	sadd.s32 $0x88, s3;
	s6 =	simm.s32 @!p1 $0x1082;
	[sflag:s4] =	ssyncset.s32 $0xFFFFF086  }
0x25: {  	[simem:s6], [sflag:s4] =	dma.local [hbm:s3], $0xF7A  }
0x26: {  	[smem:$0x3F89] =	sst s1;
	(tag) =	ssettag s2;
	_ =	strace s9  }
0x27: {  	s1 =	sld [smem:$0x3F99]  }
0x28: {  	s2 =	sld [smem:$0x3F9A]  }
0x29: {  	s4 =	sld [smem:$0x3F9C]  }
0x2a: {  	p0 =	seq.s32 s5, $0x0;
	s5 =	sld [smem:$0x3F9D]  }
0x2b: {  	s6 =	sld [smem:$0x3F9E]  }
0x2c: {  	s7 =	sld [smem:$0x3F9F]  }
0x2d: {  	s3 =	simm.s32 $0x108;
	s8 =	sld [smem:$0x3FA0]  }
0x2e: {  	s3 =	simm.s32 @!p0 $0x1082;
	s9 =	sld [smem:$0x3FA1]  }
0x2f: {  	lr =	sadd.s32 s0, s3;
	s0 =	sld [smem:$0x3F98]  }
0x30: {  	s3 =	sld [smem:$0x3F9B]  }
0x31: {  	[smem:$0x3FA4] =	sst s10  }
0x32: {  	s10 =	sld [smem:$0x3FA2];
	_ =	sdelay $0x3  }
0x33: {  	p0 =	seq.s32 s10, $0x1;
	s10 =	sld [smem:$0x3FA4];
	_ =	sdelay $0x3  }
0x34: {  	[smem:$0x3FA4] =	sst s10  }
0x35: {  	s10 =	sld [smem:$0x3FA3];
	_ =	sdelay $0x3  }
0x36: {  	p1 =	seq.s32 s10, $0x1;
	s10 =	sld [smem:$0x3FA4];
	_ =	sdelay $0x3  }
0x37: {  	[smem:$0x3FA4] =	sst s10  }
0x38: {  	s10 =	sld [smem:$0x3FA5]  }
0x39: {  	_ = 	snop;
	(pc) =	sbr.ind lr, $3  }
0x3a: {  	_ = 	snop  }
0x3b: {  	_ = 	snop  }
0x3c: {  	p2 =	seq.s32 s10, $0x1;
	s10 =	sld [smem:$0x3FA4]  }
0x3d: {  	_ =	shalt  }
0x3e: {  	_ =	shalt  }
0x3f: {  	_ =	shalt  }
0x40: {  	_ =	shalt  }
0x41: {  	_ =	shalt  }
0x42: {  	_ =	shalt  }
0x43: {  	_ =	shalt  }
0x44: {  	_ =	shalt  }
0x45: {  	_ =	shalt  }
0x46: {  	_ =	shalt  }
0x47: {  	_ =	shalt  }
0x48: {  	_ =	shalt  }
0x49: {  	_ =	shalt  }
0x4a: {  	_ =	shalt  }
0x4b: {  	_ =	shalt  }
0x4c: {  	_ =	shalt  }
0x4d: {  	_ =	shalt  }
0x4e: {  	_ =	shalt  }
0x4f: {  	_ =	shalt  }
0x50: {  	_ =	shalt  }
0x51: {  	_ =	shalt  }
0x52: {  	_ =	shalt  }
0x53: {  	_ =	shalt  }
0x54: {  	_ =	shalt  }
0x55: {  	_ =	shalt  }
0x56: {  	_ =	shalt  }
0x57: {  	_ =	shalt  }
0x58: {  	_ =	shalt  }
0x59: {  	_ =	shalt  }
0x5a: {  	_ =	shalt  }
0x5b: {  	_ =	shalt  }
0x5c: {  	_ =	shalt  }
0x5d: {  	_ =	shalt  }
0x5e: {  	_ =	shalt  }
0x5f: {  	_ =	shalt  }
0x60: {  	_ =	shalt  }
0x61: {  	_ =	shalt  }
0x62: {  	_ =	shalt  }
0x63: {  	_ =	shalt  }
0x64: {  	_ =	shalt  }
0x65: {  	_ =	shalt  }
0x66: {  	_ =	shalt  }
0x67: {  	_ =	shalt  }
0x68: {  	_ =	shalt  }
0x69: {  	_ =	shalt  }
0x6a: {  	_ =	shalt  }
0x6b: {  	_ =	shalt  }
0x6c: {  	_ =	shalt  }
0x6d: {  	_ =	shalt  }
0x6e: {  	_ =	shalt  }
0x6f: {  	_ =	shalt  }
0x70: {  	_ =	shalt  }
0x71: {  	_ =	shalt  }
0x72: {  	_ =	shalt  }
0x73: {  	_ =	shalt  }
0x74: {  	_ =	shalt  }
0x75: {  	_ =	shalt  }
0x76: {  	_ =	shalt  }
0x77: {  	_ =	shalt  }
0x78: {  	_ =	shalt  }
0x79: {  	_ =	shalt  }
0x7a: {  	_ =	shalt  }
0x7b: {  	_ =	shalt  }
0x7c: {  	_ =	shalt  }
0x7d: {  	_ =	shalt  }
0x7e: {  	_ =	shalt  }
0x7f: {  	_ =	shalt  }
0x80: {  	_ =	shalt  }
0x81: {  	_ =	shalt  }
0x82: {  	_ =	shalt  }
0x83: {  	_ =	shalt  }
0x84: {  	_ =	shalt  }
0x85: {  	_ =	shalt  }
0x86: {  	_ =	shalt  }
0x87: {  	_ =	shalt  }
.Lfunc_end0:
.L_simem_size_0:
called_computation_lowered:
.L_overlay_start_0:
0x88: {  	s2 =	sld [smem:$0x3FD9]  }
0x89: {  	s3 =	sld [smem:$0x3FFE];
	_ =	sdelay $0x1  }
0x8a: {  	s1 =	srdreg.scid  }
0x8b: {  	s0 =	sand.u32 $0x1, s1  }
0x8c: {  	s16 =	sshll.u32 s0, $0xA;
	s2 =	sadd.s32 s3, s2  }
0x8d: {  	s2 =	sadd.s32 s2, s16  }
0x8e: {  	[smem:$0x3FB0] =	sst s2  }
0x8f: {  	_ = 	snop  }
0x90: {  	(tm) =	ssettm $0x1  }
0x91: {  	s17 =	sld [smem:$0x3FFB];
	_ =	sdelay $0x3  }
0x92: {  	_ =	strace s17  }
0x93: {  	s2 =	sld [smem:$0x3FFC];
	_ =	sdelay $0x3  }
0x94: {  	_ =	strace s2  }
0x95: {  	s2 =	sld [smem:$0x3FFD];
	_ =	sdelay $0x3  }
0x96: {  	_ =	strace s2  }
0x97: {  	_ =	strace $0x8FFFFFFF  }
0x98: {  	s18 =	sld [smem:$0x3FDB];
	_ =	sdelay $0x1  }
0x99: {  	s19 =	simm.s32 $_scs_section_size  }
0x9a: {  	s4 =	simm.s32 $_size__tile_overlayer_lowered;
	s5 =	simm.s32 $_tile_overlayer_lowered  }
0x9b: {  	s22 =	simm.s32 $0x1BFF;
	s21 =	sshll.u32 s5, $0x1;
	s2 =	sadd.s32 s19, s18  }
0x9c: {  	s6 =	simm.s32 $0x0;
	s20 =	sshll.u32 s4, $0x1;
	s4 =	sadd.s32 s21, s2  }
0x9d: {  	[timem:s6], [sflag:s22] =	dma.local [hbm:s4], s20  }
0x9e: {  	_ =	swait.ge [sflag:s22], s20  }
0x9f: {  	s3 =	ssub.s32 $0x0, s20;
	[sflag:s22] =	ssyncset.done $0x0  }
0xa0: {  	[sflag:s22] =	ssyncadd.s32 s3;
	_ =	sdelay $0x1  }
0xa1: {  	s23 =	simm.s32 $0x1B8B  }
0xa2: {  	_ =	swait.ge [sflag:s23], $0x1  }
0xa3: {  	[sflag:s23] =	ssyncset.done $0x0  }
0xa4: {  	s25 =	simm.s32 $0x1B8E;
	s24 =	sld [smem:$0x3FFE];
	[sflag:s23] =	ssyncadd.s32 $0xFFFFFFFF  }
0xa5: {  	s26 =	simm.s32 $execute0_lowered;
	[smem:$0x3FD2] =	sst s25  }
0xa6: {  	s4 =	sshll.u32 s26, $0x1;
	_ =	strace $0x80000046;
	[dreg:$0x1] =	wrdreg $0xFFFFFFFF  }
0xa7: {  	s28 =	simm.s32 $_size_execute0_lowered;
	s2 =	sadd.s32 s2, s4;
	[dreg:$0x0] =	wrdreg $0x0  }
0xa8: {  	s4 =	sshll.u32 s28, $0x1;
	[dreg:$0x2] =	wrdreg s2  }
0xa9: {  	[dreg:$0x3] =	wrdreg s4  }
0xaa: {  	[dreg:$0x4] =	wrdreg $0xC0  }
0xab: {  	_ =	task [dreg:s6], $0x5FFFF  }
0xac: {  	[dreg:$0x1] =	wrdreg $0xFFFFFFFF  }
0xad: {  	[dreg:$0x0] =	wrdreg $0x60  }
0xae: {  	[dreg:$0x2] =	wrdreg s24  }
0xaf: {  	[dreg:$0x3] =	wrdreg $0x53200  }
0xb0: {  	[dreg:$0x4] =	wrdreg $0x9  }
0xb1: {  	_ =	task.clear_ibuf [dreg:s6], $0x5FFFF;
	_ =	strace $0x90000046  }
0xb2: {  	s29 =	simm.s32 $0x9;
	_ =	strace $0x80000048  }
0xb3: {  	_ =	swait.ge [sflag:s29], $0x1  }
0xb4: {  	[sflag:s29] =	ssyncadd.s32 $0xFFFFFFFF  }
0xb5: {  	_ =	strace $0x90000048  }
0xb6: {  	_ =	sfence  }
0xb7: {  	s30 =	sld [smem:$0x0];
	_ =	sdelay $0x2  }
0xb8: {  	s31 =	sshll.u32 s1, $0xD;
	s1 =	sshrl.u32 s1, $0x2  }
0xb9: {  	s3 =	sand.u32 $0x4000, s31;
	s1 =	sadd.s32 s1, s30  }
0xba: {  	s0 =	sor.u32 s3, s0;
	s1 =	sshll.u32 s1, $0x11  }
0xbb: {  	s0 =	sor.u32 s1, s0  }
0xbc: {  	s0 =	sadd.s32 $0x8F2B, s0  }
0xbd: {  	[sflag:s0] =	ssyncadd.remote.s32 $0x1  }
0xbe: {  	_ =	sfence.sel $0xFFFF  }
0xbf: {  	[dreg:$0x0] =	wrdreg $0xFFFFFFFF;
	(pc) =	sbr.abs _section_cstart, $3  }
0xc0: {  	[dreg:$0x1] =	wrdreg $0xFFFFFFFF  }
0xc1: {  	_ =	task.clear_ibuf [dreg:s6], $0x2FFFF;
	_ =	strace $0x9FFFFFFF  }
0xc2: {  	(tm) =	ssettm $0x7FFFFFFF  }
0xc3: {  	_ =	shalt  }
tec
execute0_lowered:
.L_overlay_start_1:
0x0: {  	(tag) =	ssettag $0x1  }
0x1: {  	s4 =	rddreg [dreg:$0x0]  }
0x2: {  	s2 =	rddreg [dreg:$0x1];
	s3 =	srdreg.scid  }
0x3: {  	s1 =	stileid.u32;
	s0 =	rddreg [dreg:$0x2];
	s10 =	simm.s32 $0x50  }
0x4: {  	s11 =	simm.s32 $0x2710;
	s12 =	simm.s32 $0x0;
	s5 =	sand.u32 $0x1, s3  }
0x5: {  	s6 =	smul.u32 $0x2710, s1;
	s3 =	simm.s32 $0x0;
	s7 =	sshll.u32 s1, $0x1  }
0x6: {  	s8 =	smul.u32 $0x27100, s5;
	s7 =	sor.u32 s5, s7;
	s5 =	ssub.s32 $0x2, s5  }
0x7: {  	[smem:$0x7FF] =	sst s3;
	s7 =	smul.u32 $0x4E2, s7;
	s9 =	sshrl.u32 s5, $0x1  }
0x8: {  	_ =	strace $0x80000047;
	s8 =	sadd.s32 s6, s8;
	s9 =	ssub.s32 s5, s9  }
0x9: {  	s5 =	sadd.s32 s6, s2;
	s8 =	sshrl.u32 s8, $0x3;
	s7 =	sadd.s32 s7, s4  }
0xa: {  	s8 =	sadd.s32 s8, s4;
	s4 =	sadd.s32 $0x5200, s7;
	s7 =	smax.u32 s9, $0x1  }
0xb: {  	v0 =	vimm.f32 $1.000000000e+00;
	v1 =	vimm.f32 $0.0e+00;
	s9 =	simm.s32 $0x2C10;
	s6 =	sadd.s32 $0xF000, s8;
	s8 =	simm.s32 $0x1  }
.LBB2_1:
0xc: {  	[tilespmem:s3], [sflag:$0x1] =	stream.linear.gather [hbm4b:s4+s3], $0x2710, $0x38;
	[tilespmem:$0x7A30] =	vst v63  }
0xd: {  	_ =	swait.ge [sflag:s8], $0x2710  }
0xe: {  	[sflag:s8] =	ssyncset.done $0x0  }
0xf: {  	s13 =	simm.s32 $0x0;
	[sflag:s8] =	ssyncadd.s32 $0xFFFFD8F0  }
.LBB2_2:
0x10: {  	p0 =	sne.s32 s13, $0x13C0  }
.Ltmp0:
0x11: {  	_ = 	snop;
	(pc) =	sbr.rel @p0 .LBB2_2-.Ltmp0, $3  }
0x12: {  	_ =	sdelay $0x1  }
0x13: {  	s14 =	sshra.s32 s13, $0x2  }
0x14: {  	s13 =	sadd.s32 $0x40, s13;
	[tilespmem:s14+$0x2710] =	vst v0  }
0x15: {  	s13 =	simm.s32 $0x40;
	s14 =	simm.s32 $0x0  }
.LBB2_4:
0x16: {  	p0 =	sne.s32 s13, $0x9C00;
	[tilespmem:s14+$0x2C10] =	vst v1;
	s14 =	smov.u32 s13;
	s13 =	sadd.s32 $0x40, s13  }
.Ltmp1:
0x17: {  	(pc) =	sbr.rel @p0 .LBB2_4-.Ltmp1, $2  }
0x18: {  	_ =	sdelay $0x2  }
0x19: {  	s14 =	sshra.s32 s14, $0x2  }
0x1a: {  	[tilespmem:s14+$0x2C10] =	vst v1  }
0x1b: {  	[spmem:s5] =	stream.linear.scatter [tilespmem:s9], [sflag:$0x1], $0x2710, $0x38;
	[tilespmem:$0x7A30] =	vst v63  }
0x1c: {  	_ =	swait.ge [sflag:s8], $0x2710  }
0x1d: {  	[sflag:s8] =	ssyncset.done $0x0  }
0x1e: {  	[sflag:s8] =	ssyncadd.s32 $0xFFFFD8F0  }
0x1f: {  	s13 =	simm.s32 $0x0;
	[bflag:$0x0] =	sbarrier.arrive $0xFFFF  }
0x20: {  	[spmem:s2] =	stream.indirect.scatter.add.f32 [tilespmem:s11], [sflag:$0x1], $0x10, s13, s10, $0xb8;
	[tilespmem:$0x7A30] =	vst v63  }
0x21: {  	_ =	swait.ge [sflag:s8], $0x500  }
0x22: {  	s13 =	simm.s32 $0x140;
	[sflag:s8] =	ssyncset.done $0x0  }
.LBB2_6:
0x23: {  	s14 =	sshra.s32 s13, $0x2;
	[sflag:s8] =	ssyncadd.s32 $0xFFFFFB00;
	p0 =	sne.s32 s13, $0x9B00  }
0x24: {  	[spmem:s2] =	stream.indirect.scatter.add.f32 [tilespmem:s11], [sflag:$0x1], $0x10, s14, s10, $0xb8;
	[tilespmem:$0x7A30] =	vst v63  }
.Ltmp2:
0x25: {  	_ = 	snop;
	(pc) =	sbr.rel @p0 .LBB2_6-.Ltmp2, $4  }
0x26: {  	_ = 	snop  }
0x27: {  	s13 =	sadd.s32 $0x140, s13  }
0x28: {  	_ =	swait.ge [sflag:s8], $0x500  }
0x29: {  	[sflag:s8] =	ssyncset.done $0x0  }
0x2a: {  	[sflag:s8] =	ssyncadd.s32 $0xFFFFFB00  }
0x2b: {  	[bflag:$0x0] =	sbarrier.arrive $0xFFFF  }
0x2c: {  	[tilespmem:s9], [sflag:$0x1] =	stream.linear.gather [spmem:s5], $0x2710, $0x38;
	[tilespmem:$0x7A30] =	vst v63  }
0x2d: {  	s12 =	sadd.s32 $0x1, s12;
	_ =	swait.ge [sflag:s8], $0x2710  }
0x2e: {  	p0 =	sne.s32 s12, s7;
	[sflag:s8] =	ssyncset.done $0x0  }
.Ltmp3:
0x2f: {  	[sflag:s8] =	ssyncadd.s32 $0xFFFFD8F0;
	(pc) =	sbr.rel @p0 .LBB2_1-.Ltmp3, $4  }
0x30: {  	[hbm4b:s6+s3] =	stream.linear.scatter [tilespmem:s9], [sflag:$0x1], $0x2710, $0x38;
	[tilespmem:$0x7A30] =	vst v63  }
0x31: {  	_ =	swait.ge [sflag:s8], $0x2710  }
0x32: {  	[sflag:s8] =	ssyncset.done $0x0  }
0x33: {  	[sflag:s8] =	ssyncadd.s32 $0xFFFFD8F0  }
0x34: {  	_ =	sfence.sel $0x180000  }
0x35: {  	[bflag:$0x0] =	sbarrier.arrive $0xFFFF  }
0x36: {  	p0 =	sne.s32 s1, $0x0;
	_ =	strace $0x90000047  }
0x37: {  	s0 =	sadd.s32 @!p0 $0x100000, s0;
	[bflag:$0x2] =	sbarrier.arrive $0xFFFF  }
0x38: {  	[sflag:s0] =	ssyncadd.tile.s32 @!p0 $0x1;
	_ =	shalt  }
.Lfunc_end2:
_tile_overlayer_lowered:
.L_overlay_start_2:
0x39: {  	(tag) =	ssettag $0x2  }
0x3a: {  	s0 =	rddreg [dreg:$0x0];
	s2 =	stileid.u32  }
0x3b: {  	s1 =	rddreg [dreg:$0x1];
	p0 =	sne.s32 s2, $0x0  }
0x3c: {  	s3 =	rddreg [dreg:$0x2];
	[bflag:$0x3] =	sbarrier.arrive $0xFFFF;
	s2 =	simm.s32 @!p0 $0x1C01  }
0x3d: {  	[timem:s3], [sflag:s2] =	dma.local @!p0 [hbm:s0], s1  }
0x3e: {  	s0 =	simm.s32 @!p0 $0x1  }
0x3f: {  	_ =	swait.ge @!p0 [sflag:s0], s1  }
0x40: {  	s1 =	ssub.s32 @!p0 $0x0, s1;
	[sflag:s0] =	ssyncset.done @!p0 $0x0  }
0x41: {  	[sflag:s0] =	ssyncadd.s32 @!p0 s1  }
0x42: {  	[bflag:$0x3] =	sbarrier.arrive $0xFFFF  }
0x43: {  	_ =	shalt  }

// kernel: kernel.15.cloned.1.call-start
scs
__scs_entry_jumppad:
0x0: {  	(pc) =	sbr.rel $0x88, $3  }
0x1: {  	(tag) =	ssettag $0x0;
	lr =	simm.s32 $0x1  }
0x2: {  	[smem:$0x3F89] =	sst lr;
	_ =	strace $0xD0000000  }
0x3: {  	_ = 	snop  }
0x4: {  	_ = 	snop  }
0x5: {  	_ = 	snop  }
0x6: {  	_ = 	snop  }
0x7: {  	_ = 	snop  }
__scs_overlays_trampoline_lowered:
0x8: {  	[smem:$0x3F98] =	sst s0  }
0x9: {  	[smem:$0x3F99] =	sst s1  }
0xa: {  	[smem:$0x3F9A] =	sst s2  }
0xb: {  	[smem:$0x3F9B] =	sst s3  }
0xc: {  	[smem:$0x3F9C] =	sst s4  }
0xd: {  	[smem:$0x3F9D] =	sst s5  }
0xe: {  	[smem:$0x3F9E] =	sst s6  }
0xf: {  	[smem:$0x3F9F] =	sst s7  }
0x10: {  	[smem:$0x3FA0] =	sst s8  }
0x11: {  	[smem:$0x3FA1] =	sst s9;
	s0 =	simm.s32 @!p0 $0x0  }
0x12: {  	s1 =	sld [smem:$0x3F87];
	s0 =	simm.s32 @p0 $0x1  }
0x13: {  	[smem:$0x3FA2] =	sst s0;
	s0 =	simm.s32 @!p1 $0x0  }
0x14: {  	s2 =	sld [smem:$0x3F86];
	s0 =	simm.s32 @p1 $0x1  }
0x15: {  	[smem:$0x3FA3] =	sst s0;
	s0 =	simm.s32 @!p2 $0x0  }
0x16: {  	s3 =	sld [smem:$0x3FDB];
	s0 =	simm.s32 @p2 $0x1  }
0x17: {  	s4 =	simm.s32 $0x1BF5;
	[smem:$0x3FA5] =	sst s0  }
0x18: {  	s0 =	sld [smem:$0x3F88];
	_ =	swait.ge [sflag:s4], $0x0  }
0x19: {  	s7 =	sld [smem:$0x3F89]  }
0x1a: {  	s8 =	sadd.s32 $0xFFFFE003, lr  }
0x1b: {  	s9 =	sadd.s32 $0xFFFFFEF7, lr;
	s5 =	simm.s32 $0xFFFFFFFF;
	p2 =	slt.u32 s8, $0xFFFFF086  }
0x1c: {  	p1 =	slt.u32 s9, $0xF7A;
	s5 =	simm.s32 @!p2 $0x0  }
0x1d: {  	s5 =	simm.s32 @p1 $0x1;
	p0 =	seq.s32 s7, s2  }
0x1e: {  	s7 =	smul.u32 @!p0 $0xF7A, s2;
	p2 =	seq.s32 @!p0 s5, $0x0  }
0x1f: {  	s9 =	smul.u32 $0xF7A, s1;
	s8 =	simm.s32 @!p0 $0x1BF5;
	p2 =	por !p2, p0  }
0x20: {  	[sflag:s8] =	ssyncset.s32 @!p0 $0xFFFFF086;
	s6 =	sadd.s32 @!p0 s3, s7;
	s7 =	simm.s32 @!p0 $0x108  }
0x21: {  	s3 =	sadd.s32 s3, s9;
	s6 =	sadd.s32 @!p0 $0x88, s6;
	s7 =	simm.s32 @p2 $0x1082  }
0x22: {  	[simem:s7], [sflag:s8] =	dma.local @!p0 [hbm:s6], $0xF7A  }
0x23: {  	s9 =	sor.u32 $0xD0000000, s2;
	s6 =	simm.s32 $0x108;
	_ =	swait.ge @!p0 [sflag:s8], $0x0  }
0x24: {  	s3 =	sadd.s32 $0x88, s3;
	s6 =	simm.s32 @!p1 $0x1082;
	[sflag:s4] =	ssyncset.s32 $0xFFFFF086  }
0x25: {  	[simem:s6], [sflag:s4] =	dma.local [hbm:s3], $0xF7A  }
0x26: {  	[smem:$0x3F89] =	sst s1;
	(tag) =	ssettag s2;
	_ =	strace s9  }
0x27: {  	s1 =	sld [smem:$0x3F99]  }
0x28: {  	s2 =	sld [smem:$0x3F9A]  }
0x29: {  	s4 =	sld [smem:$0x3F9C]  }
0x2a: {  	p0 =	seq.s32 s5, $0x0;
	s5 =	sld [smem:$0x3F9D]  }
0x2b: {  	s6 =	sld [smem:$0x3F9E]  }
0x2c: {  	s7 =	sld [smem:$0x3F9F]  }
0x2d: {  	s3 =	simm.s32 $0x108;
	s8 =	sld [smem:$0x3FA0]  }
0x2e: {  	s3 =	simm.s32 @!p0 $0x1082;
	s9 =	sld [smem:$0x3FA1]  }
0x2f: {  	lr =	sadd.s32 s0, s3;
	s0 =	sld [smem:$0x3F98]  }
0x30: {  	s3 =	sld [smem:$0x3F9B]  }
0x31: {  	[smem:$0x3FA4] =	sst s10  }
0x32: {  	s10 =	sld [smem:$0x3FA2];
	_ =	sdelay $0x3  }
0x33: {  	p0 =	seq.s32 s10, $0x1;
	s10 =	sld [smem:$0x3FA4];
	_ =	sdelay $0x3  }
0x34: {  	[smem:$0x3FA4] =	sst s10  }
0x35: {  	s10 =	sld [smem:$0x3FA3];
	_ =	sdelay $0x3  }
0x36: {  	p1 =	seq.s32 s10, $0x1;
	s10 =	sld [smem:$0x3FA4];
	_ =	sdelay $0x3  }
0x37: {  	[smem:$0x3FA4] =	sst s10  }
0x38: {  	s10 =	sld [smem:$0x3FA5]  }
0x39: {  	_ = 	snop;
	(pc) =	sbr.ind lr, $3  }
0x3a: {  	_ = 	snop  }
0x3b: {  	_ = 	snop  }
0x3c: {  	p2 =	seq.s32 s10, $0x1;
	s10 =	sld [smem:$0x3FA4]  }
0x3d: {  	_ =	shalt  }
0x3e: {  	_ =	shalt  }
0x3f: {  	_ =	shalt  }
0x40: {  	_ =	shalt  }
0x41: {  	_ =	shalt  }
0x42: {  	_ =	shalt  }
0x43: {  	_ =	shalt  }
0x44: {  	_ =	shalt  }
0x45: {  	_ =	shalt  }
0x46: {  	_ =	shalt  }
0x47: {  	_ =	shalt  }
0x48: {  	_ =	shalt  }
0x49: {  	_ =	shalt  }
0x4a: {  	_ =	shalt  }
0x4b: {  	_ =	shalt  }
0x4c: {  	_ =	shalt  }
0x4d: {  	_ =	shalt  }
0x4e: {  	_ =	shalt  }
0x4f: {  	_ =	shalt  }
0x50: {  	_ =	shalt  }
0x51: {  	_ =	shalt  }
0x52: {  	_ =	shalt  }
0x53: {  	_ =	shalt  }
0x54: {  	_ =	shalt  }
0x55: {  	_ =	shalt  }
0x56: {  	_ =	shalt  }
0x57: {  	_ =	shalt  }
0x58: {  	_ =	shalt  }
0x59: {  	_ =	shalt  }
0x5a: {  	_ =	shalt  }
0x5b: {  	_ =	shalt  }
0x5c: {  	_ =	shalt  }
0x5d: {  	_ =	shalt  }
0x5e: {  	_ =	shalt  }
0x5f: {  	_ =	shalt  }
0x60: {  	_ =	shalt  }
0x61: {  	_ =	shalt  }
0x62: {  	_ =	shalt  }
0x63: {  	_ =	shalt  }
0x64: {  	_ =	shalt  }
0x65: {  	_ =	shalt  }
0x66: {  	_ =	shalt  }
0x67: {  	_ =	shalt  }
0x68: {  	_ =	shalt  }
0x69: {  	_ =	shalt  }
0x6a: {  	_ =	shalt  }
0x6b: {  	_ =	shalt  }
0x6c: {  	_ =	shalt  }
0x6d: {  	_ =	shalt  }
0x6e: {  	_ =	shalt  }
0x6f: {  	_ =	shalt  }
0x70: {  	_ =	shalt  }
0x71: {  	_ =	shalt  }
0x72: {  	_ =	shalt  }
0x73: {  	_ =	shalt  }
0x74: {  	_ =	shalt  }
0x75: {  	_ =	shalt  }
0x76: {  	_ =	shalt  }
0x77: {  	_ =	shalt  }
0x78: {  	_ =	shalt  }
0x79: {  	_ =	shalt  }
0x7a: {  	_ =	shalt  }
0x7b: {  	_ =	shalt  }
0x7c: {  	_ =	shalt  }
0x7d: {  	_ =	shalt  }
0x7e: {  	_ =	shalt  }
0x7f: {  	_ =	shalt  }
0x80: {  	_ =	shalt  }
0x81: {  	_ =	shalt  }
0x82: {  	_ =	shalt  }
0x83: {  	_ =	shalt  }
0x84: {  	_ =	shalt  }
0x85: {  	_ =	shalt  }
0x86: {  	_ =	shalt  }
0x87: {  	_ =	shalt  }
.Lfunc_end0:
.L_simem_size_0:
called_computation.1_lowered:
.L_overlay_start_0:
0x88: {  	s2 =	sld [smem:$0x3FD9]  }
0x89: {  	s3 =	sld [smem:$0x3FFE];
	_ =	sdelay $0x1  }
0x8a: {  	s1 =	srdreg.scid  }
0x8b: {  	s0 =	sand.u32 $0x1, s1  }
0x8c: {  	s17 =	sshll.u32 s0, $0xA;
	s2 =	sadd.s32 s3, s2  }
0x8d: {  	s2 =	sadd.s32 s2, s17  }
0x8e: {  	[smem:$0x3FB0] =	sst s2  }
0x8f: {  	_ = 	snop  }
0x90: {  	s18 =	sld [smem:$0x3FC9];
	(tm) =	ssettm $0x1  }
0x91: {  	s19 =	sld [smem:$0x3FFB];
	_ =	sdelay $0x3  }
0x92: {  	_ =	strace s19  }
0x93: {  	s2 =	sld [smem:$0x3FFC];
	_ =	sdelay $0x3  }
0x94: {  	_ =	strace s2  }
0x95: {  	s2 =	sld [smem:$0x3FFD];
	_ =	sdelay $0x3  }
0x96: {  	_ =	strace s2  }
0x97: {  	_ =	strace $0x8FFFFFFF  }
0x98: {  	s20 =	sld [smem:$0x3FDB];
	_ =	sdelay $0x1  }
0x99: {  	s4 =	simm.s32 $_scs_section_size  }
0x9a: {  	s5 =	simm.s32 $_size__tile_overlayer_lowered;
	s6 =	simm.s32 $_tile_overlayer_lowered  }
0x9b: {  	s7 =	simm.s32 $0x1BFF;
	s21 =	sshll.u32 s6, $0x1;
	s4 =	sadd.s32 s4, s20  }
0x9c: {  	s22 =	simm.s32 $0x0;
	s5 =	sshll.u32 s5, $0x1;
	s6 =	sadd.s32 s21, s4  }
0x9d: {  	[timem:s22], [sflag:s7] =	dma.local [hbm:s6], s5  }
0x9e: {  	_ =	swait.ge [sflag:s7], s5  }
0x9f: {  	s5 =	ssub.s32 $0x0, s5;
	[sflag:s7] =	ssyncset.done $0x0  }
0xa0: {  	[sflag:s7] =	ssyncadd.s32 s5;
	_ =	sdelay $0x1  }
0xa1: {  	s23 =	simm.s32 $0x1B8B  }
0xa2: {  	_ =	swait.ge [sflag:s23], $0x1  }
0xa3: {  	[sflag:s23] =	ssyncset.done $0x0  }
0xa4: {  	[sflag:s23] =	ssyncadd.s32 $0xFFFFFFFF  }
0xa5: {  	s5 =	sld [smem:$0x0]  }
0xa6: {  	s6 =	sand.u32 $0xFFFFFFFE, s1  }
0xa7: {  	p0 =	sne.s32 s1, s6  }
0xa8: {  	s6 =	sshll.u32 @p0 s6, $0xE  }
0xa9: {  	s6 =	sadd.s32 @p0 $0x11B8D, s6;
	s7 =	sshll.u32 @p0 s5, $0x11  }
0xaa: {  	s6 =	sor.u32 @p0 s7, s6  }
0xab: {  	[sflag:s6] =	ssyncadd.remote.s32 @p0 $0x1;
	_ =	sdelay $0x1  }
0xac: {  	s6 =	simm.s32 @p0 $0x1B8D  }
0xad: {  	_ =	swait.eq @p0 [sflag:s6], $0x1  }
0xae: {  	[sflag:s6] =	ssyncadd.s32 @p0 $0xFFFFFFFF  }
0xaf: {  	s7 =	sshll.u32 @!p0 s1, $0xE  }
0xb0: {  	s7 =	sor.u32 @!p0 $0x4000, s7;
	s6 =	simm.s32 @!p0 $0x1B8D  }
0xb1: {  	s5 =	sshll.u32 @!p0 s5, $0x11;
	s7 =	sadd.s32 @!p0 $0x11B8D, s7;
	_ =	swait.eq @!p0 [sflag:s6], $0x1  }
0xb2: {  	s5 =	sor.u32 @!p0 s5, s7;
	[sflag:s6] =	ssyncadd.s32 @!p0 $0xFFFFFFFF  }
0xb3: {  	s25 =	simm.s32 $0x1B8E;
	s24 =	sld [smem:$0x3FFE];
	[sflag:s5] =	ssyncadd.remote.s32 @!p0 $0x1  }
0xb4: {  	s26 =	simm.s32 $execute0_lowered;
	[smem:$0x3FD2] =	sst s25  }
0xb5: {  	s6 =	sshll.u32 s26, $0x1;
	_ =	strace $0x80000049;
	[dreg:$0x1] =	wrdreg $0xFFFFFFFF  }
0xb6: {  	s28 =	simm.s32 $_size_execute0_lowered;
	s4 =	sadd.s32 s4, s6;
	[dreg:$0x0] =	wrdreg $0x0  }
0xb7: {  	s6 =	sshll.u32 s28, $0x1;
	[dreg:$0x2] =	wrdreg s4  }
0xb8: {  	[dreg:$0x3] =	wrdreg s6  }
0xb9: {  	[dreg:$0x4] =	wrdreg $0xC0  }
0xba: {  	_ =	task [dreg:s22], $0x5FFFF  }
0xbb: {  	[dreg:$0x1] =	wrdreg $0xFFFFFFFF  }
0xbc: {  	[dreg:$0x0] =	wrdreg $0x60  }
0xbd: {  	[dreg:$0x2] =	wrdreg s18  }
0xbe: {  	[dreg:$0x3] =	wrdreg s24  }
0xbf: {  	[dreg:$0x4] =	wrdreg $0xA3C00  }
0xc0: {  	[dreg:$0x5] =	wrdreg $0xA  }
0xc1: {  	_ =	task.clear_ibuf [dreg:s22], $0x6FFFF;
	_ =	strace $0x90000049  }
0xc2: {  	s29 =	simm.s32 $0xA;
	_ =	strace $0x8000004B  }
0xc3: {  	_ =	swait.ge [sflag:s29], $0x1  }
0xc4: {  	[sflag:s29] =	ssyncadd.s32 $0xFFFFFFFF  }
0xc5: {  	_ =	strace $0x9000004B  }
0xc6: {  	_ =	sfence  }
0xc7: {  	s30 =	sld [smem:$0x0];
	_ =	sdelay $0x2  }
0xc8: {  	s31 =	sshll.u32 s1, $0xD;
	s1 =	sshrl.u32 s1, $0x2  }
0xc9: {  	s4 =	sand.u32 $0x4000, s31;
	s1 =	sadd.s32 s1, s30  }
0xca: {  	s0 =	sor.u32 s4, s0;
	s1 =	sshll.u32 s1, $0x11  }
0xcb: {  	s0 =	sor.u32 s1, s0  }
0xcc: {  	s0 =	sadd.s32 $0x8F2B, s0  }
0xcd: {  	[sflag:s0] =	ssyncadd.remote.s32 $0x1  }
0xce: {  	_ =	sfence.sel $0xFFFF  }
0xcf: {  	[dreg:$0x0] =	wrdreg $0xFFFFFFFF;
	(pc) =	sbr.abs _section_cstart, $3  }
0xd0: {  	[dreg:$0x1] =	wrdreg $0xFFFFFFFF  }
0xd1: {  	_ =	task.clear_ibuf [dreg:s22], $0x2FFFF;
	_ =	strace $0x9FFFFFFF  }
0xd2: {  	(tm) =	ssettm $0x7FFFFFFF  }
0xd3: {  	_ =	shalt  }
tec
execute0_lowered:
.L_overlay_start_1:
0x0: {  	(tag) =	ssettag $0x1  }
0x1: {  	s1 =	rddreg [dreg:$0x0]  }
0x2: {  	s2 =	rddreg [dreg:$0x1];
	s0 =	srdreg.scid  }
0x3: {  	s21 =	stileid.u32;
	s3 =	rddreg [dreg:$0x2];
	s4 =	simm.s32 $0x0  }
0x4: {  	s31 =	simm.s32 $0xF0;
	s28 =	simm.s32 $0x9;
	s29 =	simm.s32 $0x4  }
0x5: {  	s30 =	simm.s32 $0x5280;
	s5 =	sand.u32 $0x1, s0;
	s0 =	smul.u32 $0x13880, s21  }
0x6: {  	s9 =	sadd.s32 $0x22C00, s2;
	s18 =	sshll.u32 s21, $0x1;
	[smem:$0x7FF] =	sst s4  }
0x7: {  	s6 =	smul.u32 $0x138800, s5;
	s7 =	ssub.s32 $0x2, s5;
	s8 =	sadd.s32 $0x11800, s0  }
0x8: {  	s10 =	sshrl.u32 s7, $0x1;
	s12 =	sadd.s32 $0x5000, s0;
	s14 =	sadd.s32 $0x7800, s0  }
0x9: {  	s15 =	sadd.s32 $0xA000, s0;
	s16 =	sadd.s32 $0xC800, s0;
	s11 =	sadd.s32 s6, s8  }
0xa: {  	s7 =	ssub.s32 s7, s10;
	s10 =	sor.u32 s5, s18;
	s13 =	sadd.s32 s6, s0  }
0xb: {  	s18 =	sadd.s32 $0xF000, s0;
	s20 =	sadd.s32 s6, s12;
	s22 =	sadd.s32 s6, s14  }
0xc: {  	s5 =	smul.u32 $0x2710, s5;
	s25 =	sadd.s32 s6, s16;
	s11 =	sshrl.u32 s11, $0x3  }
0xd: {  	s8 =	sadd.s32 s8, s3;
	s13 =	sshrl.u32 s13, $0x3;
	s11 =	sadd.s32 s9, s11  }
0xe: {  	s16 =	sadd.s32 s16, s3;
	s13 =	sadd.s32 s9, s13;
	[dreg:$0x7] =	wrdreg s11  }
0xf: {  	s26 =	sshrl.u32 s25, $0x3;
	s11 =	sadd.s32 $0x2800, s0;
	[dreg:$0x8] =	wrdreg s13  }
0x10: {  	s13 =	sshrl.u32 s20, $0x3;
	s20 =	sadd.s32 s6, s15;
	s17 =	sadd.s32 s6, s11  }
0x11: {  	s13 =	sadd.s32 s9, s13;
	s24 =	sshrl.u32 s20, $0x3;
	s6 =	sadd.s32 s6, s18  }
0x12: {  	s17 =	sshrl.u32 s17, $0x3;
	[dreg:$0xa] =	wrdreg s13;
	s13 =	sadd.s32 s9, s24  }
0x13: {  	s6 =	sshrl.u32 s6, $0x3;
	s19 =	sadd.s32 s9, s17;
	[dreg:$0xc] =	wrdreg s13  }
0x14: {  	s24 =	smul.u32 $0x2710, s10;
	s13 =	sadd.s32 s9, s26;
	[dreg:$0x9] =	wrdreg s19  }
0x15: {  	s17 =	sshrl.u32 s22, $0x3;
	s6 =	sadd.s32 s9, s6;
	[dreg:$0xd] =	wrdreg s13  }
0x16: {  	s26 =	smul.u32 $0x4E200, s21;
	s23 =	sadd.s32 s9, s17;
	[dreg:$0xe] =	wrdreg s6  }
0x17: {  	s0 =	sadd.s32 s0, s3;
	s19 =	smul.u32 $0x4E20, s21;
	[dreg:$0xb] =	wrdreg s23  }
0x18: {  	s13 =	sadd.s32 $0x18E00, s2;
	_ =	strace $0x8000004A;
	[dreg:$0xf] =	wrdreg s8  }
0x19: {  	s9 =	sshrl.u32 s24, $0x3;
	s21 =	sadd.s32 s18, s3;
	[dreg:$0x11] =	wrdreg s0  }
0x1a: {  	s18 =	simm.s32 $0x5;
	s10 =	sshrl.u32 s26, $0x2;
	[dreg:$0x19] =	wrdreg s21  }
0x1b: {  	s5 =	sadd.s32 s5, s19;
	s0 =	sadd.s32 s10, s3;
	[dreg:$0x18] =	wrdreg s16  }
0x1c: {  	s17 =	sadd.s32 $0x230, s5;
	s20 =	sadd.s32 $0x1E0, s5;
	s23 =	sadd.s32 $0x190, s5  }
0x1d: {  	[dreg:$0x13] =	wrdreg s0;
	s19 =	sshrl.u32 s17, $0x3;
	s17 =	smax.u32 s7, $0x1  }
0x1e: {  	s22 =	sshrl.u32 s20, $0x3;
	s20 =	sadd.s32 s15, s3;
	[dreg:$0x12] =	wrdreg s17  }
0x1f: {  	s6 =	sshrl.u32 s23, $0x3;
	s2 =	sadd.s32 s19, s13;
	[dreg:$0x17] =	wrdreg s20  }
0x20: {  	s8 =	simm.s32 $0x2;
	s25 =	sadd.s32 s6, s13;
	[dreg:$0x4] =	wrdreg s2  }
0x21: {  	s10 =	simm.s32 $0x29E0;
	s19 =	sadd.s32 s14, s3;
	[dreg:$0x6] =	wrdreg s25  }
0x22: {  	s21 =	simm.s32 $0x7;
	s2 =	sadd.s32 s22, s13;
	[dreg:$0x16] =	wrdreg s19  }
0x23: {  	s15 =	simm.s32 $0x7BC0;
	s22 =	sadd.s32 $0x140, s5;
	[dreg:$0x5] =	wrdreg s2  }
0x24: {  	s6 =	simm.s32 $0x50;
	s2 =	sadd.s32 s13, s9;
	[dreg:$0x1a] =	wrdreg s22  }
0x25: {  	s17 =	simm.s32 $0x52D0;
	s9 =	sadd.s32 s11, s3;
	[dreg:$0x10] =	wrdreg s2  }
0x26: {  	s14 =	simm.s32 $0x6;
	s11 =	sadd.s32 s12, s3;
	[dreg:$0x14] =	wrdreg s9  }
0x27: {  	s20 =	simm.s32 $0xA;
	s23 =	sadd.s32 $0xA, s2;
	[dreg:$0x15] =	wrdreg s11  }
0x28: {  	s5 =	simm.s32 $0x1;
	s24 =	sadd.s32 $0x14, s2;
	[dreg:$0x1b] =	wrdreg s23  }
0x29: {  	s19 =	simm.s32 $0x0;
	s25 =	sadd.s32 $0x1E, s2;
	[dreg:$0x1c] =	wrdreg s24  }
0x2a: {  	s12 =	simm.s32 $0x3;
	s26 =	sadd.s32 $0x4D8, s2;
	[dreg:$0x1d] =	wrdreg s25  }
0x2b: {  	s2 =	simm.s32 $0xC;
	[dreg:$0x1e] =	wrdreg s26;
	s23 =	simm.s32 $0xB  }
0x2c: {  	v0 =	vimm.f32 $0.0e+00;
	s24 =	simm.s32 $0x8;
	s25 =	simm.s32 $0x28F0;
	s26 =	simm.s32 $0x51E0  }
.LBB2_1:
0x2d: {  	[dreg:$0x1f] =	wrdreg s19;
	s0 =	simm.s32 $0x70;
	s7 =	simm.s32 $0x3C0  }
.LBB2_2:
0x2e: {  	p0 =	sne.s32 s7, $0x9FC0;
	[tilespmem:s0+$0xF0] =	vst v0  }
0x2f: {  	[tilespmem:s0+$0x80] =	vst v0  }
0x30: {  	[tilespmem:s0+$0x90] =	vst v0  }
.Ltmp0:
0x31: {  	[tilespmem:s0+$0xA0] =	vst v0;
	(pc) =	sbr.rel @p0 .LBB2_2-.Ltmp0, $4  }
0x32: {  	[tilespmem:s0+$0xB0] =	vst v0  }
0x33: {  	[tilespmem:s0+$0xC0] =	vst v0  }
0x34: {  	[tilespmem:s0+$0xD0] =	vst v0  }
0x35: {  	[tilespmem:s0+$0xE0] =	vst v0;
	s0 =	sshra.s32 s7, $0x2;
	s7 =	sadd.s32 $0x200, s7  }
0x36: {  	[tilespmem:s0+$0xF0] =	vst v0  }
0x37: {  	[tilespmem:s0+$0x80] =	vst v0  }
0x38: {  	[tilespmem:s0+$0x90] =	vst v0  }
0x39: {  	[tilespmem:s0+$0xA0] =	vst v0  }
0x3a: {  	[tilespmem:s0+$0xB0] =	vst v0  }
0x3b: {  	[tilespmem:s0+$0xC0] =	vst v0  }
0x3c: {  	[tilespmem:s0+$0xD0] =	vst v0  }
0x3d: {  	[tilespmem:s0+$0xE0] =	vst v0;
	s7 =	rddreg [dreg:$0x13]  }
0x3e: {  	[spmem:s7] =	stream.linear.scatter [tilespmem:s31], [sflag:$0xD], $0x2800, $0x38;
	[tilespmem:$0x1DC40] =	vst v63  }
0x3f: {  	s7 =	simm.s32 $0xD  }
0x40: {  	_ =	swait.ge [sflag:s7], $0x2800  }
0x41: {  	[sflag:s7] =	ssyncset.done $0x0  }
0x42: {  	[sflag:s7] =	ssyncadd.s32 $0xFFFFD800  }
0x43: {  	[spmem:s9] =	stream.linear.scatter [tilespmem:s31], [sflag:$0xD], $0x2800, $0x38;
	[tilespmem:$0x1DC40] =	vst v63  }
0x44: {  	_ =	swait.ge [sflag:s7], $0x2800  }
0x45: {  	[sflag:s7] =	ssyncset.done $0x0  }
0x46: {  	[sflag:s7] =	ssyncadd.s32 $0xFFFFD800  }
0x47: {  	[spmem:s11] =	stream.linear.scatter [tilespmem:s31], [sflag:$0xD], $0x2800, $0x38;
	[tilespmem:$0x1DC40] =	vst v63  }
0x48: {  	_ =	swait.ge [sflag:s7], $0x2800  }
0x49: {  	[sflag:s7] =	ssyncset.done $0x0  }
0x4a: {  	s11 =	rddreg [dreg:$0x16];
	[sflag:s7] =	ssyncadd.s32 $0xFFFFD800  }
0x4b: {  	[spmem:s11] =	stream.linear.scatter [tilespmem:s31], [sflag:$0xD], $0x2800, $0x38;
	[tilespmem:$0x1DC40] =	vst v63  }
0x4c: {  	_ =	swait.ge [sflag:s7], $0x2800  }
0x4d: {  	[sflag:s7] =	ssyncset.done $0x0  }
0x4e: {  	s19 =	rddreg [dreg:$0x17];
	[sflag:s7] =	ssyncadd.s32 $0xFFFFD800  }
0x4f: {  	[spmem:s19] =	stream.linear.scatter [tilespmem:s31], [sflag:$0xD], $0x2800, $0x38;
	[tilespmem:$0x1DC40] =	vst v63  }
0x50: {  	_ =	swait.ge [sflag:s7], $0x2800  }
0x51: {  	[sflag:s7] =	ssyncset.done $0x0  }
0x52: {  	[sflag:s7] =	ssyncadd.s32 $0xFFFFD800  }
0x53: {  	[spmem:s16] =	stream.linear.scatter [tilespmem:s31], [sflag:$0xD], $0x2800, $0x38;
	[tilespmem:$0x1DC40] =	vst v63  }
0x54: {  	_ =	swait.ge [sflag:s7], $0x2800  }
0x55: {  	[sflag:s7] =	ssyncset.done $0x0  }
0x56: {  	s22 =	rddreg [dreg:$0x19];
	[sflag:s7] =	ssyncadd.s32 $0xFFFFD800  }
0x57: {  	[spmem:s22] =	stream.linear.scatter [tilespmem:s31], [sflag:$0xD], $0x2800, $0x38;
	[tilespmem:$0x1DC40] =	vst v63  }
0x58: {  	_ =	swait.ge [sflag:s7], $0x2800  }
0x59: {  	[sflag:s7] =	ssyncset.done $0x0  }
0x5a: {  	s9 =	rddreg [dreg:$0xf];
	[sflag:s7] =	ssyncadd.s32 $0xFFFFD800  }
0x5b: {  	[spmem:s9] =	stream.linear.scatter [tilespmem:s31], [sflag:$0xD], $0x2080, $0x38;
	[tilespmem:$0x1DC40] =	vst v63  }
0x5c: {  	_ =	swait.ge [sflag:s7], $0x2080  }
0x5d: {  	[sflag:s7] =	ssyncset.done $0x0  }
0x5e: {  	[sflag:s7] =	ssyncadd.s32 $0xFFFFDF80  }
0x5f: {  	[bflag:$0x0] =	sbarrier.arrive $0xFFFF  }
0x60: {  	s0 =	simm.s32 $0x0;
	s11 =	rddreg [dreg:$0x10]  }
0x61: {  	[tilespmem:s0], [sflag:$0x1] =	stream.linear.gather [hbm4b:s11+s0], $0x50, $0x38;
	[tilespmem:$0x1DC40] =	vst v63  }
0x62: {  	s16 =	rddreg [dreg:$0x1b];
	s11 =	simm.s32 $0x28F0  }
0x63: {  	[tilespmem:s11], [sflag:$0x2] =	stream.linear.gather [hbm4b:s16+s0], $0x50, $0x38;
	[tilespmem:$0x1DC40] =	vst v63  }
0x64: {  	_ =	swait.ge [sflag:s5], $0x50  }
0x65: {  	[sflag:s5] =	ssyncset.done $0x0  }
0x66: {  	[sflag:s5] =	ssyncadd.s32 $0xFFFFFFB0  }
0x67: {  	v1 =	vld [tilespmem:$0x0];
	_ =	sdelay $0x1  }
0x68: {  	v2 =	vld [tilespmem:$0x10];
	_ =	sdelay $0x1  }
0x69: {  	v3 =	vld [tilespmem:$0x20]  }
0x6a: {  	v4 =	vand.u32 $0xFFFF, v1  }
0x6b: {  	v1 =	vshrl.u32 v1, $0x10;
	[tilespmem:$0x50] =	vst v4;
	v4 =	vld [tilespmem:$0x30]  }
0x6c: {  	[tilespmem:$0xA0] =	vst v1;
	v1 =	vand.u32 $0xFFFF, v2  }
0x6d: {  	[tilespmem:$0x60] =	vst v1;
	v1 =	vshrl.u32 v2, $0x10;
	v2 =	vld [tilespmem:$0x40]  }
0x6e: {  	[tilespmem:$0xB0] =	vst v1;
	v1 =	vand.u32 $0xFFFF, v3  }
0x6f: {  	[tilespmem:$0x70] =	vst v1;
	v1 =	vshrl.u32 v3, $0x10  }
0x70: {  	[tilespmem:$0xC0] =	vst v1;
	v1 =	vand.u32 $0xFFFF, v4  }
0x71: {  	[tilespmem:$0x80] =	vst v1;
	v1 =	vshrl.u32 v4, $0x10  }
0x72: {  	[tilespmem:$0xD0] =	vst v1;
	v1 =	vand.u32 $0xFFFF, v2  }
0x73: {  	[tilespmem:$0x90] =	vst v1;
	v1 =	vshrl.u32 v2, $0x10  }
0x74: {  	[tilespmem:$0xE0] =	vst v1  }
0x75: {  	[tilespmem:s31], [sflag:$0x5] =	stream.indirect.gather [hbm4b:s1+s6], $0x80, s6, s6, $0xb8;
	[tilespmem:$0x1DC40] =	vst v63  }
0x76: {  	s22 =	simm.s32 $0x51E0;
	s19 =	rddreg [dreg:$0x1c]  }
0x77: {  	[tilespmem:s22], [sflag:$0x3] =	stream.linear.gather [hbm4b:s19+s0], $0x50, $0x38;
	[tilespmem:$0x1DC40] =	vst v63  }
0x78: {  	_ =	swait.ge [sflag:s8], $0x50  }
0x79: {  	[sflag:s8] =	ssyncset.done $0x0  }
0x7a: {  	[sflag:s8] =	ssyncadd.s32 $0xFFFFFFB0  }
0x7b: {  	v1 =	vld [tilespmem:$0x28F0];
	_ =	sdelay $0x1  }
0x7c: {  	v2 =	vld [tilespmem:$0x2900];
	_ =	sdelay $0x1  }
0x7d: {  	v3 =	vld [tilespmem:$0x2910]  }
0x7e: {  	v4 =	vand.u32 $0xFFFF, v1  }
0x7f: {  	v1 =	vshrl.u32 v1, $0x10;
	[tilespmem:$0x2940] =	vst v4;
	v4 =	vld [tilespmem:$0x2920]  }
0x80: {  	[tilespmem:$0x2990] =	vst v1;
	v1 =	vand.u32 $0xFFFF, v2  }
0x81: {  	[tilespmem:$0x2950] =	vst v1;
	v1 =	vshrl.u32 v2, $0x10;
	v2 =	vld [tilespmem:$0x2930]  }
0x82: {  	[tilespmem:$0x29A0] =	vst v1;
	v1 =	vand.u32 $0xFFFF, v3  }
0x83: {  	[tilespmem:$0x2960] =	vst v1;
	v1 =	vshrl.u32 v3, $0x10  }
0x84: {  	[tilespmem:$0x29B0] =	vst v1;
	v1 =	vand.u32 $0xFFFF, v4  }
0x85: {  	[tilespmem:$0x2970] =	vst v1;
	v1 =	vshrl.u32 v4, $0x10  }
0x86: {  	[tilespmem:$0x29C0] =	vst v1;
	v1 =	vand.u32 $0xFFFF, v2  }
0x87: {  	[tilespmem:$0x2980] =	vst v1;
	v1 =	vshrl.u32 v2, $0x10  }
0x88: {  	s16 =	simm.s32 $0x2940;
	[tilespmem:$0x29D0] =	vst v1  }
0x89: {  	[tilespmem:s10], [sflag:$0x6] =	stream.indirect.gather [hbm4b:s1+s6], $0x80, s16, s6, $0xb8;
	[tilespmem:$0x1DC40] =	vst v63  }
0x8a: {  	s19 =	simm.s32 $0x7AD0;
	s9 =	rddreg [dreg:$0x1d]  }
0x8b: {  	[tilespmem:s19], [sflag:$0x4] =	stream.linear.gather [hbm4b:s9+s0], $0x50, $0x38;
	[tilespmem:$0x1DC40] =	vst v63  }
0x8c: {  	_ =	swait.ge [sflag:s12], $0x50  }
0x8d: {  	[sflag:s12] =	ssyncset.done $0x0  }
0x8e: {  	[sflag:s12] =	ssyncadd.s32 $0xFFFFFFB0  }
0x8f: {  	v1 =	vld [tilespmem:$0x51E0];
	_ =	sdelay $0x1  }
0x90: {  	v2 =	vld [tilespmem:$0x51F0];
	_ =	sdelay $0x1  }
0x91: {  	v3 =	vld [tilespmem:$0x5200]  }
0x92: {  	v4 =	vand.u32 $0xFFFF, v1  }
0x93: {  	v1 =	vshrl.u32 v1, $0x10;
	[tilespmem:$0x5230] =	vst v4;
	v4 =	vld [tilespmem:$0x5210]  }
0x94: {  	[tilespmem:$0x5280] =	vst v1;
	v1 =	vand.u32 $0xFFFF, v2  }
0x95: {  	[tilespmem:$0x5240] =	vst v1;
	v1 =	vshrl.u32 v2, $0x10;
	v2 =	vld [tilespmem:$0x5220]  }
0x96: {  	[tilespmem:$0x5290] =	vst v1;
	v1 =	vand.u32 $0xFFFF, v3  }
0x97: {  	[tilespmem:$0x5250] =	vst v1;
	v1 =	vshrl.u32 v3, $0x10  }
0x98: {  	[tilespmem:$0x52A0] =	vst v1;
	v1 =	vand.u32 $0xFFFF, v4  }
0x99: {  	[tilespmem:$0x5260] =	vst v1;
	v1 =	vshrl.u32 v4, $0x10  }
0x9a: {  	[tilespmem:$0x52B0] =	vst v1;
	v1 =	vand.u32 $0xFFFF, v2  }
0x9b: {  	[tilespmem:$0x5270] =	vst v1;
	v1 =	vshrl.u32 v2, $0x10  }
0x9c: {  	s19 =	simm.s32 $0x5230;
	[tilespmem:$0x52C0] =	vst v1  }
0x9d: {  	[tilespmem:s17], [sflag:$0x7] =	stream.indirect.gather [hbm4b:s1+s6], $0x80, s19, s6, $0xb8;
	[tilespmem:$0x1DC40] =	vst v63  }
0x9e: {  	_ =	swait.ge [sflag:s18], $0x2800  }
0x9f: {  	[sflag:s18] =	ssyncset.done $0x0  }
0xa0: {  	s9 =	simm.s32 $0xA0;
	[sflag:s18] =	ssyncadd.s32 $0xFFFFD800  }
0xa1: {  	[spmem:s3] =	stream.indirect.scatter.add.f32 [tilespmem:s31], [sflag:$0x9], $0x80, s9, s6, $0xb8;
	[tilespmem:$0x1DC40] =	vst v63  }
0xa2: {  	_ =	swait.ge [sflag:s28], $0x2800  }
0xa3: {  	s9 =	rddreg [dreg:$0x1a]  }
0xa4: {  	[sflag:s28] =	ssyncset.done $0x0;
	s7 =	sshrl.u32 s9, $0x3  }
0xa5: {  	[sflag:s28] =	ssyncadd.s32 $0xFFFFD800;
	s7 =	sadd.s32 s13, s7  }
0xa6: {  	[tilespmem:s4], [sflag:$0x1] =	stream.linear.gather [hbm4b:s7+s4], $0x50, $0x38;
	[tilespmem:$0x1DC40] =	vst v63  }
0xa7: {  	_ =	swait.ge [sflag:s29], $0x50  }
0xa8: {  	[sflag:s29] =	ssyncset.done $0x0  }
0xa9: {  	[sflag:s29] =	ssyncadd.s32 $0xFFFFFFB0  }
0xaa: {  	v1 =	vld [tilespmem:$0x7AF0]  }
0xab: {  	v2 =	vld [tilespmem:$0x7AE0];
	_ =	sdelay $0x1  }
0xac: {  	v3 =	vld [tilespmem:$0x7B00]  }
0xad: {  	v4 =	vld [tilespmem:$0x7AD0]  }
0xae: {  	v5 =	vld [tilespmem:$0x7B10];
	v6 =	vshrl.u32 v1, $0x10  }
0xaf: {  	v7 =	vshrl.u32 v2, $0x10;
	[tilespmem:$0x7B90] =	vst v6  }
0xb0: {  	v1 =	vand.u32 $0xFFFF, v1;
	[tilespmem:$0x7B80] =	vst v7  }
0xb1: {  	v6 =	vand.u32 $0xFFFF, v3;
	[tilespmem:$0x7B40] =	vst v1  }
0xb2: {  	v1 =	vand.u32 $0xFFFF, v4;
	[tilespmem:$0x7B50] =	vst v6  }
0xb3: {  	v6 =	vshrl.u32 v5, $0x10;
	[tilespmem:$0x7B20] =	vst v1  }
0xb4: {  	v1 =	vand.u32 $0xFFFF, v2;
	[tilespmem:$0x7BB0] =	vst v6  }
0xb5: {  	v2 =	vshrl.u32 v4, $0x10;
	[tilespmem:$0x7B30] =	vst v1  }
0xb6: {  	v1 =	vand.u32 $0xFFFF, v5;
	[tilespmem:$0x7B70] =	vst v2  }
0xb7: {  	v2 =	vshrl.u32 v3, $0x10;
	[tilespmem:$0x7B60] =	vst v1  }
0xb8: {  	s7 =	simm.s32 $0x7B20;
	[tilespmem:$0x7BA0] =	vst v2  }
0xb9: {  	[tilespmem:s15], [sflag:$0x8] =	stream.indirect.gather [hbm4b:s1+s6], $0x80, s7, s6, $0xb8;
	[tilespmem:$0x1DC40] =	vst v63  }
0xba: {  	_ =	swait.ge [sflag:s14], $0x2800  }
0xbb: {  	[sflag:s14] =	ssyncset.done $0x0  }
0xbc: {  	s7 =	simm.s32 $0x2990;
	[sflag:s14] =	ssyncadd.s32 $0xFFFFD800  }
0xbd: {  	[spmem:s3] =	stream.indirect.scatter.add.f32 [tilespmem:s10], [sflag:$0xA], $0x80, s7, s6, $0xb8;
	[tilespmem:$0x1DC40] =	vst v63  }
0xbe: {  	_ =	swait.ge [sflag:s20], $0x2800  }
0xbf: {  	s7 =	rddreg [dreg:$0x6];
	[sflag:s20] =	ssyncset.done $0x0  }
0xc0: {  	[sflag:s20] =	ssyncadd.s32 $0xFFFFD800;
	s7 =	sadd.s32 $0x0, s7  }
0xc1: {  	[tilespmem:s11], [sflag:$0x2] =	stream.linear.gather [hbm4b:s7+s4], $0x50, $0x38;
	[tilespmem:$0x1DC40] =	vst v63  }
0xc2: {  	_ =	swait.ge [sflag:s5], $0x50  }
0xc3: {  	[sflag:s5] =	ssyncset.done $0x0  }
0xc4: {  	[sflag:s5] =	ssyncadd.s32 $0xFFFFFFB0  }
0xc5: {  	v1 =	vld [tilespmem:$0x0];
	_ =	sdelay $0x1  }
0xc6: {  	v2 =	vld [tilespmem:$0x30]  }
0xc7: {  	v3 =	vld [tilespmem:$0x10];
	_ =	sdelay $0x1  }
0xc8: {  	v4 =	vld [tilespmem:$0x20];
	v5 =	vshrl.u32 v1, $0x10  }
0xc9: {  	v6 =	vld [tilespmem:$0x40];
	v1 =	vand.u32 $0xFFFF, v1;
	[tilespmem:$0xA0] =	vst v5  }
0xca: {  	v5 =	vand.u32 $0xFFFF, v2;
	[tilespmem:$0x50] =	vst v1  }
0xcb: {  	v1 =	vand.u32 $0xFFFF, v3;
	[tilespmem:$0x80] =	vst v5  }
0xcc: {  	v5 =	vshrl.u32 v3, $0x10;
	[tilespmem:$0x60] =	vst v1  }
0xcd: {  	v3 =	vand.u32 $0xFFFF, v4;
	[tilespmem:$0xB0] =	vst v5  }
0xce: {  	v1 =	vand.u32 $0xFFFF, v6;
	[tilespmem:$0x70] =	vst v3  }
0xcf: {  	v3 =	vshrl.u32 v6, $0x10;
	[tilespmem:$0x90] =	vst v1  }
0xd0: {  	v1 =	vshrl.u32 v2, $0x10;
	[tilespmem:$0xE0] =	vst v3  }
0xd1: {  	v2 =	vshrl.u32 v4, $0x10;
	[tilespmem:$0xD0] =	vst v1  }
0xd2: {  	[tilespmem:$0xC0] =	vst v2  }
0xd3: {  	[tilespmem:s31], [sflag:$0x5] =	stream.indirect.gather [hbm4b:s1+s6], $0x80, s6, s6, $0xb8;
	[tilespmem:$0x1DC40] =	vst v63  }
0xd4: {  	_ =	swait.ge [sflag:s21], $0x2800  }
0xd5: {  	[sflag:s21] =	ssyncset.done $0x0  }
0xd6: {  	[sflag:s21] =	ssyncadd.s32 $0xFFFFD800  }
0xd7: {  	[spmem:s3] =	stream.indirect.scatter.add.f32 [tilespmem:s17], [sflag:$0xB], $0x80, s30, s6, $0xb8;
	[tilespmem:$0x1DC40] =	vst v63  }
0xd8: {  	_ =	swait.ge [sflag:s23], $0x2800  }
0xd9: {  	s11 =	rddreg [dreg:$0x5];
	[sflag:s23] =	ssyncset.done $0x0  }
0xda: {  	[sflag:s23] =	ssyncadd.s32 $0xFFFFD800;
	s7 =	sadd.s32 $0x0, s11  }
0xdb: {  	[tilespmem:s22], [sflag:$0x3] =	stream.linear.gather [hbm4b:s7+s4], $0x50, $0x38;
	[tilespmem:$0x1DC40] =	vst v63  }
0xdc: {  	_ =	swait.ge [sflag:s8], $0x50  }
0xdd: {  	[sflag:s8] =	ssyncset.done $0x0  }
0xde: {  	[sflag:s8] =	ssyncadd.s32 $0xFFFFFFB0  }
0xdf: {  	v5 =	vld [tilespmem:$0x2920]  }
0xe0: {  	v1 =	vld [tilespmem:$0x2910]  }
0xe1: {  	v3 =	vld [tilespmem:$0x2900]  }
0xe2: {  	v4 =	vld [tilespmem:$0x28F0];
	_ =	sdelay $0x3  }
0xe3: {  	s19 =	simm.s32 $0xA0;
	v2 =	vshrl.u32 v3, $0x10;
	v7 =	vand.u32 $0xFFFF, v1;
	v6 =	vshrl.u32 v1, $0x10  }
0xe4: {  	s7 =	simm.s32 $0x28;
	s22 =	simm.s32 $0x7B70;
	v1 =	vld [tilespmem:$0x2930];
	v8 =	vand.u32 $0xFFFF, v4;
	[tilespmem:$0x29A0] =	vst v2;
	v2 =	vand.u32 $0xFFFF, v5;
	v5 =	vshrl.u32 v5, $0x10  }
.LBB2_4:
0xe5: {  	[tilespmem:$0x2940] =	vst v8  }
0xe6: {  	[tilespmem:$0x2960] =	vst v7  }
0xe7: {  	[tilespmem:$0x29B0] =	vst v6  }
0xe8: {  	[tilespmem:$0x29C0] =	vst v5  }
0xe9: {  	v4 =	vshrl.u32 v4, $0x10;
	[tilespmem:$0x2970] =	vst v2  }
0xea: {  	v3 =	vand.u32 $0xFFFF, v3;
	[tilespmem:$0x2990] =	vst v4  }
0xeb: {  	[tilespmem:$0x2950] =	vst v3;
	v6 =	vand.u32 $0xFFFF, v1;
	v1 =	vshrl.u32 v1, $0x10  }
0xec: {  	[tilespmem:$0x29D0] =	vst v1  }
0xed: {  	[tilespmem:$0x2980] =	vst v6  }
0xee: {  	[tilespmem:s10], [sflag:$0x6] =	stream.indirect.gather [hbm4b:s1+s6], $0x80, s16, s6, $0xb8;
	[tilespmem:$0x1DC40] =	vst v63  }
0xef: {  	_ =	swait.ge [sflag:s24], $0x2800  }
0xf0: {  	[sflag:s24] =	ssyncset.done $0x0  }
0xf1: {  	[sflag:s24] =	ssyncadd.s32 $0xFFFFD800  }
0xf2: {  	[spmem:s3] =	stream.indirect.scatter.add.f32 [tilespmem:s15], [sflag:$0xC], $0x80, s22, s6, $0xb8;
	[tilespmem:$0x1DC40] =	vst v63  }
0xf3: {  	_ =	swait.ge [sflag:s2], $0x2800  }
0xf4: {  	[sflag:s2] =	ssyncset.done $0x0  }
0xf5: {  	s11 =	smov.u32 s7;
	s16 =	rddreg [dreg:$0x4];
	[sflag:s2] =	ssyncadd.s32 $0xFFFFD800  }
0xf6: {  	s16 =	sadd.s32 s0, s16;
	s0 =	smov.u32 s11;
	s11 =	simm.s32 $0x7AD0  }
0xf7: {  	[tilespmem:s11], [sflag:$0x4] =	stream.linear.gather [hbm4b:s16+s4], $0x50, $0x38;
	[tilespmem:$0x1DC40] =	vst v63  }
0xf8: {  	_ =	swait.ge [sflag:s12], $0x50  }
0xf9: {  	[sflag:s12] =	ssyncset.done $0x0  }
0xfa: {  	[sflag:s12] =	ssyncadd.s32 $0xFFFFFFB0  }
0xfb: {  	v1 =	vld [tilespmem:$0x51E0]  }
0xfc: {  	v2 =	vld [tilespmem:$0x51F0]  }
0xfd: {  	v3 =	vld [tilespmem:$0x5200];
	_ =	sdelay $0x1  }
0xfe: {  	v4 =	vld [tilespmem:$0x5220]  }
0xff: {  	v5 =	vand.u32 $0xFFFF, v1  }
0x100: {  	[tilespmem:$0x5230] =	vst v5;
	v5 =	vand.u32 $0xFFFF, v2  }
0x101: {  	[tilespmem:$0x5240] =	vst v5;
	v5 =	vand.u32 $0xFFFF, v3  }
0x102: {  	v1 =	vshrl.u32 v1, $0x10;
	[tilespmem:$0x5250] =	vst v5;
	v5 =	vld [tilespmem:$0x5210]  }
0x103: {  	v6 =	vand.u32 $0xFFFF, v4;
	[tilespmem:$0x5280] =	vst v1  }
0x104: {  	v2 =	vshrl.u32 v2, $0x10;
	[tilespmem:$0x5270] =	vst v6  }
0x105: {  	v1 =	vshrl.u32 v4, $0x10;
	[tilespmem:$0x5290] =	vst v2  }
0x106: {  	v3 =	vshrl.u32 v3, $0x10;
	[tilespmem:$0x52C0] =	vst v1  }
0x107: {  	[tilespmem:$0x52A0] =	vst v3;
	v2 =	vand.u32 $0xFFFF, v5  }
0x108: {  	v3 =	vshrl.u32 v5, $0x10;
	[tilespmem:$0x5260] =	vst v2  }
0x109: {  	s11 =	simm.s32 $0x5230;
	[tilespmem:$0x52B0] =	vst v3  }
0x10a: {  	[tilespmem:s17], [sflag:$0x7] =	stream.indirect.gather [hbm4b:s1+s6], $0x80, s11, s6, $0xb8;
	[tilespmem:$0x1DC40] =	vst v63  }
0x10b: {  	_ =	swait.ge [sflag:s18], $0x2800  }
0x10c: {  	[sflag:s18] =	ssyncset.done $0x0  }
0x10d: {  	[sflag:s18] =	ssyncadd.s32 $0xFFFFD800  }
0x10e: {  	[spmem:s3] =	stream.indirect.scatter.add.f32 [tilespmem:s31], [sflag:$0x9], $0x80, s19, s6, $0xb8;
	[tilespmem:$0x1DC40] =	vst v63  }
0x10f: {  	s9 =	sadd.s32 $0x140, s9;
	_ =	swait.ge [sflag:s28], $0x2800  }
0x110: {  	s11 =	sshrl.u32 s9, $0x3;
	[sflag:s28] =	ssyncset.done $0x0  }
0x111: {  	s11 =	sadd.s32 s13, s11;
	[sflag:s28] =	ssyncadd.s32 $0xFFFFD800  }
0x112: {  	[tilespmem:s4], [sflag:$0x1] =	stream.linear.gather [hbm4b:s11+s4], $0x50, $0x38;
	[tilespmem:$0x1DC40] =	vst v63  }
0x113: {  	_ =	swait.ge [sflag:s29], $0x50  }
0x114: {  	[sflag:s29] =	ssyncset.done $0x0  }
0x115: {  	[sflag:s29] =	ssyncadd.s32 $0xFFFFFFB0  }
0x116: {  	v1 =	vld [tilespmem:$0x7AF0]  }
0x117: {  	v2 =	vld [tilespmem:$0x7AE0];
	_ =	sdelay $0x2  }
0x118: {  	v3 =	vld [tilespmem:$0x7B00]  }
0x119: {  	v5 =	vld [tilespmem:$0x7AD0];
	v6 =	vshrl.u32 v1, $0x10  }
0x11a: {  	v4 =	vld [tilespmem:$0x7B10];
	v7 =	vand.u32 $0xFFFF, v2;
	v2 =	vshrl.u32 v2, $0x10;
	[tilespmem:$0x7B90] =	vst v6  }
0x11b: {  	v1 =	vand.u32 $0xFFFF, v1;
	[tilespmem:$0x7B80] =	vst v2  }
0x11c: {  	[tilespmem:$0x7B40] =	vst v1  }
0x11d: {  	v2 =	vand.u32 $0xFFFF, v3;
	[tilespmem:$0x7B30] =	vst v7  }
0x11e: {  	v6 =	vand.u32 $0xFFFF, v5;
	[tilespmem:$0x7B50] =	vst v2  }
0x11f: {  	v1 =	vshrl.u32 v4, $0x10;
	[tilespmem:$0x7B20] =	vst v6  }
0x120: {  	v5 =	vshrl.u32 v5, $0x10;
	[tilespmem:$0x7BB0] =	vst v1  }
0x121: {  	v3 =	vshrl.u32 v3, $0x10;
	[tilespmem:$0x7B70] =	vst v5  }
0x122: {  	v2 =	vand.u32 $0xFFFF, v4;
	[tilespmem:$0x7BA0] =	vst v3  }
0x123: {  	s11 =	simm.s32 $0x7B20;
	[tilespmem:$0x7B60] =	vst v2  }
0x124: {  	[tilespmem:s15], [sflag:$0x8] =	stream.indirect.gather [hbm4b:s1+s6], $0x80, s11, s6, $0xb8;
	[tilespmem:$0x1DC40] =	vst v63  }
0x125: {  	_ =	swait.ge [sflag:s14], $0x2800  }
0x126: {  	[sflag:s14] =	ssyncset.done $0x0  }
0x127: {  	s11 =	simm.s32 $0x2990;
	[sflag:s14] =	ssyncadd.s32 $0xFFFFD800  }
0x128: {  	[spmem:s3] =	stream.indirect.scatter.add.f32 [tilespmem:s10], [sflag:$0xA], $0x80, s11, s6, $0xb8;
	[tilespmem:$0x1DC40] =	vst v63  }
0x129: {  	_ =	swait.ge [sflag:s20], $0x2800  }
0x12a: {  	s11 =	rddreg [dreg:$0x6];
	[sflag:s20] =	ssyncset.done $0x0  }
0x12b: {  	[sflag:s20] =	ssyncadd.s32 $0xFFFFD800;
	s11 =	sadd.s32 s0, s11  }
0x12c: {  	[tilespmem:s25], [sflag:$0x2] =	stream.linear.gather [hbm4b:s11+s4], $0x50, $0x38;
	[tilespmem:$0x1DC40] =	vst v63  }
0x12d: {  	_ =	swait.ge [sflag:s5], $0x50  }
0x12e: {  	[sflag:s5] =	ssyncset.done $0x0  }
0x12f: {  	[sflag:s5] =	ssyncadd.s32 $0xFFFFFFB0  }
0x130: {  	v1 =	vld [tilespmem:$0x0];
	_ =	sdelay $0x1  }
0x131: {  	v3 =	vld [tilespmem:$0x10];
	_ =	sdelay $0x1  }
0x132: {  	v2 =	vld [tilespmem:$0x30]  }
0x133: {  	v5 =	vld [tilespmem:$0x40];
	v6 =	vand.u32 $0xFFFF, v1;
	v1 =	vshrl.u32 v1, $0x10  }
0x134: {  	[tilespmem:$0xA0] =	vst v1  }
0x135: {  	v7 =	vand.u32 $0xFFFF, v3;
	v3 =	vshrl.u32 v3, $0x10;
	[tilespmem:$0x50] =	vst v6  }
0x136: {  	v4 =	vld [tilespmem:$0x20];
	[tilespmem:$0xB0] =	vst v3  }
0x137: {  	v1 =	vand.u32 $0xFFFF, v2;
	[tilespmem:$0x60] =	vst v7  }
0x138: {  	v3 =	vand.u32 $0xFFFF, v5;
	[tilespmem:$0x80] =	vst v1  }
0x139: {  	v5 =	vshrl.u32 v5, $0x10;
	[tilespmem:$0x90] =	vst v3  }
0x13a: {  	v2 =	vshrl.u32 v2, $0x10;
	[tilespmem:$0xE0] =	vst v5  }
0x13b: {  	v1 =	vand.u32 $0xFFFF, v4;
	[tilespmem:$0xD0] =	vst v2  }
0x13c: {  	v4 =	vshrl.u32 v4, $0x10;
	[tilespmem:$0x70] =	vst v1  }
0x13d: {  	[tilespmem:$0xC0] =	vst v4  }
0x13e: {  	[tilespmem:s31], [sflag:$0x5] =	stream.indirect.gather [hbm4b:s1+s6], $0x80, s6, s6, $0xb8;
	[tilespmem:$0x1DC40] =	vst v63  }
0x13f: {  	_ =	swait.ge [sflag:s21], $0x2800  }
0x140: {  	[sflag:s21] =	ssyncset.done $0x0  }
0x141: {  	[sflag:s21] =	ssyncadd.s32 $0xFFFFD800  }
0x142: {  	[spmem:s3] =	stream.indirect.scatter.add.f32 [tilespmem:s17], [sflag:$0xB], $0x80, s30, s6, $0xb8;
	[tilespmem:$0x1DC40] =	vst v63  }
0x143: {  	_ =	swait.ge [sflag:s23], $0x2800  }
0x144: {  	[sflag:s23] =	ssyncset.done $0x0;
	s11 =	rddreg [dreg:$0x5]  }
0x145: {  	[sflag:s23] =	ssyncadd.s32 $0xFFFFD800;
	s11 =	sadd.s32 s0, s11  }
0x146: {  	[tilespmem:s26], [sflag:$0x3] =	stream.linear.gather [hbm4b:s11+s4], $0x50, $0x38;
	[tilespmem:$0x1DC40] =	vst v63  }
0x147: {  	_ =	swait.ge [sflag:s8], $0x50  }
0x148: {  	[sflag:s8] =	ssyncset.done $0x0  }
0x149: {  	[sflag:s8] =	ssyncadd.s32 $0xFFFFFFB0  }
0x14a: {  	v5 =	vld [tilespmem:$0x2920]  }
0x14b: {  	v2 =	vld [tilespmem:$0x2910]  }
0x14c: {  	v3 =	vld [tilespmem:$0x2900]  }
0x14d: {  	p0 =	sne.s32 s7, $0x488;
	v4 =	vld [tilespmem:$0x28F0]  }
.Ltmp1:
0x14e: {  	_ = 	snop;
	(pc) =	sbr.rel @p0 .LBB2_4-.Ltmp1, $3  }
0x14f: {  	_ =	sdelay $0x1  }
0x150: {  	v9 =	vshrl.u32 v3, $0x10;
	v7 =	vand.u32 $0xFFFF, v2;
	v6 =	vshrl.u32 v2, $0x10  }
0x151: {  	s7 =	sadd.s32 $0x28, s7;
	s16 =	simm.s32 $0x2940;
	v1 =	vld [tilespmem:$0x2930];
	v8 =	vand.u32 $0xFFFF, v4;
	v2 =	vand.u32 $0xFFFF, v5;
	v5 =	vshrl.u32 v5, $0x10;
	[tilespmem:$0x29A0] =	vst v9  }
0x152: {  	[tilespmem:$0x2940] =	vst v8  }
0x153: {  	[tilespmem:$0x2960] =	vst v7  }
0x154: {  	[tilespmem:$0x29B0] =	vst v6  }
0x155: {  	[tilespmem:$0x29C0] =	vst v5  }
0x156: {  	v4 =	vshrl.u32 v4, $0x10;
	[tilespmem:$0x2970] =	vst v2  }
0x157: {  	v3 =	vand.u32 $0xFFFF, v3;
	[tilespmem:$0x2990] =	vst v4  }
0x158: {  	[tilespmem:$0x2950] =	vst v3;
	v3 =	vshrl.u32 v1, $0x10  }
0x159: {  	v1 =	vand.u32 $0xFFFF, v1;
	[tilespmem:$0x29D0] =	vst v3  }
0x15a: {  	[tilespmem:$0x2980] =	vst v1  }
0x15b: {  	[tilespmem:s10], [sflag:$0x6] =	stream.indirect.gather [hbm4b:s1+s6], $0x80, s16, s6, $0xb8;
	[tilespmem:$0x1DC40] =	vst v63  }
0x15c: {  	_ =	swait.ge [sflag:s24], $0x2800  }
0x15d: {  	[sflag:s24] =	ssyncset.done $0x0  }
0x15e: {  	[sflag:s24] =	ssyncadd.s32 $0xFFFFD800  }
0x15f: {  	[spmem:s3] =	stream.indirect.scatter.add.f32 [tilespmem:s15], [sflag:$0xC], $0x80, s22, s6, $0xb8;
	[tilespmem:$0x1DC40] =	vst v63  }
0x160: {  	_ =	swait.ge [sflag:s2], $0x2800  }
0x161: {  	s7 =	rddreg [dreg:$0x4];
	[sflag:s2] =	ssyncset.done $0x0  }
0x162: {  	s19 =	simm.s32 $0x7AD0;
	s0 =	sadd.s32 s0, s7;
	[sflag:s2] =	ssyncadd.s32 $0xFFFFD800  }
0x163: {  	[tilespmem:s19], [sflag:$0x4] =	stream.linear.gather [hbm4b:s0+s4], $0x50, $0x38;
	[tilespmem:$0x1DC40] =	vst v63  }
0x164: {  	_ =	swait.ge [sflag:s12], $0x50  }
0x165: {  	[sflag:s12] =	ssyncset.done $0x0  }
0x166: {  	[sflag:s12] =	ssyncadd.s32 $0xFFFFFFB0  }
0x167: {  	v1 =	vld [tilespmem:$0x51E0]  }
0x168: {  	v2 =	vld [tilespmem:$0x51F0]  }
0x169: {  	v3 =	vld [tilespmem:$0x5200];
	_ =	sdelay $0x2  }
0x16a: {  	v55 =	vand.u32 $0xFFFF, v1  }
0x16b: {  	v56 =	vld [tilespmem:$0x5220];
	v57 =	vand.u32 $0xFFFF, v2;
	[tilespmem:$0x5230] =	vst v55  }
0x16c: {  	v59 =	vld [tilespmem:$0x5210];
	v58 =	vand.u32 $0xFFFF, v3;
	[tilespmem:$0x5240] =	vst v57  }
0x16d: {  	v3 =	vshrl.u32 v3, $0x10;
	[tilespmem:$0x5250] =	vst v58  }
0x16e: {  	v1 =	vshrl.u32 v1, $0x10;
	[tilespmem:$0x52A0] =	vst v3  }
0x16f: {  	v2 =	vshrl.u32 v2, $0x10;
	[tilespmem:$0x5280] =	vst v1  }
0x170: {  	v1 =	vand.u32 $0xFFFF, v56;
	[tilespmem:$0x5290] =	vst v2  }
0x171: {  	v2 =	vand.u32 $0xFFFF, v59;
	[tilespmem:$0x5270] =	vst v1  }
0x172: {  	v1 =	vshrl.u32 v56, $0x10;
	[tilespmem:$0x5260] =	vst v2  }
0x173: {  	[tilespmem:$0x52C0] =	vst v1;
	v1 =	vshrl.u32 v59, $0x10  }
0x174: {  	s9 =	simm.s32 $0x5230;
	[tilespmem:$0x52B0] =	vst v1  }
0x175: {  	[tilespmem:s17], [sflag:$0x7] =	stream.indirect.gather [hbm4b:s1+s6], $0x80, s9, s6, $0xb8;
	[tilespmem:$0x1DC40] =	vst v63  }
0x176: {  	_ =	swait.ge [sflag:s18], $0x2800  }
0x177: {  	[sflag:s18] =	ssyncset.done $0x0  }
0x178: {  	s11 =	simm.s32 $0xA0;
	[sflag:s18] =	ssyncadd.s32 $0xFFFFD800  }
0x179: {  	[spmem:s3] =	stream.indirect.scatter.add.f32 [tilespmem:s31], [sflag:$0x9], $0x80, s11, s6, $0xb8;
	[tilespmem:$0x1DC40] =	vst v63  }
0x17a: {  	_ =	swait.ge [sflag:s28], $0x2800  }
0x17b: {  	[sflag:s28] =	ssyncset.done $0x0  }
0x17c: {  	s16 =	rddreg [dreg:$0x1e];
	[sflag:s28] =	ssyncadd.s32 $0xFFFFD800  }
0x17d: {  	[tilespmem:s4], [sflag:$0x1] =	stream.linear.gather [hbm4b:s16+s4], $0x50, $0x38;
	[tilespmem:$0x1DC40] =	vst v63  }
0x17e: {  	_ =	swait.ge [sflag:s29], $0x50  }
0x17f: {  	[sflag:s29] =	ssyncset.done $0x0  }
0x180: {  	[sflag:s29] =	ssyncadd.s32 $0xFFFFFFB0  }
0x181: {  	v1 =	vld [tilespmem:$0x7AD0];
	_ =	sdelay $0x1  }
0x182: {  	v2 =	vld [tilespmem:$0x7AE0];
	_ =	sdelay $0x1  }
0x183: {  	v3 =	vld [tilespmem:$0x7AF0]  }
0x184: {  	v60 =	vand.u32 $0xFFFF, v1  }
0x185: {  	v61 =	vld [tilespmem:$0x7B00];
	v1 =	vshrl.u32 v1, $0x10;
	[tilespmem:$0x7B20] =	vst v60  }
0x186: {  	[tilespmem:$0x7B70] =	vst v1;
	v1 =	vand.u32 $0xFFFF, v2  }
0x187: {  	[tilespmem:$0x7B30] =	vst v1;
	v1 =	vshrl.u32 v2, $0x10;
	v2 =	vld [tilespmem:$0x7B10]  }
0x188: {  	[tilespmem:$0x7B80] =	vst v1;
	v1 =	vand.u32 $0xFFFF, v3  }
0x189: {  	[tilespmem:$0x7B40] =	vst v1;
	v1 =	vshrl.u32 v3, $0x10  }
0x18a: {  	[tilespmem:$0x7B90] =	vst v1;
	v1 =	vand.u32 $0xFFFF, v61  }
0x18b: {  	[tilespmem:$0x7B50] =	vst v1;
	v1 =	vshrl.u32 v61, $0x10  }
0x18c: {  	[tilespmem:$0x7BA0] =	vst v1;
	v1 =	vand.u32 $0xFFFF, v2  }
0x18d: {  	[tilespmem:$0x7B60] =	vst v1;
	v1 =	vshrl.u32 v2, $0x10  }
0x18e: {  	s19 =	simm.s32 $0x7B20;
	[tilespmem:$0x7BB0] =	vst v1  }
0x18f: {  	[tilespmem:s15], [sflag:$0x8] =	stream.indirect.gather [hbm4b:s1+s6], $0x80, s19, s6, $0xb8;
	[tilespmem:$0x1DC40] =	vst v63  }
0x190: {  	_ =	swait.ge [sflag:s14], $0x2800  }
0x191: {  	[sflag:s14] =	ssyncset.done $0x0  }
0x192: {  	s9 =	simm.s32 $0x2990;
	[sflag:s14] =	ssyncadd.s32 $0xFFFFD800  }
0x193: {  	[spmem:s3] =	stream.indirect.scatter.add.f32 [tilespmem:s10], [sflag:$0xA], $0x80, s9, s6, $0xb8;
	[tilespmem:$0x1DC40] =	vst v63  }
0x194: {  	_ =	swait.ge [sflag:s5], $0x50  }
0x195: {  	[sflag:s5] =	ssyncset.done $0x0  }
0x196: {  	[sflag:s5] =	ssyncadd.s32 $0xFFFFFFB0  }
0x197: {  	v1 =	vld [tilespmem:$0x0];
	_ =	sdelay $0x1  }
0x198: {  	v2 =	vld [tilespmem:$0x10];
	_ =	sdelay $0x1  }
0x199: {  	v3 =	vld [tilespmem:$0x20]  }
0x19a: {  	v62 =	vand.u32 $0xFFFF, v1  }
0x19b: {  	v63 =	vld [tilespmem:$0x30];
	v1 =	vshrl.u32 v1, $0x10;
	[tilespmem:$0x50] =	vst v62  }
0x19c: {  	[tilespmem:$0xA0] =	vst v1;
	v1 =	vand.u32 $0xFFFF, v2  }
0x19d: {  	[tilespmem:$0x60] =	vst v1;
	v1 =	vshrl.u32 v2, $0x10;
	v2 =	vld [tilespmem:$0x40]  }
0x19e: {  	[tilespmem:$0xB0] =	vst v1;
	v1 =	vand.u32 $0xFFFF, v3  }
0x19f: {  	[tilespmem:$0x70] =	vst v1;
	v1 =	vshrl.u32 v3, $0x10  }
0x1a0: {  	[tilespmem:$0xC0] =	vst v1;
	v1 =	vand.u32 $0xFFFF, v63  }
0x1a1: {  	[tilespmem:$0x80] =	vst v1;
	v1 =	vshrl.u32 v63, $0x10  }
0x1a2: {  	[tilespmem:$0xD0] =	vst v1;
	v1 =	vand.u32 $0xFFFF, v2  }
0x1a3: {  	[tilespmem:$0x90] =	vst v1;
	v1 =	vshrl.u32 v2, $0x10  }
0x1a4: {  	[tilespmem:$0xE0] =	vst v1  }
0x1a5: {  	[tilespmem:s31], [sflag:$0x5] =	stream.indirect.gather [hbm4b:s1+s6], $0x80, s6, s6, $0xb8;
	[tilespmem:$0x1DC40] =	vst v63  }
0x1a6: {  	_ =	swait.ge [sflag:s21], $0x2800  }
0x1a7: {  	[sflag:s21] =	ssyncset.done $0x0  }
0x1a8: {  	[sflag:s21] =	ssyncadd.s32 $0xFFFFD800  }
0x1a9: {  	[spmem:s3] =	stream.indirect.scatter.add.f32 [tilespmem:s17], [sflag:$0xB], $0x80, s30, s6, $0xb8;
	[tilespmem:$0x1DC40] =	vst v63  }
0x1aa: {  	_ =	swait.ge [sflag:s24], $0x2800  }
0x1ab: {  	[sflag:s24] =	ssyncset.done $0x0  }
0x1ac: {  	[sflag:s24] =	ssyncadd.s32 $0xFFFFD800  }
0x1ad: {  	[spmem:s3] =	stream.indirect.scatter.add.f32 [tilespmem:s15], [sflag:$0xC], $0x80, s22, s6, $0xb8;
	[tilespmem:$0x1DC40] =	vst v63  }
0x1ae: {  	_ =	swait.ge [sflag:s18], $0x2800  }
0x1af: {  	[sflag:s18] =	ssyncset.done $0x0  }
0x1b0: {  	[sflag:s18] =	ssyncadd.s32 $0xFFFFD800  }
0x1b1: {  	[spmem:s3] =	stream.indirect.scatter.add.f32 [tilespmem:s31], [sflag:$0x9], $0x80, s11, s6, $0xb8;
	[tilespmem:$0x1DC40] =	vst v63  }
0x1b2: {  	_ =	swait.ge [sflag:s28], $0x2800  }
0x1b3: {  	[sflag:s28] =	ssyncset.done $0x0  }
0x1b4: {  	[sflag:s28] =	ssyncadd.s32 $0xFFFFD800  }
0x1b5: {  	_ =	swait.ge [sflag:s20], $0x2800  }
0x1b6: {  	[sflag:s20] =	ssyncset.done $0x0  }
0x1b7: {  	[sflag:s20] =	ssyncadd.s32 $0xFFFFD800  }
0x1b8: {  	_ =	swait.ge [sflag:s23], $0x2800  }
0x1b9: {  	[sflag:s23] =	ssyncset.done $0x0  }
0x1ba: {  	[sflag:s23] =	ssyncadd.s32 $0xFFFFD800  }
0x1bb: {  	_ =	swait.ge [sflag:s2], $0x2800  }
0x1bc: {  	[sflag:s2] =	ssyncset.done $0x0  }
0x1bd: {  	[sflag:s2] =	ssyncadd.s32 $0xFFFFD800  }
0x1be: {  	[bflag:$0x0] =	sbarrier.arrive $0xFFFF  }
0x1bf: {  	s7 =	simm.s32 $0xD;
	s11 =	rddreg [dreg:$0x11]  }
0x1c0: {  	[tilespmem:s31], [sflag:$0xD] =	stream.linear.gather [spmem:s11], $0x2800, $0x38;
	[tilespmem:$0x1DC40] =	vst v63  }
0x1c1: {  	_ =	swait.ge [sflag:s7], $0x2800  }
0x1c2: {  	[sflag:s7] =	ssyncset.done $0x0  }
0x1c3: {  	s16 =	rddreg [dreg:$0x8];
	[sflag:s7] =	ssyncadd.s32 $0xFFFFD800  }
0x1c4: {  	[hbm4b:s16+s4] =	stream.linear.scatter [tilespmem:s31], [sflag:$0xD], $0x2800, $0x38;
	[tilespmem:$0x1DC40] =	vst v63  }
0x1c5: {  	_ =	swait.ge [sflag:s7], $0x2800  }
0x1c6: {  	[sflag:s7] =	ssyncset.done $0x0  }
0x1c7: {  	s9 =	rddreg [dreg:$0x14];
	[sflag:s7] =	ssyncadd.s32 $0xFFFFD800  }
0x1c8: {  	[tilespmem:s31], [sflag:$0xD] =	stream.linear.gather [spmem:s9], $0x2800, $0x38;
	[tilespmem:$0x1DC40] =	vst v63  }
0x1c9: {  	_ =	swait.ge [sflag:s7], $0x2800  }
0x1ca: {  	[sflag:s7] =	ssyncset.done $0x0  }
0x1cb: {  	s19 =	rddreg [dreg:$0x9];
	[sflag:s7] =	ssyncadd.s32 $0xFFFFD800  }
0x1cc: {  	[hbm4b:s19+s4] =	stream.linear.scatter [tilespmem:s31], [sflag:$0xD], $0x2800, $0x38;
	[tilespmem:$0x1DC40] =	vst v63  }
0x1cd: {  	_ =	swait.ge [sflag:s7], $0x2800  }
0x1ce: {  	[sflag:s7] =	ssyncset.done $0x0  }
0x1cf: {  	s11 =	rddreg [dreg:$0x15];
	[sflag:s7] =	ssyncadd.s32 $0xFFFFD800  }
0x1d0: {  	[tilespmem:s31], [sflag:$0xD] =	stream.linear.gather [spmem:s11], $0x2800, $0x38;
	[tilespmem:$0x1DC40] =	vst v63  }
0x1d1: {  	_ =	swait.ge [sflag:s7], $0x2800  }
0x1d2: {  	[sflag:s7] =	ssyncset.done $0x0  }
0x1d3: {  	s22 =	rddreg [dreg:$0xa];
	[sflag:s7] =	ssyncadd.s32 $0xFFFFD800  }
0x1d4: {  	[hbm4b:s22+s4] =	stream.linear.scatter [tilespmem:s31], [sflag:$0xD], $0x2800, $0x38;
	[tilespmem:$0x1DC40] =	vst v63  }
0x1d5: {  	_ =	swait.ge [sflag:s7], $0x2800  }
0x1d6: {  	[sflag:s7] =	ssyncset.done $0x0  }
0x1d7: {  	s16 =	rddreg [dreg:$0x16];
	[sflag:s7] =	ssyncadd.s32 $0xFFFFD800  }
0x1d8: {  	[tilespmem:s31], [sflag:$0xD] =	stream.linear.gather [spmem:s16], $0x2800, $0x38;
	[tilespmem:$0x1DC40] =	vst v63  }
0x1d9: {  	_ =	swait.ge [sflag:s7], $0x2800  }
0x1da: {  	[sflag:s7] =	ssyncset.done $0x0  }
0x1db: {  	s19 =	rddreg [dreg:$0xb];
	[sflag:s7] =	ssyncadd.s32 $0xFFFFD800  }
0x1dc: {  	[hbm4b:s19+s4] =	stream.linear.scatter [tilespmem:s31], [sflag:$0xD], $0x2800, $0x38;
	[tilespmem:$0x1DC40] =	vst v63  }
0x1dd: {  	_ =	swait.ge [sflag:s7], $0x2800  }
0x1de: {  	[sflag:s7] =	ssyncset.done $0x0  }
0x1df: {  	s22 =	rddreg [dreg:$0x17];
	[sflag:s7] =	ssyncadd.s32 $0xFFFFD800  }
0x1e0: {  	[tilespmem:s31], [sflag:$0xD] =	stream.linear.gather [spmem:s22], $0x2800, $0x38;
	[tilespmem:$0x1DC40] =	vst v63  }
0x1e1: {  	_ =	swait.ge [sflag:s7], $0x2800  }
0x1e2: {  	[sflag:s7] =	ssyncset.done $0x0  }
0x1e3: {  	s16 =	rddreg [dreg:$0xc];
	[sflag:s7] =	ssyncadd.s32 $0xFFFFD800  }
0x1e4: {  	[hbm4b:s16+s4] =	stream.linear.scatter [tilespmem:s31], [sflag:$0xD], $0x2800, $0x38;
	[tilespmem:$0x1DC40] =	vst v63  }
0x1e5: {  	_ =	swait.ge [sflag:s7], $0x2800  }
0x1e6: {  	[sflag:s7] =	ssyncset.done $0x0  }
0x1e7: {  	s16 =	rddreg [dreg:$0x18];
	[sflag:s7] =	ssyncadd.s32 $0xFFFFD800  }
0x1e8: {  	[tilespmem:s31], [sflag:$0xD] =	stream.linear.gather [spmem:s16], $0x2800, $0x38;
	[tilespmem:$0x1DC40] =	vst v63  }
0x1e9: {  	_ =	swait.ge [sflag:s7], $0x2800  }
0x1ea: {  	[sflag:s7] =	ssyncset.done $0x0  }
0x1eb: {  	s19 =	rddreg [dreg:$0xd];
	[sflag:s7] =	ssyncadd.s32 $0xFFFFD800  }
0x1ec: {  	[hbm4b:s19+s4] =	stream.linear.scatter [tilespmem:s31], [sflag:$0xD], $0x2800, $0x38;
	[tilespmem:$0x1DC40] =	vst v63  }
0x1ed: {  	_ =	swait.ge [sflag:s7], $0x2800  }
0x1ee: {  	[sflag:s7] =	ssyncset.done $0x0  }
0x1ef: {  	s22 =	rddreg [dreg:$0x19];
	[sflag:s7] =	ssyncadd.s32 $0xFFFFD800  }
0x1f0: {  	[tilespmem:s31], [sflag:$0xD] =	stream.linear.gather [spmem:s22], $0x2800, $0x38;
	[tilespmem:$0x1DC40] =	vst v63  }
0x1f1: {  	_ =	swait.ge [sflag:s7], $0x2800  }
0x1f2: {  	[sflag:s7] =	ssyncset.done $0x0  }
0x1f3: {  	s19 =	rddreg [dreg:$0xe];
	[sflag:s7] =	ssyncadd.s32 $0xFFFFD800  }
0x1f4: {  	[hbm4b:s19+s4] =	stream.linear.scatter [tilespmem:s31], [sflag:$0xD], $0x2800, $0x38;
	[tilespmem:$0x1DC40] =	vst v63  }
0x1f5: {  	_ =	swait.ge [sflag:s7], $0x2800  }
0x1f6: {  	[sflag:s7] =	ssyncset.done $0x0  }
0x1f7: {  	s22 =	rddreg [dreg:$0xf];
	[sflag:s7] =	ssyncadd.s32 $0xFFFFD800  }
0x1f8: {  	[tilespmem:s31], [sflag:$0xD] =	stream.linear.gather [spmem:s22], $0x2080, $0x38;
	[tilespmem:$0x1DC40] =	vst v63  }
0x1f9: {  	_ =	swait.ge [sflag:s7], $0x2080  }
0x1fa: {  	[sflag:s7] =	ssyncset.done $0x0  }
0x1fb: {  	s19 =	rddreg [dreg:$0x7];
	[sflag:s7] =	ssyncadd.s32 $0xFFFFDF80  }
0x1fc: {  	[hbm4b:s19+s4] =	stream.linear.scatter [tilespmem:s31], [sflag:$0xD], $0x2080, $0x38;
	[tilespmem:$0x1DC40] =	vst v63  }
0x1fd: {  	_ =	swait.ge [sflag:s7], $0x2080  }
0x1fe: {  	s19 =	rddreg [dreg:$0x1f]  }
0x1ff: {  	s22 =	rddreg [dreg:$0x12];
	s19 =	sadd.s32 $0x1, s19  }
0x200: {  	p0 =	sne.s32 s19, s22  }
.Ltmp2:
0x201: {  	_ = 	snop;
	(pc) =	sbr.rel @p0 .LBB2_1-.Ltmp2, $3  }
0x202: {  	_ =	sdelay $0x1  }
0x203: {  	[sflag:s7] =	ssyncset.done $0x0  }
0x204: {  	[sflag:s7] =	ssyncadd.s32 $0xFFFFDF80  }
0x205: {  	_ =	sfence.sel $0x180000  }
0x206: {  	[bflag:$0x0] =	sbarrier.arrive $0xFFFF  }
0x207: {  	_ =	strace $0x9000004A  }
0x208: {  	s0 =	stileid.u32;
	[bflag:$0x2] =	sbarrier.arrive $0xFFFF  }
0x209: {  	p0 =	sne.s32 s0, $0x0;
	s0 =	rddreg [dreg:$0x3]  }
0x20a: {  	s0 =	sadd.s32 @!p0 $0x100000, s0  }
0x20b: {  	[sflag:s0] =	ssyncadd.tile.s32 @!p0 $0x1;
	_ =	shalt  }
.Lfunc_end2:
_tile_overlayer_lowered:
.L_overlay_start_2:
0x20c: {  	(tag) =	ssettag $0x2  }
0x20d: {  	s0 =	rddreg [dreg:$0x0];
	s2 =	stileid.u32  }
0x20e: {  	s1 =	rddreg [dreg:$0x1];
	p0 =	sne.s32 s2, $0x0  }
0x20f: {  	s3 =	rddreg [dreg:$0x2];
	[bflag:$0x3] =	sbarrier.arrive $0xFFFF;
	s2 =	simm.s32 @!p0 $0x1C0D  }
0x210: {  	[timem:s3], [sflag:s2] =	dma.local @!p0 [hbm:s0], s1  }
0x211: {  	s0 =	simm.s32 @!p0 $0xD  }
0x212: {  	_ =	swait.ge @!p0 [sflag:s0], s1  }
0x213: {  	s1 =	ssub.s32 @!p0 $0x0, s1;
	[sflag:s0] =	ssyncset.done @!p0 $0x0  }
0x214: {  	[sflag:s0] =	ssyncadd.s32 @!p0 s1  }
0x215: {  	[bflag:$0x3] =	sbarrier.arrive $0xFFFF  }
0x216: {  	_ =	shalt  }

// kernel: kernel.18.cloned.1.call-start
scs
__scs_entry_jumppad:
0x0: {  	(pc) =	sbr.rel $0x88, $3  }
0x1: {  	(tag) =	ssettag $0x0;
	lr =	simm.s32 $0x1  }
0x2: {  	[smem:$0x3F89] =	sst lr;
	_ =	strace $0xD0000000  }
0x3: {  	_ = 	snop  }
0x4: {  	_ = 	snop  }
0x5: {  	_ = 	snop  }
0x6: {  	_ = 	snop  }
0x7: {  	_ = 	snop  }
__scs_overlays_trampoline_lowered:
0x8: {  	[smem:$0x3F98] =	sst s0  }
0x9: {  	[smem:$0x3F99] =	sst s1  }
0xa: {  	[smem:$0x3F9A] =	sst s2  }
0xb: {  	[smem:$0x3F9B] =	sst s3  }
0xc: {  	[smem:$0x3F9C] =	sst s4  }
0xd: {  	[smem:$0x3F9D] =	sst s5  }
0xe: {  	[smem:$0x3F9E] =	sst s6  }
0xf: {  	[smem:$0x3F9F] =	sst s7  }
0x10: {  	[smem:$0x3FA0] =	sst s8  }
0x11: {  	[smem:$0x3FA1] =	sst s9;
	s0 =	simm.s32 @!p0 $0x0  }
0x12: {  	s1 =	sld [smem:$0x3F87];
	s0 =	simm.s32 @p0 $0x1  }
0x13: {  	[smem:$0x3FA2] =	sst s0;
	s0 =	simm.s32 @!p1 $0x0  }
0x14: {  	s2 =	sld [smem:$0x3F86];
	s0 =	simm.s32 @p1 $0x1  }
0x15: {  	[smem:$0x3FA3] =	sst s0;
	s0 =	simm.s32 @!p2 $0x0  }
0x16: {  	s3 =	sld [smem:$0x3FDB];
	s0 =	simm.s32 @p2 $0x1  }
0x17: {  	s4 =	simm.s32 $0x1BF5;
	[smem:$0x3FA5] =	sst s0  }
0x18: {  	s0 =	sld [smem:$0x3F88];
	_ =	swait.ge [sflag:s4], $0x0  }
0x19: {  	s7 =	sld [smem:$0x3F89]  }
0x1a: {  	s8 =	sadd.s32 $0xFFFFE003, lr  }
0x1b: {  	s9 =	sadd.s32 $0xFFFFFEF7, lr;
	s5 =	simm.s32 $0xFFFFFFFF;
	p2 =	slt.u32 s8, $0xFFFFF086  }
0x1c: {  	p1 =	slt.u32 s9, $0xF7A;
	s5 =	simm.s32 @!p2 $0x0  }
0x1d: {  	s5 =	simm.s32 @p1 $0x1;
	p0 =	seq.s32 s7, s2  }
0x1e: {  	s7 =	smul.u32 @!p0 $0xF7A, s2;
	p2 =	seq.s32 @!p0 s5, $0x0  }
0x1f: {  	s9 =	smul.u32 $0xF7A, s1;
	s8 =	simm.s32 @!p0 $0x1BF5;
	p2 =	por !p2, p0  }
0x20: {  	[sflag:s8] =	ssyncset.s32 @!p0 $0xFFFFF086;
	s6 =	sadd.s32 @!p0 s3, s7;
	s7 =	simm.s32 @!p0 $0x108  }
0x21: {  	s3 =	sadd.s32 s3, s9;
	s6 =	sadd.s32 @!p0 $0x88, s6;
	s7 =	simm.s32 @p2 $0x1082  }
0x22: {  	[simem:s7], [sflag:s8] =	dma.local @!p0 [hbm:s6], $0xF7A  }
0x23: {  	s9 =	sor.u32 $0xD0000000, s2;
	s6 =	simm.s32 $0x108;
	_ =	swait.ge @!p0 [sflag:s8], $0x0  }
0x24: {  	s3 =	sadd.s32 $0x88, s3;
	s6 =	simm.s32 @!p1 $0x1082;
	[sflag:s4] =	ssyncset.s32 $0xFFFFF086  }
0x25: {  	[simem:s6], [sflag:s4] =	dma.local [hbm:s3], $0xF7A  }
0x26: {  	[smem:$0x3F89] =	sst s1;
	(tag) =	ssettag s2;
	_ =	strace s9  }
0x27: {  	s1 =	sld [smem:$0x3F99]  }
0x28: {  	s2 =	sld [smem:$0x3F9A]  }
0x29: {  	s4 =	sld [smem:$0x3F9C]  }
0x2a: {  	p0 =	seq.s32 s5, $0x0;
	s5 =	sld [smem:$0x3F9D]  }
0x2b: {  	s6 =	sld [smem:$0x3F9E]  }
0x2c: {  	s7 =	sld [smem:$0x3F9F]  }
0x2d: {  	s3 =	simm.s32 $0x108;
	s8 =	sld [smem:$0x3FA0]  }
0x2e: {  	s3 =	simm.s32 @!p0 $0x1082;
	s9 =	sld [smem:$0x3FA1]  }
0x2f: {  	lr =	sadd.s32 s0, s3;
	s0 =	sld [smem:$0x3F98]  }
0x30: {  	s3 =	sld [smem:$0x3F9B]  }
0x31: {  	[smem:$0x3FA4] =	sst s10  }
0x32: {  	s10 =	sld [smem:$0x3FA2];
	_ =	sdelay $0x3  }
0x33: {  	p0 =	seq.s32 s10, $0x1;
	s10 =	sld [smem:$0x3FA4];
	_ =	sdelay $0x3  }
0x34: {  	[smem:$0x3FA4] =	sst s10  }
0x35: {  	s10 =	sld [smem:$0x3FA3];
	_ =	sdelay $0x3  }
0x36: {  	p1 =	seq.s32 s10, $0x1;
	s10 =	sld [smem:$0x3FA4];
	_ =	sdelay $0x3  }
0x37: {  	[smem:$0x3FA4] =	sst s10  }
0x38: {  	s10 =	sld [smem:$0x3FA5]  }
0x39: {  	_ = 	snop;
	(pc) =	sbr.ind lr, $3  }
0x3a: {  	_ = 	snop  }
0x3b: {  	_ = 	snop  }
0x3c: {  	p2 =	seq.s32 s10, $0x1;
	s10 =	sld [smem:$0x3FA4]  }
0x3d: {  	_ =	shalt  }
0x3e: {  	_ =	shalt  }
0x3f: {  	_ =	shalt  }
0x40: {  	_ =	shalt  }
0x41: {  	_ =	shalt  }
0x42: {  	_ =	shalt  }
0x43: {  	_ =	shalt  }
0x44: {  	_ =	shalt  }
0x45: {  	_ =	shalt  }
0x46: {  	_ =	shalt  }
0x47: {  	_ =	shalt  }
0x48: {  	_ =	shalt  }
0x49: {  	_ =	shalt  }
0x4a: {  	_ =	shalt  }
0x4b: {  	_ =	shalt  }
0x4c: {  	_ =	shalt  }
0x4d: {  	_ =	shalt  }
0x4e: {  	_ =	shalt  }
0x4f: {  	_ =	shalt  }
0x50: {  	_ =	shalt  }
0x51: {  	_ =	shalt  }
0x52: {  	_ =	shalt  }
0x53: {  	_ =	shalt  }
0x54: {  	_ =	shalt  }
0x55: {  	_ =	shalt  }
0x56: {  	_ =	shalt  }
0x57: {  	_ =	shalt  }
0x58: {  	_ =	shalt  }
0x59: {  	_ =	shalt  }
0x5a: {  	_ =	shalt  }
0x5b: {  	_ =	shalt  }
0x5c: {  	_ =	shalt  }
0x5d: {  	_ =	shalt  }
0x5e: {  	_ =	shalt  }
0x5f: {  	_ =	shalt  }
0x60: {  	_ =	shalt  }
0x61: {  	_ =	shalt  }
0x62: {  	_ =	shalt  }
0x63: {  	_ =	shalt  }
0x64: {  	_ =	shalt  }
0x65: {  	_ =	shalt  }
0x66: {  	_ =	shalt  }
0x67: {  	_ =	shalt  }
0x68: {  	_ =	shalt  }
0x69: {  	_ =	shalt  }
0x6a: {  	_ =	shalt  }
0x6b: {  	_ =	shalt  }
0x6c: {  	_ =	shalt  }
0x6d: {  	_ =	shalt  }
0x6e: {  	_ =	shalt  }
0x6f: {  	_ =	shalt  }
0x70: {  	_ =	shalt  }
0x71: {  	_ =	shalt  }
0x72: {  	_ =	shalt  }
0x73: {  	_ =	shalt  }
0x74: {  	_ =	shalt  }
0x75: {  	_ =	shalt  }
0x76: {  	_ =	shalt  }
0x77: {  	_ =	shalt  }
0x78: {  	_ =	shalt  }
0x79: {  	_ =	shalt  }
0x7a: {  	_ =	shalt  }
0x7b: {  	_ =	shalt  }
0x7c: {  	_ =	shalt  }
0x7d: {  	_ =	shalt  }
0x7e: {  	_ =	shalt  }
0x7f: {  	_ =	shalt  }
0x80: {  	_ =	shalt  }
0x81: {  	_ =	shalt  }
0x82: {  	_ =	shalt  }
0x83: {  	_ =	shalt  }
0x84: {  	_ =	shalt  }
0x85: {  	_ =	shalt  }
0x86: {  	_ =	shalt  }
0x87: {  	_ =	shalt  }
.Lfunc_end0:
.L_simem_size_0:
called_computation.2_lowered:
.L_overlay_start_0:
0x88: {  	s2 =	sld [smem:$0x3FD9]  }
0x89: {  	s3 =	sld [smem:$0x3FFE];
	_ =	sdelay $0x1  }
0x8a: {  	s1 =	srdreg.scid  }
0x8b: {  	s0 =	sand.u32 $0x1, s1  }
0x8c: {  	s16 =	sshll.u32 s0, $0xA;
	s2 =	sadd.s32 s3, s2  }
0x8d: {  	s2 =	sadd.s32 s2, s16  }
0x8e: {  	[smem:$0x3FB0] =	sst s2  }
0x8f: {  	_ = 	snop  }
0x90: {  	(tm) =	ssettm $0x1  }
0x91: {  	s17 =	sld [smem:$0x3FFB];
	_ =	sdelay $0x3  }
0x92: {  	_ =	strace s17  }
0x93: {  	s2 =	sld [smem:$0x3FFC];
	_ =	sdelay $0x3  }
0x94: {  	_ =	strace s2  }
0x95: {  	s2 =	sld [smem:$0x3FFD];
	_ =	sdelay $0x3  }
0x96: {  	_ =	strace s2  }
0x97: {  	_ =	strace $0x8FFFFFFF  }
0x98: {  	s18 =	sld [smem:$0x3FDB];
	_ =	sdelay $0x1  }
0x99: {  	s19 =	simm.s32 $_scs_section_size  }
0x9a: {  	s4 =	simm.s32 $_size__tile_overlayer_lowered;
	s5 =	simm.s32 $_tile_overlayer_lowered  }
0x9b: {  	s22 =	simm.s32 $0x1BFF;
	s21 =	sshll.u32 s5, $0x1;
	s2 =	sadd.s32 s19, s18  }
0x9c: {  	s6 =	simm.s32 $0x0;
	s20 =	sshll.u32 s4, $0x1;
	s4 =	sadd.s32 s21, s2  }
0x9d: {  	[timem:s6], [sflag:s22] =	dma.local [hbm:s4], s20  }
0x9e: {  	_ =	swait.ge [sflag:s22], s20  }
0x9f: {  	s3 =	ssub.s32 $0x0, s20;
	[sflag:s22] =	ssyncset.done $0x0  }
0xa0: {  	[sflag:s22] =	ssyncadd.s32 s3;
	_ =	sdelay $0x1  }
0xa1: {  	s23 =	simm.s32 $0x1B8B  }
0xa2: {  	_ =	swait.ge [sflag:s23], $0x1  }
0xa3: {  	[sflag:s23] =	ssyncset.done $0x0  }
0xa4: {  	s25 =	simm.s32 $0x1B8E;
	s24 =	sld [smem:$0x3FFE];
	[sflag:s23] =	ssyncadd.s32 $0xFFFFFFFF  }
0xa5: {  	s26 =	simm.s32 $execute0_lowered;
	[smem:$0x3FD2] =	sst s25  }
0xa6: {  	s4 =	sshll.u32 s26, $0x1;
	_ =	strace $0x8000004C;
	[dreg:$0x1] =	wrdreg $0xFFFFFFFF  }
0xa7: {  	s28 =	simm.s32 $_size_execute0_lowered;
	s2 =	sadd.s32 s2, s4;
	[dreg:$0x0] =	wrdreg $0x0  }
0xa8: {  	s4 =	sshll.u32 s28, $0x1;
	[dreg:$0x2] =	wrdreg s2  }
0xa9: {  	[dreg:$0x3] =	wrdreg s4  }
0xaa: {  	[dreg:$0x4] =	wrdreg $0xC0  }
0xab: {  	_ =	task [dreg:s6], $0x5FFFF  }
0xac: {  	[dreg:$0x1] =	wrdreg $0xFFFFFFFF  }
0xad: {  	[dreg:$0x0] =	wrdreg $0x60  }
0xae: {  	[dreg:$0x2] =	wrdreg s24  }
0xaf: {  	[dreg:$0x3] =	wrdreg $0xA3C00  }
0xb0: {  	[dreg:$0x4] =	wrdreg $0x9  }
0xb1: {  	_ =	task.clear_ibuf [dreg:s6], $0x5FFFF;
	_ =	strace $0x9000004C  }
0xb2: {  	s29 =	simm.s32 $0x9;
	_ =	strace $0x8000004E  }
0xb3: {  	_ =	swait.ge [sflag:s29], $0x1  }
0xb4: {  	[sflag:s29] =	ssyncadd.s32 $0xFFFFFFFF  }
0xb5: {  	_ =	strace $0x9000004E  }
0xb6: {  	_ =	sfence  }
0xb7: {  	s30 =	sld [smem:$0x0];
	_ =	sdelay $0x2  }
0xb8: {  	s31 =	sshll.u32 s1, $0xD;
	s1 =	sshrl.u32 s1, $0x2  }
0xb9: {  	s3 =	sand.u32 $0x4000, s31;
	s1 =	sadd.s32 s1, s30  }
0xba: {  	s0 =	sor.u32 s3, s0;
	s1 =	sshll.u32 s1, $0x11  }
0xbb: {  	s0 =	sor.u32 s1, s0  }
0xbc: {  	s0 =	sadd.s32 $0x8F2B, s0  }
0xbd: {  	[sflag:s0] =	ssyncadd.remote.s32 $0x1  }
0xbe: {  	_ =	sfence.sel $0xFFFF  }
0xbf: {  	[dreg:$0x0] =	wrdreg $0xFFFFFFFF;
	(pc) =	sbr.abs _section_cstart, $3  }
0xc0: {  	[dreg:$0x1] =	wrdreg $0xFFFFFFFF  }
0xc1: {  	_ =	task.clear_ibuf [dreg:s6], $0x2FFFF;
	_ =	strace $0x9FFFFFFF  }
0xc2: {  	(tm) =	ssettm $0x7FFFFFFF  }
0xc3: {  	_ =	shalt  }
tec
execute0_lowered:
.L_overlay_start_1:
0x0: {  	(tag) =	ssettag $0x1  }
0x1: {  	s0 =	rddreg [dreg:$0x0]  }
0x2: {  	s1 =	rddreg [dreg:$0x1];
	s3 =	simm.s32 $0x0  }
0x3: {  	s2 =	srdreg.scid;
	s20 =	stileid.u32;
	s31 =	simm.s32 $0xF0  }
0x4: {  	s28 =	simm.s32 $0x9;
	s29 =	simm.s32 $0x4;
	s30 =	simm.s32 $0x5280  }
0x5: {  	[smem:$0x7FF] =	sst s3;
	s2 =	sand.u32 $0x1, s2;
	s5 =	smul.u32 $0x13880, s20  }
0x6: {  	s4 =	sadd.s32 $0x18E00, s0;
	s7 =	sadd.s32 $0xBF000, s0;
	s13 =	smul.u32 $0x4E20, s20  }
0x7: {  	s11 =	sshll.u32 s20, $0x1;
	_ =	strace $0x8000004D;
	s6 =	smul.u32 $0x138800, s2  }
0x8: {  	s8 =	ssub.s32 $0x2, s2;
	s22 =	sor.u32 s2, s11;
	s2 =	smul.u32 $0x2710, s2  }
0x9: {  	s9 =	sadd.s32 $0x11800, s5;
	s10 =	sshrl.u32 s8, $0x1;
	s14 =	sadd.s32 $0x7800, s5  }
0xa: {  	s15 =	sadd.s32 $0xA000, s5;
	s17 =	sadd.s32 $0xC800, s5;
	s18 =	sadd.s32 $0xF000, s5  }
0xb: {  	s12 =	sadd.s32 s6, s9;
	s8 =	ssub.s32 s8, s10;
	s10 =	smul.u32 $0x2710, s22  }
0xc: {  	s16 =	sadd.s32 s6, s5;
	s2 =	sadd.s32 s2, s13;
	s9 =	sadd.s32 s9, s1  }
0xd: {  	s23 =	sshrl.u32 s12, $0x3;
	s12 =	sadd.s32 $0x5000, s5;
	s16 =	sshrl.u32 s16, $0x3  }
0xe: {  	s19 =	sadd.s32 $0x230, s2;
	[dreg:$0xe] =	wrdreg s9;
	s11 =	sadd.s32 s7, s23  }
0xf: {  	s16 =	sadd.s32 s7, s16;
	s26 =	sadd.s32 s6, s12;
	s22 =	sshrl.u32 s19, $0x3  }
0x10: {  	s23 =	sadd.s32 s6, s14;
	s14 =	sadd.s32 s14, s1;
	[dreg:$0x6] =	wrdreg s11  }
0x11: {  	s11 =	sadd.s32 $0x2800, s5;
	[dreg:$0x7] =	wrdreg s16;
	s21 =	sshrl.u32 s26, $0x3  }
0x12: {  	s16 =	sadd.s32 s22, s4;
	s22 =	sadd.s32 $0x190, s2;
	[dreg:$0x15] =	wrdreg s14  }
0x13: {  	s5 =	sadd.s32 s5, s1;
	s14 =	simm.s32 $0x6;
	[dreg:$0x3] =	wrdreg s16  }
0x14: {  	s24 =	sadd.s32 s6, s11;
	[dreg:$0x10] =	wrdreg s5;
	s11 =	sadd.s32 s11, s1  }
0x15: {  	s5 =	simm.s32 $0x1;
	s25 =	sshrl.u32 s24, $0x3;
	s24 =	sadd.s32 s6, s15  }
0x16: {  	[dreg:$0x13] =	wrdreg s11;
	s13 =	sadd.s32 s7, s25;
	s25 =	sadd.s32 $0x1E0, s2  }
0x17: {  	s19 =	sshrl.u32 s24, $0x3;
	s24 =	smul.u32 $0x4E200, s20;
	s20 =	sadd.s32 s17, s1  }
0x18: {  	[dreg:$0x8] =	wrdreg s13;
	s13 =	sadd.s32 s7, s21;
	s16 =	sshrl.u32 s25, $0x3  }
0x19: {  	s26 =	sadd.s32 s7, s19;
	s21 =	sadd.s32 s6, s17;
	[dreg:$0x17] =	wrdreg s20  }
0x1a: {  	s6 =	sadd.s32 s6, s18;
	s25 =	sshrl.u32 s10, $0x3;
	[dreg:$0x9] =	wrdreg s13  }
0x1b: {  	s10 =	smax.u32 s8, $0x1;
	s8 =	simm.s32 $0x2;
	[dreg:$0xb] =	wrdreg s26  }
0x1c: {  	s17 =	simm.s32 $0x52D0;
	s19 =	sadd.s32 s16, s4;
	[dreg:$0x11] =	wrdreg s10  }
0x1d: {  	s16 =	sshrl.u32 s22, $0x3;
	s22 =	sadd.s32 $0x140, s2;
	[dreg:$0x4] =	wrdreg s19  }
0x1e: {  	s13 =	sshrl.u32 s23, $0x3;
	s26 =	sadd.s32 s4, s25;
	[dreg:$0x19] =	wrdreg s22  }
0x1f: {  	s6 =	sshrl.u32 s6, $0x3;
	s13 =	sadd.s32 s7, s13;
	[dreg:$0xf] =	wrdreg s26  }
0x20: {  	s20 =	simm.s32 $0xA;
	s6 =	sadd.s32 s7, s6;
	[dreg:$0xa] =	wrdreg s13  }
0x21: {  	s10 =	simm.s32 $0x29E0;
	s23 =	sadd.s32 s16, s4;
	[dreg:$0xd] =	wrdreg s6  }
0x22: {  	s16 =	sadd.s32 s12, s1;
	s19 =	sadd.s32 s15, s1;
	[dreg:$0x5] =	wrdreg s23  }
0x23: {  	s25 =	sadd.s32 $0x1E, s26;
	s12 =	simm.s32 $0x3;
	[dreg:$0x16] =	wrdreg s19  }
0x24: {  	s15 =	simm.s32 $0x7BC0;
	s13 =	sshrl.u32 s21, $0x3;
	[dreg:$0x1c] =	wrdreg s25  }
0x25: {  	s6 =	sshrl.u32 s24, $0x2;
	s21 =	sadd.s32 s18, s1;
	[dreg:$0x14] =	wrdreg s16  }
0x26: {  	s23 =	sadd.s32 $0xA, s26;
	s24 =	sadd.s32 $0x14, s26;
	[dreg:$0x18] =	wrdreg s21  }
0x27: {  	s26 =	sadd.s32 $0x4D8, s26;
	s18 =	simm.s32 $0x5;
	[dreg:$0x1a] =	wrdreg s23  }
0x28: {  	s19 =	simm.s32 $0x0;
	s25 =	simm.s32 $0x28F0;
	[dreg:$0x1b] =	wrdreg s24  }
0x29: {  	s13 =	sadd.s32 s7, s13;
	[dreg:$0x1d] =	wrdreg s26;
	s21 =	simm.s32 $0x7  }
0x2a: {  	s23 =	simm.s32 $0xB;
	s24 =	simm.s32 $0x8;
	s26 =	simm.s32 $0x51E0  }
0x2b: {  	[dreg:$0xc] =	wrdreg s13;
	s13 =	sadd.s32 $0x22C00, s0;
	s0 =	sadd.s32 s6, s1  }
0x2c: {  	v0 =	vimm.f32 $0.0e+00;
	s6 =	simm.s32 $0x50;
	[dreg:$0x12] =	wrdreg s0;
	s0 =	simm.s32 $0xC  }
.LBB2_1:
0x2d: {  	[dreg:$0x1e] =	wrdreg s19;
	s2 =	simm.s32 $0x70;
	s7 =	simm.s32 $0x3C0  }
.LBB2_2:
0x2e: {  	p0 =	sne.s32 s7, $0x9FC0;
	[tilespmem:s2+$0xF0] =	vst v0  }
0x2f: {  	[tilespmem:s2+$0x80] =	vst v0  }
0x30: {  	[tilespmem:s2+$0x90] =	vst v0  }
.Ltmp0:
0x31: {  	[tilespmem:s2+$0xA0] =	vst v0;
	(pc) =	sbr.rel @p0 .LBB2_2-.Ltmp0, $4  }
0x32: {  	[tilespmem:s2+$0xB0] =	vst v0  }
0x33: {  	[tilespmem:s2+$0xC0] =	vst v0  }
0x34: {  	[tilespmem:s2+$0xD0] =	vst v0  }
0x35: {  	[tilespmem:s2+$0xE0] =	vst v0;
	s2 =	sshra.s32 s7, $0x2;
	s7 =	sadd.s32 $0x200, s7  }
0x36: {  	[tilespmem:s2+$0xF0] =	vst v0  }
0x37: {  	[tilespmem:s2+$0x80] =	vst v0  }
0x38: {  	[tilespmem:s2+$0x90] =	vst v0  }
0x39: {  	[tilespmem:s2+$0xA0] =	vst v0  }
0x3a: {  	[tilespmem:s2+$0xB0] =	vst v0  }
0x3b: {  	[tilespmem:s2+$0xC0] =	vst v0  }
0x3c: {  	[tilespmem:s2+$0xD0] =	vst v0  }
0x3d: {  	[tilespmem:s2+$0xE0] =	vst v0;
	s7 =	rddreg [dreg:$0x12]  }
0x3e: {  	[spmem:s7] =	stream.linear.scatter [tilespmem:s31], [sflag:$0xD], $0x2800, $0x38;
	[tilespmem:$0x1DC40] =	vst v63  }
0x3f: {  	s7 =	simm.s32 $0xD  }
0x40: {  	_ =	swait.ge [sflag:s7], $0x2800  }
0x41: {  	[sflag:s7] =	ssyncset.done $0x0  }
0x42: {  	[sflag:s7] =	ssyncadd.s32 $0xFFFFD800  }
0x43: {  	[spmem:s11] =	stream.linear.scatter [tilespmem:s31], [sflag:$0xD], $0x2800, $0x38;
	[tilespmem:$0x1DC40] =	vst v63  }
0x44: {  	_ =	swait.ge [sflag:s7], $0x2800  }
0x45: {  	[sflag:s7] =	ssyncset.done $0x0  }
0x46: {  	[sflag:s7] =	ssyncadd.s32 $0xFFFFD800  }
0x47: {  	[spmem:s16] =	stream.linear.scatter [tilespmem:s31], [sflag:$0xD], $0x2800, $0x38;
	[tilespmem:$0x1DC40] =	vst v63  }
0x48: {  	_ =	swait.ge [sflag:s7], $0x2800  }
0x49: {  	[sflag:s7] =	ssyncset.done $0x0  }
0x4a: {  	s11 =	rddreg [dreg:$0x15];
	[sflag:s7] =	ssyncadd.s32 $0xFFFFD800  }
0x4b: {  	[spmem:s11] =	stream.linear.scatter [tilespmem:s31], [sflag:$0xD], $0x2800, $0x38;
	[tilespmem:$0x1DC40] =	vst v63  }
0x4c: {  	_ =	swait.ge [sflag:s7], $0x2800  }
0x4d: {  	[sflag:s7] =	ssyncset.done $0x0  }
0x4e: {  	s16 =	rddreg [dreg:$0x16];
	[sflag:s7] =	ssyncadd.s32 $0xFFFFD800  }
0x4f: {  	[spmem:s16] =	stream.linear.scatter [tilespmem:s31], [sflag:$0xD], $0x2800, $0x38;
	[tilespmem:$0x1DC40] =	vst v63  }
0x50: {  	_ =	swait.ge [sflag:s7], $0x2800  }
0x51: {  	[sflag:s7] =	ssyncset.done $0x0  }
0x52: {  	s19 =	rddreg [dreg:$0x17];
	[sflag:s7] =	ssyncadd.s32 $0xFFFFD800  }
0x53: {  	[spmem:s19] =	stream.linear.scatter [tilespmem:s31], [sflag:$0xD], $0x2800, $0x38;
	[tilespmem:$0x1DC40] =	vst v63  }
0x54: {  	_ =	swait.ge [sflag:s7], $0x2800  }
0x55: {  	[sflag:s7] =	ssyncset.done $0x0  }
0x56: {  	s22 =	rddreg [dreg:$0x18];
	[sflag:s7] =	ssyncadd.s32 $0xFFFFD800  }
0x57: {  	[spmem:s22] =	stream.linear.scatter [tilespmem:s31], [sflag:$0xD], $0x2800, $0x38;
	[tilespmem:$0x1DC40] =	vst v63  }
0x58: {  	_ =	swait.ge [sflag:s7], $0x2800  }
0x59: {  	[sflag:s7] =	ssyncset.done $0x0  }
0x5a: {  	[sflag:s7] =	ssyncadd.s32 $0xFFFFD800  }
0x5b: {  	[spmem:s9] =	stream.linear.scatter [tilespmem:s31], [sflag:$0xD], $0x2080, $0x38;
	[tilespmem:$0x1DC40] =	vst v63  }
0x5c: {  	_ =	swait.ge [sflag:s7], $0x2080  }
0x5d: {  	[sflag:s7] =	ssyncset.done $0x0  }
0x5e: {  	[sflag:s7] =	ssyncadd.s32 $0xFFFFDF80  }
0x5f: {  	[bflag:$0x0] =	sbarrier.arrive $0xFFFF  }
0x60: {  	s2 =	simm.s32 $0x0;
	s11 =	rddreg [dreg:$0xf]  }
0x61: {  	[tilespmem:s2], [sflag:$0x1] =	stream.linear.gather [hbm4b:s11+s2], $0x50, $0x38;
	[tilespmem:$0x1DC40] =	vst v63  }
0x62: {  	s16 =	rddreg [dreg:$0x1a];
	s11 =	simm.s32 $0x28F0  }
0x63: {  	[tilespmem:s11], [sflag:$0x2] =	stream.linear.gather [hbm4b:s16+s2], $0x50, $0x38;
	[tilespmem:$0x1DC40] =	vst v63  }
0x64: {  	_ =	swait.ge [sflag:s5], $0x50  }
0x65: {  	[sflag:s5] =	ssyncset.done $0x0  }
0x66: {  	[sflag:s5] =	ssyncadd.s32 $0xFFFFFFB0  }
0x67: {  	v1 =	vld [tilespmem:$0x0];
	_ =	sdelay $0x1  }
0x68: {  	v2 =	vld [tilespmem:$0x10];
	_ =	sdelay $0x1  }
0x69: {  	v3 =	vld [tilespmem:$0x20]  }
0x6a: {  	v4 =	vand.u32 $0xFFFF, v1  }
0x6b: {  	v1 =	vshrl.u32 v1, $0x10;
	[tilespmem:$0x50] =	vst v4;
	v4 =	vld [tilespmem:$0x30]  }
0x6c: {  	[tilespmem:$0xA0] =	vst v1;
	v1 =	vand.u32 $0xFFFF, v2  }
0x6d: {  	[tilespmem:$0x60] =	vst v1;
	v1 =	vshrl.u32 v2, $0x10;
	v2 =	vld [tilespmem:$0x40]  }
0x6e: {  	[tilespmem:$0xB0] =	vst v1;
	v1 =	vand.u32 $0xFFFF, v3  }
0x6f: {  	[tilespmem:$0x70] =	vst v1;
	v1 =	vshrl.u32 v3, $0x10  }
0x70: {  	[tilespmem:$0xC0] =	vst v1;
	v1 =	vand.u32 $0xFFFF, v4  }
0x71: {  	[tilespmem:$0x80] =	vst v1;
	v1 =	vshrl.u32 v4, $0x10  }
0x72: {  	[tilespmem:$0xD0] =	vst v1;
	v1 =	vand.u32 $0xFFFF, v2  }
0x73: {  	[tilespmem:$0x90] =	vst v1;
	v1 =	vshrl.u32 v2, $0x10  }
0x74: {  	[tilespmem:$0xE0] =	vst v1  }
0x75: {  	[tilespmem:s31], [sflag:$0x5] =	stream.indirect.gather [hbm4b:s13+s6], $0x80, s6, s6, $0xb8;
	[tilespmem:$0x1DC40] =	vst v63  }
0x76: {  	s22 =	simm.s32 $0x51E0;
	s19 =	rddreg [dreg:$0x1b]  }
0x77: {  	[tilespmem:s22], [sflag:$0x3] =	stream.linear.gather [hbm4b:s19+s2], $0x50, $0x38;
	[tilespmem:$0x1DC40] =	vst v63  }
0x78: {  	_ =	swait.ge [sflag:s8], $0x50  }
0x79: {  	[sflag:s8] =	ssyncset.done $0x0  }
0x7a: {  	[sflag:s8] =	ssyncadd.s32 $0xFFFFFFB0  }
0x7b: {  	v1 =	vld [tilespmem:$0x28F0];
	_ =	sdelay $0x1  }
0x7c: {  	v2 =	vld [tilespmem:$0x2900];
	_ =	sdelay $0x1  }
0x7d: {  	v3 =	vld [tilespmem:$0x2910]  }
0x7e: {  	v4 =	vand.u32 $0xFFFF, v1  }
0x7f: {  	v1 =	vshrl.u32 v1, $0x10;
	[tilespmem:$0x2940] =	vst v4;
	v4 =	vld [tilespmem:$0x2920]  }
0x80: {  	[tilespmem:$0x2990] =	vst v1;
	v1 =	vand.u32 $0xFFFF, v2  }
0x81: {  	[tilespmem:$0x2950] =	vst v1;
	v1 =	vshrl.u32 v2, $0x10;
	v2 =	vld [tilespmem:$0x2930]  }
0x82: {  	[tilespmem:$0x29A0] =	vst v1;
	v1 =	vand.u32 $0xFFFF, v3  }
0x83: {  	[tilespmem:$0x2960] =	vst v1;
	v1 =	vshrl.u32 v3, $0x10  }
0x84: {  	[tilespmem:$0x29B0] =	vst v1;
	v1 =	vand.u32 $0xFFFF, v4  }
0x85: {  	[tilespmem:$0x2970] =	vst v1;
	v1 =	vshrl.u32 v4, $0x10  }
0x86: {  	[tilespmem:$0x29C0] =	vst v1;
	v1 =	vand.u32 $0xFFFF, v2  }
0x87: {  	[tilespmem:$0x2980] =	vst v1;
	v1 =	vshrl.u32 v2, $0x10  }
0x88: {  	s16 =	simm.s32 $0x2940;
	[tilespmem:$0x29D0] =	vst v1  }
0x89: {  	[tilespmem:s10], [sflag:$0x6] =	stream.indirect.gather [hbm4b:s13+s6], $0x80, s16, s6, $0xb8;
	[tilespmem:$0x1DC40] =	vst v63  }
0x8a: {  	s19 =	simm.s32 $0x7AD0;
	s9 =	rddreg [dreg:$0x1c]  }
0x8b: {  	[tilespmem:s19], [sflag:$0x4] =	stream.linear.gather [hbm4b:s9+s2], $0x50, $0x38;
	[tilespmem:$0x1DC40] =	vst v63  }
0x8c: {  	_ =	swait.ge [sflag:s12], $0x50  }
0x8d: {  	[sflag:s12] =	ssyncset.done $0x0  }
0x8e: {  	[sflag:s12] =	ssyncadd.s32 $0xFFFFFFB0  }
0x8f: {  	v1 =	vld [tilespmem:$0x51E0];
	_ =	sdelay $0x1  }
0x90: {  	v2 =	vld [tilespmem:$0x51F0];
	_ =	sdelay $0x1  }
0x91: {  	v3 =	vld [tilespmem:$0x5200]  }
0x92: {  	v4 =	vand.u32 $0xFFFF, v1  }
0x93: {  	v1 =	vshrl.u32 v1, $0x10;
	[tilespmem:$0x5230] =	vst v4;
	v4 =	vld [tilespmem:$0x5210]  }
0x94: {  	[tilespmem:$0x5280] =	vst v1;
	v1 =	vand.u32 $0xFFFF, v2  }
0x95: {  	[tilespmem:$0x5240] =	vst v1;
	v1 =	vshrl.u32 v2, $0x10;
	v2 =	vld [tilespmem:$0x5220]  }
0x96: {  	[tilespmem:$0x5290] =	vst v1;
	v1 =	vand.u32 $0xFFFF, v3  }
0x97: {  	[tilespmem:$0x5250] =	vst v1;
	v1 =	vshrl.u32 v3, $0x10  }
0x98: {  	[tilespmem:$0x52A0] =	vst v1;
	v1 =	vand.u32 $0xFFFF, v4  }
0x99: {  	[tilespmem:$0x5260] =	vst v1;
	v1 =	vshrl.u32 v4, $0x10  }
0x9a: {  	[tilespmem:$0x52B0] =	vst v1;
	v1 =	vand.u32 $0xFFFF, v2  }
0x9b: {  	[tilespmem:$0x5270] =	vst v1;
	v1 =	vshrl.u32 v2, $0x10  }
0x9c: {  	s19 =	simm.s32 $0x5230;
	[tilespmem:$0x52C0] =	vst v1  }
0x9d: {  	[tilespmem:s17], [sflag:$0x7] =	stream.indirect.gather [hbm4b:s13+s6], $0x80, s19, s6, $0xb8;
	[tilespmem:$0x1DC40] =	vst v63  }
0x9e: {  	_ =	swait.ge [sflag:s18], $0x2800  }
0x9f: {  	[sflag:s18] =	ssyncset.done $0x0  }
0xa0: {  	s9 =	simm.s32 $0xA0;
	[sflag:s18] =	ssyncadd.s32 $0xFFFFD800  }
0xa1: {  	[spmem:s1] =	stream.indirect.scatter.add.f32 [tilespmem:s31], [sflag:$0x9], $0x80, s9, s6, $0xb8;
	[tilespmem:$0x1DC40] =	vst v63  }
0xa2: {  	_ =	swait.ge [sflag:s28], $0x2800  }
0xa3: {  	s9 =	rddreg [dreg:$0x19]  }
0xa4: {  	[sflag:s28] =	ssyncset.done $0x0;
	s7 =	sshrl.u32 s9, $0x3  }
0xa5: {  	[sflag:s28] =	ssyncadd.s32 $0xFFFFD800;
	s7 =	sadd.s32 s4, s7  }
0xa6: {  	[tilespmem:s3], [sflag:$0x1] =	stream.linear.gather [hbm4b:s7+s3], $0x50, $0x38;
	[tilespmem:$0x1DC40] =	vst v63  }
0xa7: {  	_ =	swait.ge [sflag:s29], $0x50  }
0xa8: {  	[sflag:s29] =	ssyncset.done $0x0  }
0xa9: {  	[sflag:s29] =	ssyncadd.s32 $0xFFFFFFB0  }
0xaa: {  	v1 =	vld [tilespmem:$0x7AF0]  }
0xab: {  	v2 =	vld [tilespmem:$0x7AE0];
	_ =	sdelay $0x1  }
0xac: {  	v3 =	vld [tilespmem:$0x7B00]  }
0xad: {  	v4 =	vld [tilespmem:$0x7AD0]  }
0xae: {  	v5 =	vld [tilespmem:$0x7B10];
	v6 =	vshrl.u32 v1, $0x10  }
0xaf: {  	v7 =	vshrl.u32 v2, $0x10;
	[tilespmem:$0x7B90] =	vst v6  }
0xb0: {  	v1 =	vand.u32 $0xFFFF, v1;
	[tilespmem:$0x7B80] =	vst v7  }
0xb1: {  	v6 =	vand.u32 $0xFFFF, v3;
	[tilespmem:$0x7B40] =	vst v1  }
0xb2: {  	v1 =	vand.u32 $0xFFFF, v4;
	[tilespmem:$0x7B50] =	vst v6  }
0xb3: {  	v6 =	vshrl.u32 v5, $0x10;
	[tilespmem:$0x7B20] =	vst v1  }
0xb4: {  	v1 =	vand.u32 $0xFFFF, v2;
	[tilespmem:$0x7BB0] =	vst v6  }
0xb5: {  	v2 =	vshrl.u32 v4, $0x10;
	[tilespmem:$0x7B30] =	vst v1  }
0xb6: {  	v1 =	vand.u32 $0xFFFF, v5;
	[tilespmem:$0x7B70] =	vst v2  }
0xb7: {  	v2 =	vshrl.u32 v3, $0x10;
	[tilespmem:$0x7B60] =	vst v1  }
0xb8: {  	s7 =	simm.s32 $0x7B20;
	[tilespmem:$0x7BA0] =	vst v2  }
0xb9: {  	[tilespmem:s15], [sflag:$0x8] =	stream.indirect.gather [hbm4b:s13+s6], $0x80, s7, s6, $0xb8;
	[tilespmem:$0x1DC40] =	vst v63  }
0xba: {  	_ =	swait.ge [sflag:s14], $0x2800  }
0xbb: {  	[sflag:s14] =	ssyncset.done $0x0  }
0xbc: {  	s7 =	simm.s32 $0x2990;
	[sflag:s14] =	ssyncadd.s32 $0xFFFFD800  }
0xbd: {  	[spmem:s1] =	stream.indirect.scatter.add.f32 [tilespmem:s10], [sflag:$0xA], $0x80, s7, s6, $0xb8;
	[tilespmem:$0x1DC40] =	vst v63  }
0xbe: {  	_ =	swait.ge [sflag:s20], $0x2800  }
0xbf: {  	s7 =	rddreg [dreg:$0x5];
	[sflag:s20] =	ssyncset.done $0x0  }
0xc0: {  	[sflag:s20] =	ssyncadd.s32 $0xFFFFD800;
	s7 =	sadd.s32 $0x0, s7  }
0xc1: {  	[tilespmem:s11], [sflag:$0x2] =	stream.linear.gather [hbm4b:s7+s3], $0x50, $0x38;
	[tilespmem:$0x1DC40] =	vst v63  }
0xc2: {  	_ =	swait.ge [sflag:s5], $0x50  }
0xc3: {  	[sflag:s5] =	ssyncset.done $0x0  }
0xc4: {  	[sflag:s5] =	ssyncadd.s32 $0xFFFFFFB0  }
0xc5: {  	v1 =	vld [tilespmem:$0x0];
	_ =	sdelay $0x1  }
0xc6: {  	v2 =	vld [tilespmem:$0x30]  }
0xc7: {  	v3 =	vld [tilespmem:$0x10];
	_ =	sdelay $0x1  }
0xc8: {  	v4 =	vld [tilespmem:$0x20];
	v5 =	vshrl.u32 v1, $0x10  }
0xc9: {  	v6 =	vld [tilespmem:$0x40];
	v1 =	vand.u32 $0xFFFF, v1;
	[tilespmem:$0xA0] =	vst v5  }
0xca: {  	v5 =	vand.u32 $0xFFFF, v2;
	[tilespmem:$0x50] =	vst v1  }
0xcb: {  	v1 =	vand.u32 $0xFFFF, v3;
	[tilespmem:$0x80] =	vst v5  }
0xcc: {  	v5 =	vshrl.u32 v3, $0x10;
	[tilespmem:$0x60] =	vst v1  }
0xcd: {  	v3 =	vand.u32 $0xFFFF, v4;
	[tilespmem:$0xB0] =	vst v5  }
0xce: {  	v1 =	vand.u32 $0xFFFF, v6;
	[tilespmem:$0x70] =	vst v3  }
0xcf: {  	v3 =	vshrl.u32 v6, $0x10;
	[tilespmem:$0x90] =	vst v1  }
0xd0: {  	v1 =	vshrl.u32 v2, $0x10;
	[tilespmem:$0xE0] =	vst v3  }
0xd1: {  	v2 =	vshrl.u32 v4, $0x10;
	[tilespmem:$0xD0] =	vst v1  }
0xd2: {  	[tilespmem:$0xC0] =	vst v2  }
0xd3: {  	[tilespmem:s31], [sflag:$0x5] =	stream.indirect.gather [hbm4b:s13+s6], $0x80, s6, s6, $0xb8;
	[tilespmem:$0x1DC40] =	vst v63  }
0xd4: {  	_ =	swait.ge [sflag:s21], $0x2800  }
0xd5: {  	[sflag:s21] =	ssyncset.done $0x0  }
0xd6: {  	[sflag:s21] =	ssyncadd.s32 $0xFFFFD800  }
0xd7: {  	[spmem:s1] =	stream.indirect.scatter.add.f32 [tilespmem:s17], [sflag:$0xB], $0x80, s30, s6, $0xb8;
	[tilespmem:$0x1DC40] =	vst v63  }
0xd8: {  	_ =	swait.ge [sflag:s23], $0x2800  }
0xd9: {  	s11 =	rddreg [dreg:$0x4];
	[sflag:s23] =	ssyncset.done $0x0  }
0xda: {  	[sflag:s23] =	ssyncadd.s32 $0xFFFFD800;
	s7 =	sadd.s32 $0x0, s11  }
0xdb: {  	[tilespmem:s22], [sflag:$0x3] =	stream.linear.gather [hbm4b:s7+s3], $0x50, $0x38;
	[tilespmem:$0x1DC40] =	vst v63  }
0xdc: {  	_ =	swait.ge [sflag:s8], $0x50  }
0xdd: {  	[sflag:s8] =	ssyncset.done $0x0  }
0xde: {  	[sflag:s8] =	ssyncadd.s32 $0xFFFFFFB0  }
0xdf: {  	v5 =	vld [tilespmem:$0x2920]  }
0xe0: {  	v1 =	vld [tilespmem:$0x2910]  }
0xe1: {  	v3 =	vld [tilespmem:$0x2900]  }
0xe2: {  	v4 =	vld [tilespmem:$0x28F0];
	_ =	sdelay $0x3  }
0xe3: {  	s19 =	simm.s32 $0xA0;
	v2 =	vshrl.u32 v3, $0x10;
	v7 =	vand.u32 $0xFFFF, v1;
	v6 =	vshrl.u32 v1, $0x10  }
0xe4: {  	s7 =	simm.s32 $0x28;
	s22 =	simm.s32 $0x7B70;
	v1 =	vld [tilespmem:$0x2930];
	v8 =	vand.u32 $0xFFFF, v4;
	[tilespmem:$0x29A0] =	vst v2;
	v2 =	vand.u32 $0xFFFF, v5;
	v5 =	vshrl.u32 v5, $0x10  }
.LBB2_4:
0xe5: {  	[tilespmem:$0x2940] =	vst v8  }
0xe6: {  	[tilespmem:$0x2960] =	vst v7  }
0xe7: {  	[tilespmem:$0x29B0] =	vst v6  }
0xe8: {  	[tilespmem:$0x29C0] =	vst v5  }
0xe9: {  	v4 =	vshrl.u32 v4, $0x10;
	[tilespmem:$0x2970] =	vst v2  }
0xea: {  	v3 =	vand.u32 $0xFFFF, v3;
	[tilespmem:$0x2990] =	vst v4  }
0xeb: {  	[tilespmem:$0x2950] =	vst v3;
	v6 =	vand.u32 $0xFFFF, v1;
	v1 =	vshrl.u32 v1, $0x10  }
0xec: {  	[tilespmem:$0x29D0] =	vst v1  }
0xed: {  	[tilespmem:$0x2980] =	vst v6  }
0xee: {  	[tilespmem:s10], [sflag:$0x6] =	stream.indirect.gather [hbm4b:s13+s6], $0x80, s16, s6, $0xb8;
	[tilespmem:$0x1DC40] =	vst v63  }
0xef: {  	_ =	swait.ge [sflag:s24], $0x2800  }
0xf0: {  	[sflag:s24] =	ssyncset.done $0x0  }
0xf1: {  	[sflag:s24] =	ssyncadd.s32 $0xFFFFD800  }
0xf2: {  	[spmem:s1] =	stream.indirect.scatter.add.f32 [tilespmem:s15], [sflag:$0xC], $0x80, s22, s6, $0xb8;
	[tilespmem:$0x1DC40] =	vst v63  }
0xf3: {  	_ =	swait.ge [sflag:s0], $0x2800  }
0xf4: {  	[sflag:s0] =	ssyncset.done $0x0  }
0xf5: {  	s11 =	smov.u32 s7;
	s16 =	rddreg [dreg:$0x3];
	[sflag:s0] =	ssyncadd.s32 $0xFFFFD800  }
0xf6: {  	s16 =	sadd.s32 s2, s16;
	s2 =	smov.u32 s11;
	s11 =	simm.s32 $0x7AD0  }
0xf7: {  	[tilespmem:s11], [sflag:$0x4] =	stream.linear.gather [hbm4b:s16+s3], $0x50, $0x38;
	[tilespmem:$0x1DC40] =	vst v63  }
0xf8: {  	_ =	swait.ge [sflag:s12], $0x50  }
0xf9: {  	[sflag:s12] =	ssyncset.done $0x0  }
0xfa: {  	[sflag:s12] =	ssyncadd.s32 $0xFFFFFFB0  }
0xfb: {  	v1 =	vld [tilespmem:$0x51E0]  }
0xfc: {  	v2 =	vld [tilespmem:$0x51F0]  }
0xfd: {  	v3 =	vld [tilespmem:$0x5200];
	_ =	sdelay $0x1  }
0xfe: {  	v4 =	vld [tilespmem:$0x5220]  }
0xff: {  	v5 =	vand.u32 $0xFFFF, v1  }
0x100: {  	[tilespmem:$0x5230] =	vst v5;
	v5 =	vand.u32 $0xFFFF, v2  }
0x101: {  	[tilespmem:$0x5240] =	vst v5;
	v5 =	vand.u32 $0xFFFF, v3  }
0x102: {  	v1 =	vshrl.u32 v1, $0x10;
	[tilespmem:$0x5250] =	vst v5;
	v5 =	vld [tilespmem:$0x5210]  }
0x103: {  	v6 =	vand.u32 $0xFFFF, v4;
	[tilespmem:$0x5280] =	vst v1  }
0x104: {  	v2 =	vshrl.u32 v2, $0x10;
	[tilespmem:$0x5270] =	vst v6  }
0x105: {  	v1 =	vshrl.u32 v4, $0x10;
	[tilespmem:$0x5290] =	vst v2  }
0x106: {  	v3 =	vshrl.u32 v3, $0x10;
	[tilespmem:$0x52C0] =	vst v1  }
0x107: {  	[tilespmem:$0x52A0] =	vst v3;
	v2 =	vand.u32 $0xFFFF, v5  }
0x108: {  	v3 =	vshrl.u32 v5, $0x10;
	[tilespmem:$0x5260] =	vst v2  }
0x109: {  	s11 =	simm.s32 $0x5230;
	[tilespmem:$0x52B0] =	vst v3  }
0x10a: {  	[tilespmem:s17], [sflag:$0x7] =	stream.indirect.gather [hbm4b:s13+s6], $0x80, s11, s6, $0xb8;
	[tilespmem:$0x1DC40] =	vst v63  }
0x10b: {  	_ =	swait.ge [sflag:s18], $0x2800  }
0x10c: {  	[sflag:s18] =	ssyncset.done $0x0  }
0x10d: {  	[sflag:s18] =	ssyncadd.s32 $0xFFFFD800  }
0x10e: {  	[spmem:s1] =	stream.indirect.scatter.add.f32 [tilespmem:s31], [sflag:$0x9], $0x80, s19, s6, $0xb8;
	[tilespmem:$0x1DC40] =	vst v63  }
0x10f: {  	s9 =	sadd.s32 $0x140, s9;
	_ =	swait.ge [sflag:s28], $0x2800  }
0x110: {  	s11 =	sshrl.u32 s9, $0x3;
	[sflag:s28] =	ssyncset.done $0x0  }
0x111: {  	s11 =	sadd.s32 s4, s11;
	[sflag:s28] =	ssyncadd.s32 $0xFFFFD800  }
0x112: {  	[tilespmem:s3], [sflag:$0x1] =	stream.linear.gather [hbm4b:s11+s3], $0x50, $0x38;
	[tilespmem:$0x1DC40] =	vst v63  }
0x113: {  	_ =	swait.ge [sflag:s29], $0x50  }
0x114: {  	[sflag:s29] =	ssyncset.done $0x0  }
0x115: {  	[sflag:s29] =	ssyncadd.s32 $0xFFFFFFB0  }
0x116: {  	v1 =	vld [tilespmem:$0x7AF0]  }
0x117: {  	v2 =	vld [tilespmem:$0x7AE0];
	_ =	sdelay $0x2  }
0x118: {  	v3 =	vld [tilespmem:$0x7B00]  }
0x119: {  	v5 =	vld [tilespmem:$0x7AD0];
	v6 =	vshrl.u32 v1, $0x10  }
0x11a: {  	v4 =	vld [tilespmem:$0x7B10];
	v7 =	vand.u32 $0xFFFF, v2;
	v2 =	vshrl.u32 v2, $0x10;
	[tilespmem:$0x7B90] =	vst v6  }
0x11b: {  	v1 =	vand.u32 $0xFFFF, v1;
	[tilespmem:$0x7B80] =	vst v2  }
0x11c: {  	[tilespmem:$0x7B40] =	vst v1  }
0x11d: {  	v2 =	vand.u32 $0xFFFF, v3;
	[tilespmem:$0x7B30] =	vst v7  }
0x11e: {  	v6 =	vand.u32 $0xFFFF, v5;
	[tilespmem:$0x7B50] =	vst v2  }
0x11f: {  	v1 =	vshrl.u32 v4, $0x10;
	[tilespmem:$0x7B20] =	vst v6  }
0x120: {  	v5 =	vshrl.u32 v5, $0x10;
	[tilespmem:$0x7BB0] =	vst v1  }
0x121: {  	v3 =	vshrl.u32 v3, $0x10;
	[tilespmem:$0x7B70] =	vst v5  }
0x122: {  	v2 =	vand.u32 $0xFFFF, v4;
	[tilespmem:$0x7BA0] =	vst v3  }
0x123: {  	s11 =	simm.s32 $0x7B20;
	[tilespmem:$0x7B60] =	vst v2  }
0x124: {  	[tilespmem:s15], [sflag:$0x8] =	stream.indirect.gather [hbm4b:s13+s6], $0x80, s11, s6, $0xb8;
	[tilespmem:$0x1DC40] =	vst v63  }
0x125: {  	_ =	swait.ge [sflag:s14], $0x2800  }
0x126: {  	[sflag:s14] =	ssyncset.done $0x0  }
0x127: {  	s11 =	simm.s32 $0x2990;
	[sflag:s14] =	ssyncadd.s32 $0xFFFFD800  }
0x128: {  	[spmem:s1] =	stream.indirect.scatter.add.f32 [tilespmem:s10], [sflag:$0xA], $0x80, s11, s6, $0xb8;
	[tilespmem:$0x1DC40] =	vst v63  }
0x129: {  	_ =	swait.ge [sflag:s20], $0x2800  }
0x12a: {  	s11 =	rddreg [dreg:$0x5];
	[sflag:s20] =	ssyncset.done $0x0  }
0x12b: {  	[sflag:s20] =	ssyncadd.s32 $0xFFFFD800;
	s11 =	sadd.s32 s2, s11  }
0x12c: {  	[tilespmem:s25], [sflag:$0x2] =	stream.linear.gather [hbm4b:s11+s3], $0x50, $0x38;
	[tilespmem:$0x1DC40] =	vst v63  }
0x12d: {  	_ =	swait.ge [sflag:s5], $0x50  }
0x12e: {  	[sflag:s5] =	ssyncset.done $0x0  }
0x12f: {  	[sflag:s5] =	ssyncadd.s32 $0xFFFFFFB0  }
0x130: {  	v1 =	vld [tilespmem:$0x0];
	_ =	sdelay $0x1  }
0x131: {  	v3 =	vld [tilespmem:$0x10];
	_ =	sdelay $0x1  }
0x132: {  	v2 =	vld [tilespmem:$0x30]  }
0x133: {  	v5 =	vld [tilespmem:$0x40];
	v6 =	vand.u32 $0xFFFF, v1;
	v1 =	vshrl.u32 v1, $0x10  }
0x134: {  	[tilespmem:$0xA0] =	vst v1  }
0x135: {  	v7 =	vand.u32 $0xFFFF, v3;
	v3 =	vshrl.u32 v3, $0x10;
	[tilespmem:$0x50] =	vst v6  }
0x136: {  	v4 =	vld [tilespmem:$0x20];
	[tilespmem:$0xB0] =	vst v3  }
0x137: {  	v1 =	vand.u32 $0xFFFF, v2;
	[tilespmem:$0x60] =	vst v7  }
0x138: {  	v3 =	vand.u32 $0xFFFF, v5;
	[tilespmem:$0x80] =	vst v1  }
0x139: {  	v5 =	vshrl.u32 v5, $0x10;
	[tilespmem:$0x90] =	vst v3  }
0x13a: {  	v2 =	vshrl.u32 v2, $0x10;
	[tilespmem:$0xE0] =	vst v5  }
0x13b: {  	v1 =	vand.u32 $0xFFFF, v4;
	[tilespmem:$0xD0] =	vst v2  }
0x13c: {  	v4 =	vshrl.u32 v4, $0x10;
	[tilespmem:$0x70] =	vst v1  }
0x13d: {  	[tilespmem:$0xC0] =	vst v4  }
0x13e: {  	[tilespmem:s31], [sflag:$0x5] =	stream.indirect.gather [hbm4b:s13+s6], $0x80, s6, s6, $0xb8;
	[tilespmem:$0x1DC40] =	vst v63  }
0x13f: {  	_ =	swait.ge [sflag:s21], $0x2800  }
0x140: {  	[sflag:s21] =	ssyncset.done $0x0  }
0x141: {  	[sflag:s21] =	ssyncadd.s32 $0xFFFFD800  }
0x142: {  	[spmem:s1] =	stream.indirect.scatter.add.f32 [tilespmem:s17], [sflag:$0xB], $0x80, s30, s6, $0xb8;
	[tilespmem:$0x1DC40] =	vst v63  }
0x143: {  	_ =	swait.ge [sflag:s23], $0x2800  }
0x144: {  	[sflag:s23] =	ssyncset.done $0x0;
	s11 =	rddreg [dreg:$0x4]  }
0x145: {  	[sflag:s23] =	ssyncadd.s32 $0xFFFFD800;
	s11 =	sadd.s32 s2, s11  }
0x146: {  	[tilespmem:s26], [sflag:$0x3] =	stream.linear.gather [hbm4b:s11+s3], $0x50, $0x38;
	[tilespmem:$0x1DC40] =	vst v63  }
0x147: {  	_ =	swait.ge [sflag:s8], $0x50  }
0x148: {  	[sflag:s8] =	ssyncset.done $0x0  }
0x149: {  	[sflag:s8] =	ssyncadd.s32 $0xFFFFFFB0  }
0x14a: {  	v5 =	vld [tilespmem:$0x2920]  }
0x14b: {  	v2 =	vld [tilespmem:$0x2910]  }
0x14c: {  	v3 =	vld [tilespmem:$0x2900]  }
0x14d: {  	p0 =	sne.s32 s7, $0x488;
	v4 =	vld [tilespmem:$0x28F0]  }
.Ltmp1:
0x14e: {  	_ = 	snop;
	(pc) =	sbr.rel @p0 .LBB2_4-.Ltmp1, $3  }
0x14f: {  	_ =	sdelay $0x1  }
0x150: {  	v9 =	vshrl.u32 v3, $0x10;
	v7 =	vand.u32 $0xFFFF, v2;
	v6 =	vshrl.u32 v2, $0x10  }
0x151: {  	s7 =	sadd.s32 $0x28, s7;
	s16 =	simm.s32 $0x2940;
	v1 =	vld [tilespmem:$0x2930];
	v8 =	vand.u32 $0xFFFF, v4;
	v2 =	vand.u32 $0xFFFF, v5;
	v5 =	vshrl.u32 v5, $0x10;
	[tilespmem:$0x29A0] =	vst v9  }
0x152: {  	[tilespmem:$0x2940] =	vst v8  }
0x153: {  	[tilespmem:$0x2960] =	vst v7  }
0x154: {  	[tilespmem:$0x29B0] =	vst v6  }
0x155: {  	[tilespmem:$0x29C0] =	vst v5  }
0x156: {  	v4 =	vshrl.u32 v4, $0x10;
	[tilespmem:$0x2970] =	vst v2  }
0x157: {  	v3 =	vand.u32 $0xFFFF, v3;
	[tilespmem:$0x2990] =	vst v4  }
0x158: {  	[tilespmem:$0x2950] =	vst v3;
	v3 =	vshrl.u32 v1, $0x10  }
0x159: {  	v1 =	vand.u32 $0xFFFF, v1;
	[tilespmem:$0x29D0] =	vst v3  }
0x15a: {  	[tilespmem:$0x2980] =	vst v1  }
0x15b: {  	[tilespmem:s10], [sflag:$0x6] =	stream.indirect.gather [hbm4b:s13+s6], $0x80, s16, s6, $0xb8;
	[tilespmem:$0x1DC40] =	vst v63  }
0x15c: {  	_ =	swait.ge [sflag:s24], $0x2800  }
0x15d: {  	[sflag:s24] =	ssyncset.done $0x0  }
0x15e: {  	[sflag:s24] =	ssyncadd.s32 $0xFFFFD800  }
0x15f: {  	[spmem:s1] =	stream.indirect.scatter.add.f32 [tilespmem:s15], [sflag:$0xC], $0x80, s22, s6, $0xb8;
	[tilespmem:$0x1DC40] =	vst v63  }
0x160: {  	_ =	swait.ge [sflag:s0], $0x2800  }
0x161: {  	s7 =	rddreg [dreg:$0x3];
	[sflag:s0] =	ssyncset.done $0x0  }
0x162: {  	s19 =	simm.s32 $0x7AD0;
	s2 =	sadd.s32 s2, s7;
	[sflag:s0] =	ssyncadd.s32 $0xFFFFD800  }
0x163: {  	[tilespmem:s19], [sflag:$0x4] =	stream.linear.gather [hbm4b:s2+s3], $0x50, $0x38;
	[tilespmem:$0x1DC40] =	vst v63  }
0x164: {  	_ =	swait.ge [sflag:s12], $0x50  }
0x165: {  	[sflag:s12] =	ssyncset.done $0x0  }
0x166: {  	[sflag:s12] =	ssyncadd.s32 $0xFFFFFFB0  }
0x167: {  	v1 =	vld [tilespmem:$0x51E0]  }
0x168: {  	v2 =	vld [tilespmem:$0x51F0]  }
0x169: {  	v3 =	vld [tilespmem:$0x5200];
	_ =	sdelay $0x2  }
0x16a: {  	v55 =	vand.u32 $0xFFFF, v1  }
0x16b: {  	v56 =	vld [tilespmem:$0x5220];
	v57 =	vand.u32 $0xFFFF, v2;
	[tilespmem:$0x5230] =	vst v55  }
0x16c: {  	v59 =	vld [tilespmem:$0x5210];
	v58 =	vand.u32 $0xFFFF, v3;
	[tilespmem:$0x5240] =	vst v57  }
0x16d: {  	v3 =	vshrl.u32 v3, $0x10;
	[tilespmem:$0x5250] =	vst v58  }
0x16e: {  	v1 =	vshrl.u32 v1, $0x10;
	[tilespmem:$0x52A0] =	vst v3  }
0x16f: {  	v2 =	vshrl.u32 v2, $0x10;
	[tilespmem:$0x5280] =	vst v1  }
0x170: {  	v1 =	vand.u32 $0xFFFF, v56;
	[tilespmem:$0x5290] =	vst v2  }
0x171: {  	v2 =	vand.u32 $0xFFFF, v59;
	[tilespmem:$0x5270] =	vst v1  }
0x172: {  	v1 =	vshrl.u32 v56, $0x10;
	[tilespmem:$0x5260] =	vst v2  }
0x173: {  	[tilespmem:$0x52C0] =	vst v1;
	v1 =	vshrl.u32 v59, $0x10  }
0x174: {  	s7 =	simm.s32 $0x5230;
	[tilespmem:$0x52B0] =	vst v1  }
0x175: {  	[tilespmem:s17], [sflag:$0x7] =	stream.indirect.gather [hbm4b:s13+s6], $0x80, s7, s6, $0xb8;
	[tilespmem:$0x1DC40] =	vst v63  }
0x176: {  	_ =	swait.ge [sflag:s18], $0x2800  }
0x177: {  	[sflag:s18] =	ssyncset.done $0x0  }
0x178: {  	s9 =	simm.s32 $0xA0;
	[sflag:s18] =	ssyncadd.s32 $0xFFFFD800  }
0x179: {  	[spmem:s1] =	stream.indirect.scatter.add.f32 [tilespmem:s31], [sflag:$0x9], $0x80, s9, s6, $0xb8;
	[tilespmem:$0x1DC40] =	vst v63  }
0x17a: {  	_ =	swait.ge [sflag:s28], $0x2800  }
0x17b: {  	[sflag:s28] =	ssyncset.done $0x0  }
0x17c: {  	s11 =	rddreg [dreg:$0x1d];
	[sflag:s28] =	ssyncadd.s32 $0xFFFFD800  }
0x17d: {  	[tilespmem:s3], [sflag:$0x1] =	stream.linear.gather [hbm4b:s11+s3], $0x50, $0x38;
	[tilespmem:$0x1DC40] =	vst v63  }
0x17e: {  	_ =	swait.ge [sflag:s29], $0x50  }
0x17f: {  	[sflag:s29] =	ssyncset.done $0x0  }
0x180: {  	[sflag:s29] =	ssyncadd.s32 $0xFFFFFFB0  }
0x181: {  	v1 =	vld [tilespmem:$0x7AD0];
	_ =	sdelay $0x1  }
0x182: {  	v2 =	vld [tilespmem:$0x7AE0];
	_ =	sdelay $0x1  }
0x183: {  	v3 =	vld [tilespmem:$0x7AF0]  }
0x184: {  	v60 =	vand.u32 $0xFFFF, v1  }
0x185: {  	v61 =	vld [tilespmem:$0x7B00];
	v1 =	vshrl.u32 v1, $0x10;
	[tilespmem:$0x7B20] =	vst v60  }
0x186: {  	[tilespmem:$0x7B70] =	vst v1;
	v1 =	vand.u32 $0xFFFF, v2  }
0x187: {  	[tilespmem:$0x7B30] =	vst v1;
	v1 =	vshrl.u32 v2, $0x10;
	v2 =	vld [tilespmem:$0x7B10]  }
0x188: {  	[tilespmem:$0x7B80] =	vst v1;
	v1 =	vand.u32 $0xFFFF, v3  }
0x189: {  	[tilespmem:$0x7B40] =	vst v1;
	v1 =	vshrl.u32 v3, $0x10  }
0x18a: {  	[tilespmem:$0x7B90] =	vst v1;
	v1 =	vand.u32 $0xFFFF, v61  }
0x18b: {  	[tilespmem:$0x7B50] =	vst v1;
	v1 =	vshrl.u32 v61, $0x10  }
0x18c: {  	[tilespmem:$0x7BA0] =	vst v1;
	v1 =	vand.u32 $0xFFFF, v2  }
0x18d: {  	[tilespmem:$0x7B60] =	vst v1;
	v1 =	vshrl.u32 v2, $0x10  }
0x18e: {  	s16 =	simm.s32 $0x7B20;
	[tilespmem:$0x7BB0] =	vst v1  }
0x18f: {  	[tilespmem:s15], [sflag:$0x8] =	stream.indirect.gather [hbm4b:s13+s6], $0x80, s16, s6, $0xb8;
	[tilespmem:$0x1DC40] =	vst v63  }
0x190: {  	_ =	swait.ge [sflag:s14], $0x2800  }
0x191: {  	[sflag:s14] =	ssyncset.done $0x0  }
0x192: {  	s19 =	simm.s32 $0x2990;
	[sflag:s14] =	ssyncadd.s32 $0xFFFFD800  }
0x193: {  	[spmem:s1] =	stream.indirect.scatter.add.f32 [tilespmem:s10], [sflag:$0xA], $0x80, s19, s6, $0xb8;
	[tilespmem:$0x1DC40] =	vst v63  }
0x194: {  	_ =	swait.ge [sflag:s5], $0x50  }
0x195: {  	[sflag:s5] =	ssyncset.done $0x0  }
0x196: {  	[sflag:s5] =	ssyncadd.s32 $0xFFFFFFB0  }
0x197: {  	v1 =	vld [tilespmem:$0x0];
	_ =	sdelay $0x1  }
0x198: {  	v2 =	vld [tilespmem:$0x10];
	_ =	sdelay $0x1  }
0x199: {  	v3 =	vld [tilespmem:$0x20]  }
0x19a: {  	v62 =	vand.u32 $0xFFFF, v1  }
0x19b: {  	v63 =	vld [tilespmem:$0x30];
	v1 =	vshrl.u32 v1, $0x10;
	[tilespmem:$0x50] =	vst v62  }
0x19c: {  	[tilespmem:$0xA0] =	vst v1;
	v1 =	vand.u32 $0xFFFF, v2  }
0x19d: {  	[tilespmem:$0x60] =	vst v1;
	v1 =	vshrl.u32 v2, $0x10;
	v2 =	vld [tilespmem:$0x40]  }
0x19e: {  	[tilespmem:$0xB0] =	vst v1;
	v1 =	vand.u32 $0xFFFF, v3  }
0x19f: {  	[tilespmem:$0x70] =	vst v1;
	v1 =	vshrl.u32 v3, $0x10  }
0x1a0: {  	[tilespmem:$0xC0] =	vst v1;
	v1 =	vand.u32 $0xFFFF, v63  }
0x1a1: {  	[tilespmem:$0x80] =	vst v1;
	v1 =	vshrl.u32 v63, $0x10  }
0x1a2: {  	[tilespmem:$0xD0] =	vst v1;
	v1 =	vand.u32 $0xFFFF, v2  }
0x1a3: {  	[tilespmem:$0x90] =	vst v1;
	v1 =	vshrl.u32 v2, $0x10  }
0x1a4: {  	[tilespmem:$0xE0] =	vst v1  }
0x1a5: {  	[tilespmem:s31], [sflag:$0x5] =	stream.indirect.gather [hbm4b:s13+s6], $0x80, s6, s6, $0xb8;
	[tilespmem:$0x1DC40] =	vst v63  }
0x1a6: {  	_ =	swait.ge [sflag:s21], $0x2800  }
0x1a7: {  	[sflag:s21] =	ssyncset.done $0x0  }
0x1a8: {  	[sflag:s21] =	ssyncadd.s32 $0xFFFFD800  }
0x1a9: {  	[spmem:s1] =	stream.indirect.scatter.add.f32 [tilespmem:s17], [sflag:$0xB], $0x80, s30, s6, $0xb8;
	[tilespmem:$0x1DC40] =	vst v63  }
0x1aa: {  	_ =	swait.ge [sflag:s24], $0x2800  }
0x1ab: {  	[sflag:s24] =	ssyncset.done $0x0  }
0x1ac: {  	[sflag:s24] =	ssyncadd.s32 $0xFFFFD800  }
0x1ad: {  	[spmem:s1] =	stream.indirect.scatter.add.f32 [tilespmem:s15], [sflag:$0xC], $0x80, s22, s6, $0xb8;
	[tilespmem:$0x1DC40] =	vst v63  }
0x1ae: {  	_ =	swait.ge [sflag:s18], $0x2800  }
0x1af: {  	[sflag:s18] =	ssyncset.done $0x0  }
0x1b0: {  	[sflag:s18] =	ssyncadd.s32 $0xFFFFD800  }
0x1b1: {  	[spmem:s1] =	stream.indirect.scatter.add.f32 [tilespmem:s31], [sflag:$0x9], $0x80, s9, s6, $0xb8;
	[tilespmem:$0x1DC40] =	vst v63  }
0x1b2: {  	_ =	swait.ge [sflag:s28], $0x2800  }
0x1b3: {  	[sflag:s28] =	ssyncset.done $0x0  }
0x1b4: {  	[sflag:s28] =	ssyncadd.s32 $0xFFFFD800  }
0x1b5: {  	_ =	swait.ge [sflag:s20], $0x2800  }
0x1b6: {  	[sflag:s20] =	ssyncset.done $0x0  }
0x1b7: {  	[sflag:s20] =	ssyncadd.s32 $0xFFFFD800  }
0x1b8: {  	_ =	swait.ge [sflag:s23], $0x2800  }
0x1b9: {  	[sflag:s23] =	ssyncset.done $0x0  }
0x1ba: {  	[sflag:s23] =	ssyncadd.s32 $0xFFFFD800  }
0x1bb: {  	_ =	swait.ge [sflag:s0], $0x2800  }
0x1bc: {  	[sflag:s0] =	ssyncset.done $0x0  }
0x1bd: {  	[sflag:s0] =	ssyncadd.s32 $0xFFFFD800  }
0x1be: {  	[bflag:$0x0] =	sbarrier.arrive $0xFFFF  }
0x1bf: {  	s7 =	simm.s32 $0xD;
	s9 =	rddreg [dreg:$0x10]  }
0x1c0: {  	[tilespmem:s31], [sflag:$0xD] =	stream.linear.gather [spmem:s9], $0x2800, $0x38;
	[tilespmem:$0x1DC40] =	vst v63  }
0x1c1: {  	_ =	swait.ge [sflag:s7], $0x2800  }
0x1c2: {  	[sflag:s7] =	ssyncset.done $0x0  }
0x1c3: {  	s11 =	rddreg [dreg:$0x7];
	[sflag:s7] =	ssyncadd.s32 $0xFFFFD800  }
0x1c4: {  	[hbm4b:s11+s3] =	stream.linear.scatter [tilespmem:s31], [sflag:$0xD], $0x2800, $0x38;
	[tilespmem:$0x1DC40] =	vst v63  }
0x1c5: {  	_ =	swait.ge [sflag:s7], $0x2800  }
0x1c6: {  	[sflag:s7] =	ssyncset.done $0x0  }
0x1c7: {  	s11 =	rddreg [dreg:$0x13];
	[sflag:s7] =	ssyncadd.s32 $0xFFFFD800  }
0x1c8: {  	[tilespmem:s31], [sflag:$0xD] =	stream.linear.gather [spmem:s11], $0x2800, $0x38;
	[tilespmem:$0x1DC40] =	vst v63  }
0x1c9: {  	_ =	swait.ge [sflag:s7], $0x2800  }
0x1ca: {  	[sflag:s7] =	ssyncset.done $0x0  }
0x1cb: {  	s16 =	rddreg [dreg:$0x8];
	[sflag:s7] =	ssyncadd.s32 $0xFFFFD800  }
0x1cc: {  	[hbm4b:s16+s3] =	stream.linear.scatter [tilespmem:s31], [sflag:$0xD], $0x2800, $0x38;
	[tilespmem:$0x1DC40] =	vst v63  }
0x1cd: {  	_ =	swait.ge [sflag:s7], $0x2800  }
0x1ce: {  	[sflag:s7] =	ssyncset.done $0x0  }
0x1cf: {  	s16 =	rddreg [dreg:$0x14];
	[sflag:s7] =	ssyncadd.s32 $0xFFFFD800  }
0x1d0: {  	[tilespmem:s31], [sflag:$0xD] =	stream.linear.gather [spmem:s16], $0x2800, $0x38;
	[tilespmem:$0x1DC40] =	vst v63  }
0x1d1: {  	_ =	swait.ge [sflag:s7], $0x2800  }
0x1d2: {  	[sflag:s7] =	ssyncset.done $0x0  }
0x1d3: {  	s19 =	rddreg [dreg:$0x9];
	[sflag:s7] =	ssyncadd.s32 $0xFFFFD800  }
0x1d4: {  	[hbm4b:s19+s3] =	stream.linear.scatter [tilespmem:s31], [sflag:$0xD], $0x2800, $0x38;
	[tilespmem:$0x1DC40] =	vst v63  }
0x1d5: {  	_ =	swait.ge [sflag:s7], $0x2800  }
0x1d6: {  	[sflag:s7] =	ssyncset.done $0x0  }
0x1d7: {  	s22 =	rddreg [dreg:$0x15];
	[sflag:s7] =	ssyncadd.s32 $0xFFFFD800  }
0x1d8: {  	[tilespmem:s31], [sflag:$0xD] =	stream.linear.gather [spmem:s22], $0x2800, $0x38;
	[tilespmem:$0x1DC40] =	vst v63  }
0x1d9: {  	_ =	swait.ge [sflag:s7], $0x2800  }
0x1da: {  	[sflag:s7] =	ssyncset.done $0x0  }
0x1db: {  	s9 =	rddreg [dreg:$0xa];
	[sflag:s7] =	ssyncadd.s32 $0xFFFFD800  }
0x1dc: {  	[hbm4b:s9+s3] =	stream.linear.scatter [tilespmem:s31], [sflag:$0xD], $0x2800, $0x38;
	[tilespmem:$0x1DC40] =	vst v63  }
0x1dd: {  	_ =	swait.ge [sflag:s7], $0x2800  }
0x1de: {  	[sflag:s7] =	ssyncset.done $0x0  }
0x1df: {  	s19 =	rddreg [dreg:$0x16];
	[sflag:s7] =	ssyncadd.s32 $0xFFFFD800  }
0x1e0: {  	[tilespmem:s31], [sflag:$0xD] =	stream.linear.gather [spmem:s19], $0x2800, $0x38;
	[tilespmem:$0x1DC40] =	vst v63  }
0x1e1: {  	_ =	swait.ge [sflag:s7], $0x2800  }
0x1e2: {  	[sflag:s7] =	ssyncset.done $0x0  }
0x1e3: {  	s22 =	rddreg [dreg:$0xb];
	[sflag:s7] =	ssyncadd.s32 $0xFFFFD800  }
0x1e4: {  	[hbm4b:s22+s3] =	stream.linear.scatter [tilespmem:s31], [sflag:$0xD], $0x2800, $0x38;
	[tilespmem:$0x1DC40] =	vst v63  }
0x1e5: {  	_ =	swait.ge [sflag:s7], $0x2800  }
0x1e6: {  	[sflag:s7] =	ssyncset.done $0x0  }
0x1e7: {  	s9 =	rddreg [dreg:$0x17];
	[sflag:s7] =	ssyncadd.s32 $0xFFFFD800  }
0x1e8: {  	[tilespmem:s31], [sflag:$0xD] =	stream.linear.gather [spmem:s9], $0x2800, $0x38;
	[tilespmem:$0x1DC40] =	vst v63  }
0x1e9: {  	_ =	swait.ge [sflag:s7], $0x2800  }
0x1ea: {  	[sflag:s7] =	ssyncset.done $0x0  }
0x1eb: {  	s19 =	rddreg [dreg:$0xc];
	[sflag:s7] =	ssyncadd.s32 $0xFFFFD800  }
0x1ec: {  	[hbm4b:s19+s3] =	stream.linear.scatter [tilespmem:s31], [sflag:$0xD], $0x2800, $0x38;
	[tilespmem:$0x1DC40] =	vst v63  }
0x1ed: {  	_ =	swait.ge [sflag:s7], $0x2800  }
0x1ee: {  	[sflag:s7] =	ssyncset.done $0x0  }
0x1ef: {  	s22 =	rddreg [dreg:$0x18];
	[sflag:s7] =	ssyncadd.s32 $0xFFFFD800  }
0x1f0: {  	[tilespmem:s31], [sflag:$0xD] =	stream.linear.gather [spmem:s22], $0x2800, $0x38;
	[tilespmem:$0x1DC40] =	vst v63  }
0x1f1: {  	_ =	swait.ge [sflag:s7], $0x2800  }
0x1f2: {  	[sflag:s7] =	ssyncset.done $0x0  }
0x1f3: {  	s9 =	rddreg [dreg:$0xd];
	[sflag:s7] =	ssyncadd.s32 $0xFFFFD800  }
0x1f4: {  	[hbm4b:s9+s3] =	stream.linear.scatter [tilespmem:s31], [sflag:$0xD], $0x2800, $0x38;
	[tilespmem:$0x1DC40] =	vst v63  }
0x1f5: {  	_ =	swait.ge [sflag:s7], $0x2800  }
0x1f6: {  	[sflag:s7] =	ssyncset.done $0x0  }
0x1f7: {  	s9 =	rddreg [dreg:$0xe];
	[sflag:s7] =	ssyncadd.s32 $0xFFFFD800  }
0x1f8: {  	[tilespmem:s31], [sflag:$0xD] =	stream.linear.gather [spmem:s9], $0x2080, $0x38;
	[tilespmem:$0x1DC40] =	vst v63  }
0x1f9: {  	_ =	swait.ge [sflag:s7], $0x2080  }
0x1fa: {  	[sflag:s7] =	ssyncset.done $0x0  }
0x1fb: {  	s19 =	rddreg [dreg:$0x6];
	[sflag:s7] =	ssyncadd.s32 $0xFFFFDF80  }
0x1fc: {  	[hbm4b:s19+s3] =	stream.linear.scatter [tilespmem:s31], [sflag:$0xD], $0x2080, $0x38;
	[tilespmem:$0x1DC40] =	vst v63  }
0x1fd: {  	_ =	swait.ge [sflag:s7], $0x2080  }
0x1fe: {  	s19 =	rddreg [dreg:$0x1e]  }
0x1ff: {  	s22 =	rddreg [dreg:$0x11];
	s19 =	sadd.s32 $0x1, s19  }
0x200: {  	p0 =	sne.s32 s19, s22  }
.Ltmp2:
0x201: {  	_ = 	snop;
	(pc) =	sbr.rel @p0 .LBB2_1-.Ltmp2, $3  }
0x202: {  	_ =	sdelay $0x1  }
0x203: {  	[sflag:s7] =	ssyncset.done $0x0  }
0x204: {  	[sflag:s7] =	ssyncadd.s32 $0xFFFFDF80  }
0x205: {  	_ =	sfence.sel $0x180000  }
0x206: {  	[bflag:$0x0] =	sbarrier.arrive $0xFFFF  }
0x207: {  	_ =	strace $0x9000004D  }
0x208: {  	s0 =	stileid.u32;
	[bflag:$0x2] =	sbarrier.arrive $0xFFFF  }
0x209: {  	p0 =	sne.s32 s0, $0x0;
	s0 =	rddreg [dreg:$0x2]  }
0x20a: {  	s0 =	sadd.s32 @!p0 $0x100000, s0  }
0x20b: {  	[sflag:s0] =	ssyncadd.tile.s32 @!p0 $0x1;
	_ =	shalt  }
.Lfunc_end2:
_tile_overlayer_lowered:
.L_overlay_start_2:
0x20c: {  	(tag) =	ssettag $0x2  }
0x20d: {  	s0 =	rddreg [dreg:$0x0];
	s2 =	stileid.u32  }
0x20e: {  	s1 =	rddreg [dreg:$0x1];
	p0 =	sne.s32 s2, $0x0  }
0x20f: {  	s3 =	rddreg [dreg:$0x2];
	[bflag:$0x3] =	sbarrier.arrive $0xFFFF;
	s2 =	simm.s32 @!p0 $0x1C0D  }
0x210: {  	[timem:s3], [sflag:s2] =	dma.local @!p0 [hbm:s0], s1  }
0x211: {  	s0 =	simm.s32 @!p0 $0xD  }
0x212: {  	_ =	swait.ge @!p0 [sflag:s0], s1  }
0x213: {  	s1 =	ssub.s32 @!p0 $0x0, s1;
	[sflag:s0] =	ssyncset.done @!p0 $0x0  }
0x214: {  	[sflag:s0] =	ssyncadd.s32 @!p0 s1  }
0x215: {  	[bflag:$0x3] =	sbarrier.arrive $0xFFFF  }
0x216: {  	_ =	shalt  }

// kernel: kernel.21.cloned.1.call-start
scs
__scs_entry_jumppad:
0x0: {  	(pc) =	sbr.rel $0x88, $3  }
0x1: {  	(tag) =	ssettag $0x0;
	lr =	simm.s32 $0x1  }
0x2: {  	[smem:$0x3F89] =	sst lr;
	_ =	strace $0xD0000000  }
0x3: {  	_ = 	snop  }
0x4: {  	_ = 	snop  }
0x5: {  	_ = 	snop  }
0x6: {  	_ = 	snop  }
0x7: {  	_ = 	snop  }
__scs_overlays_trampoline_lowered:
0x8: {  	[smem:$0x3F98] =	sst s0  }
0x9: {  	[smem:$0x3F99] =	sst s1  }
0xa: {  	[smem:$0x3F9A] =	sst s2  }
0xb: {  	[smem:$0x3F9B] =	sst s3  }
0xc: {  	[smem:$0x3F9C] =	sst s4  }
0xd: {  	[smem:$0x3F9D] =	sst s5  }
0xe: {  	[smem:$0x3F9E] =	sst s6  }
0xf: {  	[smem:$0x3F9F] =	sst s7  }
0x10: {  	[smem:$0x3FA0] =	sst s8  }
0x11: {  	[smem:$0x3FA1] =	sst s9;
	s0 =	simm.s32 @!p0 $0x0  }
0x12: {  	s1 =	sld [smem:$0x3F87];
	s0 =	simm.s32 @p0 $0x1  }
0x13: {  	[smem:$0x3FA2] =	sst s0;
	s0 =	simm.s32 @!p1 $0x0  }
0x14: {  	s2 =	sld [smem:$0x3F86];
	s0 =	simm.s32 @p1 $0x1  }
0x15: {  	[smem:$0x3FA3] =	sst s0;
	s0 =	simm.s32 @!p2 $0x0  }
0x16: {  	s3 =	sld [smem:$0x3FDB];
	s0 =	simm.s32 @p2 $0x1  }
0x17: {  	s4 =	simm.s32 $0x1BF5;
	[smem:$0x3FA5] =	sst s0  }
0x18: {  	s0 =	sld [smem:$0x3F88];
	_ =	swait.ge [sflag:s4], $0x0  }
0x19: {  	s7 =	sld [smem:$0x3F89]  }
0x1a: {  	s8 =	sadd.s32 $0xFFFFE003, lr  }
0x1b: {  	s9 =	sadd.s32 $0xFFFFFEF7, lr;
	s5 =	simm.s32 $0xFFFFFFFF;
	p2 =	slt.u32 s8, $0xFFFFF086  }
0x1c: {  	p1 =	slt.u32 s9, $0xF7A;
	s5 =	simm.s32 @!p2 $0x0  }
0x1d: {  	s5 =	simm.s32 @p1 $0x1;
	p0 =	seq.s32 s7, s2  }
0x1e: {  	s7 =	smul.u32 @!p0 $0xF7A, s2;
	p2 =	seq.s32 @!p0 s5, $0x0  }
0x1f: {  	s9 =	smul.u32 $0xF7A, s1;
	s8 =	simm.s32 @!p0 $0x1BF5;
	p2 =	por !p2, p0  }
0x20: {  	[sflag:s8] =	ssyncset.s32 @!p0 $0xFFFFF086;
	s6 =	sadd.s32 @!p0 s3, s7;
	s7 =	simm.s32 @!p0 $0x108  }
0x21: {  	s3 =	sadd.s32 s3, s9;
	s6 =	sadd.s32 @!p0 $0x88, s6;
	s7 =	simm.s32 @p2 $0x1082  }
0x22: {  	[simem:s7], [sflag:s8] =	dma.local @!p0 [hbm:s6], $0xF7A  }
0x23: {  	s9 =	sor.u32 $0xD0000000, s2;
	s6 =	simm.s32 $0x108;
	_ =	swait.ge @!p0 [sflag:s8], $0x0  }
0x24: {  	s3 =	sadd.s32 $0x88, s3;
	s6 =	simm.s32 @!p1 $0x1082;
	[sflag:s4] =	ssyncset.s32 $0xFFFFF086  }
0x25: {  	[simem:s6], [sflag:s4] =	dma.local [hbm:s3], $0xF7A  }
0x26: {  	[smem:$0x3F89] =	sst s1;
	(tag) =	ssettag s2;
	_ =	strace s9  }
0x27: {  	s1 =	sld [smem:$0x3F99]  }
0x28: {  	s2 =	sld [smem:$0x3F9A]  }
0x29: {  	s4 =	sld [smem:$0x3F9C]  }
0x2a: {  	p0 =	seq.s32 s5, $0x0;
	s5 =	sld [smem:$0x3F9D]  }
0x2b: {  	s6 =	sld [smem:$0x3F9E]  }
0x2c: {  	s7 =	sld [smem:$0x3F9F]  }
0x2d: {  	s3 =	simm.s32 $0x108;
	s8 =	sld [smem:$0x3FA0]  }
0x2e: {  	s3 =	simm.s32 @!p0 $0x1082;
	s9 =	sld [smem:$0x3FA1]  }
0x2f: {  	lr =	sadd.s32 s0, s3;
	s0 =	sld [smem:$0x3F98]  }
0x30: {  	s3 =	sld [smem:$0x3F9B]  }
0x31: {  	[smem:$0x3FA4] =	sst s10  }
0x32: {  	s10 =	sld [smem:$0x3FA2];
	_ =	sdelay $0x3  }
0x33: {  	p0 =	seq.s32 s10, $0x1;
	s10 =	sld [smem:$0x3FA4];
	_ =	sdelay $0x3  }
0x34: {  	[smem:$0x3FA4] =	sst s10  }
0x35: {  	s10 =	sld [smem:$0x3FA3];
	_ =	sdelay $0x3  }
0x36: {  	p1 =	seq.s32 s10, $0x1;
	s10 =	sld [smem:$0x3FA4];
	_ =	sdelay $0x3  }
0x37: {  	[smem:$0x3FA4] =	sst s10  }
0x38: {  	s10 =	sld [smem:$0x3FA5]  }
0x39: {  	_ = 	snop;
	(pc) =	sbr.ind lr, $3  }
0x3a: {  	_ = 	snop  }
0x3b: {  	_ = 	snop  }
0x3c: {  	p2 =	seq.s32 s10, $0x1;
	s10 =	sld [smem:$0x3FA4]  }
0x3d: {  	_ =	shalt  }
0x3e: {  	_ =	shalt  }
0x3f: {  	_ =	shalt  }
0x40: {  	_ =	shalt  }
0x41: {  	_ =	shalt  }
0x42: {  	_ =	shalt  }
0x43: {  	_ =	shalt  }
0x44: {  	_ =	shalt  }
0x45: {  	_ =	shalt  }
0x46: {  	_ =	shalt  }
0x47: {  	_ =	shalt  }
0x48: {  	_ =	shalt  }
0x49: {  	_ =	shalt  }
0x4a: {  	_ =	shalt  }
0x4b: {  	_ =	shalt  }
0x4c: {  	_ =	shalt  }
0x4d: {  	_ =	shalt  }
0x4e: {  	_ =	shalt  }
0x4f: {  	_ =	shalt  }
0x50: {  	_ =	shalt  }
0x51: {  	_ =	shalt  }
0x52: {  	_ =	shalt  }
0x53: {  	_ =	shalt  }
0x54: {  	_ =	shalt  }
0x55: {  	_ =	shalt  }
0x56: {  	_ =	shalt  }
0x57: {  	_ =	shalt  }
0x58: {  	_ =	shalt  }
0x59: {  	_ =	shalt  }
0x5a: {  	_ =	shalt  }
0x5b: {  	_ =	shalt  }
0x5c: {  	_ =	shalt  }
0x5d: {  	_ =	shalt  }
0x5e: {  	_ =	shalt  }
0x5f: {  	_ =	shalt  }
0x60: {  	_ =	shalt  }
0x61: {  	_ =	shalt  }
0x62: {  	_ =	shalt  }
0x63: {  	_ =	shalt  }
0x64: {  	_ =	shalt  }
0x65: {  	_ =	shalt  }
0x66: {  	_ =	shalt  }
0x67: {  	_ =	shalt  }
0x68: {  	_ =	shalt  }
0x69: {  	_ =	shalt  }
0x6a: {  	_ =	shalt  }
0x6b: {  	_ =	shalt  }
0x6c: {  	_ =	shalt  }
0x6d: {  	_ =	shalt  }
0x6e: {  	_ =	shalt  }
0x6f: {  	_ =	shalt  }
0x70: {  	_ =	shalt  }
0x71: {  	_ =	shalt  }
0x72: {  	_ =	shalt  }
0x73: {  	_ =	shalt  }
0x74: {  	_ =	shalt  }
0x75: {  	_ =	shalt  }
0x76: {  	_ =	shalt  }
0x77: {  	_ =	shalt  }
0x78: {  	_ =	shalt  }
0x79: {  	_ =	shalt  }
0x7a: {  	_ =	shalt  }
0x7b: {  	_ =	shalt  }
0x7c: {  	_ =	shalt  }
0x7d: {  	_ =	shalt  }
0x7e: {  	_ =	shalt  }
0x7f: {  	_ =	shalt  }
0x80: {  	_ =	shalt  }
0x81: {  	_ =	shalt  }
0x82: {  	_ =	shalt  }
0x83: {  	_ =	shalt  }
0x84: {  	_ =	shalt  }
0x85: {  	_ =	shalt  }
0x86: {  	_ =	shalt  }
0x87: {  	_ =	shalt  }
.Lfunc_end0:
.L_simem_size_0:
called_computation.3_lowered:
.L_overlay_start_0:
0x88: {  	s2 =	sld [smem:$0x3FD9]  }
0x89: {  	s3 =	sld [smem:$0x3FFE];
	_ =	sdelay $0x1  }
0x8a: {  	s1 =	srdreg.scid  }
0x8b: {  	s0 =	sand.u32 $0x1, s1  }
0x8c: {  	s16 =	sshll.u32 s0, $0xA;
	s2 =	sadd.s32 s3, s2  }
0x8d: {  	s2 =	sadd.s32 s2, s16  }
0x8e: {  	[smem:$0x3FB0] =	sst s2  }
0x8f: {  	_ = 	snop  }
0x90: {  	(tm) =	ssettm $0x1  }
0x91: {  	s17 =	sld [smem:$0x3FFB];
	_ =	sdelay $0x3  }
0x92: {  	_ =	strace s17  }
0x93: {  	s2 =	sld [smem:$0x3FFC];
	_ =	sdelay $0x3  }
0x94: {  	_ =	strace s2  }
0x95: {  	s2 =	sld [smem:$0x3FFD];
	_ =	sdelay $0x3  }
0x96: {  	_ =	strace s2  }
0x97: {  	_ =	strace $0x8FFFFFFF  }
0x98: {  	s18 =	sld [smem:$0x3FDB];
	_ =	sdelay $0x1  }
0x99: {  	s19 =	simm.s32 $_scs_section_size  }
0x9a: {  	s4 =	simm.s32 $_size__tile_overlayer_lowered;
	s5 =	simm.s32 $_tile_overlayer_lowered  }
0x9b: {  	s22 =	simm.s32 $0x1BFF;
	s21 =	sshll.u32 s5, $0x1;
	s2 =	sadd.s32 s19, s18  }
0x9c: {  	s6 =	simm.s32 $0x0;
	s20 =	sshll.u32 s4, $0x1;
	s4 =	sadd.s32 s21, s2  }
0x9d: {  	[timem:s6], [sflag:s22] =	dma.local [hbm:s4], s20  }
0x9e: {  	_ =	swait.ge [sflag:s22], s20  }
0x9f: {  	s3 =	ssub.s32 $0x0, s20;
	[sflag:s22] =	ssyncset.done $0x0  }
0xa0: {  	[sflag:s22] =	ssyncadd.s32 s3;
	_ =	sdelay $0x1  }
0xa1: {  	s23 =	simm.s32 $0x1B8B  }
0xa2: {  	_ =	swait.ge [sflag:s23], $0x1  }
0xa3: {  	[sflag:s23] =	ssyncset.done $0x0  }
0xa4: {  	s25 =	simm.s32 $0x1B8E;
	s24 =	sld [smem:$0x3FFE];
	[sflag:s23] =	ssyncadd.s32 $0xFFFFFFFF  }
0xa5: {  	s26 =	simm.s32 $execute0_lowered;
	[smem:$0x3FD2] =	sst s25  }
0xa6: {  	s4 =	sshll.u32 s26, $0x1;
	_ =	strace $0x8000004F;
	[dreg:$0x1] =	wrdreg $0xFFFFFFFF  }
0xa7: {  	s28 =	simm.s32 $_size_execute0_lowered;
	s2 =	sadd.s32 s2, s4;
	[dreg:$0x0] =	wrdreg $0x0  }
0xa8: {  	s4 =	sshll.u32 s28, $0x1;
	[dreg:$0x2] =	wrdreg s2  }
0xa9: {  	[dreg:$0x3] =	wrdreg s4  }
0xaa: {  	[dreg:$0x4] =	wrdreg $0xC0  }
0xab: {  	_ =	task [dreg:s6], $0x5FFFF  }
0xac: {  	[dreg:$0x1] =	wrdreg $0xFFFFFFFF  }
0xad: {  	[dreg:$0x0] =	wrdreg $0x60  }
0xae: {  	[dreg:$0x2] =	wrdreg s24  }
0xaf: {  	[dreg:$0x3] =	wrdreg $0xA3C00  }
0xb0: {  	[dreg:$0x4] =	wrdreg $0x9  }
0xb1: {  	_ =	task.clear_ibuf [dreg:s6], $0x5FFFF;
	_ =	strace $0x9000004F  }
0xb2: {  	s29 =	simm.s32 $0x9;
	_ =	strace $0x80000051  }
0xb3: {  	_ =	swait.ge [sflag:s29], $0x1  }
0xb4: {  	[sflag:s29] =	ssyncadd.s32 $0xFFFFFFFF  }
0xb5: {  	_ =	strace $0x90000051  }
0xb6: {  	_ =	sfence  }
0xb7: {  	s30 =	sld [smem:$0x0];
	_ =	sdelay $0x2  }
0xb8: {  	s31 =	sshll.u32 s1, $0xD;
	s1 =	sshrl.u32 s1, $0x2  }
0xb9: {  	s3 =	sand.u32 $0x4000, s31;
	s1 =	sadd.s32 s1, s30  }
0xba: {  	s0 =	sor.u32 s3, s0;
	s1 =	sshll.u32 s1, $0x11  }
0xbb: {  	s0 =	sor.u32 s1, s0  }
0xbc: {  	s0 =	sadd.s32 $0x8F2B, s0  }
0xbd: {  	[sflag:s0] =	ssyncadd.remote.s32 $0x1  }
0xbe: {  	_ =	sfence.sel $0xFFFF  }
0xbf: {  	[dreg:$0x0] =	wrdreg $0xFFFFFFFF;
	(pc) =	sbr.abs _section_cstart, $3  }
0xc0: {  	[dreg:$0x1] =	wrdreg $0xFFFFFFFF  }
0xc1: {  	_ =	task.clear_ibuf [dreg:s6], $0x2FFFF;
	_ =	strace $0x9FFFFFFF  }
0xc2: {  	(tm) =	ssettm $0x7FFFFFFF  }
0xc3: {  	_ =	shalt  }
tec
execute0_lowered:
.L_overlay_start_1:
0x0: {  	(tag) =	ssettag $0x1  }
0x1: {  	s0 =	rddreg [dreg:$0x0]  }
0x2: {  	s1 =	rddreg [dreg:$0x1];
	s3 =	simm.s32 $0x0  }
0x3: {  	s2 =	srdreg.scid;
	s20 =	stileid.u32;
	s31 =	simm.s32 $0xF0  }
0x4: {  	s28 =	simm.s32 $0x9;
	s29 =	simm.s32 $0x4;
	s30 =	simm.s32 $0x5280  }
0x5: {  	[smem:$0x7FF] =	sst s3;
	s2 =	sand.u32 $0x1, s2;
	s5 =	smul.u32 $0x13880, s20  }
0x6: {  	s4 =	sadd.s32 $0x18E00, s0;
	s7 =	sadd.s32 $0xBF000, s0;
	s13 =	smul.u32 $0x4E20, s20  }
0x7: {  	s11 =	sshll.u32 s20, $0x1;
	_ =	strace $0x80000050;
	s6 =	smul.u32 $0x138800, s2  }
0x8: {  	s8 =	ssub.s32 $0x2, s2;
	s22 =	sor.u32 s2, s11;
	s2 =	smul.u32 $0x2710, s2  }
0x9: {  	s9 =	sadd.s32 $0x11800, s5;
	s10 =	sshrl.u32 s8, $0x1;
	s14 =	sadd.s32 $0x7800, s5  }
0xa: {  	s15 =	sadd.s32 $0xA000, s5;
	s17 =	sadd.s32 $0xC800, s5;
	s18 =	sadd.s32 $0xF000, s5  }
0xb: {  	s12 =	sadd.s32 s6, s9;
	s8 =	ssub.s32 s8, s10;
	s10 =	smul.u32 $0x2710, s22  }
0xc: {  	s16 =	sadd.s32 s6, s5;
	s2 =	sadd.s32 s2, s13;
	s9 =	sadd.s32 s9, s1  }
0xd: {  	s23 =	sshrl.u32 s12, $0x3;
	s12 =	sadd.s32 $0x5000, s5;
	s16 =	sshrl.u32 s16, $0x3  }
0xe: {  	s19 =	sadd.s32 $0x230, s2;
	[dreg:$0xe] =	wrdreg s9;
	s11 =	sadd.s32 s7, s23  }
0xf: {  	s16 =	sadd.s32 s7, s16;
	s26 =	sadd.s32 s6, s12;
	s22 =	sshrl.u32 s19, $0x3  }
0x10: {  	s23 =	sadd.s32 s6, s14;
	s14 =	sadd.s32 s14, s1;
	[dreg:$0x6] =	wrdreg s11  }
0x11: {  	s11 =	sadd.s32 $0x2800, s5;
	[dreg:$0x7] =	wrdreg s16;
	s21 =	sshrl.u32 s26, $0x3  }
0x12: {  	s16 =	sadd.s32 s22, s4;
	s22 =	sadd.s32 $0x190, s2;
	[dreg:$0x15] =	wrdreg s14  }
0x13: {  	s5 =	sadd.s32 s5, s1;
	s14 =	simm.s32 $0x6;
	[dreg:$0x3] =	wrdreg s16  }
0x14: {  	s24 =	sadd.s32 s6, s11;
	[dreg:$0x10] =	wrdreg s5;
	s11 =	sadd.s32 s11, s1  }
0x15: {  	s5 =	simm.s32 $0x1;
	s25 =	sshrl.u32 s24, $0x3;
	s24 =	sadd.s32 s6, s15  }
0x16: {  	[dreg:$0x13] =	wrdreg s11;
	s13 =	sadd.s32 s7, s25;
	s25 =	sadd.s32 $0x1E0, s2  }
0x17: {  	s19 =	sshrl.u32 s24, $0x3;
	s24 =	smul.u32 $0x4E200, s20;
	s20 =	sadd.s32 s17, s1  }
0x18: {  	[dreg:$0x8] =	wrdreg s13;
	s13 =	sadd.s32 s7, s21;
	s16 =	sshrl.u32 s25, $0x3  }
0x19: {  	s26 =	sadd.s32 s7, s19;
	s21 =	sadd.s32 s6, s17;
	[dreg:$0x17] =	wrdreg s20  }
0x1a: {  	s6 =	sadd.s32 s6, s18;
	s25 =	sshrl.u32 s10, $0x3;
	[dreg:$0x9] =	wrdreg s13  }
0x1b: {  	s10 =	smax.u32 s8, $0x1;
	s8 =	simm.s32 $0x2;
	[dreg:$0xb] =	wrdreg s26  }
0x1c: {  	s17 =	simm.s32 $0x52D0;
	s19 =	sadd.s32 s16, s4;
	[dreg:$0x11] =	wrdreg s10  }
0x1d: {  	s16 =	sshrl.u32 s22, $0x3;
	s22 =	sadd.s32 $0x140, s2;
	[dreg:$0x4] =	wrdreg s19  }
0x1e: {  	s13 =	sshrl.u32 s23, $0x3;
	s26 =	sadd.s32 s4, s25;
	[dreg:$0x19] =	wrdreg s22  }
0x1f: {  	s6 =	sshrl.u32 s6, $0x3;
	s13 =	sadd.s32 s7, s13;
	[dreg:$0xf] =	wrdreg s26  }
0x20: {  	s20 =	simm.s32 $0xA;
	s6 =	sadd.s32 s7, s6;
	[dreg:$0xa] =	wrdreg s13  }
0x21: {  	s10 =	simm.s32 $0x29E0;
	s23 =	sadd.s32 s16, s4;
	[dreg:$0xd] =	wrdreg s6  }
0x22: {  	s16 =	sadd.s32 s12, s1;
	s19 =	sadd.s32 s15, s1;
	[dreg:$0x5] =	wrdreg s23  }
0x23: {  	s25 =	sadd.s32 $0x1E, s26;
	s12 =	simm.s32 $0x3;
	[dreg:$0x16] =	wrdreg s19  }
0x24: {  	s15 =	simm.s32 $0x7BC0;
	s13 =	sshrl.u32 s21, $0x3;
	[dreg:$0x1c] =	wrdreg s25  }
0x25: {  	s6 =	sshrl.u32 s24, $0x2;
	s21 =	sadd.s32 s18, s1;
	[dreg:$0x14] =	wrdreg s16  }
0x26: {  	s23 =	sadd.s32 $0xA, s26;
	s24 =	sadd.s32 $0x14, s26;
	[dreg:$0x18] =	wrdreg s21  }
0x27: {  	s26 =	sadd.s32 $0x4D8, s26;
	s18 =	simm.s32 $0x5;
	[dreg:$0x1a] =	wrdreg s23  }
0x28: {  	s19 =	simm.s32 $0x0;
	s25 =	simm.s32 $0x28F0;
	[dreg:$0x1b] =	wrdreg s24  }
0x29: {  	s13 =	sadd.s32 s7, s13;
	[dreg:$0x1d] =	wrdreg s26;
	s21 =	simm.s32 $0x7  }
0x2a: {  	s23 =	simm.s32 $0xB;
	s24 =	simm.s32 $0x8;
	s26 =	simm.s32 $0x51E0  }
0x2b: {  	[dreg:$0xc] =	wrdreg s13;
	s13 =	sadd.s32 $0x22C00, s0;
	s0 =	sadd.s32 s6, s1  }
0x2c: {  	v0 =	vimm.f32 $0.0e+00;
	s6 =	simm.s32 $0x50;
	[dreg:$0x12] =	wrdreg s0;
	s0 =	simm.s32 $0xC  }
.LBB2_1:
0x2d: {  	[dreg:$0x1e] =	wrdreg s19;
	s2 =	simm.s32 $0x70;
	s7 =	simm.s32 $0x3C0  }
.LBB2_2:
0x2e: {  	p0 =	sne.s32 s7, $0x9FC0;
	[tilespmem:s2+$0xF0] =	vst v0  }
0x2f: {  	[tilespmem:s2+$0x80] =	vst v0  }
0x30: {  	[tilespmem:s2+$0x90] =	vst v0  }
.Ltmp0:
0x31: {  	[tilespmem:s2+$0xA0] =	vst v0;
	(pc) =	sbr.rel @p0 .LBB2_2-.Ltmp0, $4  }
0x32: {  	[tilespmem:s2+$0xB0] =	vst v0  }
0x33: {  	[tilespmem:s2+$0xC0] =	vst v0  }
0x34: {  	[tilespmem:s2+$0xD0] =	vst v0  }
0x35: {  	[tilespmem:s2+$0xE0] =	vst v0;
	s2 =	sshra.s32 s7, $0x2;
	s7 =	sadd.s32 $0x200, s7  }
0x36: {  	[tilespmem:s2+$0xF0] =	vst v0  }
0x37: {  	[tilespmem:s2+$0x80] =	vst v0  }
0x38: {  	[tilespmem:s2+$0x90] =	vst v0  }
0x39: {  	[tilespmem:s2+$0xA0] =	vst v0  }
0x3a: {  	[tilespmem:s2+$0xB0] =	vst v0  }
0x3b: {  	[tilespmem:s2+$0xC0] =	vst v0  }
0x3c: {  	[tilespmem:s2+$0xD0] =	vst v0  }
0x3d: {  	[tilespmem:s2+$0xE0] =	vst v0;
	s7 =	rddreg [dreg:$0x12]  }
0x3e: {  	[spmem:s7] =	stream.linear.scatter [tilespmem:s31], [sflag:$0xD], $0x2800, $0x38;
	[tilespmem:$0x1DC40] =	vst v63  }
0x3f: {  	s7 =	simm.s32 $0xD  }
0x40: {  	_ =	swait.ge [sflag:s7], $0x2800  }
0x41: {  	[sflag:s7] =	ssyncset.done $0x0  }
0x42: {  	[sflag:s7] =	ssyncadd.s32 $0xFFFFD800  }
0x43: {  	[spmem:s11] =	stream.linear.scatter [tilespmem:s31], [sflag:$0xD], $0x2800, $0x38;
	[tilespmem:$0x1DC40] =	vst v63  }
0x44: {  	_ =	swait.ge [sflag:s7], $0x2800  }
0x45: {  	[sflag:s7] =	ssyncset.done $0x0  }
0x46: {  	[sflag:s7] =	ssyncadd.s32 $0xFFFFD800  }
0x47: {  	[spmem:s16] =	stream.linear.scatter [tilespmem:s31], [sflag:$0xD], $0x2800, $0x38;
	[tilespmem:$0x1DC40] =	vst v63  }
0x48: {  	_ =	swait.ge [sflag:s7], $0x2800  }
0x49: {  	[sflag:s7] =	ssyncset.done $0x0  }
0x4a: {  	s11 =	rddreg [dreg:$0x15];
	[sflag:s7] =	ssyncadd.s32 $0xFFFFD800  }
0x4b: {  	[spmem:s11] =	stream.linear.scatter [tilespmem:s31], [sflag:$0xD], $0x2800, $0x38;
	[tilespmem:$0x1DC40] =	vst v63  }
0x4c: {  	_ =	swait.ge [sflag:s7], $0x2800  }
0x4d: {  	[sflag:s7] =	ssyncset.done $0x0  }
0x4e: {  	s16 =	rddreg [dreg:$0x16];
	[sflag:s7] =	ssyncadd.s32 $0xFFFFD800  }
0x4f: {  	[spmem:s16] =	stream.linear.scatter [tilespmem:s31], [sflag:$0xD], $0x2800, $0x38;
	[tilespmem:$0x1DC40] =	vst v63  }
0x50: {  	_ =	swait.ge [sflag:s7], $0x2800  }
0x51: {  	[sflag:s7] =	ssyncset.done $0x0  }
0x52: {  	s19 =	rddreg [dreg:$0x17];
	[sflag:s7] =	ssyncadd.s32 $0xFFFFD800  }
0x53: {  	[spmem:s19] =	stream.linear.scatter [tilespmem:s31], [sflag:$0xD], $0x2800, $0x38;
	[tilespmem:$0x1DC40] =	vst v63  }
0x54: {  	_ =	swait.ge [sflag:s7], $0x2800  }
0x55: {  	[sflag:s7] =	ssyncset.done $0x0  }
0x56: {  	s22 =	rddreg [dreg:$0x18];
	[sflag:s7] =	ssyncadd.s32 $0xFFFFD800  }
0x57: {  	[spmem:s22] =	stream.linear.scatter [tilespmem:s31], [sflag:$0xD], $0x2800, $0x38;
	[tilespmem:$0x1DC40] =	vst v63  }
0x58: {  	_ =	swait.ge [sflag:s7], $0x2800  }
0x59: {  	[sflag:s7] =	ssyncset.done $0x0  }
0x5a: {  	[sflag:s7] =	ssyncadd.s32 $0xFFFFD800  }
0x5b: {  	[spmem:s9] =	stream.linear.scatter [tilespmem:s31], [sflag:$0xD], $0x2080, $0x38;
	[tilespmem:$0x1DC40] =	vst v63  }
0x5c: {  	_ =	swait.ge [sflag:s7], $0x2080  }
0x5d: {  	[sflag:s7] =	ssyncset.done $0x0  }
0x5e: {  	[sflag:s7] =	ssyncadd.s32 $0xFFFFDF80  }
0x5f: {  	[bflag:$0x0] =	sbarrier.arrive $0xFFFF  }
0x60: {  	s2 =	simm.s32 $0x0;
	s11 =	rddreg [dreg:$0xf]  }
0x61: {  	[tilespmem:s2], [sflag:$0x1] =	stream.linear.gather [hbm4b:s11+s2], $0x50, $0x38;
	[tilespmem:$0x1DC40] =	vst v63  }
0x62: {  	s16 =	rddreg [dreg:$0x1a];
	s11 =	simm.s32 $0x28F0  }
0x63: {  	[tilespmem:s11], [sflag:$0x2] =	stream.linear.gather [hbm4b:s16+s2], $0x50, $0x38;
	[tilespmem:$0x1DC40] =	vst v63  }
0x64: {  	_ =	swait.ge [sflag:s5], $0x50  }
0x65: {  	[sflag:s5] =	ssyncset.done $0x0  }
0x66: {  	[sflag:s5] =	ssyncadd.s32 $0xFFFFFFB0  }
0x67: {  	v1 =	vld [tilespmem:$0x0];
	_ =	sdelay $0x1  }
0x68: {  	v2 =	vld [tilespmem:$0x10];
	_ =	sdelay $0x1  }
0x69: {  	v3 =	vld [tilespmem:$0x20]  }
0x6a: {  	v4 =	vand.u32 $0xFFFF, v1  }
0x6b: {  	v1 =	vshrl.u32 v1, $0x10;
	[tilespmem:$0x50] =	vst v4;
	v4 =	vld [tilespmem:$0x30]  }
0x6c: {  	[tilespmem:$0xA0] =	vst v1;
	v1 =	vand.u32 $0xFFFF, v2  }
0x6d: {  	[tilespmem:$0x60] =	vst v1;
	v1 =	vshrl.u32 v2, $0x10;
	v2 =	vld [tilespmem:$0x40]  }
0x6e: {  	[tilespmem:$0xB0] =	vst v1;
	v1 =	vand.u32 $0xFFFF, v3  }
0x6f: {  	[tilespmem:$0x70] =	vst v1;
	v1 =	vshrl.u32 v3, $0x10  }
0x70: {  	[tilespmem:$0xC0] =	vst v1;
	v1 =	vand.u32 $0xFFFF, v4  }
0x71: {  	[tilespmem:$0x80] =	vst v1;
	v1 =	vshrl.u32 v4, $0x10  }
0x72: {  	[tilespmem:$0xD0] =	vst v1;
	v1 =	vand.u32 $0xFFFF, v2  }
0x73: {  	[tilespmem:$0x90] =	vst v1;
	v1 =	vshrl.u32 v2, $0x10  }
0x74: {  	[tilespmem:$0xE0] =	vst v1  }
0x75: {  	[tilespmem:s31], [sflag:$0x5] =	stream.indirect.gather [hbm4b:s13+s6], $0x80, s6, s6, $0xb8;
	[tilespmem:$0x1DC40] =	vst v63  }
0x76: {  	s22 =	simm.s32 $0x51E0;
	s19 =	rddreg [dreg:$0x1b]  }
0x77: {  	[tilespmem:s22], [sflag:$0x3] =	stream.linear.gather [hbm4b:s19+s2], $0x50, $0x38;
	[tilespmem:$0x1DC40] =	vst v63  }
0x78: {  	_ =	swait.ge [sflag:s8], $0x50  }
0x79: {  	[sflag:s8] =	ssyncset.done $0x0  }
0x7a: {  	[sflag:s8] =	ssyncadd.s32 $0xFFFFFFB0  }
0x7b: {  	v1 =	vld [tilespmem:$0x28F0];
	_ =	sdelay $0x1  }
0x7c: {  	v2 =	vld [tilespmem:$0x2900];
	_ =	sdelay $0x1  }
0x7d: {  	v3 =	vld [tilespmem:$0x2910]  }
0x7e: {  	v4 =	vand.u32 $0xFFFF, v1  }
0x7f: {  	v1 =	vshrl.u32 v1, $0x10;
	[tilespmem:$0x2940] =	vst v4;
	v4 =	vld [tilespmem:$0x2920]  }
0x80: {  	[tilespmem:$0x2990] =	vst v1;
	v1 =	vand.u32 $0xFFFF, v2  }
0x81: {  	[tilespmem:$0x2950] =	vst v1;
	v1 =	vshrl.u32 v2, $0x10;
	v2 =	vld [tilespmem:$0x2930]  }
0x82: {  	[tilespmem:$0x29A0] =	vst v1;
	v1 =	vand.u32 $0xFFFF, v3  }
0x83: {  	[tilespmem:$0x2960] =	vst v1;
	v1 =	vshrl.u32 v3, $0x10  }
0x84: {  	[tilespmem:$0x29B0] =	vst v1;
	v1 =	vand.u32 $0xFFFF, v4  }
0x85: {  	[tilespmem:$0x2970] =	vst v1;
	v1 =	vshrl.u32 v4, $0x10  }
0x86: {  	[tilespmem:$0x29C0] =	vst v1;
	v1 =	vand.u32 $0xFFFF, v2  }
0x87: {  	[tilespmem:$0x2980] =	vst v1;
	v1 =	vshrl.u32 v2, $0x10  }
0x88: {  	s16 =	simm.s32 $0x2940;
	[tilespmem:$0x29D0] =	vst v1  }
0x89: {  	[tilespmem:s10], [sflag:$0x6] =	stream.indirect.gather [hbm4b:s13+s6], $0x80, s16, s6, $0xb8;
	[tilespmem:$0x1DC40] =	vst v63  }
0x8a: {  	s19 =	simm.s32 $0x7AD0;
	s9 =	rddreg [dreg:$0x1c]  }
0x8b: {  	[tilespmem:s19], [sflag:$0x4] =	stream.linear.gather [hbm4b:s9+s2], $0x50, $0x38;
	[tilespmem:$0x1DC40] =	vst v63  }
0x8c: {  	_ =	swait.ge [sflag:s12], $0x50  }
0x8d: {  	[sflag:s12] =	ssyncset.done $0x0  }
0x8e: {  	[sflag:s12] =	ssyncadd.s32 $0xFFFFFFB0  }
0x8f: {  	v1 =	vld [tilespmem:$0x51E0];
	_ =	sdelay $0x1  }
0x90: {  	v2 =	vld [tilespmem:$0x51F0];
	_ =	sdelay $0x1  }
0x91: {  	v3 =	vld [tilespmem:$0x5200]  }
0x92: {  	v4 =	vand.u32 $0xFFFF, v1  }
0x93: {  	v1 =	vshrl.u32 v1, $0x10;
	[tilespmem:$0x5230] =	vst v4;
	v4 =	vld [tilespmem:$0x5210]  }
0x94: {  	[tilespmem:$0x5280] =	vst v1;
	v1 =	vand.u32 $0xFFFF, v2  }
0x95: {  	[tilespmem:$0x5240] =	vst v1;
	v1 =	vshrl.u32 v2, $0x10;
	v2 =	vld [tilespmem:$0x5220]  }
0x96: {  	[tilespmem:$0x5290] =	vst v1;
	v1 =	vand.u32 $0xFFFF, v3  }
0x97: {  	[tilespmem:$0x5250] =	vst v1;
	v1 =	vshrl.u32 v3, $0x10  }
0x98: {  	[tilespmem:$0x52A0] =	vst v1;
	v1 =	vand.u32 $0xFFFF, v4  }
0x99: {  	[tilespmem:$0x5260] =	vst v1;
	v1 =	vshrl.u32 v4, $0x10  }
0x9a: {  	[tilespmem:$0x52B0] =	vst v1;
	v1 =	vand.u32 $0xFFFF, v2  }
0x9b: {  	[tilespmem:$0x5270] =	vst v1;
	v1 =	vshrl.u32 v2, $0x10  }
0x9c: {  	s19 =	simm.s32 $0x5230;
	[tilespmem:$0x52C0] =	vst v1  }
0x9d: {  	[tilespmem:s17], [sflag:$0x7] =	stream.indirect.gather [hbm4b:s13+s6], $0x80, s19, s6, $0xb8;
	[tilespmem:$0x1DC40] =	vst v63  }
0x9e: {  	_ =	swait.ge [sflag:s18], $0x2800  }
0x9f: {  	[sflag:s18] =	ssyncset.done $0x0  }
0xa0: {  	s9 =	simm.s32 $0xA0;
	[sflag:s18] =	ssyncadd.s32 $0xFFFFD800  }
0xa1: {  	[spmem:s1] =	stream.indirect.scatter.add.f32 [tilespmem:s31], [sflag:$0x9], $0x80, s9, s6, $0xb8;
	[tilespmem:$0x1DC40] =	vst v63  }
0xa2: {  	_ =	swait.ge [sflag:s28], $0x2800  }
0xa3: {  	s9 =	rddreg [dreg:$0x19]  }
0xa4: {  	[sflag:s28] =	ssyncset.done $0x0;
	s7 =	sshrl.u32 s9, $0x3  }
0xa5: {  	[sflag:s28] =	ssyncadd.s32 $0xFFFFD800;
	s7 =	sadd.s32 s4, s7  }
0xa6: {  	[tilespmem:s3], [sflag:$0x1] =	stream.linear.gather [hbm4b:s7+s3], $0x50, $0x38;
	[tilespmem:$0x1DC40] =	vst v63  }
0xa7: {  	_ =	swait.ge [sflag:s29], $0x50  }
0xa8: {  	[sflag:s29] =	ssyncset.done $0x0  }
0xa9: {  	[sflag:s29] =	ssyncadd.s32 $0xFFFFFFB0  }
0xaa: {  	v1 =	vld [tilespmem:$0x7AF0]  }
0xab: {  	v2 =	vld [tilespmem:$0x7AE0];
	_ =	sdelay $0x1  }
0xac: {  	v3 =	vld [tilespmem:$0x7B00]  }
0xad: {  	v4 =	vld [tilespmem:$0x7AD0]  }
0xae: {  	v5 =	vld [tilespmem:$0x7B10];
	v6 =	vshrl.u32 v1, $0x10  }
0xaf: {  	v7 =	vshrl.u32 v2, $0x10;
	[tilespmem:$0x7B90] =	vst v6  }
0xb0: {  	v1 =	vand.u32 $0xFFFF, v1;
	[tilespmem:$0x7B80] =	vst v7  }
0xb1: {  	v6 =	vand.u32 $0xFFFF, v3;
	[tilespmem:$0x7B40] =	vst v1  }
0xb2: {  	v1 =	vand.u32 $0xFFFF, v4;
	[tilespmem:$0x7B50] =	vst v6  }
0xb3: {  	v6 =	vshrl.u32 v5, $0x10;
	[tilespmem:$0x7B20] =	vst v1  }
0xb4: {  	v1 =	vand.u32 $0xFFFF, v2;
	[tilespmem:$0x7BB0] =	vst v6  }
0xb5: {  	v2 =	vshrl.u32 v4, $0x10;
	[tilespmem:$0x7B30] =	vst v1  }
0xb6: {  	v1 =	vand.u32 $0xFFFF, v5;
	[tilespmem:$0x7B70] =	vst v2  }
0xb7: {  	v2 =	vshrl.u32 v3, $0x10;
	[tilespmem:$0x7B60] =	vst v1  }
0xb8: {  	s7 =	simm.s32 $0x7B20;
	[tilespmem:$0x7BA0] =	vst v2  }
0xb9: {  	[tilespmem:s15], [sflag:$0x8] =	stream.indirect.gather [hbm4b:s13+s6], $0x80, s7, s6, $0xb8;
	[tilespmem:$0x1DC40] =	vst v63  }
0xba: {  	_ =	swait.ge [sflag:s14], $0x2800  }
0xbb: {  	[sflag:s14] =	ssyncset.done $0x0  }
0xbc: {  	s7 =	simm.s32 $0x2990;
	[sflag:s14] =	ssyncadd.s32 $0xFFFFD800  }
0xbd: {  	[spmem:s1] =	stream.indirect.scatter.add.f32 [tilespmem:s10], [sflag:$0xA], $0x80, s7, s6, $0xb8;
	[tilespmem:$0x1DC40] =	vst v63  }
0xbe: {  	_ =	swait.ge [sflag:s20], $0x2800  }
0xbf: {  	s7 =	rddreg [dreg:$0x5];
	[sflag:s20] =	ssyncset.done $0x0  }
0xc0: {  	[sflag:s20] =	ssyncadd.s32 $0xFFFFD800;
	s7 =	sadd.s32 $0x0, s7  }
0xc1: {  	[tilespmem:s11], [sflag:$0x2] =	stream.linear.gather [hbm4b:s7+s3], $0x50, $0x38;
	[tilespmem:$0x1DC40] =	vst v63  }
0xc2: {  	_ =	swait.ge [sflag:s5], $0x50  }
0xc3: {  	[sflag:s5] =	ssyncset.done $0x0  }
0xc4: {  	[sflag:s5] =	ssyncadd.s32 $0xFFFFFFB0  }
0xc5: {  	v1 =	vld [tilespmem:$0x0];
	_ =	sdelay $0x1  }
0xc6: {  	v2 =	vld [tilespmem:$0x30]  }
0xc7: {  	v3 =	vld [tilespmem:$0x10];
	_ =	sdelay $0x1  }
0xc8: {  	v4 =	vld [tilespmem:$0x20];
	v5 =	vshrl.u32 v1, $0x10  }
0xc9: {  	v6 =	vld [tilespmem:$0x40];
	v1 =	vand.u32 $0xFFFF, v1;
	[tilespmem:$0xA0] =	vst v5  }
0xca: {  	v5 =	vand.u32 $0xFFFF, v2;
	[tilespmem:$0x50] =	vst v1  }
0xcb: {  	v1 =	vand.u32 $0xFFFF, v3;
	[tilespmem:$0x80] =	vst v5  }
0xcc: {  	v5 =	vshrl.u32 v3, $0x10;
	[tilespmem:$0x60] =	vst v1  }
0xcd: {  	v3 =	vand.u32 $0xFFFF, v4;
	[tilespmem:$0xB0] =	vst v5  }
0xce: {  	v1 =	vand.u32 $0xFFFF, v6;
	[tilespmem:$0x70] =	vst v3  }
0xcf: {  	v3 =	vshrl.u32 v6, $0x10;
	[tilespmem:$0x90] =	vst v1  }
0xd0: {  	v1 =	vshrl.u32 v2, $0x10;
	[tilespmem:$0xE0] =	vst v3  }
0xd1: {  	v2 =	vshrl.u32 v4, $0x10;
	[tilespmem:$0xD0] =	vst v1  }
0xd2: {  	[tilespmem:$0xC0] =	vst v2  }
0xd3: {  	[tilespmem:s31], [sflag:$0x5] =	stream.indirect.gather [hbm4b:s13+s6], $0x80, s6, s6, $0xb8;
	[tilespmem:$0x1DC40] =	vst v63  }
0xd4: {  	_ =	swait.ge [sflag:s21], $0x2800  }
0xd5: {  	[sflag:s21] =	ssyncset.done $0x0  }
0xd6: {  	[sflag:s21] =	ssyncadd.s32 $0xFFFFD800  }
0xd7: {  	[spmem:s1] =	stream.indirect.scatter.add.f32 [tilespmem:s17], [sflag:$0xB], $0x80, s30, s6, $0xb8;
	[tilespmem:$0x1DC40] =	vst v63  }
0xd8: {  	_ =	swait.ge [sflag:s23], $0x2800  }
0xd9: {  	s11 =	rddreg [dreg:$0x4];
	[sflag:s23] =	ssyncset.done $0x0  }
0xda: {  	[sflag:s23] =	ssyncadd.s32 $0xFFFFD800;
	s7 =	sadd.s32 $0x0, s11  }
0xdb: {  	[tilespmem:s22], [sflag:$0x3] =	stream.linear.gather [hbm4b:s7+s3], $0x50, $0x38;
	[tilespmem:$0x1DC40] =	vst v63  }
0xdc: {  	_ =	swait.ge [sflag:s8], $0x50  }
0xdd: {  	[sflag:s8] =	ssyncset.done $0x0  }
0xde: {  	[sflag:s8] =	ssyncadd.s32 $0xFFFFFFB0  }
0xdf: {  	v5 =	vld [tilespmem:$0x2920]  }
0xe0: {  	v1 =	vld [tilespmem:$0x2910]  }
0xe1: {  	v3 =	vld [tilespmem:$0x2900]  }
0xe2: {  	v4 =	vld [tilespmem:$0x28F0];
	_ =	sdelay $0x3  }
0xe3: {  	s19 =	simm.s32 $0xA0;
	v2 =	vshrl.u32 v3, $0x10;
	v7 =	vand.u32 $0xFFFF, v1;
	v6 =	vshrl.u32 v1, $0x10  }
0xe4: {  	s7 =	simm.s32 $0x28;
	s22 =	simm.s32 $0x7B70;
	v1 =	vld [tilespmem:$0x2930];
	v8 =	vand.u32 $0xFFFF, v4;
	[tilespmem:$0x29A0] =	vst v2;
	v2 =	vand.u32 $0xFFFF, v5;
	v5 =	vshrl.u32 v5, $0x10  }
.LBB2_4:
0xe5: {  	[tilespmem:$0x2940] =	vst v8  }
0xe6: {  	[tilespmem:$0x2960] =	vst v7  }
0xe7: {  	[tilespmem:$0x29B0] =	vst v6  }
0xe8: {  	[tilespmem:$0x29C0] =	vst v5  }
0xe9: {  	v4 =	vshrl.u32 v4, $0x10;
	[tilespmem:$0x2970] =	vst v2  }
0xea: {  	v3 =	vand.u32 $0xFFFF, v3;
	[tilespmem:$0x2990] =	vst v4  }
0xeb: {  	[tilespmem:$0x2950] =	vst v3;
	v6 =	vand.u32 $0xFFFF, v1;
	v1 =	vshrl.u32 v1, $0x10  }
0xec: {  	[tilespmem:$0x29D0] =	vst v1  }
0xed: {  	[tilespmem:$0x2980] =	vst v6  }
0xee: {  	[tilespmem:s10], [sflag:$0x6] =	stream.indirect.gather [hbm4b:s13+s6], $0x80, s16, s6, $0xb8;
	[tilespmem:$0x1DC40] =	vst v63  }
0xef: {  	_ =	swait.ge [sflag:s24], $0x2800  }
0xf0: {  	[sflag:s24] =	ssyncset.done $0x0  }
0xf1: {  	[sflag:s24] =	ssyncadd.s32 $0xFFFFD800  }
0xf2: {  	[spmem:s1] =	stream.indirect.scatter.add.f32 [tilespmem:s15], [sflag:$0xC], $0x80, s22, s6, $0xb8;
	[tilespmem:$0x1DC40] =	vst v63  }
0xf3: {  	_ =	swait.ge [sflag:s0], $0x2800  }
0xf4: {  	[sflag:s0] =	ssyncset.done $0x0  }
0xf5: {  	s11 =	smov.u32 s7;
	s16 =	rddreg [dreg:$0x3];
	[sflag:s0] =	ssyncadd.s32 $0xFFFFD800  }
0xf6: {  	s16 =	sadd.s32 s2, s16;
	s2 =	smov.u32 s11;
	s11 =	simm.s32 $0x7AD0  }
0xf7: {  	[tilespmem:s11], [sflag:$0x4] =	stream.linear.gather [hbm4b:s16+s3], $0x50, $0x38;
	[tilespmem:$0x1DC40] =	vst v63  }
0xf8: {  	_ =	swait.ge [sflag:s12], $0x50  }
0xf9: {  	[sflag:s12] =	ssyncset.done $0x0  }
0xfa: {  	[sflag:s12] =	ssyncadd.s32 $0xFFFFFFB0  }
0xfb: {  	v1 =	vld [tilespmem:$0x51E0]  }
0xfc: {  	v2 =	vld [tilespmem:$0x51F0]  }
0xfd: {  	v3 =	vld [tilespmem:$0x5200];
	_ =	sdelay $0x1  }
0xfe: {  	v4 =	vld [tilespmem:$0x5220]  }
0xff: {  	v5 =	vand.u32 $0xFFFF, v1  }
0x100: {  	[tilespmem:$0x5230] =	vst v5;
	v5 =	vand.u32 $0xFFFF, v2  }
0x101: {  	[tilespmem:$0x5240] =	vst v5;
	v5 =	vand.u32 $0xFFFF, v3  }
0x102: {  	v1 =	vshrl.u32 v1, $0x10;
	[tilespmem:$0x5250] =	vst v5;
	v5 =	vld [tilespmem:$0x5210]  }
0x103: {  	v6 =	vand.u32 $0xFFFF, v4;
	[tilespmem:$0x5280] =	vst v1  }
0x104: {  	v2 =	vshrl.u32 v2, $0x10;
	[tilespmem:$0x5270] =	vst v6  }
0x105: {  	v1 =	vshrl.u32 v4, $0x10;
	[tilespmem:$0x5290] =	vst v2  }
0x106: {  	v3 =	vshrl.u32 v3, $0x10;
	[tilespmem:$0x52C0] =	vst v1  }
0x107: {  	[tilespmem:$0x52A0] =	vst v3;
	v2 =	vand.u32 $0xFFFF, v5  }
0x108: {  	v3 =	vshrl.u32 v5, $0x10;
	[tilespmem:$0x5260] =	vst v2  }
0x109: {  	s11 =	simm.s32 $0x5230;
	[tilespmem:$0x52B0] =	vst v3  }
0x10a: {  	[tilespmem:s17], [sflag:$0x7] =	stream.indirect.gather [hbm4b:s13+s6], $0x80, s11, s6, $0xb8;
	[tilespmem:$0x1DC40] =	vst v63  }
0x10b: {  	_ =	swait.ge [sflag:s18], $0x2800  }
0x10c: {  	[sflag:s18] =	ssyncset.done $0x0  }
0x10d: {  	[sflag:s18] =	ssyncadd.s32 $0xFFFFD800  }
0x10e: {  	[spmem:s1] =	stream.indirect.scatter.add.f32 [tilespmem:s31], [sflag:$0x9], $0x80, s19, s6, $0xb8;
	[tilespmem:$0x1DC40] =	vst v63  }
0x10f: {  	s9 =	sadd.s32 $0x140, s9;
	_ =	swait.ge [sflag:s28], $0x2800  }
0x110: {  	s11 =	sshrl.u32 s9, $0x3;
	[sflag:s28] =	ssyncset.done $0x0  }
0x111: {  	s11 =	sadd.s32 s4, s11;
	[sflag:s28] =	ssyncadd.s32 $0xFFFFD800  }
0x112: {  	[tilespmem:s3], [sflag:$0x1] =	stream.linear.gather [hbm4b:s11+s3], $0x50, $0x38;
	[tilespmem:$0x1DC40] =	vst v63  }
0x113: {  	_ =	swait.ge [sflag:s29], $0x50  }
0x114: {  	[sflag:s29] =	ssyncset.done $0x0  }
0x115: {  	[sflag:s29] =	ssyncadd.s32 $0xFFFFFFB0  }
0x116: {  	v1 =	vld [tilespmem:$0x7AF0]  }
0x117: {  	v2 =	vld [tilespmem:$0x7AE0];
	_ =	sdelay $0x2  }
0x118: {  	v3 =	vld [tilespmem:$0x7B00]  }
0x119: {  	v5 =	vld [tilespmem:$0x7AD0];
	v6 =	vshrl.u32 v1, $0x10  }
0x11a: {  	v4 =	vld [tilespmem:$0x7B10];
	v7 =	vand.u32 $0xFFFF, v2;
	v2 =	vshrl.u32 v2, $0x10;
	[tilespmem:$0x7B90] =	vst v6  }
0x11b: {  	v1 =	vand.u32 $0xFFFF, v1;
	[tilespmem:$0x7B80] =	vst v2  }
0x11c: {  	[tilespmem:$0x7B40] =	vst v1  }
0x11d: {  	v2 =	vand.u32 $0xFFFF, v3;
	[tilespmem:$0x7B30] =	vst v7  }
0x11e: {  	v6 =	vand.u32 $0xFFFF, v5;
	[tilespmem:$0x7B50] =	vst v2  }
0x11f: {  	v1 =	vshrl.u32 v4, $0x10;
	[tilespmem:$0x7B20] =	vst v6  }
0x120: {  	v5 =	vshrl.u32 v5, $0x10;
	[tilespmem:$0x7BB0] =	vst v1  }
0x121: {  	v3 =	vshrl.u32 v3, $0x10;
	[tilespmem:$0x7B70] =	vst v5  }
0x122: {  	v2 =	vand.u32 $0xFFFF, v4;
	[tilespmem:$0x7BA0] =	vst v3  }
0x123: {  	s11 =	simm.s32 $0x7B20;
	[tilespmem:$0x7B60] =	vst v2  }
0x124: {  	[tilespmem:s15], [sflag:$0x8] =	stream.indirect.gather [hbm4b:s13+s6], $0x80, s11, s6, $0xb8;
	[tilespmem:$0x1DC40] =	vst v63  }
0x125: {  	_ =	swait.ge [sflag:s14], $0x2800  }
0x126: {  	[sflag:s14] =	ssyncset.done $0x0  }
0x127: {  	s11 =	simm.s32 $0x2990;
	[sflag:s14] =	ssyncadd.s32 $0xFFFFD800  }
0x128: {  	[spmem:s1] =	stream.indirect.scatter.add.f32 [tilespmem:s10], [sflag:$0xA], $0x80, s11, s6, $0xb8;
	[tilespmem:$0x1DC40] =	vst v63  }
0x129: {  	_ =	swait.ge [sflag:s20], $0x2800  }
0x12a: {  	s11 =	rddreg [dreg:$0x5];
	[sflag:s20] =	ssyncset.done $0x0  }
0x12b: {  	[sflag:s20] =	ssyncadd.s32 $0xFFFFD800;
	s11 =	sadd.s32 s2, s11  }
0x12c: {  	[tilespmem:s25], [sflag:$0x2] =	stream.linear.gather [hbm4b:s11+s3], $0x50, $0x38;
	[tilespmem:$0x1DC40] =	vst v63  }
0x12d: {  	_ =	swait.ge [sflag:s5], $0x50  }
0x12e: {  	[sflag:s5] =	ssyncset.done $0x0  }
0x12f: {  	[sflag:s5] =	ssyncadd.s32 $0xFFFFFFB0  }
0x130: {  	v1 =	vld [tilespmem:$0x0];
	_ =	sdelay $0x1  }
0x131: {  	v3 =	vld [tilespmem:$0x10];
	_ =	sdelay $0x1  }
0x132: {  	v2 =	vld [tilespmem:$0x30]  }
0x133: {  	v5 =	vld [tilespmem:$0x40];
	v6 =	vand.u32 $0xFFFF, v1;
	v1 =	vshrl.u32 v1, $0x10  }
0x134: {  	[tilespmem:$0xA0] =	vst v1  }
0x135: {  	v7 =	vand.u32 $0xFFFF, v3;
	v3 =	vshrl.u32 v3, $0x10;
	[tilespmem:$0x50] =	vst v6  }
0x136: {  	v4 =	vld [tilespmem:$0x20];
	[tilespmem:$0xB0] =	vst v3  }
0x137: {  	v1 =	vand.u32 $0xFFFF, v2;
	[tilespmem:$0x60] =	vst v7  }
0x138: {  	v3 =	vand.u32 $0xFFFF, v5;
	[tilespmem:$0x80] =	vst v1  }
0x139: {  	v5 =	vshrl.u32 v5, $0x10;
	[tilespmem:$0x90] =	vst v3  }
0x13a: {  	v2 =	vshrl.u32 v2, $0x10;
	[tilespmem:$0xE0] =	vst v5  }
0x13b: {  	v1 =	vand.u32 $0xFFFF, v4;
	[tilespmem:$0xD0] =	vst v2  }
0x13c: {  	v4 =	vshrl.u32 v4, $0x10;
	[tilespmem:$0x70] =	vst v1  }
0x13d: {  	[tilespmem:$0xC0] =	vst v4  }
0x13e: {  	[tilespmem:s31], [sflag:$0x5] =	stream.indirect.gather [hbm4b:s13+s6], $0x80, s6, s6, $0xb8;
	[tilespmem:$0x1DC40] =	vst v63  }
0x13f: {  	_ =	swait.ge [sflag:s21], $0x2800  }
0x140: {  	[sflag:s21] =	ssyncset.done $0x0  }
0x141: {  	[sflag:s21] =	ssyncadd.s32 $0xFFFFD800  }
0x142: {  	[spmem:s1] =	stream.indirect.scatter.add.f32 [tilespmem:s17], [sflag:$0xB], $0x80, s30, s6, $0xb8;
	[tilespmem:$0x1DC40] =	vst v63  }
0x143: {  	_ =	swait.ge [sflag:s23], $0x2800  }
0x144: {  	[sflag:s23] =	ssyncset.done $0x0;
	s11 =	rddreg [dreg:$0x4]  }
0x145: {  	[sflag:s23] =	ssyncadd.s32 $0xFFFFD800;
	s11 =	sadd.s32 s2, s11  }
0x146: {  	[tilespmem:s26], [sflag:$0x3] =	stream.linear.gather [hbm4b:s11+s3], $0x50, $0x38;
	[tilespmem:$0x1DC40] =	vst v63  }
0x147: {  	_ =	swait.ge [sflag:s8], $0x50  }
0x148: {  	[sflag:s8] =	ssyncset.done $0x0  }
0x149: {  	[sflag:s8] =	ssyncadd.s32 $0xFFFFFFB0  }
0x14a: {  	v5 =	vld [tilespmem:$0x2920]  }
0x14b: {  	v2 =	vld [tilespmem:$0x2910]  }
0x14c: {  	v3 =	vld [tilespmem:$0x2900]  }
0x14d: {  	p0 =	sne.s32 s7, $0x488;
	v4 =	vld [tilespmem:$0x28F0]  }
.Ltmp1:
0x14e: {  	_ = 	snop;
	(pc) =	sbr.rel @p0 .LBB2_4-.Ltmp1, $3  }
0x14f: {  	_ =	sdelay $0x1  }
0x150: {  	v9 =	vshrl.u32 v3, $0x10;
	v7 =	vand.u32 $0xFFFF, v2;
	v6 =	vshrl.u32 v2, $0x10  }
0x151: {  	s7 =	sadd.s32 $0x28, s7;
	s16 =	simm.s32 $0x2940;
	v1 =	vld [tilespmem:$0x2930];
	v8 =	vand.u32 $0xFFFF, v4;
	v2 =	vand.u32 $0xFFFF, v5;
	v5 =	vshrl.u32 v5, $0x10;
	[tilespmem:$0x29A0] =	vst v9  }
0x152: {  	[tilespmem:$0x2940] =	vst v8  }
0x153: {  	[tilespmem:$0x2960] =	vst v7  }
0x154: {  	[tilespmem:$0x29B0] =	vst v6  }
0x155: {  	[tilespmem:$0x29C0] =	vst v5  }
0x156: {  	v4 =	vshrl.u32 v4, $0x10;
	[tilespmem:$0x2970] =	vst v2  }
0x157: {  	v3 =	vand.u32 $0xFFFF, v3;
	[tilespmem:$0x2990] =	vst v4  }
0x158: {  	[tilespmem:$0x2950] =	vst v3;
	v3 =	vshrl.u32 v1, $0x10  }
0x159: {  	v1 =	vand.u32 $0xFFFF, v1;
	[tilespmem:$0x29D0] =	vst v3  }
0x15a: {  	[tilespmem:$0x2980] =	vst v1  }
0x15b: {  	[tilespmem:s10], [sflag:$0x6] =	stream.indirect.gather [hbm4b:s13+s6], $0x80, s16, s6, $0xb8;
	[tilespmem:$0x1DC40] =	vst v63  }
0x15c: {  	_ =	swait.ge [sflag:s24], $0x2800  }
0x15d: {  	[sflag:s24] =	ssyncset.done $0x0  }
0x15e: {  	[sflag:s24] =	ssyncadd.s32 $0xFFFFD800  }
0x15f: {  	[spmem:s1] =	stream.indirect.scatter.add.f32 [tilespmem:s15], [sflag:$0xC], $0x80, s22, s6, $0xb8;
	[tilespmem:$0x1DC40] =	vst v63  }
0x160: {  	_ =	swait.ge [sflag:s0], $0x2800  }
0x161: {  	s7 =	rddreg [dreg:$0x3];
	[sflag:s0] =	ssyncset.done $0x0  }
0x162: {  	s19 =	simm.s32 $0x7AD0;
	s2 =	sadd.s32 s2, s7;
	[sflag:s0] =	ssyncadd.s32 $0xFFFFD800  }
0x163: {  	[tilespmem:s19], [sflag:$0x4] =	stream.linear.gather [hbm4b:s2+s3], $0x50, $0x38;
	[tilespmem:$0x1DC40] =	vst v63  }
0x164: {  	_ =	swait.ge [sflag:s12], $0x50  }
0x165: {  	[sflag:s12] =	ssyncset.done $0x0  }
0x166: {  	[sflag:s12] =	ssyncadd.s32 $0xFFFFFFB0  }
0x167: {  	v1 =	vld [tilespmem:$0x51E0]  }
0x168: {  	v2 =	vld [tilespmem:$0x51F0]  }
0x169: {  	v3 =	vld [tilespmem:$0x5200];
	_ =	sdelay $0x2  }
0x16a: {  	v55 =	vand.u32 $0xFFFF, v1  }
0x16b: {  	v56 =	vld [tilespmem:$0x5220];
	v57 =	vand.u32 $0xFFFF, v2;
	[tilespmem:$0x5230] =	vst v55  }
0x16c: {  	v59 =	vld [tilespmem:$0x5210];
	v58 =	vand.u32 $0xFFFF, v3;
	[tilespmem:$0x5240] =	vst v57  }
0x16d: {  	v3 =	vshrl.u32 v3, $0x10;
	[tilespmem:$0x5250] =	vst v58  }
0x16e: {  	v1 =	vshrl.u32 v1, $0x10;
	[tilespmem:$0x52A0] =	vst v3  }
0x16f: {  	v2 =	vshrl.u32 v2, $0x10;
	[tilespmem:$0x5280] =	vst v1  }
0x170: {  	v1 =	vand.u32 $0xFFFF, v56;
	[tilespmem:$0x5290] =	vst v2  }
0x171: {  	v2 =	vand.u32 $0xFFFF, v59;
	[tilespmem:$0x5270] =	vst v1  }
0x172: {  	v1 =	vshrl.u32 v56, $0x10;
	[tilespmem:$0x5260] =	vst v2  }
0x173: {  	[tilespmem:$0x52C0] =	vst v1;
	v1 =	vshrl.u32 v59, $0x10  }
0x174: {  	s7 =	simm.s32 $0x5230;
	[tilespmem:$0x52B0] =	vst v1  }
0x175: {  	[tilespmem:s17], [sflag:$0x7] =	stream.indirect.gather [hbm4b:s13+s6], $0x80, s7, s6, $0xb8;
	[tilespmem:$0x1DC40] =	vst v63  }
0x176: {  	_ =	swait.ge [sflag:s18], $0x2800  }
0x177: {  	[sflag:s18] =	ssyncset.done $0x0  }
0x178: {  	s9 =	simm.s32 $0xA0;
	[sflag:s18] =	ssyncadd.s32 $0xFFFFD800  }
0x179: {  	[spmem:s1] =	stream.indirect.scatter.add.f32 [tilespmem:s31], [sflag:$0x9], $0x80, s9, s6, $0xb8;
	[tilespmem:$0x1DC40] =	vst v63  }
0x17a: {  	_ =	swait.ge [sflag:s28], $0x2800  }
0x17b: {  	[sflag:s28] =	ssyncset.done $0x0  }
0x17c: {  	s11 =	rddreg [dreg:$0x1d];
	[sflag:s28] =	ssyncadd.s32 $0xFFFFD800  }
0x17d: {  	[tilespmem:s3], [sflag:$0x1] =	stream.linear.gather [hbm4b:s11+s3], $0x50, $0x38;
	[tilespmem:$0x1DC40] =	vst v63  }
0x17e: {  	_ =	swait.ge [sflag:s29], $0x50  }
0x17f: {  	[sflag:s29] =	ssyncset.done $0x0  }
0x180: {  	[sflag:s29] =	ssyncadd.s32 $0xFFFFFFB0  }
0x181: {  	v1 =	vld [tilespmem:$0x7AD0];
	_ =	sdelay $0x1  }
0x182: {  	v2 =	vld [tilespmem:$0x7AE0];
	_ =	sdelay $0x1  }
0x183: {  	v3 =	vld [tilespmem:$0x7AF0]  }
0x184: {  	v60 =	vand.u32 $0xFFFF, v1  }
0x185: {  	v61 =	vld [tilespmem:$0x7B00];
	v1 =	vshrl.u32 v1, $0x10;
	[tilespmem:$0x7B20] =	vst v60  }
0x186: {  	[tilespmem:$0x7B70] =	vst v1;
	v1 =	vand.u32 $0xFFFF, v2  }
0x187: {  	[tilespmem:$0x7B30] =	vst v1;
	v1 =	vshrl.u32 v2, $0x10;
	v2 =	vld [tilespmem:$0x7B10]  }
0x188: {  	[tilespmem:$0x7B80] =	vst v1;
	v1 =	vand.u32 $0xFFFF, v3  }
0x189: {  	[tilespmem:$0x7B40] =	vst v1;
	v1 =	vshrl.u32 v3, $0x10  }
0x18a: {  	[tilespmem:$0x7B90] =	vst v1;
	v1 =	vand.u32 $0xFFFF, v61  }
0x18b: {  	[tilespmem:$0x7B50] =	vst v1;
	v1 =	vshrl.u32 v61, $0x10  }
0x18c: {  	[tilespmem:$0x7BA0] =	vst v1;
	v1 =	vand.u32 $0xFFFF, v2  }
0x18d: {  	[tilespmem:$0x7B60] =	vst v1;
	v1 =	vshrl.u32 v2, $0x10  }
0x18e: {  	s16 =	simm.s32 $0x7B20;
	[tilespmem:$0x7BB0] =	vst v1  }
0x18f: {  	[tilespmem:s15], [sflag:$0x8] =	stream.indirect.gather [hbm4b:s13+s6], $0x80, s16, s6, $0xb8;
	[tilespmem:$0x1DC40] =	vst v63  }
0x190: {  	_ =	swait.ge [sflag:s14], $0x2800  }
0x191: {  	[sflag:s14] =	ssyncset.done $0x0  }
0x192: {  	s19 =	simm.s32 $0x2990;
	[sflag:s14] =	ssyncadd.s32 $0xFFFFD800  }
0x193: {  	[spmem:s1] =	stream.indirect.scatter.add.f32 [tilespmem:s10], [sflag:$0xA], $0x80, s19, s6, $0xb8;
	[tilespmem:$0x1DC40] =	vst v63  }
0x194: {  	_ =	swait.ge [sflag:s5], $0x50  }
0x195: {  	[sflag:s5] =	ssyncset.done $0x0  }
0x196: {  	[sflag:s5] =	ssyncadd.s32 $0xFFFFFFB0  }
0x197: {  	v1 =	vld [tilespmem:$0x0];
	_ =	sdelay $0x1  }
0x198: {  	v2 =	vld [tilespmem:$0x10];
	_ =	sdelay $0x1  }
0x199: {  	v3 =	vld [tilespmem:$0x20]  }
0x19a: {  	v62 =	vand.u32 $0xFFFF, v1  }
0x19b: {  	v63 =	vld [tilespmem:$0x30];
	v1 =	vshrl.u32 v1, $0x10;
	[tilespmem:$0x50] =	vst v62  }
0x19c: {  	[tilespmem:$0xA0] =	vst v1;
	v1 =	vand.u32 $0xFFFF, v2  }
0x19d: {  	[tilespmem:$0x60] =	vst v1;
	v1 =	vshrl.u32 v2, $0x10;
	v2 =	vld [tilespmem:$0x40]  }
0x19e: {  	[tilespmem:$0xB0] =	vst v1;
	v1 =	vand.u32 $0xFFFF, v3  }
0x19f: {  	[tilespmem:$0x70] =	vst v1;
	v1 =	vshrl.u32 v3, $0x10  }
0x1a0: {  	[tilespmem:$0xC0] =	vst v1;
	v1 =	vand.u32 $0xFFFF, v63  }
0x1a1: {  	[tilespmem:$0x80] =	vst v1;
	v1 =	vshrl.u32 v63, $0x10  }
0x1a2: {  	[tilespmem:$0xD0] =	vst v1;
	v1 =	vand.u32 $0xFFFF, v2  }
0x1a3: {  	[tilespmem:$0x90] =	vst v1;
	v1 =	vshrl.u32 v2, $0x10  }
0x1a4: {  	[tilespmem:$0xE0] =	vst v1  }
0x1a5: {  	[tilespmem:s31], [sflag:$0x5] =	stream.indirect.gather [hbm4b:s13+s6], $0x80, s6, s6, $0xb8;
	[tilespmem:$0x1DC40] =	vst v63  }
0x1a6: {  	_ =	swait.ge [sflag:s21], $0x2800  }
0x1a7: {  	[sflag:s21] =	ssyncset.done $0x0  }
0x1a8: {  	[sflag:s21] =	ssyncadd.s32 $0xFFFFD800  }
0x1a9: {  	[spmem:s1] =	stream.indirect.scatter.add.f32 [tilespmem:s17], [sflag:$0xB], $0x80, s30, s6, $0xb8;
	[tilespmem:$0x1DC40] =	vst v63  }
0x1aa: {  	_ =	swait.ge [sflag:s24], $0x2800  }
0x1ab: {  	[sflag:s24] =	ssyncset.done $0x0  }
0x1ac: {  	[sflag:s24] =	ssyncadd.s32 $0xFFFFD800  }
0x1ad: {  	[spmem:s1] =	stream.indirect.scatter.add.f32 [tilespmem:s15], [sflag:$0xC], $0x80, s22, s6, $0xb8;
	[tilespmem:$0x1DC40] =	vst v63  }
0x1ae: {  	_ =	swait.ge [sflag:s18], $0x2800  }
0x1af: {  	[sflag:s18] =	ssyncset.done $0x0  }
0x1b0: {  	[sflag:s18] =	ssyncadd.s32 $0xFFFFD800  }
0x1b1: {  	[spmem:s1] =	stream.indirect.scatter.add.f32 [tilespmem:s31], [sflag:$0x9], $0x80, s9, s6, $0xb8;
	[tilespmem:$0x1DC40] =	vst v63  }
0x1b2: {  	_ =	swait.ge [sflag:s28], $0x2800  }
0x1b3: {  	[sflag:s28] =	ssyncset.done $0x0  }
0x1b4: {  	[sflag:s28] =	ssyncadd.s32 $0xFFFFD800  }
0x1b5: {  	_ =	swait.ge [sflag:s20], $0x2800  }
0x1b6: {  	[sflag:s20] =	ssyncset.done $0x0  }
0x1b7: {  	[sflag:s20] =	ssyncadd.s32 $0xFFFFD800  }
0x1b8: {  	_ =	swait.ge [sflag:s23], $0x2800  }
0x1b9: {  	[sflag:s23] =	ssyncset.done $0x0  }
0x1ba: {  	[sflag:s23] =	ssyncadd.s32 $0xFFFFD800  }
0x1bb: {  	_ =	swait.ge [sflag:s0], $0x2800  }
0x1bc: {  	[sflag:s0] =	ssyncset.done $0x0  }
0x1bd: {  	[sflag:s0] =	ssyncadd.s32 $0xFFFFD800  }
0x1be: {  	[bflag:$0x0] =	sbarrier.arrive $0xFFFF  }
0x1bf: {  	s7 =	simm.s32 $0xD;
	s9 =	rddreg [dreg:$0x10]  }
0x1c0: {  	[tilespmem:s31], [sflag:$0xD] =	stream.linear.gather [spmem:s9], $0x2800, $0x38;
	[tilespmem:$0x1DC40] =	vst v63  }
0x1c1: {  	_ =	swait.ge [sflag:s7], $0x2800  }
0x1c2: {  	[sflag:s7] =	ssyncset.done $0x0  }
0x1c3: {  	s11 =	rddreg [dreg:$0x7];
	[sflag:s7] =	ssyncadd.s32 $0xFFFFD800  }
0x1c4: {  	[hbm4b:s11+s3] =	stream.linear.scatter [tilespmem:s31], [sflag:$0xD], $0x2800, $0x38;
	[tilespmem:$0x1DC40] =	vst v63  }
0x1c5: {  	_ =	swait.ge [sflag:s7], $0x2800  }
0x1c6: {  	[sflag:s7] =	ssyncset.done $0x0  }
0x1c7: {  	s11 =	rddreg [dreg:$0x13];
	[sflag:s7] =	ssyncadd.s32 $0xFFFFD800  }
0x1c8: {  	[tilespmem:s31], [sflag:$0xD] =	stream.linear.gather [spmem:s11], $0x2800, $0x38;
	[tilespmem:$0x1DC40] =	vst v63  }
0x1c9: {  	_ =	swait.ge [sflag:s7], $0x2800  }
0x1ca: {  	[sflag:s7] =	ssyncset.done $0x0  }
0x1cb: {  	s16 =	rddreg [dreg:$0x8];
	[sflag:s7] =	ssyncadd.s32 $0xFFFFD800  }
0x1cc: {  	[hbm4b:s16+s3] =	stream.linear.scatter [tilespmem:s31], [sflag:$0xD], $0x2800, $0x38;
	[tilespmem:$0x1DC40] =	vst v63  }
0x1cd: {  	_ =	swait.ge [sflag:s7], $0x2800  }
0x1ce: {  	[sflag:s7] =	ssyncset.done $0x0  }
0x1cf: {  	s16 =	rddreg [dreg:$0x14];
	[sflag:s7] =	ssyncadd.s32 $0xFFFFD800  }
0x1d0: {  	[tilespmem:s31], [sflag:$0xD] =	stream.linear.gather [spmem:s16], $0x2800, $0x38;
	[tilespmem:$0x1DC40] =	vst v63  }
0x1d1: {  	_ =	swait.ge [sflag:s7], $0x2800  }
0x1d2: {  	[sflag:s7] =	ssyncset.done $0x0  }
0x1d3: {  	s19 =	rddreg [dreg:$0x9];
	[sflag:s7] =	ssyncadd.s32 $0xFFFFD800  }
0x1d4: {  	[hbm4b:s19+s3] =	stream.linear.scatter [tilespmem:s31], [sflag:$0xD], $0x2800, $0x38;
	[tilespmem:$0x1DC40] =	vst v63  }
0x1d5: {  	_ =	swait.ge [sflag:s7], $0x2800  }
0x1d6: {  	[sflag:s7] =	ssyncset.done $0x0  }
0x1d7: {  	s22 =	rddreg [dreg:$0x15];
	[sflag:s7] =	ssyncadd.s32 $0xFFFFD800  }
0x1d8: {  	[tilespmem:s31], [sflag:$0xD] =	stream.linear.gather [spmem:s22], $0x2800, $0x38;
	[tilespmem:$0x1DC40] =	vst v63  }
0x1d9: {  	_ =	swait.ge [sflag:s7], $0x2800  }
0x1da: {  	[sflag:s7] =	ssyncset.done $0x0  }
0x1db: {  	s9 =	rddreg [dreg:$0xa];
	[sflag:s7] =	ssyncadd.s32 $0xFFFFD800  }
0x1dc: {  	[hbm4b:s9+s3] =	stream.linear.scatter [tilespmem:s31], [sflag:$0xD], $0x2800, $0x38;
	[tilespmem:$0x1DC40] =	vst v63  }
0x1dd: {  	_ =	swait.ge [sflag:s7], $0x2800  }
0x1de: {  	[sflag:s7] =	ssyncset.done $0x0  }
0x1df: {  	s19 =	rddreg [dreg:$0x16];
	[sflag:s7] =	ssyncadd.s32 $0xFFFFD800  }
0x1e0: {  	[tilespmem:s31], [sflag:$0xD] =	stream.linear.gather [spmem:s19], $0x2800, $0x38;
	[tilespmem:$0x1DC40] =	vst v63  }
0x1e1: {  	_ =	swait.ge [sflag:s7], $0x2800  }
0x1e2: {  	[sflag:s7] =	ssyncset.done $0x0  }
0x1e3: {  	s22 =	rddreg [dreg:$0xb];
	[sflag:s7] =	ssyncadd.s32 $0xFFFFD800  }
0x1e4: {  	[hbm4b:s22+s3] =	stream.linear.scatter [tilespmem:s31], [sflag:$0xD], $0x2800, $0x38;
	[tilespmem:$0x1DC40] =	vst v63  }
0x1e5: {  	_ =	swait.ge [sflag:s7], $0x2800  }
0x1e6: {  	[sflag:s7] =	ssyncset.done $0x0  }
0x1e7: {  	s9 =	rddreg [dreg:$0x17];
	[sflag:s7] =	ssyncadd.s32 $0xFFFFD800  }
0x1e8: {  	[tilespmem:s31], [sflag:$0xD] =	stream.linear.gather [spmem:s9], $0x2800, $0x38;
	[tilespmem:$0x1DC40] =	vst v63  }
0x1e9: {  	_ =	swait.ge [sflag:s7], $0x2800  }
0x1ea: {  	[sflag:s7] =	ssyncset.done $0x0  }
0x1eb: {  	s19 =	rddreg [dreg:$0xc];
	[sflag:s7] =	ssyncadd.s32 $0xFFFFD800  }
0x1ec: {  	[hbm4b:s19+s3] =	stream.linear.scatter [tilespmem:s31], [sflag:$0xD], $0x2800, $0x38;
	[tilespmem:$0x1DC40] =	vst v63  }
0x1ed: {  	_ =	swait.ge [sflag:s7], $0x2800  }
0x1ee: {  	[sflag:s7] =	ssyncset.done $0x0  }
0x1ef: {  	s22 =	rddreg [dreg:$0x18];
	[sflag:s7] =	ssyncadd.s32 $0xFFFFD800  }
0x1f0: {  	[tilespmem:s31], [sflag:$0xD] =	stream.linear.gather [spmem:s22], $0x2800, $0x38;
	[tilespmem:$0x1DC40] =	vst v63  }
0x1f1: {  	_ =	swait.ge [sflag:s7], $0x2800  }
0x1f2: {  	[sflag:s7] =	ssyncset.done $0x0  }
0x1f3: {  	s9 =	rddreg [dreg:$0xd];
	[sflag:s7] =	ssyncadd.s32 $0xFFFFD800  }
0x1f4: {  	[hbm4b:s9+s3] =	stream.linear.scatter [tilespmem:s31], [sflag:$0xD], $0x2800, $0x38;
	[tilespmem:$0x1DC40] =	vst v63  }
0x1f5: {  	_ =	swait.ge [sflag:s7], $0x2800  }
0x1f6: {  	[sflag:s7] =	ssyncset.done $0x0  }
0x1f7: {  	s9 =	rddreg [dreg:$0xe];
	[sflag:s7] =	ssyncadd.s32 $0xFFFFD800  }
0x1f8: {  	[tilespmem:s31], [sflag:$0xD] =	stream.linear.gather [spmem:s9], $0x2080, $0x38;
	[tilespmem:$0x1DC40] =	vst v63  }
0x1f9: {  	_ =	swait.ge [sflag:s7], $0x2080  }
0x1fa: {  	[sflag:s7] =	ssyncset.done $0x0  }
0x1fb: {  	s19 =	rddreg [dreg:$0x6];
	[sflag:s7] =	ssyncadd.s32 $0xFFFFDF80  }
0x1fc: {  	[hbm4b:s19+s3] =	stream.linear.scatter [tilespmem:s31], [sflag:$0xD], $0x2080, $0x38;
	[tilespmem:$0x1DC40] =	vst v63  }
0x1fd: {  	_ =	swait.ge [sflag:s7], $0x2080  }
0x1fe: {  	s19 =	rddreg [dreg:$0x1e]  }
0x1ff: {  	s22 =	rddreg [dreg:$0x11];
	s19 =	sadd.s32 $0x1, s19  }
0x200: {  	p0 =	sne.s32 s19, s22  }
.Ltmp2:
0x201: {  	_ = 	snop;
	(pc) =	sbr.rel @p0 .LBB2_1-.Ltmp2, $3  }
0x202: {  	_ =	sdelay $0x1  }
0x203: {  	[sflag:s7] =	ssyncset.done $0x0  }
0x204: {  	[sflag:s7] =	ssyncadd.s32 $0xFFFFDF80  }
0x205: {  	_ =	sfence.sel $0x180000  }
0x206: {  	[bflag:$0x0] =	sbarrier.arrive $0xFFFF  }
0x207: {  	_ =	strace $0x90000050  }
0x208: {  	s0 =	stileid.u32;
	[bflag:$0x2] =	sbarrier.arrive $0xFFFF  }
0x209: {  	p0 =	sne.s32 s0, $0x0;
	s0 =	rddreg [dreg:$0x2]  }
0x20a: {  	s0 =	sadd.s32 @!p0 $0x100000, s0  }
0x20b: {  	[sflag:s0] =	ssyncadd.tile.s32 @!p0 $0x1;
	_ =	shalt  }
.Lfunc_end2:
_tile_overlayer_lowered:
.L_overlay_start_2:
0x20c: {  	(tag) =	ssettag $0x2  }
0x20d: {  	s0 =	rddreg [dreg:$0x0];
	s2 =	stileid.u32  }
0x20e: {  	s1 =	rddreg [dreg:$0x1];
	p0 =	sne.s32 s2, $0x0  }
0x20f: {  	s3 =	rddreg [dreg:$0x2];
	[bflag:$0x3] =	sbarrier.arrive $0xFFFF;
	s2 =	simm.s32 @!p0 $0x1C0D  }
0x210: {  	[timem:s3], [sflag:s2] =	dma.local @!p0 [hbm:s0], s1  }
0x211: {  	s0 =	simm.s32 @!p0 $0xD  }
0x212: {  	_ =	swait.ge @!p0 [sflag:s0], s1  }
0x213: {  	s1 =	ssub.s32 @!p0 $0x0, s1;
	[sflag:s0] =	ssyncset.done @!p0 $0x0  }
0x214: {  	[sflag:s0] =	ssyncadd.s32 @!p0 s1  }
0x215: {  	[bflag:$0x3] =	sbarrier.arrive $0xFFFF  }
0x216: {  	_ =	shalt  }

</sc_bundles>
